<compile_context>
chip_gen: v7x
topology: tpu7x:2x2x1
jax: 0.10.2.dev20260603
libtpu: 0.0.44.dev20260713+nightly
codegen_flags: <defaults>
</compile_context>

<pallas_src>
import functools

import jax
import jax.numpy as jnp
from jax import lax
from jax.experimental import pallas as pl
from jax.experimental.pallas import tpu as pltpu
from jax.experimental.pallas import tpu_sc as plsc

N = 10000
D = 128
C = 128
E_RAW = 320000
E1 = E_RAW + N
NC = 2
NS = 16
NW = NC * NS
K = 96
NB = 108
E_PAD = NW * K * NB
PER_TILE = K * NB
N_PAD = 10240
ROWS_PER_TILE = N_PAD // NS


def _lrelu(v):
    return jnp.where(v > 0, v, 0.2 * v)



_BN1 = 400


def _stage1_body(x_ref, w_ref, atts_ref, attd_ref,
                 h_ref, asrc_ref, adst_ref, mx_ref):
    i = pl.program_id(0)
    h = jnp.dot(x_ref[...], w_ref[...], preferred_element_type=jnp.float32)
    h_ref[...] = h
    asv = jnp.sum(h * atts_ref[...], axis=1, keepdims=True)
    adv = jnp.sum(h * attd_ref[...], axis=1, keepdims=True)
    asrc_ref[...] = asv
    adst_ref[...] = adv
    bm = jnp.max(asv)

    @pl.when(i == 0)
    def _():
        mx_ref[...] = jnp.full((1, 16), -jnp.inf, jnp.float32)

    mx_ref[...] = jnp.maximum(mx_ref[...], bm)


def _stage1(x, W, att_src, att_dst):
    grid = (N // _BN1,)
    return pl.pallas_call(
        _stage1_body,
        grid=grid,
        in_specs=[
            pl.BlockSpec((_BN1, D), lambda i: (i, 0)),
            pl.BlockSpec((D, C), lambda i: (0, 0)),
            pl.BlockSpec((1, C), lambda i: (0, 0)),
            pl.BlockSpec((1, C), lambda i: (0, 0)),
        ],
        out_specs=[
            pl.BlockSpec((_BN1, C), lambda i: (i, 0)),
            pl.BlockSpec((_BN1, 1), lambda i: (i, 0)),
            pl.BlockSpec((_BN1, 1), lambda i: (i, 0)),
            pl.BlockSpec((1, 16), lambda i: (0, 0)),
        ],
        out_shape=[
            jax.ShapeDtypeStruct((N, C), jnp.float32),
            jax.ShapeDtypeStruct((N, 1), jnp.float32),
            jax.ShapeDtypeStruct((N, 1), jnp.float32),
            jax.ShapeDtypeStruct((1, 16), jnp.float32),
        ],
    )(x, W, att_src, att_dst)




def _stage2_body(h_hbm, src_hbm, dst_hbm, asrc_hbm, adst_hbm, mx_hbm,
                 msg_hbm, sw_hbm,
                 asrc_v, adst_v, src0_v, dst0_v, src1_v, dst1_v,
                 src2_v, dst2_v, src3_v, dst3_v,
                 rows0_v, rows1_v, w0_buf, w1_buf, zs_v, mx_v,
                 out_sh, s_sh, sem_i, sem_g0, sem_g1, sem_s):
    c = lax.axis_index("c")
    s = lax.axis_index("s")
    wid = s * NC + c
    base = wid * PER_TILE
    r0 = s * ROWS_PER_TILE

    zv = jnp.zeros((16,), jnp.float32)

    def zrow(k, _):
        for j in range(C // 16):
            rows0_v[k, pl.ds(j * 16, 16)] = zv
        return 0

    lax.fori_loop(0, K, zrow, 0)

    def zs(k, _):
        zs_v[pl.ds(k * 16, 16)] = zv
        return 0

    lax.fori_loop(0, ROWS_PER_TILE // 16, zs, 0)
    _nfull = ROWS_PER_TILE // K
    _rem = ROWS_PER_TILE - _nfull * K
    for i in range(_nfull):
        pltpu.sync_copy(rows0_v, out_sh.at[pl.ds(r0 + i * K, K)])
    if _rem:
        pltpu.sync_copy(rows0_v.at[pl.ds(0, _rem)],
                        out_sh.at[pl.ds(r0 + _nfull * K, _rem)])
    pltpu.sync_copy(zs_v, s_sh.at[pl.ds(r0, ROWS_PER_TILE)])

    pltpu.sync_copy(asrc_hbm, asrc_v)
    pltpu.sync_copy(adst_hbm, adst_v)
    pltpu.sync_copy(mx_hbm, mx_v)
    plsc.subcore_barrier()

    mx = mx_v[...]
    lane = lax.iota(jnp.int32, 16)

    def weights(off, src_v, dst_v, w_buf):
        for g in range(K // 16):
            sidx = src_v[pl.ds(g * 16, 16)]
            didx = dst_v[pl.ds(g * 16, 16)]
            a_s = plsc.load_gather(asrc_v, [sidx])
            a_d = plsc.load_gather(adst_v, [didx])
            e = _lrelu(a_s + a_d)
            bnd = _lrelu(mx + a_d)
            w = jnp.exp(e - bnd)
            eid = off + g * 16 + lane
            w = jnp.where(eid < E1, w, 0.0)
            w_buf[pl.ds(g * 16, 16)] = w

    def scale(rows_v, w_buf):
        @plsc.parallel_loop(0, K, unroll=8)
        def body(k):
            wv = plsc.load_gather(w_buf, [jnp.full((16,), k, jnp.int32)])
            for j in range(C // 16):
                rows_v[k, pl.ds(j * 16, 16)] = (
                    rows_v[k, pl.ds(j * 16, 16)] * wv)

    def fire_idx(p, sv0, dv0, sv1, dv1):
        off0 = base + (2 * p) * K
        off1 = off0 + K
        pltpu.async_copy(src_hbm.at[pl.ds(off0, K)], sv0, sem_i)
        pltpu.async_copy(dst_hbm.at[pl.ds(off0, K)], dv0, sem_i)
        pltpu.async_copy(src_hbm.at[pl.ds(off1, K)], sv1, sem_i)
        pltpu.async_copy(dst_hbm.at[pl.ds(off1, K)], dv1, sem_i)

    def drain_idx(sv0, dv0, sv1, dv1):
        pltpu.make_async_copy(src_hbm.at[pl.ds(base, K)], sv0, sem_i).wait()
        pltpu.make_async_copy(src_hbm.at[pl.ds(base, K)], dv0, sem_i).wait()
        pltpu.make_async_copy(src_hbm.at[pl.ds(base, K)], sv1, sem_i).wait()
        pltpu.make_async_copy(src_hbm.at[pl.ds(base, K)], dv1, sem_i).wait()

    def pair(p, me, nxt):
        sv0, dv0, sv1, dv1 = me
        drain_idx(*me)
        fire_idx(p + 1, *nxt)
        off0 = base + (2 * p) * K
        off1 = off0 + K
        g0 = pltpu.async_copy(h_hbm.at[sv0], rows0_v, sem_g0)
        g1 = pltpu.async_copy(h_hbm.at[sv1], rows1_v, sem_g1)
        weights(off0, sv0, dv0, w0_buf)
        weights(off1, sv1, dv1, w1_buf)
        g0.wait()
        scale(rows0_v, w0_buf)
        s0a = pltpu.async_copy(rows0_v, out_sh.at[dv0], sem_s, add=True)
        s0b = pltpu.async_copy(w0_buf, s_sh.at[dv0], sem_s, add=True)
        g1.wait()
        scale(rows1_v, w1_buf)
        s1a = pltpu.async_copy(rows1_v, out_sh.at[dv1], sem_s, add=True)
        s1b = pltpu.async_copy(w1_buf, s_sh.at[dv1], sem_s, add=True)
        s0a.wait()
        s0b.wait()
        s1a.wait()
        s1b.wait()

    set_a = (src0_v, dst0_v, src1_v, dst1_v)
    set_b = (src2_v, dst2_v, src3_v, dst3_v)
    fire_idx(0, *set_a)

    def two_pairs(q, _):
        pair(2 * q, set_a, set_b)
        pair(2 * q + 1, set_b, set_a)
        return 0

    lax.fori_loop(0, NB // 4, two_pairs, 0)
    drain_idx(*set_a)
    plsc.subcore_barrier()

    pltpu.sync_copy(out_sh.at[pl.ds(r0, ROWS_PER_TILE)],
                    msg_hbm.at[c, pl.ds(r0, ROWS_PER_TILE)])
    pltpu.sync_copy(s_sh.at[pl.ds(r0, ROWS_PER_TILE)],
                    sw_hbm.at[pl.ds(c * N_PAD + r0, ROWS_PER_TILE)])


def _stage2(h, src_p, dst_p, a_src, a_dst, mx):
    mesh = plsc.VectorSubcoreMesh(core_axis_name="c", subcore_axis_name="s")
    kern = functools.partial(
        pl.kernel,
        mesh=mesh,
        compiler_params=pltpu.CompilerParams(
            needs_layout_passes=False,
            use_tc_tiling_on_sc=False,
        ),
        out_type=[
            jax.ShapeDtypeStruct((NC, N_PAD, C), jnp.float32),
            jax.ShapeDtypeStruct((NC * N_PAD,), jnp.float32),
        ],
        scratch_types=[
            pltpu.VMEM((N,), jnp.float32),
            pltpu.VMEM((N,), jnp.float32),
            pltpu.VMEM((K,), jnp.int32),
            pltpu.VMEM((K,), jnp.int32),
            pltpu.VMEM((K,), jnp.int32),
            pltpu.VMEM((K,), jnp.int32),
            pltpu.VMEM((K,), jnp.int32),
            pltpu.VMEM((K,), jnp.int32),
            pltpu.VMEM((K,), jnp.int32),
            pltpu.VMEM((K,), jnp.int32),
            pltpu.VMEM((K, C), jnp.float32),
            pltpu.VMEM((K, C), jnp.float32),
            pltpu.VMEM((K,), jnp.float32),
            pltpu.VMEM((K,), jnp.float32),
            pltpu.VMEM((ROWS_PER_TILE,), jnp.float32),
            pltpu.VMEM((16,), jnp.float32),
            pltpu.VMEM_SHARED((N_PAD, C), jnp.float32),
            pltpu.VMEM_SHARED((N_PAD,), jnp.float32),
            pltpu.SemaphoreType.DMA,
            pltpu.SemaphoreType.DMA,
            pltpu.SemaphoreType.DMA,
            pltpu.SemaphoreType.DMA,
        ],
    )(_stage2_body)
    return kern(h, src_p, dst_p, a_src, a_dst, mx)



_BN3 = 400


def _stage3_body(msg_ref, sw_ref, bias_ref, out_ref):
    m = msg_ref[0] + msg_ref[1]
    s = sw_ref[0] + sw_ref[1]
    o = m / (s + 1e-16) + bias_ref[...]
    o = jnp.maximum(o, 0.0)
    nrm = jnp.sqrt(jnp.sum(o * o, axis=1, keepdims=True))
    nrm = jnp.maximum(nrm, 1e-12)
    out_ref[...] = o / nrm


def _stage3(msg_p, sw_p, bias):
    grid = (N // _BN3,)
    return pl.pallas_call(
        _stage3_body,
        grid=grid,
        in_specs=[
            pl.BlockSpec((NC, _BN3, C), lambda i: (0, i, 0)),
            pl.BlockSpec((NC, _BN3, 1), lambda i: (0, i, 0)),
            pl.BlockSpec((1, C), lambda i: (0, 0)),
        ],
        out_specs=pl.BlockSpec((_BN3, C), lambda i: (i, 0)),
        out_shape=jax.ShapeDtypeStruct((N, C), jnp.float32),
    )(msg_p, sw_p, bias)




def kernel(x, edge_index, W, att_src, att_dst, bias):
    h, a_src, a_dst, mx = _stage1(x, W, att_src, att_dst)

    loop = jnp.arange(N, dtype=edge_index.dtype)
    src = jnp.concatenate([edge_index[0], loop]).astype(jnp.int32)
    dst = jnp.concatenate([edge_index[1], loop]).astype(jnp.int32)
    src_p = jnp.pad(src, (0, E_PAD - E1 + 2 * K))
    dst_p = jnp.pad(dst, (0, E_PAD - E1 + 2 * K))

    msg_p, sw_flat = _stage2(h, src_p, dst_p,
                             a_src.reshape(N), a_dst.reshape(N),
                             mx.reshape(16))
    sw_p = sw_flat.reshape(NC, N_PAD, 1)

    return _stage3(msg_p, sw_p, bias.reshape(1, C))

# --- scband reference (transcript-rebuilt; emitter-appended) ---
"""Pipeline reference for scband-gat-46402826666070 (READ-ONLY COPY).

The authoritative reference and input builder live on the scoring server;
editing this copy changes nothing except your own understanding.
"""

import jax, jax.numpy as jnp
import numpy as np

N = 10000
E = 320000
D = 128
H = 1
C = 128


def setup_inputs(seed: int = 0) -> dict:
    key = jax.random.key(seed)
    k1, k2, k3, k4, k5, k6 = jax.random.split(key, 6)
    x = jax.random.normal(k1, (N, D), dtype=jnp.float32)
    edge_index = jax.random.randint(k2, (2, E), 0, N, dtype=jnp.int64)
    W = jax.random.normal(k3, (D, H * C), dtype=jnp.float32) * 0.1
    att_src = jax.random.normal(k4, (H, C), dtype=jnp.float32) * 0.1
    att_dst = jax.random.normal(k5, (H, C), dtype=jnp.float32) * 0.1
    bias = jax.random.normal(k6, (H * C,), dtype=jnp.float32) * 0.01
    return {"x": x, "edge_index": edge_index, "W": W, "att_src": att_src, "att_dst": att_dst, "bias": bias}


def reference(x, edge_index, W, att_src, att_dst, bias):
    n = x.shape[0]
    # PyG GATConv adds self-loops by default
    loop = jnp.arange(n, dtype=edge_index.dtype)
    src = jnp.concatenate([edge_index[0], loop])
    dst = jnp.concatenate([edge_index[1], loop])
    # linear projection -> [N, H, C]
    h = (x @ W).reshape(n, H, C)
    # attention logits per node
    a_src = (h * att_src[None, :, :]).sum(-1)  # [N, H]
    a_dst = (h * att_dst[None, :, :]).sum(-1)  # [N, H]
    e = a_src[src] + a_dst[dst]                # [E', H] gather
    e = jax.nn.leaky_relu(e, negative_slope=0.2)
    # softmax over incoming edges per dst node (numerically stable)
    m = jax.ops.segment_max(e, dst, num_segments=n)
    e = jnp.exp(e - m[dst])
    s = jax.ops.segment_sum(e, dst, num_segments=n)
    alpha = e / (s[dst] + 1e-16)               # [E', H]
    # weighted message passing: scatter-add of alpha * h[src]
    msg = h[src] * alpha[:, :, None]           # [E', H, C]
    out = jax.ops.segment_sum(msg, dst, num_segments=n)  # [N, H, C]
    out = out.reshape(n, H * C) + bias
    # GAT wrapper: relu -> dropout(eval: identity) -> L2 normalize
    out = jax.nn.relu(out)
    norm = jnp.maximum(jnp.linalg.norm(out, ord=2, axis=-1, keepdims=True), 1e-12)
    return out / norm

if __name__ == "__main__":
    import jax
    _d = setup_inputs()
    print(jax.jit(kernel)(*tuple(_d.values())))

</pallas_src>

<mosaic_0001>
#map = affine_map<(d0, d1) -> (0, 0)>
#map1 = affine_map<(d0, d1) -> (0)>
#map2 = affine_map<(d0, d1) -> (0, 0, 0)>
module attributes {stable_mosaic.version = 14 : i64} {
  func.func @_stage2_body(%arg0: i32, %arg1: i32, %arg2: memref<10000x128xf32, #tpu.memory_space<hbm>>, %arg3: memref<331968xi32, #tpu.memory_space<hbm>>, %arg4: memref<331968xi32, #tpu.memory_space<hbm>>, %arg5: memref<10000xf32, #tpu.memory_space<hbm>>, %arg6: memref<10000xf32, #tpu.memory_space<hbm>>, %arg7: memref<16xf32, #tpu.memory_space<hbm>>, %arg8: memref<2x10240x128xf32, #tpu.memory_space<hbm>>, %arg9: memref<20480xf32, #tpu.memory_space<hbm>>, %arg10: memref<10000xf32, #tpu.memory_space<vmem>>, %arg11: memref<10000xf32, #tpu.memory_space<vmem>>, %arg12: memref<96xi32, #tpu.memory_space<vmem>>, %arg13: memref<96xi32, #tpu.memory_space<vmem>>, %arg14: memref<96xi32, #tpu.memory_space<vmem>>, %arg15: memref<96xi32, #tpu.memory_space<vmem>>, %arg16: memref<96xi32, #tpu.memory_space<vmem>>, %arg17: memref<96xi32, #tpu.memory_space<vmem>>, %arg18: memref<96xi32, #tpu.memory_space<vmem>>, %arg19: memref<96xi32, #tpu.memory_space<vmem>>, %arg20: memref<96x128xf32, #tpu.memory_space<vmem>>, %arg21: memref<96x128xf32, #tpu.memory_space<vmem>>, %arg22: memref<96xf32, #tpu.memory_space<vmem>>, %arg23: memref<96xf32, #tpu.memory_space<vmem>>, %arg24: memref<640xf32, #tpu.memory_space<vmem>>, %arg25: memref<16xf32, #tpu.memory_space<vmem>>, %arg26: memref<10240x128xf32, #tpu.memory_space<vmem_shared>>, %arg27: memref<10240xf32, #tpu.memory_space<vmem_shared>>, %arg28: memref<!tpu.dma_semaphore, #tpu.memory_space<semaphore_mem>>, %arg29: memref<!tpu.dma_semaphore, #tpu.memory_space<semaphore_mem>>, %arg30: memref<!tpu.dma_semaphore, #tpu.memory_space<semaphore_mem>>, %arg31: memref<!tpu.dma_semaphore, #tpu.memory_space<semaphore_mem>>) attributes {dimension_semantics = [#tpu.dimension_semantics<core_parallel>, #tpu.dimension_semantics<subcore_parallel>], iteration_bounds = array<i64: 2, 16>, scalar_prefetch = 0 : i64, scratch_operands = 22 : i64, tpu.core_type = #tpu.core_type<sc_vector_subcore>, window_params = [{transform_indices = #map}, {transform_indices = #map1}, {transform_indices = #map1}, {transform_indices = #map1}, {transform_indices = #map1}, {transform_indices = #map1}, {transform_indices = #map2}, {transform_indices = #map1}]} {
    %mul3A = arith.constant 2 : i32
    %mul3A_0 = arith.muli %arg1, %mul3A : i32
    %add3A = arith.addi %mul3A_0, %arg0 : i32
    %mul3A_1 = arith.constant 10368 : i32
    %mul3A_2 = arith.muli %add3A, %mul3A_1 : i32
    %mul3A_3 = arith.constant 640 : i32
    %mul3A_4 = arith.muli %arg1, %mul3A_3 : i32
    %broadcast_in_dim3A = arith.constant 0.000000e+00 : f32
    %broadcast_in_dim3A_5 = vector.broadcast %broadcast_in_dim3A : f32 to vector<16xf32>
    %scan3A = arith.constant 0 : i32
    %scan3A_6 = arith.constant 0 : i32
    %scan3A_7 = arith.constant 96 : i32
    %scan3A_8 = arith.addi %scan3A_6, %scan3A_7 : i32
    %scan3A_9 = arith.constant 1 : i32
    %scan3A_10 = scf.for %scan3A_63 = %scan3A_6 to %scan3A_8 step %scan3A_9 iter_args(%scan3A_64 = %scan3A) -> (i32)  : i32 {
      %swap3A = arith.index_cast %scan3A_63 : i32 to index
      %swap3A_65 = arith.constant 0 : index
      %swap3A_66 = tpu.vector_load %arg20[%swap3A, %swap3A_65] {strides = array<i32>} : memref<96x128xf32, #tpu.memory_space<vmem>>, vector<16xf32>,
      tpu.vector_store %arg20[%swap3A, %swap3A_65], %broadcast_in_dim3A_5 {strides = array<i32>} : memref<96x128xf32, #tpu.memory_space<vmem>>, vector<16xf32>,
      %swap3A_67 = arith.index_cast %scan3A_63 : i32 to index
      %swap3A_68 = arith.constant 16 : index
      %swap3A_69 = tpu.vector_load %arg20[%swap3A_67, %swap3A_68] {strides = array<i32>} : memref<96x128xf32, #tpu.memory_space<vmem>>, vector<16xf32>,
      tpu.vector_store %arg20[%swap3A_67, %swap3A_68], %broadcast_in_dim3A_5 {strides = array<i32>} : memref<96x128xf32, #tpu.memory_space<vmem>>, vector<16xf32>,
      %swap3A_70 = arith.index_cast %scan3A_63 : i32 to index
      %swap3A_71 = arith.constant 32 : index
      %swap3A_72 = tpu.vector_load %arg20[%swap3A_70, %swap3A_71] {strides = array<i32>} : memref<96x128xf32, #tpu.memory_space<vmem>>, vector<16xf32>,
      tpu.vector_store %arg20[%swap3A_70, %swap3A_71], %broadcast_in_dim3A_5 {strides = array<i32>} : memref<96x128xf32, #tpu.memory_space<vmem>>, vector<16xf32>,
      %swap3A_73 = arith.index_cast %scan3A_63 : i32 to index
      %swap3A_74 = arith.constant 48 : index
      %swap3A_75 = tpu.vector_load %arg20[%swap3A_73, %swap3A_74] {strides = array<i32>} : memref<96x128xf32, #tpu.memory_space<vmem>>, vector<16xf32>,
      tpu.vector_store %arg20[%swap3A_73, %swap3A_74], %broadcast_in_dim3A_5 {strides = array<i32>} : memref<96x128xf32, #tpu.memory_space<vmem>>, vector<16xf32>,
      %swap3A_76 = arith.index_cast %scan3A_63 : i32 to index
      %swap3A_77 = arith.constant 64 : index
      %swap3A_78 = tpu.vector_load %arg20[%swap3A_76, %swap3A_77] {strides = array<i32>} : memref<96x128xf32, #tpu.memory_space<vmem>>, vector<16xf32>,
      tpu.vector_store %arg20[%swap3A_76, %swap3A_77], %broadcast_in_dim3A_5 {strides = array<i32>} : memref<96x128xf32, #tpu.memory_space<vmem>>, vector<16xf32>,
      %swap3A_79 = arith.index_cast %scan3A_63 : i32 to index
      %swap3A_80 = arith.constant 80 : index
      %swap3A_81 = tpu.vector_load %arg20[%swap3A_79, %swap3A_80] {strides = array<i32>} : memref<96x128xf32, #tpu.memory_space<vmem>>, vector<16xf32>,
      tpu.vector_store %arg20[%swap3A_79, %swap3A_80], %broadcast_in_dim3A_5 {strides = array<i32>} : memref<96x128xf32, #tpu.memory_space<vmem>>, vector<16xf32>,
      %swap3A_82 = arith.index_cast %scan3A_63 : i32 to index
      %swap3A_83 = arith.constant 96 : index
      %swap3A_84 = tpu.vector_load %arg20[%swap3A_82, %swap3A_83] {strides = array<i32>} : memref<96x128xf32, #tpu.memory_space<vmem>>, vector<16xf32>,
      tpu.vector_store %arg20[%swap3A_82, %swap3A_83], %broadcast_in_dim3A_5 {strides = array<i32>} : memref<96x128xf32, #tpu.memory_space<vmem>>, vector<16xf32>,
      %swap3A_85 = arith.index_cast %scan3A_63 : i32 to index
      %swap3A_86 = arith.constant 112 : index
      %swap3A_87 = tpu.vector_load %arg20[%swap3A_85, %swap3A_86] {strides = array<i32>} : memref<96x128xf32, #tpu.memory_space<vmem>>, vector<16xf32>,
      tpu.vector_store %arg20[%swap3A_85, %swap3A_86], %broadcast_in_dim3A_5 {strides = array<i32>} : memref<96x128xf32, #tpu.memory_space<vmem>>, vector<16xf32>,
      %scan3A_88 = arith.constant 0 : i32
      scf.yield %scan3A_88 : i32
    }
    %scan3A_11 = arith.constant 96 : i32
    %scan3A_12 = arith.constant 0 : i32
    %scan3A_13 = arith.constant 0 : i32
    %scan3A_14 = arith.constant 40 : i32
    %scan3A_15 = arith.addi %scan3A_13, %scan3A_14 : i32
    %scan3A_16 = arith.constant 1 : i32
    %scan3A_17 = scf.for %scan3A_63 = %scan3A_13 to %scan3A_15 step %scan3A_16 iter_args(%scan3A_64 = %scan3A_12) -> (i32)  : i32 {
      %mul3A_65 = arith.constant 16 : i32
      %mul3A_66 = arith.muli %scan3A_63, %mul3A_65 : i32
      %swap3A = arith.index_cast %mul3A_66 : i32 to index
      %swap3A_67 = tpu.vector_load %arg24[%swap3A] {strides = array<i32>} : memref<640xf32, #tpu.memory_space<vmem>>, vector<16xf32>,
      tpu.vector_store %arg24[%swap3A], %broadcast_in_dim3A_5 {strides = array<i32>} : memref<640xf32, #tpu.memory_space<vmem>>, vector<16xf32>,
      %scan3A_68 = arith.constant 0 : i32
      scf.yield %scan3A_68 : i32
    }
    %scan3A_18 = arith.constant 40 : i32
    %add3A_19 = arith.constant 0 : i32
    %add3A_20 = arith.addi %mul3A_4, %add3A_19 : i32
    "tpu.region"() ({
      %run_scoped3A = tpu.sem_alloc : memref<!tpu.dma_semaphore, #tpu.memory_space<semaphore_mem>>
      %dma_start3A_63 = arith.constant 0 : i32
      %dma_start3A_64 = tpu.memref_slice %arg26[%add3A_20, %dma_start3A_63] : memref<10240x128xf32, #tpu.memory_space<vmem_shared>> -> memref<96x128xf32, #tpu.memory_space<vmem_shared>>
      %dma_start3A_65 = arith.constant 0 : i32
      %dma_start3A_66 = tpu.memref_slice %arg26[%add3A_20, %dma_start3A_65] : memref<10240x128xf32, #tpu.memory_space<vmem_shared>> -> memref<96x128xf32, #tpu.memory_space<vmem_shared>>
      tpu.enqueue_dma source(%arg20 : memref<96x128xf32, #tpu.memory_space<vmem>>) target(%dma_start3A_66 : memref<96x128xf32, #tpu.memory_space<vmem_shared>>) target_semaphore(%run_scoped3A : memref<!tpu.dma_semaphore, #tpu.memory_space<semaphore_mem>>)
      %dma_wait3A_67 = arith.constant 0 : i32
      %dma_wait3A_68 = tpu.memref_slice %arg26[%add3A_20, %dma_wait3A_67] : memref<10240x128xf32, #tpu.memory_space<vmem_shared>> -> memref<96x128xf32, #tpu.memory_space<vmem_shared>>
      %dma_wait3A_69 = arith.constant 0 : i32
      %dma_wait3A_70 = tpu.memref_slice %arg26[%add3A_20, %dma_wait3A_69] : memref<10240x128xf32, #tpu.memory_space<vmem_shared>> -> memref<96x128xf32, #tpu.memory_space<vmem_shared>>
      tpu.wait_dma2 semaphore(%run_scoped3A : memref<!tpu.dma_semaphore, #tpu.memory_space<semaphore_mem>>) src(%arg20 : memref<96x128xf32, #tpu.memory_space<vmem>>) dst(%dma_wait3A_70 : memref<96x128xf32, #tpu.memory_space<vmem_shared>>)
      tpu.yield
    }) : () -> ()
    %add3A_21 = arith.constant 96 : i32
    %add3A_22 = arith.addi %mul3A_4, %add3A_21 : i32
    "tpu.region"() ({
      %run_scoped3A = tpu.sem_alloc : memref<!tpu.dma_semaphore, #tpu.memory_space<semaphore_mem>>
      %dma_start3A_63 = arith.constant 0 : i32
      %dma_start3A_64 = tpu.memref_slice %arg26[%add3A_22, %dma_start3A_63] : memref<10240x128xf32, #tpu.memory_space<vmem_shared>> -> memref<96x128xf32, #tpu.memory_space<vmem_shared>>
      %dma_start3A_65 = arith.constant 0 : i32
      %dma_start3A_66 = tpu.memref_slice %arg26[%add3A_22, %dma_start3A_65] : memref<10240x128xf32, #tpu.memory_space<vmem_shared>> -> memref<96x128xf32, #tpu.memory_space<vmem_shared>>
      tpu.enqueue_dma source(%arg20 : memref<96x128xf32, #tpu.memory_space<vmem>>) target(%dma_start3A_66 : memref<96x128xf32, #tpu.memory_space<vmem_shared>>) target_semaphore(%run_scoped3A : memref<!tpu.dma_semaphore, #tpu.memory_space<semaphore_mem>>)
      %dma_wait3A_67 = arith.constant 0 : i32
      %dma_wait3A_68 = tpu.memref_slice %arg26[%add3A_22, %dma_wait3A_67] : memref<10240x128xf32, #tpu.memory_space<vmem_shared>> -> memref<96x128xf32, #tpu.memory_space<vmem_shared>>
      %dma_wait3A_69 = arith.constant 0 : i32
      %dma_wait3A_70 = tpu.memref_slice %arg26[%add3A_22, %dma_wait3A_69] : memref<10240x128xf32, #tpu.memory_space<vmem_shared>> -> memref<96x128xf32, #tpu.memory_space<vmem_shared>>
      tpu.wait_dma2 semaphore(%run_scoped3A : memref<!tpu.dma_semaphore, #tpu.memory_space<semaphore_mem>>) src(%arg20 : memref<96x128xf32, #tpu.memory_space<vmem>>) dst(%dma_wait3A_70 : memref<96x128xf32, #tpu.memory_space<vmem_shared>>)
      tpu.yield
    }) : () -> ()
    %add3A_23 = arith.constant 192 : i32
    %add3A_24 = arith.addi %mul3A_4, %add3A_23 : i32
    "tpu.region"() ({
      %run_scoped3A = tpu.sem_alloc : memref<!tpu.dma_semaphore, #tpu.memory_space<semaphore_mem>>
      %dma_start3A_63 = arith.constant 0 : i32
      %dma_start3A_64 = tpu.memref_slice %arg26[%add3A_24, %dma_start3A_63] : memref<10240x128xf32, #tpu.memory_space<vmem_shared>> -> memref<96x128xf32, #tpu.memory_space<vmem_shared>>
      %dma_start3A_65 = arith.constant 0 : i32
      %dma_start3A_66 = tpu.memref_slice %arg26[%add3A_24, %dma_start3A_65] : memref<10240x128xf32, #tpu.memory_space<vmem_shared>> -> memref<96x128xf32, #tpu.memory_space<vmem_shared>>
      tpu.enqueue_dma source(%arg20 : memref<96x128xf32, #tpu.memory_space<vmem>>) target(%dma_start3A_66 : memref<96x128xf32, #tpu.memory_space<vmem_shared>>) target_semaphore(%run_scoped3A : memref<!tpu.dma_semaphore, #tpu.memory_space<semaphore_mem>>)
      %dma_wait3A_67 = arith.constant 0 : i32
      %dma_wait3A_68 = tpu.memref_slice %arg26[%add3A_24, %dma_wait3A_67] : memref<10240x128xf32, #tpu.memory_space<vmem_shared>> -> memref<96x128xf32, #tpu.memory_space<vmem_shared>>
      %dma_wait3A_69 = arith.constant 0 : i32
      %dma_wait3A_70 = tpu.memref_slice %arg26[%add3A_24, %dma_wait3A_69] : memref<10240x128xf32, #tpu.memory_space<vmem_shared>> -> memref<96x128xf32, #tpu.memory_space<vmem_shared>>
      tpu.wait_dma2 semaphore(%run_scoped3A : memref<!tpu.dma_semaphore, #tpu.memory_space<semaphore_mem>>) src(%arg20 : memref<96x128xf32, #tpu.memory_space<vmem>>) dst(%dma_wait3A_70 : memref<96x128xf32, #tpu.memory_space<vmem_shared>>)
      tpu.yield
    }) : () -> ()
    %add3A_25 = arith.constant 288 : i32
    %add3A_26 = arith.addi %mul3A_4, %add3A_25 : i32
    "tpu.region"() ({
      %run_scoped3A = tpu.sem_alloc : memref<!tpu.dma_semaphore, #tpu.memory_space<semaphore_mem>>
      %dma_start3A_63 = arith.constant 0 : i32
      %dma_start3A_64 = tpu.memref_slice %arg26[%add3A_26, %dma_start3A_63] : memref<10240x128xf32, #tpu.memory_space<vmem_shared>> -> memref<96x128xf32, #tpu.memory_space<vmem_shared>>
      %dma_start3A_65 = arith.constant 0 : i32
      %dma_start3A_66 = tpu.memref_slice %arg26[%add3A_26, %dma_start3A_65] : memref<10240x128xf32, #tpu.memory_space<vmem_shared>> -> memref<96x128xf32, #tpu.memory_space<vmem_shared>>
      tpu.enqueue_dma source(%arg20 : memref<96x128xf32, #tpu.memory_space<vmem>>) target(%dma_start3A_66 : memref<96x128xf32, #tpu.memory_space<vmem_shared>>) target_semaphore(%run_scoped3A : memref<!tpu.dma_semaphore, #tpu.memory_space<semaphore_mem>>)
      %dma_wait3A_67 = arith.constant 0 : i32
      %dma_wait3A_68 = tpu.memref_slice %arg26[%add3A_26, %dma_wait3A_67] : memref<10240x128xf32, #tpu.memory_space<vmem_shared>> -> memref<96x128xf32, #tpu.memory_space<vmem_shared>>
      %dma_wait3A_69 = arith.constant 0 : i32
      %dma_wait3A_70 = tpu.memref_slice %arg26[%add3A_26, %dma_wait3A_69] : memref<10240x128xf32, #tpu.memory_space<vmem_shared>> -> memref<96x128xf32, #tpu.memory_space<vmem_shared>>
      tpu.wait_dma2 semaphore(%run_scoped3A : memref<!tpu.dma_semaphore, #tpu.memory_space<semaphore_mem>>) src(%arg20 : memref<96x128xf32, #tpu.memory_space<vmem>>) dst(%dma_wait3A_70 : memref<96x128xf32, #tpu.memory_space<vmem_shared>>)
      tpu.yield
    }) : () -> ()
    %add3A_27 = arith.constant 384 : i32
    %add3A_28 = arith.addi %mul3A_4, %add3A_27 : i32
    "tpu.region"() ({
      %run_scoped3A = tpu.sem_alloc : memref<!tpu.dma_semaphore, #tpu.memory_space<semaphore_mem>>
      %dma_start3A_63 = arith.constant 0 : i32
      %dma_start3A_64 = tpu.memref_slice %arg26[%add3A_28, %dma_start3A_63] : memref<10240x128xf32, #tpu.memory_space<vmem_shared>> -> memref<96x128xf32, #tpu.memory_space<vmem_shared>>
      %dma_start3A_65 = arith.constant 0 : i32
      %dma_start3A_66 = tpu.memref_slice %arg26[%add3A_28, %dma_start3A_65] : memref<10240x128xf32, #tpu.memory_space<vmem_shared>> -> memref<96x128xf32, #tpu.memory_space<vmem_shared>>
      tpu.enqueue_dma source(%arg20 : memref<96x128xf32, #tpu.memory_space<vmem>>) target(%dma_start3A_66 : memref<96x128xf32, #tpu.memory_space<vmem_shared>>) target_semaphore(%run_scoped3A : memref<!tpu.dma_semaphore, #tpu.memory_space<semaphore_mem>>)
      %dma_wait3A_67 = arith.constant 0 : i32
      %dma_wait3A_68 = tpu.memref_slice %arg26[%add3A_28, %dma_wait3A_67] : memref<10240x128xf32, #tpu.memory_space<vmem_shared>> -> memref<96x128xf32, #tpu.memory_space<vmem_shared>>
      %dma_wait3A_69 = arith.constant 0 : i32
      %dma_wait3A_70 = tpu.memref_slice %arg26[%add3A_28, %dma_wait3A_69] : memref<10240x128xf32, #tpu.memory_space<vmem_shared>> -> memref<96x128xf32, #tpu.memory_space<vmem_shared>>
      tpu.wait_dma2 semaphore(%run_scoped3A : memref<!tpu.dma_semaphore, #tpu.memory_space<semaphore_mem>>) src(%arg20 : memref<96x128xf32, #tpu.memory_space<vmem>>) dst(%dma_wait3A_70 : memref<96x128xf32, #tpu.memory_space<vmem_shared>>)
      tpu.yield
    }) : () -> ()
    %add3A_29 = arith.constant 480 : i32
    %add3A_30 = arith.addi %mul3A_4, %add3A_29 : i32
    "tpu.region"() ({
      %run_scoped3A = tpu.sem_alloc : memref<!tpu.dma_semaphore, #tpu.memory_space<semaphore_mem>>
      %dma_start3A_63 = arith.constant 0 : i32
      %dma_start3A_64 = tpu.memref_slice %arg26[%add3A_30, %dma_start3A_63] : memref<10240x128xf32, #tpu.memory_space<vmem_shared>> -> memref<96x128xf32, #tpu.memory_space<vmem_shared>>
      %dma_start3A_65 = arith.constant 0 : i32
      %dma_start3A_66 = tpu.memref_slice %arg26[%add3A_30, %dma_start3A_65] : memref<10240x128xf32, #tpu.memory_space<vmem_shared>> -> memref<96x128xf32, #tpu.memory_space<vmem_shared>>
      tpu.enqueue_dma source(%arg20 : memref<96x128xf32, #tpu.memory_space<vmem>>) target(%dma_start3A_66 : memref<96x128xf32, #tpu.memory_space<vmem_shared>>) target_semaphore(%run_scoped3A : memref<!tpu.dma_semaphore, #tpu.memory_space<semaphore_mem>>)
      %dma_wait3A_67 = arith.constant 0 : i32
      %dma_wait3A_68 = tpu.memref_slice %arg26[%add3A_30, %dma_wait3A_67] : memref<10240x128xf32, #tpu.memory_space<vmem_shared>> -> memref<96x128xf32, #tpu.memory_space<vmem_shared>>
      %dma_wait3A_69 = arith.constant 0 : i32
      %dma_wait3A_70 = tpu.memref_slice %arg26[%add3A_30, %dma_wait3A_69] : memref<10240x128xf32, #tpu.memory_space<vmem_shared>> -> memref<96x128xf32, #tpu.memory_space<vmem_shared>>
      tpu.wait_dma2 semaphore(%run_scoped3A : memref<!tpu.dma_semaphore, #tpu.memory_space<semaphore_mem>>) src(%arg20 : memref<96x128xf32, #tpu.memory_space<vmem>>) dst(%dma_wait3A_70 : memref<96x128xf32, #tpu.memory_space<vmem_shared>>)
      tpu.yield
    }) : () -> ()
    %add3A_31 = arith.constant 576 : i32
    %add3A_32 = arith.addi %mul3A_4, %add3A_31 : i32
    "tpu.region"() ({
      %run_scoped3A = tpu.sem_alloc : memref<!tpu.dma_semaphore, #tpu.memory_space<semaphore_mem>>
      %dma_start3A_63 = arith.constant 0 : i32
      %dma_start3A_64 = arith.constant 0 : i32
      %dma_start3A_65 = tpu.memref_slice %arg20[%dma_start3A_63, %dma_start3A_64] : memref<96x128xf32, #tpu.memory_space<vmem>> -> memref<64x128xf32, #tpu.memory_space<vmem>>
      %dma_start3A_66 = arith.constant 0 : i32
      %dma_start3A_67 = tpu.memref_slice %arg26[%add3A_32, %dma_start3A_66] : memref<10240x128xf32, #tpu.memory_space<vmem_shared>> -> memref<64x128xf32, #tpu.memory_space<vmem_shared>>
      %dma_start3A_68 = arith.constant 0 : i32
      %dma_start3A_69 = tpu.memref_slice %arg26[%add3A_32, %dma_start3A_68] : memref<10240x128xf32, #tpu.memory_space<vmem_shared>> -> memref<64x128xf32, #tpu.memory_space<vmem_shared>>
      %dma_start3A_70 = arith.constant 0 : i32
      %dma_start3A_71 = arith.constant 0 : i32
      %dma_start3A_72 = tpu.memref_slice %arg20[%dma_start3A_70, %dma_start3A_71] : memref<96x128xf32, #tpu.memory_space<vmem>> -> memref<64x128xf32, #tpu.memory_space<vmem>>
      tpu.enqueue_dma source(%dma_start3A_72 : memref<64x128xf32, #tpu.memory_space<vmem>>) target(%dma_start3A_69 : memref<64x128xf32, #tpu.memory_space<vmem_shared>>) target_semaphore(%run_scoped3A : memref<!tpu.dma_semaphore, #tpu.memory_space<semaphore_mem>>)
      %dma_wait3A_73 = arith.constant 0 : i32
      %dma_wait3A_74 = arith.constant 0 : i32
      %dma_wait3A_75 = tpu.memref_slice %arg20[%dma_wait3A_73, %dma_wait3A_74] : memref<96x128xf32, #tpu.memory_space<vmem>> -> memref<64x128xf32, #tpu.memory_space<vmem>>
      %dma_wait3A_76 = arith.constant 0 : i32
      %dma_wait3A_77 = tpu.memref_slice %arg26[%add3A_32, %dma_wait3A_76] : memref<10240x128xf32, #tpu.memory_space<vmem_shared>> -> memref<64x128xf32, #tpu.memory_space<vmem_shared>>
      %dma_wait3A_78 = arith.constant 0 : i32
      %dma_wait3A_79 = tpu.memref_slice %arg26[%add3A_32, %dma_wait3A_78] : memref<10240x128xf32, #tpu.memory_space<vmem_shared>> -> memref<64x128xf32, #tpu.memory_space<vmem_shared>>
      %dma_wait3A_80 = arith.constant 0 : i32
      %dma_wait3A_81 = arith.constant 0 : i32
      %dma_wait3A_82 = tpu.memref_slice %arg20[%dma_wait3A_80, %dma_wait3A_81] : memref<96x128xf32, #tpu.memory_space<vmem>> -> memref<64x128xf32, #tpu.memory_space<vmem>>
      tpu.wait_dma2 semaphore(%run_scoped3A : memref<!tpu.dma_semaphore, #tpu.memory_space<semaphore_mem>>) src(%dma_wait3A_82 : memref<64x128xf32, #tpu.memory_space<vmem>>) dst(%dma_wait3A_79 : memref<64x128xf32, #tpu.memory_space<vmem_shared>>)
      tpu.yield
    }) : () -> ()
    "tpu.region"() ({
      %run_scoped3A = tpu.sem_alloc : memref<!tpu.dma_semaphore, #tpu.memory_space<semaphore_mem>>
      %dma_start3A_63 = tpu.memref_slice %arg27[%mul3A_4] : memref<10240xf32, #tpu.memory_space<vmem_shared>> -> memref<640xf32, #tpu.memory_space<vmem_shared>>
      %dma_start3A_64 = tpu.memref_slice %arg27[%mul3A_4] : memref<10240xf32, #tpu.memory_space<vmem_shared>> -> memref<640xf32, #tpu.memory_space<vmem_shared>>
      tpu.enqueue_dma source(%arg24 : memref<640xf32, #tpu.memory_space<vmem>>) target(%dma_start3A_64 : memref<640xf32, #tpu.memory_space<vmem_shared>>) target_semaphore(%run_scoped3A : memref<!tpu.dma_semaphore, #tpu.memory_space<semaphore_mem>>)
      %dma_wait3A_65 = tpu.memref_slice %arg27[%mul3A_4] : memref<10240xf32, #tpu.memory_space<vmem_shared>> -> memref<640xf32, #tpu.memory_space<vmem_shared>>
      %dma_wait3A_66 = tpu.memref_slice %arg27[%mul3A_4] : memref<10240xf32, #tpu.memory_space<vmem_shared>> -> memref<640xf32, #tpu.memory_space<vmem_shared>>
      tpu.wait_dma2 semaphore(%run_scoped3A : memref<!tpu.dma_semaphore, #tpu.memory_space<semaphore_mem>>) src(%arg24 : memref<640xf32, #tpu.memory_space<vmem>>) dst(%dma_wait3A_66 : memref<640xf32, #tpu.memory_space<vmem_shared>>)
      tpu.yield
    }) : () -> ()
    "tpu.region"() ({
      %run_scoped3A = tpu.sem_alloc : memref<!tpu.dma_semaphore, #tpu.memory_space<semaphore_mem>>
      tpu.enqueue_dma source(%arg5 : memref<10000xf32, #tpu.memory_space<hbm>>) target(%arg10 : memref<10000xf32, #tpu.memory_space<vmem>>) target_semaphore(%run_scoped3A : memref<!tpu.dma_semaphore, #tpu.memory_space<semaphore_mem>>)
      tpu.wait_dma2 semaphore(%run_scoped3A : memref<!tpu.dma_semaphore, #tpu.memory_space<semaphore_mem>>) src(%arg5 : memref<10000xf32, #tpu.memory_space<hbm>>) dst(%arg10 : memref<10000xf32, #tpu.memory_space<vmem>>)
      tpu.yield
    }) : () -> ()
    "tpu.region"() ({
      %run_scoped3A = tpu.sem_alloc : memref<!tpu.dma_semaphore, #tpu.memory_space<semaphore_mem>>
      tpu.enqueue_dma source(%arg6 : memref<10000xf32, #tpu.memory_space<hbm>>) target(%arg11 : memref<10000xf32, #tpu.memory_space<vmem>>) target_semaphore(%run_scoped3A : memref<!tpu.dma_semaphore, #tpu.memory_space<semaphore_mem>>)
      tpu.wait_dma2 semaphore(%run_scoped3A : memref<!tpu.dma_semaphore, #tpu.memory_space<semaphore_mem>>) src(%arg6 : memref<10000xf32, #tpu.memory_space<hbm>>) dst(%arg11 : memref<10000xf32, #tpu.memory_space<vmem>>)
      tpu.yield
    }) : () -> ()
    "tpu.region"() ({
      %run_scoped3A = tpu.sem_alloc : memref<!tpu.dma_semaphore, #tpu.memory_space<semaphore_mem>>
      tpu.enqueue_dma source(%arg7 : memref<16xf32, #tpu.memory_space<hbm>>) target(%arg25 : memref<16xf32, #tpu.memory_space<vmem>>) target_semaphore(%run_scoped3A : memref<!tpu.dma_semaphore, #tpu.memory_space<semaphore_mem>>)
      tpu.wait_dma2 semaphore(%run_scoped3A : memref<!tpu.dma_semaphore, #tpu.memory_space<semaphore_mem>>) src(%arg7 : memref<16xf32, #tpu.memory_space<hbm>>) dst(%arg25 : memref<16xf32, #tpu.memory_space<vmem>>)
      tpu.yield
    }) : () -> ()
    %barrier3A = arith.constant 0 : index
    tpu.barrier barrier_id(%barrier3A)
    %get3A = arith.constant 0 : index
    %get3A_33 = tpu.vector_load %arg25[%get3A] {strides = array<i32>} : memref<16xf32, #tpu.memory_space<vmem>>, vector<16xf32>,
    %iota3A = tpu.iota {dimensions = array<i32: 0>} : vector<16xi32>
    %add3A_34 = arith.constant 0 : i32
    %add3A_35 = arith.addi %mul3A_2, %add3A_34 : i32
    %add3A_36 = arith.constant 96 : i32
    %add3A_37 = arith.addi %add3A_35, %add3A_36 : i32
    %dma_start3A = tpu.memref_slice %arg3[%add3A_35] : memref<331968xi32, #tpu.memory_space<hbm>> -> memref<96xi32, #tpu.memory_space<hbm>>
    %dma_start3A_38 = tpu.memref_slice %arg3[%add3A_35] : memref<331968xi32, #tpu.memory_space<hbm>> -> memref<96xi32, #tpu.memory_space<hbm>>
    tpu.enqueue_dma source(%dma_start3A_38 : memref<96xi32, #tpu.memory_space<hbm>>) target(%arg12 : memref<96xi32, #tpu.memory_space<vmem>>) target_semaphore(%arg28 : memref<!tpu.dma_semaphore, #tpu.memory_space<semaphore_mem>>)
    %dma_start3A_39 = tpu.memref_slice %arg4[%add3A_35] : memref<331968xi32, #tpu.memory_space<hbm>> -> memref<96xi32, #tpu.memory_space<hbm>>
    %dma_start3A_40 = tpu.memref_slice %arg4[%add3A_35] : memref<331968xi32, #tpu.memory_space<hbm>> -> memref<96xi32, #tpu.memory_space<hbm>>
    tpu.enqueue_dma source(%dma_start3A_40 : memref<96xi32, #tpu.memory_space<hbm>>) target(%arg13 : memref<96xi32, #tpu.memory_space<vmem>>) target_semaphore(%arg28 : memref<!tpu.dma_semaphore, #tpu.memory_space<semaphore_mem>>)
    %dma_start3A_41 = tpu.memref_slice %arg3[%add3A_37] : memref<331968xi32, #tpu.memory_space<hbm>> -> memref<96xi32, #tpu.memory_space<hbm>>
    %dma_start3A_42 = tpu.memref_slice %arg3[%add3A_37] : memref<331968xi32, #tpu.memory_space<hbm>> -> memref<96xi32, #tpu.memory_space<hbm>>
    tpu.enqueue_dma source(%dma_start3A_42 : memref<96xi32, #tpu.memory_space<hbm>>) target(%arg14 : memref<96xi32, #tpu.memory_space<vmem>>) target_semaphore(%arg28 : memref<!tpu.dma_semaphore, #tpu.memory_space<semaphore_mem>>)
    %dma_start3A_43 = tpu.memref_slice %arg4[%add3A_37] : memref<331968xi32, #tpu.memory_space<hbm>> -> memref<96xi32, #tpu.memory_space<hbm>>
    %dma_start3A_44 = tpu.memref_slice %arg4[%add3A_37] : memref<331968xi32, #tpu.memory_space<hbm>> -> memref<96xi32, #tpu.memory_space<hbm>>
    tpu.enqueue_dma source(%dma_start3A_44 : memref<96xi32, #tpu.memory_space<hbm>>) target(%arg15 : memref<96xi32, #tpu.memory_space<vmem>>) target_semaphore(%arg28 : memref<!tpu.dma_semaphore, #tpu.memory_space<semaphore_mem>>)
    %scan3A_45 = arith.constant 0 : i32
    %scan3A_46 = arith.constant 0 : i32
    %scan3A_47 = arith.constant 27 : i32
    %scan3A_48 = arith.addi %scan3A_46, %scan3A_47 : i32
    %scan3A_49 = arith.constant 1 : i32
    %scan3A_50 = scf.for %scan3A_63 = %scan3A_46 to %scan3A_48 step %scan3A_49 iter_args(%scan3A_64 = %scan3A_45) -> (i32)  : i32 {
      %mul3A_65 = arith.constant 2 : i32
      %mul3A_66 = arith.muli %mul3A_65, %scan3A_63 : i32
      %dma_wait3A_67 = tpu.memref_slice %arg3[%mul3A_2] : memref<331968xi32, #tpu.memory_space<hbm>> -> memref<96xi32, #tpu.memory_space<hbm>>
      %dma_wait3A_68 = tpu.memref_slice %arg3[%mul3A_2] : memref<331968xi32, #tpu.memory_space<hbm>> -> memref<96xi32, #tpu.memory_space<hbm>>
      tpu.wait_dma2 semaphore(%arg28 : memref<!tpu.dma_semaphore, #tpu.memory_space<semaphore_mem>>) src(%dma_wait3A_68 : memref<96xi32, #tpu.memory_space<hbm>>) dst(%arg12 : memref<96xi32, #tpu.memory_space<vmem>>)
      %dma_wait3A_69 = tpu.memref_slice %arg3[%mul3A_2] : memref<331968xi32, #tpu.memory_space<hbm>> -> memref<96xi32, #tpu.memory_space<hbm>>
      %dma_wait3A_70 = tpu.memref_slice %arg3[%mul3A_2] : memref<331968xi32, #tpu.memory_space<hbm>> -> memref<96xi32, #tpu.memory_space<hbm>>
      tpu.wait_dma2 semaphore(%arg28 : memref<!tpu.dma_semaphore, #tpu.memory_space<semaphore_mem>>) src(%dma_wait3A_70 : memref<96xi32, #tpu.memory_space<hbm>>) dst(%arg13 : memref<96xi32, #tpu.memory_space<vmem>>)
      %dma_wait3A_71 = tpu.memref_slice %arg3[%mul3A_2] : memref<331968xi32, #tpu.memory_space<hbm>> -> memref<96xi32, #tpu.memory_space<hbm>>
      %dma_wait3A_72 = tpu.memref_slice %arg3[%mul3A_2] : memref<331968xi32, #tpu.memory_space<hbm>> -> memref<96xi32, #tpu.memory_space<hbm>>
      tpu.wait_dma2 semaphore(%arg28 : memref<!tpu.dma_semaphore, #tpu.memory_space<semaphore_mem>>) src(%dma_wait3A_72 : memref<96xi32, #tpu.memory_space<hbm>>) dst(%arg14 : memref<96xi32, #tpu.memory_space<vmem>>)
      %dma_wait3A_73 = tpu.memref_slice %arg3[%mul3A_2] : memref<331968xi32, #tpu.memory_space<hbm>> -> memref<96xi32, #tpu.memory_space<hbm>>
      %dma_wait3A_74 = tpu.memref_slice %arg3[%mul3A_2] : memref<331968xi32, #tpu.memory_space<hbm>> -> memref<96xi32, #tpu.memory_space<hbm>>
      tpu.wait_dma2 semaphore(%arg28 : memref<!tpu.dma_semaphore, #tpu.memory_space<semaphore_mem>>) src(%dma_wait3A_74 : memref<96xi32, #tpu.memory_space<hbm>>) dst(%arg15 : memref<96xi32, #tpu.memory_space<vmem>>)
      %add3A_75 = arith.constant 1 : i32
      %add3A_76 = arith.addi %mul3A_66, %add3A_75 : i32
      %mul3A_77 = arith.constant 2 : i32
      %mul3A_78 = arith.muli %mul3A_77, %add3A_76 : i32
      %mul3A_79 = arith.constant 96 : i32
      %mul3A_80 = arith.muli %mul3A_78, %mul3A_79 : i32
      %add3A_81 = arith.addi %mul3A_2, %mul3A_80 : i32
      %add3A_82 = arith.constant 96 : i32
      %add3A_83 = arith.addi %add3A_81, %add3A_82 : i32
      %dma_start3A_84 = tpu.memref_slice %arg3[%add3A_81] : memref<331968xi32, #tpu.memory_space<hbm>> -> memref<96xi32, #tpu.memory_space<hbm>>
      %dma_start3A_85 = tpu.memref_slice %arg3[%add3A_81] : memref<331968xi32, #tpu.memory_space<hbm>> -> memref<96xi32, #tpu.memory_space<hbm>>
      tpu.enqueue_dma source(%dma_start3A_85 : memref<96xi32, #tpu.memory_space<hbm>>) target(%arg16 : memref<96xi32, #tpu.memory_space<vmem>>) target_semaphore(%arg28 : memref<!tpu.dma_semaphore, #tpu.memory_space<semaphore_mem>>)
      %dma_start3A_86 = tpu.memref_slice %arg4[%add3A_81] : memref<331968xi32, #tpu.memory_space<hbm>> -> memref<96xi32, #tpu.memory_space<hbm>>
      %dma_start3A_87 = tpu.memref_slice %arg4[%add3A_81] : memref<331968xi32, #tpu.memory_space<hbm>> -> memref<96xi32, #tpu.memory_space<hbm>>
      tpu.enqueue_dma source(%dma_start3A_87 : memref<96xi32, #tpu.memory_space<hbm>>) target(%arg17 : memref<96xi32, #tpu.memory_space<vmem>>) target_semaphore(%arg28 : memref<!tpu.dma_semaphore, #tpu.memory_space<semaphore_mem>>)
      %dma_start3A_88 = tpu.memref_slice %arg3[%add3A_83] : memref<331968xi32, #tpu.memory_space<hbm>> -> memref<96xi32, #tpu.memory_space<hbm>>
      %dma_start3A_89 = tpu.memref_slice %arg3[%add3A_83] : memref<331968xi32, #tpu.memory_space<hbm>> -> memref<96xi32, #tpu.memory_space<hbm>>
      tpu.enqueue_dma source(%dma_start3A_89 : memref<96xi32, #tpu.memory_space<hbm>>) target(%arg18 : memref<96xi32, #tpu.memory_space<vmem>>) target_semaphore(%arg28 : memref<!tpu.dma_semaphore, #tpu.memory_space<semaphore_mem>>)
      %dma_start3A_90 = tpu.memref_slice %arg4[%add3A_83] : memref<331968xi32, #tpu.memory_space<hbm>> -> memref<96xi32, #tpu.memory_space<hbm>>
      %dma_start3A_91 = tpu.memref_slice %arg4[%add3A_83] : memref<331968xi32, #tpu.memory_space<hbm>> -> memref<96xi32, #tpu.memory_space<hbm>>
      tpu.enqueue_dma source(%dma_start3A_91 : memref<96xi32, #tpu.memory_space<hbm>>) target(%arg19 : memref<96xi32, #tpu.memory_space<vmem>>) target_semaphore(%arg28 : memref<!tpu.dma_semaphore, #tpu.memory_space<semaphore_mem>>)
      %mul3A_92 = arith.constant 2 : i32
      %mul3A_93 = arith.muli %mul3A_92, %mul3A_66 : i32
      %mul3A_94 = arith.constant 96 : i32
      %mul3A_95 = arith.muli %mul3A_93, %mul3A_94 : i32
      %add3A_96 = arith.addi %mul3A_2, %mul3A_95 : i32
      %add3A_97 = arith.constant 96 : i32
      %add3A_98 = arith.addi %add3A_96, %add3A_97 : i32
      %dma_start3A_99 = arith.constant 0 : i32
      %dma_start3A_100 = arith.constant 0 : i32
      %dma_start3A_101 = tpu.memref_slice %arg2[%dma_start3A_99, %dma_start3A_100] : memref<10000x128xf32, #tpu.memory_space<hbm>> -> memref<10000x128xf32, #tpu.memory_space<hbm>>
      tpu.enqueue_indirect_dma source(%dma_start3A_101 : memref<10000x128xf32, #tpu.memory_space<hbm>>) target(%arg20 : memref<96x128xf32, #tpu.memory_space<vmem>>) offsets(%arg12 : memref<96xi32, #tpu.memory_space<vmem>>) semaphore(%arg29 : memref<!tpu.dma_semaphore, #tpu.memory_space<semaphore_mem>>)
      %dma_start3A_102 = arith.constant 0 : i32
      %dma_start3A_103 = arith.constant 0 : i32
      %dma_start3A_104 = tpu.memref_slice %arg2[%dma_start3A_102, %dma_start3A_103] : memref<10000x128xf32, #tpu.memory_space<hbm>> -> memref<10000x128xf32, #tpu.memory_space<hbm>>
      tpu.enqueue_indirect_dma source(%dma_start3A_104 : memref<10000x128xf32, #tpu.memory_space<hbm>>) target(%arg21 : memref<96x128xf32, #tpu.memory_space<vmem>>) offsets(%arg14 : memref<96xi32, #tpu.memory_space<vmem>>) semaphore(%arg30 : memref<!tpu.dma_semaphore, #tpu.memory_space<semaphore_mem>>)
      %get3A_105 = arith.constant 0 : index
      %get3A_106 = tpu.vector_load %arg12[%get3A_105] {strides = array<i32>} : memref<96xi32, #tpu.memory_space<vmem>>, vector<16xi32>,
      %get3A_107 = arith.constant 0 : index
      %get3A_108 = tpu.vector_load %arg13[%get3A_107] {strides = array<i32>} : memref<96xi32, #tpu.memory_space<vmem>>, vector<16xi32>,
      %gather3A = tpu.vector_load_idx %arg10[%get3A_106] : memref<10000xf32, #tpu.memory_space<vmem>>[vector<16xi32>], vector<16xf32>,
      %gather3A_109 = tpu.vector_load_idx %arg11[%get3A_108] : memref<10000xf32, #tpu.memory_space<vmem>>[vector<16xi32>], vector<16xf32>,
      %add3A_110 = arith.addf %gather3A, %gather3A_109 : vector<16xf32>
      %gt3A = arith.constant 0.000000e+00 : f32
      %gt3A_111 = vector.broadcast %gt3A : f32 to vector<16xf32>
      %gt3A_112 = arith.cmpf ogt, %add3A_110, %gt3A_111 : vector<16xf32>
      %mul3A_113 = arith.constant 2.000000e-01 : f32
      %mul3A_114 = vector.broadcast %mul3A_113 : f32 to vector<16xf32>
      %mul3A_115 = arith.mulf %mul3A_114, %add3A_110 : vector<16xf32>
      %select_n3A = arith.select %gt3A_112, %add3A_110, %mul3A_115 : vector<16xi1>, vector<16xf32>
      %add3A_116 = arith.addf %get3A_33, %gather3A_109 : vector<16xf32>
      %gt3A_117 = arith.constant 0.000000e+00 : f32
      %gt3A_118 = vector.broadcast %gt3A_117 : f32 to vector<16xf32>
      %gt3A_119 = arith.cmpf ogt, %add3A_116, %gt3A_118 : vector<16xf32>
      %mul3A_120 = arith.constant 2.000000e-01 : f32
      %mul3A_121 = vector.broadcast %mul3A_120 : f32 to vector<16xf32>
      %mul3A_122 = arith.mulf %mul3A_121, %add3A_116 : vector<16xf32>
      %select_n3A_123 = arith.select %gt3A_119, %add3A_116, %mul3A_122 : vector<16xi1>, vector<16xf32>
      %sub3A = arith.subf %select_n3A, %select_n3A_123 : vector<16xf32>
      %exp3A = math.exp %sub3A : vector<16xf32>
      %add3A_124 = arith.constant 0 : i32
      %add3A_125 = arith.addi %add3A_96, %add3A_124 : i32
      %add3A_126 = vector.broadcast %add3A_125 : i32 to vector<16xi32>
      %add3A_127 = arith.addi %add3A_126, %iota3A : vector<16xi32>
      %lt3A = arith.constant 330000 : i32
      %lt3A_128 = vector.broadcast %lt3A : i32 to vector<16xi32>
      %lt3A_129 = arith.cmpi slt, %add3A_127, %lt3A_128 : vector<16xi32>
      %jit3A = arith.constant 0.000000e+00 : f32
      %broadcast_in_dim3A_130 = vector.broadcast %jit3A : f32 to vector<16xf32>
      %select_n3A_131 = arith.select %lt3A_129, %exp3A, %broadcast_in_dim3A_130 : vector<16xi1>, vector<16xf32>
      %swap3A = arith.constant 0 : index
      %swap3A_132 = tpu.vector_load %arg22[%swap3A] {strides = array<i32>} : memref<96xf32, #tpu.memory_space<vmem>>, vector<16xf32>,
      tpu.vector_store %arg22[%swap3A], %select_n3A_131 {strides = array<i32>} : memref<96xf32, #tpu.memory_space<vmem>>, vector<16xf32>,
      %get3A_133 = arith.constant 16 : index
      %get3A_134 = tpu.vector_load %arg12[%get3A_133] {strides = array<i32>} : memref<96xi32, #tpu.memory_space<vmem>>, vector<16xi32>,
      %get3A_135 = arith.constant 16 : index
      %get3A_136 = tpu.vector_load %arg13[%get3A_135] {strides = array<i32>} : memref<96xi32, #tpu.memory_space<vmem>>, vector<16xi32>,
      %gather3A_137 = tpu.vector_load_idx %arg10[%get3A_134] : memref<10000xf32, #tpu.memory_space<vmem>>[vector<16xi32>], vector<16xf32>,
      %gather3A_138 = tpu.vector_load_idx %arg11[%get3A_136] : memref<10000xf32, #tpu.memory_space<vmem>>[vector<16xi32>], vector<16xf32>,
      %add3A_139 = arith.addf %gather3A_137, %gather3A_138 : vector<16xf32>
      %gt3A_140 = arith.constant 0.000000e+00 : f32
      %gt3A_141 = vector.broadcast %gt3A_140 : f32 to vector<16xf32>
      %gt3A_142 = arith.cmpf ogt, %add3A_139, %gt3A_141 : vector<16xf32>
      %mul3A_143 = arith.constant 2.000000e-01 : f32
      %mul3A_144 = vector.broadcast %mul3A_143 : f32 to vector<16xf32>
      %mul3A_145 = arith.mulf %mul3A_144, %add3A_139 : vector<16xf32>
      %select_n3A_146 = arith.select %gt3A_142, %add3A_139, %mul3A_145 : vector<16xi1>, vector<16xf32>
      %add3A_147 = arith.addf %get3A_33, %gather3A_138 : vector<16xf32>
      %gt3A_148 = arith.constant 0.000000e+00 : f32
      %gt3A_149 = vector.broadcast %gt3A_148 : f32 to vector<16xf32>
      %gt3A_150 = arith.cmpf ogt, %add3A_147, %gt3A_149 : vector<16xf32>
      %mul3A_151 = arith.constant 2.000000e-01 : f32
      %mul3A_152 = vector.broadcast %mul3A_151 : f32 to vector<16xf32>
      %mul3A_153 = arith.mulf %mul3A_152, %add3A_147 : vector<16xf32>
      %select_n3A_154 = arith.select %gt3A_150, %add3A_147, %mul3A_153 : vector<16xi1>, vector<16xf32>
      %sub3A_155 = arith.subf %select_n3A_146, %select_n3A_154 : vector<16xf32>
      %exp3A_156 = math.exp %sub3A_155 : vector<16xf32>
      %add3A_157 = arith.constant 16 : i32
      %add3A_158 = arith.addi %add3A_96, %add3A_157 : i32
      %add3A_159 = vector.broadcast %add3A_158 : i32 to vector<16xi32>
      %add3A_160 = arith.addi %add3A_159, %iota3A : vector<16xi32>
      %lt3A_161 = arith.constant 330000 : i32
      %lt3A_162 = vector.broadcast %lt3A_161 : i32 to vector<16xi32>
      %lt3A_163 = arith.cmpi slt, %add3A_160, %lt3A_162 : vector<16xi32>
      %jit3A_164 = arith.constant 0.000000e+00 : f32
      %broadcast_in_dim3A_165 = vector.broadcast %jit3A_164 : f32 to vector<16xf32>
      %select_n3A_166 = arith.select %lt3A_163, %exp3A_156, %broadcast_in_dim3A_165 : vector<16xi1>, vector<16xf32>
      %swap3A_167 = arith.constant 16 : index
      %swap3A_168 = tpu.vector_load %arg22[%swap3A_167] {strides = array<i32>} : memref<96xf32, #tpu.memory_space<vmem>>, vector<16xf32>,
      tpu.vector_store %arg22[%swap3A_167], %select_n3A_166 {strides = array<i32>} : memref<96xf32, #tpu.memory_space<vmem>>, vector<16xf32>,
      %get3A_169 = arith.constant 32 : index
      %get3A_170 = tpu.vector_load %arg12[%get3A_169] {strides = array<i32>} : memref<96xi32, #tpu.memory_space<vmem>>, vector<16xi32>,
      %get3A_171 = arith.constant 32 : index
      %get3A_172 = tpu.vector_load %arg13[%get3A_171] {strides = array<i32>} : memref<96xi32, #tpu.memory_space<vmem>>, vector<16xi32>,
      %gather3A_173 = tpu.vector_load_idx %arg10[%get3A_170] : memref<10000xf32, #tpu.memory_space<vmem>>[vector<16xi32>], vector<16xf32>,
      %gather3A_174 = tpu.vector_load_idx %arg11[%get3A_172] : memref<10000xf32, #tpu.memory_space<vmem>>[vector<16xi32>], vector<16xf32>,
      %add3A_175 = arith.addf %gather3A_173, %gather3A_174 : vector<16xf32>
      %gt3A_176 = arith.constant 0.000000e+00 : f32
      %gt3A_177 = vector.broadcast %gt3A_176 : f32 to vector<16xf32>
      %gt3A_178 = arith.cmpf ogt, %add3A_175, %gt3A_177 : vector<16xf32>
      %mul3A_179 = arith.constant 2.000000e-01 : f32
      %mul3A_180 = vector.broadcast %mul3A_179 : f32 to vector<16xf32>
      %mul3A_181 = arith.mulf %mul3A_180, %add3A_175 : vector<16xf32>
      %select_n3A_182 = arith.select %gt3A_178, %add3A_175, %mul3A_181 : vector<16xi1>, vector<16xf32>
      %add3A_183 = arith.addf %get3A_33, %gather3A_174 : vector<16xf32>
      %gt3A_184 = arith.constant 0.000000e+00 : f32
      %gt3A_185 = vector.broadcast %gt3A_184 : f32 to vector<16xf32>
      %gt3A_186 = arith.cmpf ogt, %add3A_183, %gt3A_185 : vector<16xf32>
      %mul3A_187 = arith.constant 2.000000e-01 : f32
      %mul3A_188 = vector.broadcast %mul3A_187 : f32 to vector<16xf32>
      %mul3A_189 = arith.mulf %mul3A_188, %add3A_183 : vector<16xf32>
      %select_n3A_190 = arith.select %gt3A_186, %add3A_183, %mul3A_189 : vector<16xi1>, vector<16xf32>
      %sub3A_191 = arith.subf %select_n3A_182, %select_n3A_190 : vector<16xf32>
      %exp3A_192 = math.exp %sub3A_191 : vector<16xf32>
      %add3A_193 = arith.constant 32 : i32
      %add3A_194 = arith.addi %add3A_96, %add3A_193 : i32
      %add3A_195 = vector.broadcast %add3A_194 : i32 to vector<16xi32>
      %add3A_196 = arith.addi %add3A_195, %iota3A : vector<16xi32>
      %lt3A_197 = arith.constant 330000 : i32
      %lt3A_198 = vector.broadcast %lt3A_197 : i32 to vector<16xi32>
      %lt3A_199 = arith.cmpi slt, %add3A_196, %lt3A_198 : vector<16xi32>
      %jit3A_200 = arith.constant 0.000000e+00 : f32
      %broadcast_in_dim3A_201 = vector.broadcast %jit3A_200 : f32 to vector<16xf32>
      %select_n3A_202 = arith.select %lt3A_199, %exp3A_192, %broadcast_in_dim3A_201 : vector<16xi1>, vector<16xf32>
      %swap3A_203 = arith.constant 32 : index
      %swap3A_204 = tpu.vector_load %arg22[%swap3A_203] {strides = array<i32>} : memref<96xf32, #tpu.memory_space<vmem>>, vector<16xf32>,
      tpu.vector_store %arg22[%swap3A_203], %select_n3A_202 {strides = array<i32>} : memref<96xf32, #tpu.memory_space<vmem>>, vector<16xf32>,
      %get3A_205 = arith.constant 48 : index
      %get3A_206 = tpu.vector_load %arg12[%get3A_205] {strides = array<i32>} : memref<96xi32, #tpu.memory_space<vmem>>, vector<16xi32>,
      %get3A_207 = arith.constant 48 : index
      %get3A_208 = tpu.vector_load %arg13[%get3A_207] {strides = array<i32>} : memref<96xi32, #tpu.memory_space<vmem>>, vector<16xi32>,
      %gather3A_209 = tpu.vector_load_idx %arg10[%get3A_206] : memref<10000xf32, #tpu.memory_space<vmem>>[vector<16xi32>], vector<16xf32>,
      %gather3A_210 = tpu.vector_load_idx %arg11[%get3A_208] : memref<10000xf32, #tpu.memory_space<vmem>>[vector<16xi32>], vector<16xf32>,
      %add3A_211 = arith.addf %gather3A_209, %gather3A_210 : vector<16xf32>
      %gt3A_212 = arith.constant 0.000000e+00 : f32
      %gt3A_213 = vector.broadcast %gt3A_212 : f32 to vector<16xf32>
      %gt3A_214 = arith.cmpf ogt, %add3A_211, %gt3A_213 : vector<16xf32>
      %mul3A_215 = arith.constant 2.000000e-01 : f32
      %mul3A_216 = vector.broadcast %mul3A_215 : f32 to vector<16xf32>
      %mul3A_217 = arith.mulf %mul3A_216, %add3A_211 : vector<16xf32>
      %select_n3A_218 = arith.select %gt3A_214, %add3A_211, %mul3A_217 : vector<16xi1>, vector<16xf32>
      %add3A_219 = arith.addf %get3A_33, %gather3A_210 : vector<16xf32>
      %gt3A_220 = arith.constant 0.000000e+00 : f32
      %gt3A_221 = vector.broadcast %gt3A_220 : f32 to vector<16xf32>
      %gt3A_222 = arith.cmpf ogt, %add3A_219, %gt3A_221 : vector<16xf32>
      %mul3A_223 = arith.constant 2.000000e-01 : f32
      %mul3A_224 = vector.broadcast %mul3A_223 : f32 to vector<16xf32>
      %mul3A_225 = arith.mulf %mul3A_224, %add3A_219 : vector<16xf32>
      %select_n3A_226 = arith.select %gt3A_222, %add3A_219, %mul3A_225 : vector<16xi1>, vector<16xf32>
      %sub3A_227 = arith.subf %select_n3A_218, %select_n3A_226 : vector<16xf32>
      %exp3A_228 = math.exp %sub3A_227 : vector<16xf32>
      %add3A_229 = arith.constant 48 : i32
      %add3A_230 = arith.addi %add3A_96, %add3A_229 : i32
      %add3A_231 = vector.broadcast %add3A_230 : i32 to vector<16xi32>
      %add3A_232 = arith.addi %add3A_231, %iota3A : vector<16xi32>
      %lt3A_233 = arith.constant 330000 : i32
      %lt3A_234 = vector.broadcast %lt3A_233 : i32 to vector<16xi32>
      %lt3A_235 = arith.cmpi slt, %add3A_232, %lt3A_234 : vector<16xi32>
      %jit3A_236 = arith.constant 0.000000e+00 : f32
      %broadcast_in_dim3A_237 = vector.broadcast %jit3A_236 : f32 to vector<16xf32>
      %select_n3A_238 = arith.select %lt3A_235, %exp3A_228, %broadcast_in_dim3A_237 : vector<16xi1>, vector<16xf32>
      %swap3A_239 = arith.constant 48 : index
      %swap3A_240 = tpu.vector_load %arg22[%swap3A_239] {strides = array<i32>} : memref<96xf32, #tpu.memory_space<vmem>>, vector<16xf32>,
      tpu.vector_store %arg22[%swap3A_239], %select_n3A_238 {strides = array<i32>} : memref<96xf32, #tpu.memory_space<vmem>>, vector<16xf32>,
      %get3A_241 = arith.constant 64 : index
      %get3A_242 = tpu.vector_load %arg12[%get3A_241] {strides = array<i32>} : memref<96xi32, #tpu.memory_space<vmem>>, vector<16xi32>,
      %get3A_243 = arith.constant 64 : index
      %get3A_244 = tpu.vector_load %arg13[%get3A_243] {strides = array<i32>} : memref<96xi32, #tpu.memory_space<vmem>>, vector<16xi32>,
      %gather3A_245 = tpu.vector_load_idx %arg10[%get3A_242] : memref<10000xf32, #tpu.memory_space<vmem>>[vector<16xi32>], vector<16xf32>,
      %gather3A_246 = tpu.vector_load_idx %arg11[%get3A_244] : memref<10000xf32, #tpu.memory_space<vmem>>[vector<16xi32>], vector<16xf32>,
      %add3A_247 = arith.addf %gather3A_245, %gather3A_246 : vector<16xf32>
      %gt3A_248 = arith.constant 0.000000e+00 : f32
      %gt3A_249 = vector.broadcast %gt3A_248 : f32 to vector<16xf32>
      %gt3A_250 = arith.cmpf ogt, %add3A_247, %gt3A_249 : vector<16xf32>
      %mul3A_251 = arith.constant 2.000000e-01 : f32
      %mul3A_252 = vector.broadcast %mul3A_251 : f32 to vector<16xf32>
      %mul3A_253 = arith.mulf %mul3A_252, %add3A_247 : vector<16xf32>
      %select_n3A_254 = arith.select %gt3A_250, %add3A_247, %mul3A_253 : vector<16xi1>, vector<16xf32>
      %add3A_255 = arith.addf %get3A_33, %gather3A_246 : vector<16xf32>
      %gt3A_256 = arith.constant 0.000000e+00 : f32
      %gt3A_257 = vector.broadcast %gt3A_256 : f32 to vector<16xf32>
      %gt3A_258 = arith.cmpf ogt, %add3A_255, %gt3A_257 : vector<16xf32>
      %mul3A_259 = arith.constant 2.000000e-01 : f32
      %mul3A_260 = vector.broadcast %mul3A_259 : f32 to vector<16xf32>
      %mul3A_261 = arith.mulf %mul3A_260, %add3A_255 : vector<16xf32>
      %select_n3A_262 = arith.select %gt3A_258, %add3A_255, %mul3A_261 : vector<16xi1>, vector<16xf32>
      %sub3A_263 = arith.subf %select_n3A_254, %select_n3A_262 : vector<16xf32>
      %exp3A_264 = math.exp %sub3A_263 : vector<16xf32>
      %add3A_265 = arith.constant 64 : i32
      %add3A_266 = arith.addi %add3A_96, %add3A_265 : i32
      %add3A_267 = vector.broadcast %add3A_266 : i32 to vector<16xi32>
      %add3A_268 = arith.addi %add3A_267, %iota3A : vector<16xi32>
      %lt3A_269 = arith.constant 330000 : i32
      %lt3A_270 = vector.broadcast %lt3A_269 : i32 to vector<16xi32>
      %lt3A_271 = arith.cmpi slt, %add3A_268, %lt3A_270 : vector<16xi32>
      %jit3A_272 = arith.constant 0.000000e+00 : f32
      %broadcast_in_dim3A_273 = vector.broadcast %jit3A_272 : f32 to vector<16xf32>
      %select_n3A_274 = arith.select %lt3A_271, %exp3A_264, %broadcast_in_dim3A_273 : vector<16xi1>, vector<16xf32>
      %swap3A_275 = arith.constant 64 : index
      %swap3A_276 = tpu.vector_load %arg22[%swap3A_275] {strides = array<i32>} : memref<96xf32, #tpu.memory_space<vmem>>, vector<16xf32>,
      tpu.vector_store %arg22[%swap3A_275], %select_n3A_274 {strides = array<i32>} : memref<96xf32, #tpu.memory_space<vmem>>, vector<16xf32>,
      %get3A_277 = arith.constant 80 : index
      %get3A_278 = tpu.vector_load %arg12[%get3A_277] {strides = array<i32>} : memref<96xi32, #tpu.memory_space<vmem>>, vector<16xi32>,
      %get3A_279 = arith.constant 80 : index
      %get3A_280 = tpu.vector_load %arg13[%get3A_279] {strides = array<i32>} : memref<96xi32, #tpu.memory_space<vmem>>, vector<16xi32>,
      %gather3A_281 = tpu.vector_load_idx %arg10[%get3A_278] : memref<10000xf32, #tpu.memory_space<vmem>>[vector<16xi32>], vector<16xf32>,
      %gather3A_282 = tpu.vector_load_idx %arg11[%get3A_280] : memref<10000xf32, #tpu.memory_space<vmem>>[vector<16xi32>], vector<16xf32>,
      %add3A_283 = arith.addf %gather3A_281, %gather3A_282 : vector<16xf32>
      %gt3A_284 = arith.constant 0.000000e+00 : f32
      %gt3A_285 = vector.broadcast %gt3A_284 : f32 to vector<16xf32>
      %gt3A_286 = arith.cmpf ogt, %add3A_283, %gt3A_285 : vector<16xf32>
      %mul3A_287 = arith.constant 2.000000e-01 : f32
      %mul3A_288 = vector.broadcast %mul3A_287 : f32 to vector<16xf32>
      %mul3A_289 = arith.mulf %mul3A_288, %add3A_283 : vector<16xf32>
      %select_n3A_290 = arith.select %gt3A_286, %add3A_283, %mul3A_289 : vector<16xi1>, vector<16xf32>
      %add3A_291 = arith.addf %get3A_33, %gather3A_282 : vector<16xf32>
      %gt3A_292 = arith.constant 0.000000e+00 : f32
      %gt3A_293 = vector.broadcast %gt3A_292 : f32 to vector<16xf32>
      %gt3A_294 = arith.cmpf ogt, %add3A_291, %gt3A_293 : vector<16xf32>
      %mul3A_295 = arith.constant 2.000000e-01 : f32
      %mul3A_296 = vector.broadcast %mul3A_295 : f32 to vector<16xf32>
      %mul3A_297 = arith.mulf %mul3A_296, %add3A_291 : vector<16xf32>
      %select_n3A_298 = arith.select %gt3A_294, %add3A_291, %mul3A_297 : vector<16xi1>, vector<16xf32>
      %sub3A_299 = arith.subf %select_n3A_290, %select_n3A_298 : vector<16xf32>
      %exp3A_300 = math.exp %sub3A_299 : vector<16xf32>
      %add3A_301 = arith.constant 80 : i32
      %add3A_302 = arith.addi %add3A_96, %add3A_301 : i32
      %add3A_303 = vector.broadcast %add3A_302 : i32 to vector<16xi32>
      %add3A_304 = arith.addi %add3A_303, %iota3A : vector<16xi32>
      %lt3A_305 = arith.constant 330000 : i32
      %lt3A_306 = vector.broadcast %lt3A_305 : i32 to vector<16xi32>
      %lt3A_307 = arith.cmpi slt, %add3A_304, %lt3A_306 : vector<16xi32>
      %jit3A_308 = arith.constant 0.000000e+00 : f32
      %broadcast_in_dim3A_309 = vector.broadcast %jit3A_308 : f32 to vector<16xf32>
      %select_n3A_310 = arith.select %lt3A_307, %exp3A_300, %broadcast_in_dim3A_309 : vector<16xi1>, vector<16xf32>
      %swap3A_311 = arith.constant 80 : index
      %swap3A_312 = tpu.vector_load %arg22[%swap3A_311] {strides = array<i32>} : memref<96xf32, #tpu.memory_space<vmem>>, vector<16xf32>,
      tpu.vector_store %arg22[%swap3A_311], %select_n3A_310 {strides = array<i32>} : memref<96xf32, #tpu.memory_space<vmem>>, vector<16xf32>,
      %get3A_313 = arith.constant 0 : index
      %get3A_314 = tpu.vector_load %arg14[%get3A_313] {strides = array<i32>} : memref<96xi32, #tpu.memory_space<vmem>>, vector<16xi32>,
      %get3A_315 = arith.constant 0 : index
      %get3A_316 = tpu.vector_load %arg15[%get3A_315] {strides = array<i32>} : memref<96xi32, #tpu.memory_space<vmem>>, vector<16xi32>,
      %gather3A_317 = tpu.vector_load_idx %arg10[%get3A_314] : memref<10000xf32, #tpu.memory_space<vmem>>[vector<16xi32>], vector<16xf32>,
      %gather3A_318 = tpu.vector_load_idx %arg11[%get3A_316] : memref<10000xf32, #tpu.memory_space<vmem>>[vector<16xi32>], vector<16xf32>,
      %add3A_319 = arith.addf %gather3A_317, %gather3A_318 : vector<16xf32>
      %gt3A_320 = arith.constant 0.000000e+00 : f32
      %gt3A_321 = vector.broadcast %gt3A_320 : f32 to vector<16xf32>
      %gt3A_322 = arith.cmpf ogt, %add3A_319, %gt3A_321 : vector<16xf32>
      %mul3A_323 = arith.constant 2.000000e-01 : f32
      %mul3A_324 = vector.broadcast %mul3A_323 : f32 to vector<16xf32>
      %mul3A_325 = arith.mulf %mul3A_324, %add3A_319 : vector<16xf32>
      %select_n3A_326 = arith.select %gt3A_322, %add3A_319, %mul3A_325 : vector<16xi1>, vector<16xf32>
      %add3A_327 = arith.addf %get3A_33, %gather3A_318 : vector<16xf32>
      %gt3A_328 = arith.constant 0.000000e+00 : f32
      %gt3A_329 = vector.broadcast %gt3A_328 : f32 to vector<16xf32>
      %gt3A_330 = arith.cmpf ogt, %add3A_327, %gt3A_329 : vector<16xf32>
      %mul3A_331 = arith.constant 2.000000e-01 : f32
      %mul3A_332 = vector.broadcast %mul3A_331 : f32 to vector<16xf32>
      %mul3A_333 = arith.mulf %mul3A_332, %add3A_327 : vector<16xf32>
      %select_n3A_334 = arith.select %gt3A_330, %add3A_327, %mul3A_333 : vector<16xi1>, vector<16xf32>
      %sub3A_335 = arith.subf %select_n3A_326, %select_n3A_334 : vector<16xf32>
      %exp3A_336 = math.exp %sub3A_335 : vector<16xf32>
      %add3A_337 = arith.constant 0 : i32
      %add3A_338 = arith.addi %add3A_98, %add3A_337 : i32
      %add3A_339 = vector.broadcast %add3A_338 : i32 to vector<16xi32>
      %add3A_340 = arith.addi %add3A_339, %iota3A : vector<16xi32>
      %lt3A_341 = arith.constant 330000 : i32
      %lt3A_342 = vector.broadcast %lt3A_341 : i32 to vector<16xi32>
      %lt3A_343 = arith.cmpi slt, %add3A_340, %lt3A_342 : vector<16xi32>
      %jit3A_344 = arith.constant 0.000000e+00 : f32
      %broadcast_in_dim3A_345 = vector.broadcast %jit3A_344 : f32 to vector<16xf32>
      %select_n3A_346 = arith.select %lt3A_343, %exp3A_336, %broadcast_in_dim3A_345 : vector<16xi1>, vector<16xf32>
      %swap3A_347 = arith.constant 0 : index
      %swap3A_348 = tpu.vector_load %arg23[%swap3A_347] {strides = array<i32>} : memref<96xf32, #tpu.memory_space<vmem>>, vector<16xf32>,
      tpu.vector_store %arg23[%swap3A_347], %select_n3A_346 {strides = array<i32>} : memref<96xf32, #tpu.memory_space<vmem>>, vector<16xf32>,
      %get3A_349 = arith.constant 16 : index
      %get3A_350 = tpu.vector_load %arg14[%get3A_349] {strides = array<i32>} : memref<96xi32, #tpu.memory_space<vmem>>, vector<16xi32>,
      %get3A_351 = arith.constant 16 : index
      %get3A_352 = tpu.vector_load %arg15[%get3A_351] {strides = array<i32>} : memref<96xi32, #tpu.memory_space<vmem>>, vector<16xi32>,
      %gather3A_353 = tpu.vector_load_idx %arg10[%get3A_350] : memref<10000xf32, #tpu.memory_space<vmem>>[vector<16xi32>], vector<16xf32>,
      %gather3A_354 = tpu.vector_load_idx %arg11[%get3A_352] : memref<10000xf32, #tpu.memory_space<vmem>>[vector<16xi32>], vector<16xf32>,
      %add3A_355 = arith.addf %gather3A_353, %gather3A_354 : vector<16xf32>
      %gt3A_356 = arith.constant 0.000000e+00 : f32
      %gt3A_357 = vector.broadcast %gt3A_356 : f32 to vector<16xf32>
      %gt3A_358 = arith.cmpf ogt, %add3A_355, %gt3A_357 : vector<16xf32>
      %mul3A_359 = arith.constant 2.000000e-01 : f32
      %mul3A_360 = vector.broadcast %mul3A_359 : f32 to vector<16xf32>
      %mul3A_361 = arith.mulf %mul3A_360, %add3A_355 : vector<16xf32>
      %select_n3A_362 = arith.select %gt3A_358, %add3A_355, %mul3A_361 : vector<16xi1>, vector<16xf32>
      %add3A_363 = arith.addf %get3A_33, %gather3A_354 : vector<16xf32>
      %gt3A_364 = arith.constant 0.000000e+00 : f32
      %gt3A_365 = vector.broadcast %gt3A_364 : f32 to vector<16xf32>
      %gt3A_366 = arith.cmpf ogt, %add3A_363, %gt3A_365 : vector<16xf32>
      %mul3A_367 = arith.constant 2.000000e-01 : f32
      %mul3A_368 = vector.broadcast %mul3A_367 : f32 to vector<16xf32>
      %mul3A_369 = arith.mulf %mul3A_368, %add3A_363 : vector<16xf32>
      %select_n3A_370 = arith.select %gt3A_366, %add3A_363, %mul3A_369 : vector<16xi1>, vector<16xf32>
      %sub3A_371 = arith.subf %select_n3A_362, %select_n3A_370 : vector<16xf32>
      %exp3A_372 = math.exp %sub3A_371 : vector<16xf32>
      %add3A_373 = arith.constant 16 : i32
      %add3A_374 = arith.addi %add3A_98, %add3A_373 : i32
      %add3A_375 = vector.broadcast %add3A_374 : i32 to vector<16xi32>
      %add3A_376 = arith.addi %add3A_375, %iota3A : vector<16xi32>
      %lt3A_377 = arith.constant 330000 : i32
      %lt3A_378 = vector.broadcast %lt3A_377 : i32 to vector<16xi32>
      %lt3A_379 = arith.cmpi slt, %add3A_376, %lt3A_378 : vector<16xi32>
      %jit3A_380 = arith.constant 0.000000e+00 : f32
      %broadcast_in_dim3A_381 = vector.broadcast %jit3A_380 : f32 to vector<16xf32>
      %select_n3A_382 = arith.select %lt3A_379, %exp3A_372, %broadcast_in_dim3A_381 : vector<16xi1>, vector<16xf32>
      %swap3A_383 = arith.constant 16 : index
      %swap3A_384 = tpu.vector_load %arg23[%swap3A_383] {strides = array<i32>} : memref<96xf32, #tpu.memory_space<vmem>>, vector<16xf32>,
      tpu.vector_store %arg23[%swap3A_383], %select_n3A_382 {strides = array<i32>} : memref<96xf32, #tpu.memory_space<vmem>>, vector<16xf32>,
      %get3A_385 = arith.constant 32 : index
      %get3A_386 = tpu.vector_load %arg14[%get3A_385] {strides = array<i32>} : memref<96xi32, #tpu.memory_space<vmem>>, vector<16xi32>,
      %get3A_387 = arith.constant 32 : index
      %get3A_388 = tpu.vector_load %arg15[%get3A_387] {strides = array<i32>} : memref<96xi32, #tpu.memory_space<vmem>>, vector<16xi32>,
      %gather3A_389 = tpu.vector_load_idx %arg10[%get3A_386] : memref<10000xf32, #tpu.memory_space<vmem>>[vector<16xi32>], vector<16xf32>,
      %gather3A_390 = tpu.vector_load_idx %arg11[%get3A_388] : memref<10000xf32, #tpu.memory_space<vmem>>[vector<16xi32>], vector<16xf32>,
      %add3A_391 = arith.addf %gather3A_389, %gather3A_390 : vector<16xf32>
      %gt3A_392 = arith.constant 0.000000e+00 : f32
      %gt3A_393 = vector.broadcast %gt3A_392 : f32 to vector<16xf32>
      %gt3A_394 = arith.cmpf ogt, %add3A_391, %gt3A_393 : vector<16xf32>
      %mul3A_395 = arith.constant 2.000000e-01 : f32
      %mul3A_396 = vector.broadcast %mul3A_395 : f32 to vector<16xf32>
      %mul3A_397 = arith.mulf %mul3A_396, %add3A_391 : vector<16xf32>
      %select_n3A_398 = arith.select %gt3A_394, %add3A_391, %mul3A_397 : vector<16xi1>, vector<16xf32>
      %add3A_399 = arith.addf %get3A_33, %gather3A_390 : vector<16xf32>
      %gt3A_400 = arith.constant 0.000000e+00 : f32
      %gt3A_401 = vector.broadcast %gt3A_400 : f32 to vector<16xf32>
      %gt3A_402 = arith.cmpf ogt, %add3A_399, %gt3A_401 : vector<16xf32>
      %mul3A_403 = arith.constant 2.000000e-01 : f32
      %mul3A_404 = vector.broadcast %mul3A_403 : f32 to vector<16xf32>
      %mul3A_405 = arith.mulf %mul3A_404, %add3A_399 : vector<16xf32>
      %select_n3A_406 = arith.select %gt3A_402, %add3A_399, %mul3A_405 : vector<16xi1>, vector<16xf32>
      %sub3A_407 = arith.subf %select_n3A_398, %select_n3A_406 : vector<16xf32>
      %exp3A_408 = math.exp %sub3A_407 : vector<16xf32>
      %add3A_409 = arith.constant 32 : i32
      %add3A_410 = arith.addi %add3A_98, %add3A_409 : i32
      %add3A_411 = vector.broadcast %add3A_410 : i32 to vector<16xi32>
      %add3A_412 = arith.addi %add3A_411, %iota3A : vector<16xi32>
      %lt3A_413 = arith.constant 330000 : i32
      %lt3A_414 = vector.broadcast %lt3A_413 : i32 to vector<16xi32>
      %lt3A_415 = arith.cmpi slt, %add3A_412, %lt3A_414 : vector<16xi32>
      %jit3A_416 = arith.constant 0.000000e+00 : f32
      %broadcast_in_dim3A_417 = vector.broadcast %jit3A_416 : f32 to vector<16xf32>
      %select_n3A_418 = arith.select %lt3A_415, %exp3A_408, %broadcast_in_dim3A_417 : vector<16xi1>, vector<16xf32>
      %swap3A_419 = arith.constant 32 : index
      %swap3A_420 = tpu.vector_load %arg23[%swap3A_419] {strides = array<i32>} : memref<96xf32, #tpu.memory_space<vmem>>, vector<16xf32>,
      tpu.vector_store %arg23[%swap3A_419], %select_n3A_418 {strides = array<i32>} : memref<96xf32, #tpu.memory_space<vmem>>, vector<16xf32>,
      %get3A_421 = arith.constant 48 : index
      %get3A_422 = tpu.vector_load %arg14[%get3A_421] {strides = array<i32>} : memref<96xi32, #tpu.memory_space<vmem>>, vector<16xi32>,
      %get3A_423 = arith.constant 48 : index
      %get3A_424 = tpu.vector_load %arg15[%get3A_423] {strides = array<i32>} : memref<96xi32, #tpu.memory_space<vmem>>, vector<16xi32>,
      %gather3A_425 = tpu.vector_load_idx %arg10[%get3A_422] : memref<10000xf32, #tpu.memory_space<vmem>>[vector<16xi32>], vector<16xf32>,
      %gather3A_426 = tpu.vector_load_idx %arg11[%get3A_424] : memref<10000xf32, #tpu.memory_space<vmem>>[vector<16xi32>], vector<16xf32>,
      %add3A_427 = arith.addf %gather3A_425, %gather3A_426 : vector<16xf32>
      %gt3A_428 = arith.constant 0.000000e+00 : f32
      %gt3A_429 = vector.broadcast %gt3A_428 : f32 to vector<16xf32>
      %gt3A_430 = arith.cmpf ogt, %add3A_427, %gt3A_429 : vector<16xf32>
      %mul3A_431 = arith.constant 2.000000e-01 : f32
      %mul3A_432 = vector.broadcast %mul3A_431 : f32 to vector<16xf32>
      %mul3A_433 = arith.mulf %mul3A_432, %add3A_427 : vector<16xf32>
      %select_n3A_434 = arith.select %gt3A_430, %add3A_427, %mul3A_433 : vector<16xi1>, vector<16xf32>
      %add3A_435 = arith.addf %get3A_33, %gather3A_426 : vector<16xf32>
      %gt3A_436 = arith.constant 0.000000e+00 : f32
      %gt3A_437 = vector.broadcast %gt3A_436 : f32 to vector<16xf32>
      %gt3A_438 = arith.cmpf ogt, %add3A_435, %gt3A_437 : vector<16xf32>
      %mul3A_439 = arith.constant 2.000000e-01 : f32
      %mul3A_440 = vector.broadcast %mul3A_439 : f32 to vector<16xf32>
      %mul3A_441 = arith.mulf %mul3A_440, %add3A_435 : vector<16xf32>
      %select_n3A_442 = arith.select %gt3A_438, %add3A_435, %mul3A_441 : vector<16xi1>, vector<16xf32>
      %sub3A_443 = arith.subf %select_n3A_434, %select_n3A_442 : vector<16xf32>
      %exp3A_444 = math.exp %sub3A_443 : vector<16xf32>
      %add3A_445 = arith.constant 48 : i32
      %add3A_446 = arith.addi %add3A_98, %add3A_445 : i32
      %add3A_447 = vector.broadcast %add3A_446 : i32 to vector<16xi32>
      %add3A_448 = arith.addi %add3A_447, %iota3A : vector<16xi32>
      %lt3A_449 = arith.constant 330000 : i32
      %lt3A_450 = vector.broadcast %lt3A_449 : i32 to vector<16xi32>
      %lt3A_451 = arith.cmpi slt, %add3A_448, %lt3A_450 : vector<16xi32>
      %jit3A_452 = arith.constant 0.000000e+00 : f32
      %broadcast_in_dim3A_453 = vector.broadcast %jit3A_452 : f32 to vector<16xf32>
      %select_n3A_454 = arith.select %lt3A_451, %exp3A_444, %broadcast_in_dim3A_453 : vector<16xi1>, vector<16xf32>
      %swap3A_455 = arith.constant 48 : index
      %swap3A_456 = tpu.vector_load %arg23[%swap3A_455] {strides = array<i32>} : memref<96xf32, #tpu.memory_space<vmem>>, vector<16xf32>,
      tpu.vector_store %arg23[%swap3A_455], %select_n3A_454 {strides = array<i32>} : memref<96xf32, #tpu.memory_space<vmem>>, vector<16xf32>,
      %get3A_457 = arith.constant 64 : index
      %get3A_458 = tpu.vector_load %arg14[%get3A_457] {strides = array<i32>} : memref<96xi32, #tpu.memory_space<vmem>>, vector<16xi32>,
      %get3A_459 = arith.constant 64 : index
      %get3A_460 = tpu.vector_load %arg15[%get3A_459] {strides = array<i32>} : memref<96xi32, #tpu.memory_space<vmem>>, vector<16xi32>,
      %gather3A_461 = tpu.vector_load_idx %arg10[%get3A_458] : memref<10000xf32, #tpu.memory_space<vmem>>[vector<16xi32>], vector<16xf32>,
      %gather3A_462 = tpu.vector_load_idx %arg11[%get3A_460] : memref<10000xf32, #tpu.memory_space<vmem>>[vector<16xi32>], vector<16xf32>,
      %add3A_463 = arith.addf %gather3A_461, %gather3A_462 : vector<16xf32>
      %gt3A_464 = arith.constant 0.000000e+00 : f32
      %gt3A_465 = vector.broadcast %gt3A_464 : f32 to vector<16xf32>
      %gt3A_466 = arith.cmpf ogt, %add3A_463, %gt3A_465 : vector<16xf32>
      %mul3A_467 = arith.constant 2.000000e-01 : f32
      %mul3A_468 = vector.broadcast %mul3A_467 : f32 to vector<16xf32>
      %mul3A_469 = arith.mulf %mul3A_468, %add3A_463 : vector<16xf32>
      %select_n3A_470 = arith.select %gt3A_466, %add3A_463, %mul3A_469 : vector<16xi1>, vector<16xf32>
      %add3A_471 = arith.addf %get3A_33, %gather3A_462 : vector<16xf32>
      %gt3A_472 = arith.constant 0.000000e+00 : f32
      %gt3A_473 = vector.broadcast %gt3A_472 : f32 to vector<16xf32>
      %gt3A_474 = arith.cmpf ogt, %add3A_471, %gt3A_473 : vector<16xf32>
      %mul3A_475 = arith.constant 2.000000e-01 : f32
      %mul3A_476 = vector.broadcast %mul3A_475 : f32 to vector<16xf32>
      %mul3A_477 = arith.mulf %mul3A_476, %add3A_471 : vector<16xf32>
      %select_n3A_478 = arith.select %gt3A_474, %add3A_471, %mul3A_477 : vector<16xi1>, vector<16xf32>
      %sub3A_479 = arith.subf %select_n3A_470, %select_n3A_478 : vector<16xf32>
      %exp3A_480 = math.exp %sub3A_479 : vector<16xf32>
      %add3A_481 = arith.constant 64 : i32
      %add3A_482 = arith.addi %add3A_98, %add3A_481 : i32
      %add3A_483 = vector.broadcast %add3A_482 : i32 to vector<16xi32>
      %add3A_484 = arith.addi %add3A_483, %iota3A : vector<16xi32>
      %lt3A_485 = arith.constant 330000 : i32
      %lt3A_486 = vector.broadcast %lt3A_485 : i32 to vector<16xi32>
      %lt3A_487 = arith.cmpi slt, %add3A_484, %lt3A_486 : vector<16xi32>
      %jit3A_488 = arith.constant 0.000000e+00 : f32
      %broadcast_in_dim3A_489 = vector.broadcast %jit3A_488 : f32 to vector<16xf32>
      %select_n3A_490 = arith.select %lt3A_487, %exp3A_480, %broadcast_in_dim3A_489 : vector<16xi1>, vector<16xf32>
      %swap3A_491 = arith.constant 64 : index
      %swap3A_492 = tpu.vector_load %arg23[%swap3A_491] {strides = array<i32>} : memref<96xf32, #tpu.memory_space<vmem>>, vector<16xf32>,
      tpu.vector_store %arg23[%swap3A_491], %select_n3A_490 {strides = array<i32>} : memref<96xf32, #tpu.memory_space<vmem>>, vector<16xf32>,
      %get3A_493 = arith.constant 80 : index
      %get3A_494 = tpu.vector_load %arg14[%get3A_493] {strides = array<i32>} : memref<96xi32, #tpu.memory_space<vmem>>, vector<16xi32>,
      %get3A_495 = arith.constant 80 : index
      %get3A_496 = tpu.vector_load %arg15[%get3A_495] {strides = array<i32>} : memref<96xi32, #tpu.memory_space<vmem>>, vector<16xi32>,
      %gather3A_497 = tpu.vector_load_idx %arg10[%get3A_494] : memref<10000xf32, #tpu.memory_space<vmem>>[vector<16xi32>], vector<16xf32>,
      %gather3A_498 = tpu.vector_load_idx %arg11[%get3A_496] : memref<10000xf32, #tpu.memory_space<vmem>>[vector<16xi32>], vector<16xf32>,
      %add3A_499 = arith.addf %gather3A_497, %gather3A_498 : vector<16xf32>
      %gt3A_500 = arith.constant 0.000000e+00 : f32
      %gt3A_501 = vector.broadcast %gt3A_500 : f32 to vector<16xf32>
      %gt3A_502 = arith.cmpf ogt, %add3A_499, %gt3A_501 : vector<16xf32>
      %mul3A_503 = arith.constant 2.000000e-01 : f32
      %mul3A_504 = vector.broadcast %mul3A_503 : f32 to vector<16xf32>
      %mul3A_505 = arith.mulf %mul3A_504, %add3A_499 : vector<16xf32>
      %select_n3A_506 = arith.select %gt3A_502, %add3A_499, %mul3A_505 : vector<16xi1>, vector<16xf32>
      %add3A_507 = arith.addf %get3A_33, %gather3A_498 : vector<16xf32>
      %gt3A_508 = arith.constant 0.000000e+00 : f32
      %gt3A_509 = vector.broadcast %gt3A_508 : f32 to vector<16xf32>
      %gt3A_510 = arith.cmpf ogt, %add3A_507, %gt3A_509 : vector<16xf32>
      %mul3A_511 = arith.constant 2.000000e-01 : f32
      %mul3A_512 = vector.broadcast %mul3A_511 : f32 to vector<16xf32>
      %mul3A_513 = arith.mulf %mul3A_512, %add3A_507 : vector<16xf32>
      %select_n3A_514 = arith.select %gt3A_510, %add3A_507, %mul3A_513 : vector<16xi1>, vector<16xf32>
      %sub3A_515 = arith.subf %select_n3A_506, %select_n3A_514 : vector<16xf32>
      %exp3A_516 = math.exp %sub3A_515 : vector<16xf32>
      %add3A_517 = arith.constant 80 : i32
      %add3A_518 = arith.addi %add3A_98, %add3A_517 : i32
      %add3A_519 = vector.broadcast %add3A_518 : i32 to vector<16xi32>
      %add3A_520 = arith.addi %add3A_519, %iota3A : vector<16xi32>
      %lt3A_521 = arith.constant 330000 : i32
      %lt3A_522 = vector.broadcast %lt3A_521 : i32 to vector<16xi32>
      %lt3A_523 = arith.cmpi slt, %add3A_520, %lt3A_522 : vector<16xi32>
      %jit3A_524 = arith.constant 0.000000e+00 : f32
      %broadcast_in_dim3A_525 = vector.broadcast %jit3A_524 : f32 to vector<16xf32>
      %select_n3A_526 = arith.select %lt3A_523, %exp3A_516, %broadcast_in_dim3A_525 : vector<16xi1>, vector<16xf32>
      %swap3A_527 = arith.constant 80 : index
      %swap3A_528 = tpu.vector_load %arg23[%swap3A_527] {strides = array<i32>} : memref<96xf32, #tpu.memory_space<vmem>>, vector<16xf32>,
      tpu.vector_store %arg23[%swap3A_527], %select_n3A_526 {strides = array<i32>} : memref<96xf32, #tpu.memory_space<vmem>>, vector<16xf32>,
      %dma_wait3A_529 = arith.constant 0 : i32
      %dma_wait3A_530 = arith.constant 0 : i32
      %dma_wait3A_531 = tpu.memref_slice %arg2[%dma_wait3A_529, %dma_wait3A_530] : memref<10000x128xf32, #tpu.memory_space<hbm>> -> memref<10000x128xf32, #tpu.memory_space<hbm>>
      tpu.wait_indirect_dma semaphore(%arg29 : memref<!tpu.dma_semaphore, #tpu.memory_space<semaphore_mem>>) src(%dma_wait3A_531 : memref<10000x128xf32, #tpu.memory_space<hbm>>) dst(%arg20 : memref<96x128xf32, #tpu.memory_space<vmem>>)
      %parallel_loop3A = arith.constant 0 : i32
      %parallel_loop3A_532 = arith.constant 96 : i32
      %parallel_loop3A_533 = arith.constant 1 : i32
      scf.for %parallel_loop3A_1067 = %parallel_loop3A to %parallel_loop3A_532 step %parallel_loop3A_533  : i32 {
        %parallel_loop3A_1068 = vector.broadcast %parallel_loop3A_1067 : i32 to vector<16xi32>
        %parallel_loop3A_1069 = tpu.vector_load_idx %arg22[%parallel_loop3A_1068] : memref<96xf32, #tpu.memory_space<vmem>>[vector<16xi32>], vector<16xf32>,
        %parallel_loop3A_1070 = arith.index_cast %parallel_loop3A_1067 : i32 to index
        %parallel_loop3A_1071 = arith.constant 0 : index
        %parallel_loop3A_1072 = tpu.vector_load %arg20[%parallel_loop3A_1070, %parallel_loop3A_1071] {strides = array<i32>} : memref<96x128xf32, #tpu.memory_space<vmem>>, vector<16xf32>,
        %parallel_loop3A_1073 = arith.mulf %parallel_loop3A_1072, %parallel_loop3A_1069 : vector<16xf32>
        %parallel_loop3A_1074 = arith.index_cast %parallel_loop3A_1067 : i32 to index
        %parallel_loop3A_1075 = arith.constant 0 : index
        %parallel_loop3A_1076 = tpu.vector_load %arg20[%parallel_loop3A_1074, %parallel_loop3A_1075] {strides = array<i32>} : memref<96x128xf32, #tpu.memory_space<vmem>>, vector<16xf32>,
        tpu.vector_store %arg20[%parallel_loop3A_1074, %parallel_loop3A_1075], %parallel_loop3A_1073 {strides = array<i32>} : memref<96x128xf32, #tpu.memory_space<vmem>>, vector<16xf32>,
        %parallel_loop3A_1077 = arith.index_cast %parallel_loop3A_1067 : i32 to index
        %parallel_loop3A_1078 = arith.constant 16 : index
        %parallel_loop3A_1079 = tpu.vector_load %arg20[%parallel_loop3A_1077, %parallel_loop3A_1078] {strides = array<i32>} : memref<96x128xf32, #tpu.memory_space<vmem>>, vector<16xf32>,
        %parallel_loop3A_1080 = arith.mulf %parallel_loop3A_1079, %parallel_loop3A_1069 : vector<16xf32>
        %parallel_loop3A_1081 = arith.index_cast %parallel_loop3A_1067 : i32 to index
        %parallel_loop3A_1082 = arith.constant 16 : index
        %parallel_loop3A_1083 = tpu.vector_load %arg20[%parallel_loop3A_1081, %parallel_loop3A_1082] {strides = array<i32>} : memref<96x128xf32, #tpu.memory_space<vmem>>, vector<16xf32>,
        tpu.vector_store %arg20[%parallel_loop3A_1081, %parallel_loop3A_1082], %parallel_loop3A_1080 {strides = array<i32>} : memref<96x128xf32, #tpu.memory_space<vmem>>, vector<16xf32>,
        %parallel_loop3A_1084 = arith.index_cast %parallel_loop3A_1067 : i32 to index
        %parallel_loop3A_1085 = arith.constant 32 : index
        %parallel_loop3A_1086 = tpu.vector_load %arg20[%parallel_loop3A_1084, %parallel_loop3A_1085] {strides = array<i32>} : memref<96x128xf32, #tpu.memory_space<vmem>>, vector<16xf32>,
        %parallel_loop3A_1087 = arith.mulf %parallel_loop3A_1086, %parallel_loop3A_1069 : vector<16xf32>
        %parallel_loop3A_1088 = arith.index_cast %parallel_loop3A_1067 : i32 to index
        %parallel_loop3A_1089 = arith.constant 32 : index
        %parallel_loop3A_1090 = tpu.vector_load %arg20[%parallel_loop3A_1088, %parallel_loop3A_1089] {strides = array<i32>} : memref<96x128xf32, #tpu.memory_space<vmem>>, vector<16xf32>,
        tpu.vector_store %arg20[%parallel_loop3A_1088, %parallel_loop3A_1089], %parallel_loop3A_1087 {strides = array<i32>} : memref<96x128xf32, #tpu.memory_space<vmem>>, vector<16xf32>,
        %parallel_loop3A_1091 = arith.index_cast %parallel_loop3A_1067 : i32 to index
        %parallel_loop3A_1092 = arith.constant 48 : index
        %parallel_loop3A_1093 = tpu.vector_load %arg20[%parallel_loop3A_1091, %parallel_loop3A_1092] {strides = array<i32>} : memref<96x128xf32, #tpu.memory_space<vmem>>, vector<16xf32>,
        %parallel_loop3A_1094 = arith.mulf %parallel_loop3A_1093, %parallel_loop3A_1069 : vector<16xf32>
        %parallel_loop3A_1095 = arith.index_cast %parallel_loop3A_1067 : i32 to index
        %parallel_loop3A_1096 = arith.constant 48 : index
        %parallel_loop3A_1097 = tpu.vector_load %arg20[%parallel_loop3A_1095, %parallel_loop3A_1096] {strides = array<i32>} : memref<96x128xf32, #tpu.memory_space<vmem>>, vector<16xf32>,
        tpu.vector_store %arg20[%parallel_loop3A_1095, %parallel_loop3A_1096], %parallel_loop3A_1094 {strides = array<i32>} : memref<96x128xf32, #tpu.memory_space<vmem>>, vector<16xf32>,
        %parallel_loop3A_1098 = arith.index_cast %parallel_loop3A_1067 : i32 to index
        %parallel_loop3A_1099 = arith.constant 64 : index
        %parallel_loop3A_1100 = tpu.vector_load %arg20[%parallel_loop3A_1098, %parallel_loop3A_1099] {strides = array<i32>} : memref<96x128xf32, #tpu.memory_space<vmem>>, vector<16xf32>,
        %parallel_loop3A_1101 = arith.mulf %parallel_loop3A_1100, %parallel_loop3A_1069 : vector<16xf32>
        %parallel_loop3A_1102 = arith.index_cast %parallel_loop3A_1067 : i32 to index
        %parallel_loop3A_1103 = arith.constant 64 : index
        %parallel_loop3A_1104 = tpu.vector_load %arg20[%parallel_loop3A_1102, %parallel_loop3A_1103] {strides = array<i32>} : memref<96x128xf32, #tpu.memory_space<vmem>>, vector<16xf32>,
        tpu.vector_store %arg20[%parallel_loop3A_1102, %parallel_loop3A_1103], %parallel_loop3A_1101 {strides = array<i32>} : memref<96x128xf32, #tpu.memory_space<vmem>>, vector<16xf32>,
        %parallel_loop3A_1105 = arith.index_cast %parallel_loop3A_1067 : i32 to index
        %parallel_loop3A_1106 = arith.constant 80 : index
        %parallel_loop3A_1107 = tpu.vector_load %arg20[%parallel_loop3A_1105, %parallel_loop3A_1106] {strides = array<i32>} : memref<96x128xf32, #tpu.memory_space<vmem>>, vector<16xf32>,
        %parallel_loop3A_1108 = arith.mulf %parallel_loop3A_1107, %parallel_loop3A_1069 : vector<16xf32>
        %parallel_loop3A_1109 = arith.index_cast %parallel_loop3A_1067 : i32 to index
        %parallel_loop3A_1110 = arith.constant 80 : index
        %parallel_loop3A_1111 = tpu.vector_load %arg20[%parallel_loop3A_1109, %parallel_loop3A_1110] {strides = array<i32>} : memref<96x128xf32, #tpu.memory_space<vmem>>, vector<16xf32>,
        tpu.vector_store %arg20[%parallel_loop3A_1109, %parallel_loop3A_1110], %parallel_loop3A_1108 {strides = array<i32>} : memref<96x128xf32, #tpu.memory_space<vmem>>, vector<16xf32>,
        %parallel_loop3A_1112 = arith.index_cast %parallel_loop3A_1067 : i32 to index
        %parallel_loop3A_1113 = arith.constant 96 : index
        %parallel_loop3A_1114 = tpu.vector_load %arg20[%parallel_loop3A_1112, %parallel_loop3A_1113] {strides = array<i32>} : memref<96x128xf32, #tpu.memory_space<vmem>>, vector<16xf32>,
        %parallel_loop3A_1115 = arith.mulf %parallel_loop3A_1114, %parallel_loop3A_1069 : vector<16xf32>
        %parallel_loop3A_1116 = arith.index_cast %parallel_loop3A_1067 : i32 to index
        %parallel_loop3A_1117 = arith.constant 96 : index
        %parallel_loop3A_1118 = tpu.vector_load %arg20[%parallel_loop3A_1116, %parallel_loop3A_1117] {strides = array<i32>} : memref<96x128xf32, #tpu.memory_space<vmem>>, vector<16xf32>,
        tpu.vector_store %arg20[%parallel_loop3A_1116, %parallel_loop3A_1117], %parallel_loop3A_1115 {strides = array<i32>} : memref<96x128xf32, #tpu.memory_space<vmem>>, vector<16xf32>,
        %parallel_loop3A_1119 = arith.index_cast %parallel_loop3A_1067 : i32 to index
        %parallel_loop3A_1120 = arith.constant 112 : index
        %parallel_loop3A_1121 = tpu.vector_load %arg20[%parallel_loop3A_1119, %parallel_loop3A_1120] {strides = array<i32>} : memref<96x128xf32, #tpu.memory_space<vmem>>, vector<16xf32>,
        %parallel_loop3A_1122 = arith.mulf %parallel_loop3A_1121, %parallel_loop3A_1069 : vector<16xf32>
        %parallel_loop3A_1123 = arith.index_cast %parallel_loop3A_1067 : i32 to index
        %parallel_loop3A_1124 = arith.constant 112 : index
        %parallel_loop3A_1125 = tpu.vector_load %arg20[%parallel_loop3A_1123, %parallel_loop3A_1124] {strides = array<i32>} : memref<96x128xf32, #tpu.memory_space<vmem>>, vector<16xf32>,
        tpu.vector_store %arg20[%parallel_loop3A_1123, %parallel_loop3A_1124], %parallel_loop3A_1122 {strides = array<i32>} : memref<96x128xf32, #tpu.memory_space<vmem>>, vector<16xf32>,
      } {sc.loop_unroll_factor = 8 : i64, sc.parallel_access}
      %dma_start3A_534 = arith.constant 0 : i32
      %dma_start3A_535 = arith.constant 0 : i32
      %dma_start3A_536 = tpu.memref_slice %arg26[%dma_start3A_534, %dma_start3A_535] : memref<10240x128xf32, #tpu.memory_space<vmem_shared>> -> memref<10240x128xf32, #tpu.memory_space<vmem_shared>>
      tpu.enqueue_indirect_dma source(%arg20 : memref<96x128xf32, #tpu.memory_space<vmem>>) target(%dma_start3A_536 : memref<10240x128xf32, #tpu.memory_space<vmem_shared>>) offsets(%arg13 : memref<96xi32, #tpu.memory_space<vmem>>) semaphore(%arg31 : memref<!tpu.dma_semaphore, #tpu.memory_space<semaphore_mem>>) {add = true}
      %dma_start3A_537 = arith.constant 0 : i32
      %dma_start3A_538 = tpu.memref_slice %arg27[%dma_start3A_537] : memref<10240xf32, #tpu.memory_space<vmem_shared>> -> memref<10240xf32, #tpu.memory_space<vmem_shared>>
      tpu.enqueue_indirect_dma source(%arg22 : memref<96xf32, #tpu.memory_space<vmem>>) target(%dma_start3A_538 : memref<10240xf32, #tpu.memory_space<vmem_shared>>) offsets(%arg13 : memref<96xi32, #tpu.memory_space<vmem>>) semaphore(%arg31 : memref<!tpu.dma_semaphore, #tpu.memory_space<semaphore_mem>>) {add = true}
      %dma_wait3A_539 = arith.constant 0 : i32
      %dma_wait3A_540 = arith.constant 0 : i32
      %dma_wait3A_541 = tpu.memref_slice %arg2[%dma_wait3A_539, %dma_wait3A_540] : memref<10000x128xf32, #tpu.memory_space<hbm>> -> memref<10000x128xf32, #tpu.memory_space<hbm>>
      tpu.wait_indirect_dma semaphore(%arg30 : memref<!tpu.dma_semaphore, #tpu.memory_space<semaphore_mem>>) src(%dma_wait3A_541 : memref<10000x128xf32, #tpu.memory_space<hbm>>) dst(%arg21 : memref<96x128xf32, #tpu.memory_space<vmem>>)
      %parallel_loop3A_542 = arith.constant 0 : i32
      %parallel_loop3A_543 = arith.constant 96 : i32
      %parallel_loop3A_544 = arith.constant 1 : i32
      scf.for %parallel_loop3A_1067 = %parallel_loop3A_542 to %parallel_loop3A_543 step %parallel_loop3A_544  : i32 {
        %parallel_loop3A_1068 = vector.broadcast %parallel_loop3A_1067 : i32 to vector<16xi32>
        %parallel_loop3A_1069 = tpu.vector_load_idx %arg23[%parallel_loop3A_1068] : memref<96xf32, #tpu.memory_space<vmem>>[vector<16xi32>], vector<16xf32>,
        %parallel_loop3A_1070 = arith.index_cast %parallel_loop3A_1067 : i32 to index
        %parallel_loop3A_1071 = arith.constant 0 : index
        %parallel_loop3A_1072 = tpu.vector_load %arg21[%parallel_loop3A_1070, %parallel_loop3A_1071] {strides = array<i32>} : memref<96x128xf32, #tpu.memory_space<vmem>>, vector<16xf32>,
        %parallel_loop3A_1073 = arith.mulf %parallel_loop3A_1072, %parallel_loop3A_1069 : vector<16xf32>
        %parallel_loop3A_1074 = arith.index_cast %parallel_loop3A_1067 : i32 to index
        %parallel_loop3A_1075 = arith.constant 0 : index
        %parallel_loop3A_1076 = tpu.vector_load %arg21[%parallel_loop3A_1074, %parallel_loop3A_1075] {strides = array<i32>} : memref<96x128xf32, #tpu.memory_space<vmem>>, vector<16xf32>,
        tpu.vector_store %arg21[%parallel_loop3A_1074, %parallel_loop3A_1075], %parallel_loop3A_1073 {strides = array<i32>} : memref<96x128xf32, #tpu.memory_space<vmem>>, vector<16xf32>,
        %parallel_loop3A_1077 = arith.index_cast %parallel_loop3A_1067 : i32 to index
        %parallel_loop3A_1078 = arith.constant 16 : index
        %parallel_loop3A_1079 = tpu.vector_load %arg21[%parallel_loop3A_1077, %parallel_loop3A_1078] {strides = array<i32>} : memref<96x128xf32, #tpu.memory_space<vmem>>, vector<16xf32>,
        %parallel_loop3A_1080 = arith.mulf %parallel_loop3A_1079, %parallel_loop3A_1069 : vector<16xf32>
        %parallel_loop3A_1081 = arith.index_cast %parallel_loop3A_1067 : i32 to index
        %parallel_loop3A_1082 = arith.constant 16 : index
        %parallel_loop3A_1083 = tpu.vector_load %arg21[%parallel_loop3A_1081, %parallel_loop3A_1082] {strides = array<i32>} : memref<96x128xf32, #tpu.memory_space<vmem>>, vector<16xf32>,
        tpu.vector_store %arg21[%parallel_loop3A_1081, %parallel_loop3A_1082], %parallel_loop3A_1080 {strides = array<i32>} : memref<96x128xf32, #tpu.memory_space<vmem>>, vector<16xf32>,
        %parallel_loop3A_1084 = arith.index_cast %parallel_loop3A_1067 : i32 to index
        %parallel_loop3A_1085 = arith.constant 32 : index
        %parallel_loop3A_1086 = tpu.vector_load %arg21[%parallel_loop3A_1084, %parallel_loop3A_1085] {strides = array<i32>} : memref<96x128xf32, #tpu.memory_space<vmem>>, vector<16xf32>,
        %parallel_loop3A_1087 = arith.mulf %parallel_loop3A_1086, %parallel_loop3A_1069 : vector<16xf32>
        %parallel_loop3A_1088 = arith.index_cast %parallel_loop3A_1067 : i32 to index
        %parallel_loop3A_1089 = arith.constant 32 : index
        %parallel_loop3A_1090 = tpu.vector_load %arg21[%parallel_loop3A_1088, %parallel_loop3A_1089] {strides = array<i32>} : memref<96x128xf32, #tpu.memory_space<vmem>>, vector<16xf32>,
        tpu.vector_store %arg21[%parallel_loop3A_1088, %parallel_loop3A_1089], %parallel_loop3A_1087 {strides = array<i32>} : memref<96x128xf32, #tpu.memory_space<vmem>>, vector<16xf32>,
        %parallel_loop3A_1091 = arith.index_cast %parallel_loop3A_1067 : i32 to index
        %parallel_loop3A_1092 = arith.constant 48 : index
        %parallel_loop3A_1093 = tpu.vector_load %arg21[%parallel_loop3A_1091, %parallel_loop3A_1092] {strides = array<i32>} : memref<96x128xf32, #tpu.memory_space<vmem>>, vector<16xf32>,
        %parallel_loop3A_1094 = arith.mulf %parallel_loop3A_1093, %parallel_loop3A_1069 : vector<16xf32>
        %parallel_loop3A_1095 = arith.index_cast %parallel_loop3A_1067 : i32 to index
        %parallel_loop3A_1096 = arith.constant 48 : index
        %parallel_loop3A_1097 = tpu.vector_load %arg21[%parallel_loop3A_1095, %parallel_loop3A_1096] {strides = array<i32>} : memref<96x128xf32, #tpu.memory_space<vmem>>, vector<16xf32>,
        tpu.vector_store %arg21[%parallel_loop3A_1095, %parallel_loop3A_1096], %parallel_loop3A_1094 {strides = array<i32>} : memref<96x128xf32, #tpu.memory_space<vmem>>, vector<16xf32>,
        %parallel_loop3A_1098 = arith.index_cast %parallel_loop3A_1067 : i32 to index
        %parallel_loop3A_1099 = arith.constant 64 : index
        %parallel_loop3A_1100 = tpu.vector_load %arg21[%parallel_loop3A_1098, %parallel_loop3A_1099] {strides = array<i32>} : memref<96x128xf32, #tpu.memory_space<vmem>>, vector<16xf32>,
        %parallel_loop3A_1101 = arith.mulf %parallel_loop3A_1100, %parallel_loop3A_1069 : vector<16xf32>
        %parallel_loop3A_1102 = arith.index_cast %parallel_loop3A_1067 : i32 to index
        %parallel_loop3A_1103 = arith.constant 64 : index
        %parallel_loop3A_1104 = tpu.vector_load %arg21[%parallel_loop3A_1102, %parallel_loop3A_1103] {strides = array<i32>} : memref<96x128xf32, #tpu.memory_space<vmem>>, vector<16xf32>,
        tpu.vector_store %arg21[%parallel_loop3A_1102, %parallel_loop3A_1103], %parallel_loop3A_1101 {strides = array<i32>} : memref<96x128xf32, #tpu.memory_space<vmem>>, vector<16xf32>,
        %parallel_loop3A_1105 = arith.index_cast %parallel_loop3A_1067 : i32 to index
        %parallel_loop3A_1106 = arith.constant 80 : index
        %parallel_loop3A_1107 = tpu.vector_load %arg21[%parallel_loop3A_1105, %parallel_loop3A_1106] {strides = array<i32>} : memref<96x128xf32, #tpu.memory_space<vmem>>, vector<16xf32>,
        %parallel_loop3A_1108 = arith.mulf %parallel_loop3A_1107, %parallel_loop3A_1069 : vector<16xf32>
        %parallel_loop3A_1109 = arith.index_cast %parallel_loop3A_1067 : i32 to index
        %parallel_loop3A_1110 = arith.constant 80 : index
        %parallel_loop3A_1111 = tpu.vector_load %arg21[%parallel_loop3A_1109, %parallel_loop3A_1110] {strides = array<i32>} : memref<96x128xf32, #tpu.memory_space<vmem>>, vector<16xf32>,
        tpu.vector_store %arg21[%parallel_loop3A_1109, %parallel_loop3A_1110], %parallel_loop3A_1108 {strides = array<i32>} : memref<96x128xf32, #tpu.memory_space<vmem>>, vector<16xf32>,
        %parallel_loop3A_1112 = arith.index_cast %parallel_loop3A_1067 : i32 to index
        %parallel_loop3A_1113 = arith.constant 96 : index
        %parallel_loop3A_1114 = tpu.vector_load %arg21[%parallel_loop3A_1112, %parallel_loop3A_1113] {strides = array<i32>} : memref<96x128xf32, #tpu.memory_space<vmem>>, vector<16xf32>,
        %parallel_loop3A_1115 = arith.mulf %parallel_loop3A_1114, %parallel_loop3A_1069 : vector<16xf32>
        %parallel_loop3A_1116 = arith.index_cast %parallel_loop3A_1067 : i32 to index
        %parallel_loop3A_1117 = arith.constant 96 : index
        %parallel_loop3A_1118 = tpu.vector_load %arg21[%parallel_loop3A_1116, %parallel_loop3A_1117] {strides = array<i32>} : memref<96x128xf32, #tpu.memory_space<vmem>>, vector<16xf32>,
        tpu.vector_store %arg21[%parallel_loop3A_1116, %parallel_loop3A_1117], %parallel_loop3A_1115 {strides = array<i32>} : memref<96x128xf32, #tpu.memory_space<vmem>>, vector<16xf32>,
        %parallel_loop3A_1119 = arith.index_cast %parallel_loop3A_1067 : i32 to index
        %parallel_loop3A_1120 = arith.constant 112 : index
        %parallel_loop3A_1121 = tpu.vector_load %arg21[%parallel_loop3A_1119, %parallel_loop3A_1120] {strides = array<i32>} : memref<96x128xf32, #tpu.memory_space<vmem>>, vector<16xf32>,
        %parallel_loop3A_1122 = arith.mulf %parallel_loop3A_1121, %parallel_loop3A_1069 : vector<16xf32>
        %parallel_loop3A_1123 = arith.index_cast %parallel_loop3A_1067 : i32 to index
        %parallel_loop3A_1124 = arith.constant 112 : index
        %parallel_loop3A_1125 = tpu.vector_load %arg21[%parallel_loop3A_1123, %parallel_loop3A_1124] {strides = array<i32>} : memref<96x128xf32, #tpu.memory_space<vmem>>, vector<16xf32>,
        tpu.vector_store %arg21[%parallel_loop3A_1123, %parallel_loop3A_1124], %parallel_loop3A_1122 {strides = array<i32>} : memref<96x128xf32, #tpu.memory_space<vmem>>, vector<16xf32>,
      } {sc.loop_unroll_factor = 8 : i64, sc.parallel_access}
      %dma_start3A_545 = arith.constant 0 : i32
      %dma_start3A_546 = arith.constant 0 : i32
      %dma_start3A_547 = tpu.memref_slice %arg26[%dma_start3A_545, %dma_start3A_546] : memref<10240x128xf32, #tpu.memory_space<vmem_shared>> -> memref<10240x128xf32, #tpu.memory_space<vmem_shared>>
      tpu.enqueue_indirect_dma source(%arg21 : memref<96x128xf32, #tpu.memory_space<vmem>>) target(%dma_start3A_547 : memref<10240x128xf32, #tpu.memory_space<vmem_shared>>) offsets(%arg15 : memref<96xi32, #tpu.memory_space<vmem>>) semaphore(%arg31 : memref<!tpu.dma_semaphore, #tpu.memory_space<semaphore_mem>>) {add = true}
      %dma_start3A_548 = arith.constant 0 : i32
      %dma_start3A_549 = tpu.memref_slice %arg27[%dma_start3A_548] : memref<10240xf32, #tpu.memory_space<vmem_shared>> -> memref<10240xf32, #tpu.memory_space<vmem_shared>>
      tpu.enqueue_indirect_dma source(%arg23 : memref<96xf32, #tpu.memory_space<vmem>>) target(%dma_start3A_549 : memref<10240xf32, #tpu.memory_space<vmem_shared>>) offsets(%arg15 : memref<96xi32, #tpu.memory_space<vmem>>) semaphore(%arg31 : memref<!tpu.dma_semaphore, #tpu.memory_space<semaphore_mem>>) {add = true}
      %dma_wait3A_550 = arith.constant 0 : i32
      %dma_wait3A_551 = arith.constant 0 : i32
      %dma_wait3A_552 = tpu.memref_slice %arg26[%dma_wait3A_550, %dma_wait3A_551] : memref<10240x128xf32, #tpu.memory_space<vmem_shared>> -> memref<10240x128xf32, #tpu.memory_space<vmem_shared>>
      tpu.wait_indirect_dma semaphore(%arg31 : memref<!tpu.dma_semaphore, #tpu.memory_space<semaphore_mem>>) src(%arg20 : memref<96x128xf32, #tpu.memory_space<vmem>>) dst(%dma_wait3A_552 : memref<10240x128xf32, #tpu.memory_space<vmem_shared>>)
      %dma_wait3A_553 = arith.constant 0 : i32
      %dma_wait3A_554 = tpu.memref_slice %arg27[%dma_wait3A_553] : memref<10240xf32, #tpu.memory_space<vmem_shared>> -> memref<10240xf32, #tpu.memory_space<vmem_shared>>
      tpu.wait_indirect_dma semaphore(%arg31 : memref<!tpu.dma_semaphore, #tpu.memory_space<semaphore_mem>>) src(%arg22 : memref<96xf32, #tpu.memory_space<vmem>>) dst(%dma_wait3A_554 : memref<10240xf32, #tpu.memory_space<vmem_shared>>)
      %dma_wait3A_555 = arith.constant 0 : i32
      %dma_wait3A_556 = arith.constant 0 : i32
      %dma_wait3A_557 = tpu.memref_slice %arg26[%dma_wait3A_555, %dma_wait3A_556] : memref<10240x128xf32, #tpu.memory_space<vmem_shared>> -> memref<10240x128xf32, #tpu.memory_space<vmem_shared>>
      tpu.wait_indirect_dma semaphore(%arg31 : memref<!tpu.dma_semaphore, #tpu.memory_space<semaphore_mem>>) src(%arg21 : memref<96x128xf32, #tpu.memory_space<vmem>>) dst(%dma_wait3A_557 : memref<10240x128xf32, #tpu.memory_space<vmem_shared>>)
      %dma_wait3A_558 = arith.constant 0 : i32
      %dma_wait3A_559 = tpu.memref_slice %arg27[%dma_wait3A_558] : memref<10240xf32, #tpu.memory_space<vmem_shared>> -> memref<10240xf32, #tpu.memory_space<vmem_shared>>
      tpu.wait_indirect_dma semaphore(%arg31 : memref<!tpu.dma_semaphore, #tpu.memory_space<semaphore_mem>>) src(%arg23 : memref<96xf32, #tpu.memory_space<vmem>>) dst(%dma_wait3A_559 : memref<10240xf32, #tpu.memory_space<vmem_shared>>)
      %mul3A_560 = arith.constant 2 : i32
      %mul3A_561 = arith.muli %mul3A_560, %scan3A_63 : i32
      %add3A_562 = arith.constant 1 : i32
      %add3A_563 = arith.addi %mul3A_561, %add3A_562 : i32
      %dma_wait3A_564 = tpu.memref_slice %arg3[%mul3A_2] : memref<331968xi32, #tpu.memory_space<hbm>> -> memref<96xi32, #tpu.memory_space<hbm>>
      %dma_wait3A_565 = tpu.memref_slice %arg3[%mul3A_2] : memref<331968xi32, #tpu.memory_space<hbm>> -> memref<96xi32, #tpu.memory_space<hbm>>
      tpu.wait_dma2 semaphore(%arg28 : memref<!tpu.dma_semaphore, #tpu.memory_space<semaphore_mem>>) src(%dma_wait3A_565 : memref<96xi32, #tpu.memory_space<hbm>>) dst(%arg16 : memref<96xi32, #tpu.memory_space<vmem>>)
      %dma_wait3A_566 = tpu.memref_slice %arg3[%mul3A_2] : memref<331968xi32, #tpu.memory_space<hbm>> -> memref<96xi32, #tpu.memory_space<hbm>>
      %dma_wait3A_567 = tpu.memref_slice %arg3[%mul3A_2] : memref<331968xi32, #tpu.memory_space<hbm>> -> memref<96xi32, #tpu.memory_space<hbm>>
      tpu.wait_dma2 semaphore(%arg28 : memref<!tpu.dma_semaphore, #tpu.memory_space<semaphore_mem>>) src(%dma_wait3A_567 : memref<96xi32, #tpu.memory_space<hbm>>) dst(%arg17 : memref<96xi32, #tpu.memory_space<vmem>>)
      %dma_wait3A_568 = tpu.memref_slice %arg3[%mul3A_2] : memref<331968xi32, #tpu.memory_space<hbm>> -> memref<96xi32, #tpu.memory_space<hbm>>
      %dma_wait3A_569 = tpu.memref_slice %arg3[%mul3A_2] : memref<331968xi32, #tpu.memory_space<hbm>> -> memref<96xi32, #tpu.memory_space<hbm>>
      tpu.wait_dma2 semaphore(%arg28 : memref<!tpu.dma_semaphore, #tpu.memory_space<semaphore_mem>>) src(%dma_wait3A_569 : memref<96xi32, #tpu.memory_space<hbm>>) dst(%arg18 : memref<96xi32, #tpu.memory_space<vmem>>)
      %dma_wait3A_570 = tpu.memref_slice %arg3[%mul3A_2] : memref<331968xi32, #tpu.memory_space<hbm>> -> memref<96xi32, #tpu.memory_space<hbm>>
      %dma_wait3A_571 = tpu.memref_slice %arg3[%mul3A_2] : memref<331968xi32, #tpu.memory_space<hbm>> -> memref<96xi32, #tpu.memory_space<hbm>>
      tpu.wait_dma2 semaphore(%arg28 : memref<!tpu.dma_semaphore, #tpu.memory_space<semaphore_mem>>) src(%dma_wait3A_571 : memref<96xi32, #tpu.memory_space<hbm>>) dst(%arg19 : memref<96xi32, #tpu.memory_space<vmem>>)
      %add3A_572 = arith.constant 1 : i32
      %add3A_573 = arith.addi %add3A_563, %add3A_572 : i32
      %mul3A_574 = arith.constant 2 : i32
      %mul3A_575 = arith.muli %mul3A_574, %add3A_573 : i32
      %mul3A_576 = arith.constant 96 : i32
      %mul3A_577 = arith.muli %mul3A_575, %mul3A_576 : i32
      %add3A_578 = arith.addi %mul3A_2, %mul3A_577 : i32
      %add3A_579 = arith.constant 96 : i32
      %add3A_580 = arith.addi %add3A_578, %add3A_579 : i32
      %dma_start3A_581 = tpu.memref_slice %arg3[%add3A_578] : memref<331968xi32, #tpu.memory_space<hbm>> -> memref<96xi32, #tpu.memory_space<hbm>>
      %dma_start3A_582 = tpu.memref_slice %arg3[%add3A_578] : memref<331968xi32, #tpu.memory_space<hbm>> -> memref<96xi32, #tpu.memory_space<hbm>>
      tpu.enqueue_dma source(%dma_start3A_582 : memref<96xi32, #tpu.memory_space<hbm>>) target(%arg12 : memref<96xi32, #tpu.memory_space<vmem>>) target_semaphore(%arg28 : memref<!tpu.dma_semaphore, #tpu.memory_space<semaphore_mem>>)
      %dma_start3A_583 = tpu.memref_slice %arg4[%add3A_578] : memref<331968xi32, #tpu.memory_space<hbm>> -> memref<96xi32, #tpu.memory_space<hbm>>
      %dma_start3A_584 = tpu.memref_slice %arg4[%add3A_578] : memref<331968xi32, #tpu.memory_space<hbm>> -> memref<96xi32, #tpu.memory_space<hbm>>
      tpu.enqueue_dma source(%dma_start3A_584 : memref<96xi32, #tpu.memory_space<hbm>>) target(%arg13 : memref<96xi32, #tpu.memory_space<vmem>>) target_semaphore(%arg28 : memref<!tpu.dma_semaphore, #tpu.memory_space<semaphore_mem>>)
      %dma_start3A_585 = tpu.memref_slice %arg3[%add3A_580] : memref<331968xi32, #tpu.memory_space<hbm>> -> memref<96xi32, #tpu.memory_space<hbm>>
      %dma_start3A_586 = tpu.memref_slice %arg3[%add3A_580] : memref<331968xi32, #tpu.memory_space<hbm>> -> memref<96xi32, #tpu.memory_space<hbm>>
      tpu.enqueue_dma source(%dma_start3A_586 : memref<96xi32, #tpu.memory_space<hbm>>) target(%arg14 : memref<96xi32, #tpu.memory_space<vmem>>) target_semaphore(%arg28 : memref<!tpu.dma_semaphore, #tpu.memory_space<semaphore_mem>>)
      %dma_start3A_587 = tpu.memref_slice %arg4[%add3A_580] : memref<331968xi32, #tpu.memory_space<hbm>> -> memref<96xi32, #tpu.memory_space<hbm>>
      %dma_start3A_588 = tpu.memref_slice %arg4[%add3A_580] : memref<331968xi32, #tpu.memory_space<hbm>> -> memref<96xi32, #tpu.memory_space<hbm>>
      tpu.enqueue_dma source(%dma_start3A_588 : memref<96xi32, #tpu.memory_space<hbm>>) target(%arg15 : memref<96xi32, #tpu.memory_space<vmem>>) target_semaphore(%arg28 : memref<!tpu.dma_semaphore, #tpu.memory_space<semaphore_mem>>)
      %mul3A_589 = arith.constant 2 : i32
      %mul3A_590 = arith.muli %mul3A_589, %add3A_563 : i32
      %mul3A_591 = arith.constant 96 : i32
      %mul3A_592 = arith.muli %mul3A_590, %mul3A_591 : i32
      %add3A_593 = arith.addi %mul3A_2, %mul3A_592 : i32
      %add3A_594 = arith.constant 96 : i32
      %add3A_595 = arith.addi %add3A_593, %add3A_594 : i32
      %dma_start3A_596 = arith.constant 0 : i32
      %dma_start3A_597 = arith.constant 0 : i32
      %dma_start3A_598 = tpu.memref_slice %arg2[%dma_start3A_596, %dma_start3A_597] : memref<10000x128xf32, #tpu.memory_space<hbm>> -> memref<10000x128xf32, #tpu.memory_space<hbm>>
      tpu.enqueue_indirect_dma source(%dma_start3A_598 : memref<10000x128xf32, #tpu.memory_space<hbm>>) target(%arg20 : memref<96x128xf32, #tpu.memory_space<vmem>>) offsets(%arg16 : memref<96xi32, #tpu.memory_space<vmem>>) semaphore(%arg29 : memref<!tpu.dma_semaphore, #tpu.memory_space<semaphore_mem>>)
      %dma_start3A_599 = arith.constant 0 : i32
      %dma_start3A_600 = arith.constant 0 : i32
      %dma_start3A_601 = tpu.memref_slice %arg2[%dma_start3A_599, %dma_start3A_600] : memref<10000x128xf32, #tpu.memory_space<hbm>> -> memref<10000x128xf32, #tpu.memory_space<hbm>>
      tpu.enqueue_indirect_dma source(%dma_start3A_601 : memref<10000x128xf32, #tpu.memory_space<hbm>>) target(%arg21 : memref<96x128xf32, #tpu.memory_space<vmem>>) offsets(%arg18 : memref<96xi32, #tpu.memory_space<vmem>>) semaphore(%arg30 : memref<!tpu.dma_semaphore, #tpu.memory_space<semaphore_mem>>)
      %get3A_602 = arith.constant 0 : index
      %get3A_603 = tpu.vector_load %arg16[%get3A_602] {strides = array<i32>} : memref<96xi32, #tpu.memory_space<vmem>>, vector<16xi32>,
      %get3A_604 = arith.constant 0 : index
      %get3A_605 = tpu.vector_load %arg17[%get3A_604] {strides = array<i32>} : memref<96xi32, #tpu.memory_space<vmem>>, vector<16xi32>,
      %gather3A_606 = tpu.vector_load_idx %arg10[%get3A_603] : memref<10000xf32, #tpu.memory_space<vmem>>[vector<16xi32>], vector<16xf32>,
      %gather3A_607 = tpu.vector_load_idx %arg11[%get3A_605] : memref<10000xf32, #tpu.memory_space<vmem>>[vector<16xi32>], vector<16xf32>,
      %add3A_608 = arith.addf %gather3A_606, %gather3A_607 : vector<16xf32>
      %gt3A_609 = arith.constant 0.000000e+00 : f32
      %gt3A_610 = vector.broadcast %gt3A_609 : f32 to vector<16xf32>
      %gt3A_611 = arith.cmpf ogt, %add3A_608, %gt3A_610 : vector<16xf32>
      %mul3A_612 = arith.constant 2.000000e-01 : f32
      %mul3A_613 = vector.broadcast %mul3A_612 : f32 to vector<16xf32>
      %mul3A_614 = arith.mulf %mul3A_613, %add3A_608 : vector<16xf32>
      %select_n3A_615 = arith.select %gt3A_611, %add3A_608, %mul3A_614 : vector<16xi1>, vector<16xf32>
      %add3A_616 = arith.addf %get3A_33, %gather3A_607 : vector<16xf32>
      %gt3A_617 = arith.constant 0.000000e+00 : f32
      %gt3A_618 = vector.broadcast %gt3A_617 : f32 to vector<16xf32>
      %gt3A_619 = arith.cmpf ogt, %add3A_616, %gt3A_618 : vector<16xf32>
      %mul3A_620 = arith.constant 2.000000e-01 : f32
      %mul3A_621 = vector.broadcast %mul3A_620 : f32 to vector<16xf32>
      %mul3A_622 = arith.mulf %mul3A_621, %add3A_616 : vector<16xf32>
      %select_n3A_623 = arith.select %gt3A_619, %add3A_616, %mul3A_622 : vector<16xi1>, vector<16xf32>
      %sub3A_624 = arith.subf %select_n3A_615, %select_n3A_623 : vector<16xf32>
      %exp3A_625 = math.exp %sub3A_624 : vector<16xf32>
      %add3A_626 = arith.constant 0 : i32
      %add3A_627 = arith.addi %add3A_593, %add3A_626 : i32
      %add3A_628 = vector.broadcast %add3A_627 : i32 to vector<16xi32>
      %add3A_629 = arith.addi %add3A_628, %iota3A : vector<16xi32>
      %lt3A_630 = arith.constant 330000 : i32
      %lt3A_631 = vector.broadcast %lt3A_630 : i32 to vector<16xi32>
      %lt3A_632 = arith.cmpi slt, %add3A_629, %lt3A_631 : vector<16xi32>
      %jit3A_633 = arith.constant 0.000000e+00 : f32
      %broadcast_in_dim3A_634 = vector.broadcast %jit3A_633 : f32 to vector<16xf32>
      %select_n3A_635 = arith.select %lt3A_632, %exp3A_625, %broadcast_in_dim3A_634 : vector<16xi1>, vector<16xf32>
      %swap3A_636 = arith.constant 0 : index
      %swap3A_637 = tpu.vector_load %arg22[%swap3A_636] {strides = array<i32>} : memref<96xf32, #tpu.memory_space<vmem>>, vector<16xf32>,
      tpu.vector_store %arg22[%swap3A_636], %select_n3A_635 {strides = array<i32>} : memref<96xf32, #tpu.memory_space<vmem>>, vector<16xf32>,
      %get3A_638 = arith.constant 16 : index
      %get3A_639 = tpu.vector_load %arg16[%get3A_638] {strides = array<i32>} : memref<96xi32, #tpu.memory_space<vmem>>, vector<16xi32>,
      %get3A_640 = arith.constant 16 : index
      %get3A_641 = tpu.vector_load %arg17[%get3A_640] {strides = array<i32>} : memref<96xi32, #tpu.memory_space<vmem>>, vector<16xi32>,
      %gather3A_642 = tpu.vector_load_idx %arg10[%get3A_639] : memref<10000xf32, #tpu.memory_space<vmem>>[vector<16xi32>], vector<16xf32>,
      %gather3A_643 = tpu.vector_load_idx %arg11[%get3A_641] : memref<10000xf32, #tpu.memory_space<vmem>>[vector<16xi32>], vector<16xf32>,
      %add3A_644 = arith.addf %gather3A_642, %gather3A_643 : vector<16xf32>
      %gt3A_645 = arith.constant 0.000000e+00 : f32
      %gt3A_646 = vector.broadcast %gt3A_645 : f32 to vector<16xf32>
      %gt3A_647 = arith.cmpf ogt, %add3A_644, %gt3A_646 : vector<16xf32>
      %mul3A_648 = arith.constant 2.000000e-01 : f32
      %mul3A_649 = vector.broadcast %mul3A_648 : f32 to vector<16xf32>
      %mul3A_650 = arith.mulf %mul3A_649, %add3A_644 : vector<16xf32>
      %select_n3A_651 = arith.select %gt3A_647, %add3A_644, %mul3A_650 : vector<16xi1>, vector<16xf32>
      %add3A_652 = arith.addf %get3A_33, %gather3A_643 : vector<16xf32>
      %gt3A_653 = arith.constant 0.000000e+00 : f32
      %gt3A_654 = vector.broadcast %gt3A_653 : f32 to vector<16xf32>
      %gt3A_655 = arith.cmpf ogt, %add3A_652, %gt3A_654 : vector<16xf32>
      %mul3A_656 = arith.constant 2.000000e-01 : f32
      %mul3A_657 = vector.broadcast %mul3A_656 : f32 to vector<16xf32>
      %mul3A_658 = arith.mulf %mul3A_657, %add3A_652 : vector<16xf32>
      %select_n3A_659 = arith.select %gt3A_655, %add3A_652, %mul3A_658 : vector<16xi1>, vector<16xf32>
      %sub3A_660 = arith.subf %select_n3A_651, %select_n3A_659 : vector<16xf32>
      %exp3A_661 = math.exp %sub3A_660 : vector<16xf32>
      %add3A_662 = arith.constant 16 : i32
      %add3A_663 = arith.addi %add3A_593, %add3A_662 : i32
      %add3A_664 = vector.broadcast %add3A_663 : i32 to vector<16xi32>
      %add3A_665 = arith.addi %add3A_664, %iota3A : vector<16xi32>
      %lt3A_666 = arith.constant 330000 : i32
      %lt3A_667 = vector.broadcast %lt3A_666 : i32 to vector<16xi32>
      %lt3A_668 = arith.cmpi slt, %add3A_665, %lt3A_667 : vector<16xi32>
      %jit3A_669 = arith.constant 0.000000e+00 : f32
      %broadcast_in_dim3A_670 = vector.broadcast %jit3A_669 : f32 to vector<16xf32>
      %select_n3A_671 = arith.select %lt3A_668, %exp3A_661, %broadcast_in_dim3A_670 : vector<16xi1>, vector<16xf32>
      %swap3A_672 = arith.constant 16 : index
      %swap3A_673 = tpu.vector_load %arg22[%swap3A_672] {strides = array<i32>} : memref<96xf32, #tpu.memory_space<vmem>>, vector<16xf32>,
      tpu.vector_store %arg22[%swap3A_672], %select_n3A_671 {strides = array<i32>} : memref<96xf32, #tpu.memory_space<vmem>>, vector<16xf32>,
      %get3A_674 = arith.constant 32 : index
      %get3A_675 = tpu.vector_load %arg16[%get3A_674] {strides = array<i32>} : memref<96xi32, #tpu.memory_space<vmem>>, vector<16xi32>,
      %get3A_676 = arith.constant 32 : index
      %get3A_677 = tpu.vector_load %arg17[%get3A_676] {strides = array<i32>} : memref<96xi32, #tpu.memory_space<vmem>>, vector<16xi32>,
      %gather3A_678 = tpu.vector_load_idx %arg10[%get3A_675] : memref<10000xf32, #tpu.memory_space<vmem>>[vector<16xi32>], vector<16xf32>,
      %gather3A_679 = tpu.vector_load_idx %arg11[%get3A_677] : memref<10000xf32, #tpu.memory_space<vmem>>[vector<16xi32>], vector<16xf32>,
      %add3A_680 = arith.addf %gather3A_678, %gather3A_679 : vector<16xf32>
      %gt3A_681 = arith.constant 0.000000e+00 : f32
      %gt3A_682 = vector.broadcast %gt3A_681 : f32 to vector<16xf32>
      %gt3A_683 = arith.cmpf ogt, %add3A_680, %gt3A_682 : vector<16xf32>
      %mul3A_684 = arith.constant 2.000000e-01 : f32
      %mul3A_685 = vector.broadcast %mul3A_684 : f32 to vector<16xf32>
      %mul3A_686 = arith.mulf %mul3A_685, %add3A_680 : vector<16xf32>
      %select_n3A_687 = arith.select %gt3A_683, %add3A_680, %mul3A_686 : vector<16xi1>, vector<16xf32>
      %add3A_688 = arith.addf %get3A_33, %gather3A_679 : vector<16xf32>
      %gt3A_689 = arith.constant 0.000000e+00 : f32
      %gt3A_690 = vector.broadcast %gt3A_689 : f32 to vector<16xf32>
      %gt3A_691 = arith.cmpf ogt, %add3A_688, %gt3A_690 : vector<16xf32>
      %mul3A_692 = arith.constant 2.000000e-01 : f32
      %mul3A_693 = vector.broadcast %mul3A_692 : f32 to vector<16xf32>
      %mul3A_694 = arith.mulf %mul3A_693, %add3A_688 : vector<16xf32>
      %select_n3A_695 = arith.select %gt3A_691, %add3A_688, %mul3A_694 : vector<16xi1>, vector<16xf32>
      %sub3A_696 = arith.subf %select_n3A_687, %select_n3A_695 : vector<16xf32>
      %exp3A_697 = math.exp %sub3A_696 : vector<16xf32>
      %add3A_698 = arith.constant 32 : i32
      %add3A_699 = arith.addi %add3A_593, %add3A_698 : i32
      %add3A_700 = vector.broadcast %add3A_699 : i32 to vector<16xi32>
      %add3A_701 = arith.addi %add3A_700, %iota3A : vector<16xi32>
      %lt3A_702 = arith.constant 330000 : i32
      %lt3A_703 = vector.broadcast %lt3A_702 : i32 to vector<16xi32>
      %lt3A_704 = arith.cmpi slt, %add3A_701, %lt3A_703 : vector<16xi32>
      %jit3A_705 = arith.constant 0.000000e+00 : f32
      %broadcast_in_dim3A_706 = vector.broadcast %jit3A_705 : f32 to vector<16xf32>
      %select_n3A_707 = arith.select %lt3A_704, %exp3A_697, %broadcast_in_dim3A_706 : vector<16xi1>, vector<16xf32>
      %swap3A_708 = arith.constant 32 : index
      %swap3A_709 = tpu.vector_load %arg22[%swap3A_708] {strides = array<i32>} : memref<96xf32, #tpu.memory_space<vmem>>, vector<16xf32>,
      tpu.vector_store %arg22[%swap3A_708], %select_n3A_707 {strides = array<i32>} : memref<96xf32, #tpu.memory_space<vmem>>, vector<16xf32>,
      %get3A_710 = arith.constant 48 : index
      %get3A_711 = tpu.vector_load %arg16[%get3A_710] {strides = array<i32>} : memref<96xi32, #tpu.memory_space<vmem>>, vector<16xi32>,
      %get3A_712 = arith.constant 48 : index
      %get3A_713 = tpu.vector_load %arg17[%get3A_712] {strides = array<i32>} : memref<96xi32, #tpu.memory_space<vmem>>, vector<16xi32>,
      %gather3A_714 = tpu.vector_load_idx %arg10[%get3A_711] : memref<10000xf32, #tpu.memory_space<vmem>>[vector<16xi32>], vector<16xf32>,
      %gather3A_715 = tpu.vector_load_idx %arg11[%get3A_713] : memref<10000xf32, #tpu.memory_space<vmem>>[vector<16xi32>], vector<16xf32>,
      %add3A_716 = arith.addf %gather3A_714, %gather3A_715 : vector<16xf32>
      %gt3A_717 = arith.constant 0.000000e+00 : f32
      %gt3A_718 = vector.broadcast %gt3A_717 : f32 to vector<16xf32>
      %gt3A_719 = arith.cmpf ogt, %add3A_716, %gt3A_718 : vector<16xf32>
      %mul3A_720 = arith.constant 2.000000e-01 : f32
      %mul3A_721 = vector.broadcast %mul3A_720 : f32 to vector<16xf32>
      %mul3A_722 = arith.mulf %mul3A_721, %add3A_716 : vector<16xf32>
      %select_n3A_723 = arith.select %gt3A_719, %add3A_716, %mul3A_722 : vector<16xi1>, vector<16xf32>
      %add3A_724 = arith.addf %get3A_33, %gather3A_715 : vector<16xf32>
      %gt3A_725 = arith.constant 0.000000e+00 : f32
      %gt3A_726 = vector.broadcast %gt3A_725 : f32 to vector<16xf32>
      %gt3A_727 = arith.cmpf ogt, %add3A_724, %gt3A_726 : vector<16xf32>
      %mul3A_728 = arith.constant 2.000000e-01 : f32
      %mul3A_729 = vector.broadcast %mul3A_728 : f32 to vector<16xf32>
      %mul3A_730 = arith.mulf %mul3A_729, %add3A_724 : vector<16xf32>
      %select_n3A_731 = arith.select %gt3A_727, %add3A_724, %mul3A_730 : vector<16xi1>, vector<16xf32>
      %sub3A_732 = arith.subf %select_n3A_723, %select_n3A_731 : vector<16xf32>
      %exp3A_733 = math.exp %sub3A_732 : vector<16xf32>
      %add3A_734 = arith.constant 48 : i32
      %add3A_735 = arith.addi %add3A_593, %add3A_734 : i32
      %add3A_736 = vector.broadcast %add3A_735 : i32 to vector<16xi32>
      %add3A_737 = arith.addi %add3A_736, %iota3A : vector<16xi32>
      %lt3A_738 = arith.constant 330000 : i32
      %lt3A_739 = vector.broadcast %lt3A_738 : i32 to vector<16xi32>
      %lt3A_740 = arith.cmpi slt, %add3A_737, %lt3A_739 : vector<16xi32>
      %jit3A_741 = arith.constant 0.000000e+00 : f32
      %broadcast_in_dim3A_742 = vector.broadcast %jit3A_741 : f32 to vector<16xf32>
      %select_n3A_743 = arith.select %lt3A_740, %exp3A_733, %broadcast_in_dim3A_742 : vector<16xi1>, vector<16xf32>
      %swap3A_744 = arith.constant 48 : index
      %swap3A_745 = tpu.vector_load %arg22[%swap3A_744] {strides = array<i32>} : memref<96xf32, #tpu.memory_space<vmem>>, vector<16xf32>,
      tpu.vector_store %arg22[%swap3A_744], %select_n3A_743 {strides = array<i32>} : memref<96xf32, #tpu.memory_space<vmem>>, vector<16xf32>,
      %get3A_746 = arith.constant 64 : index
      %get3A_747 = tpu.vector_load %arg16[%get3A_746] {strides = array<i32>} : memref<96xi32, #tpu.memory_space<vmem>>, vector<16xi32>,
      %get3A_748 = arith.constant 64 : index
      %get3A_749 = tpu.vector_load %arg17[%get3A_748] {strides = array<i32>} : memref<96xi32, #tpu.memory_space<vmem>>, vector<16xi32>,
      %gather3A_750 = tpu.vector_load_idx %arg10[%get3A_747] : memref<10000xf32, #tpu.memory_space<vmem>>[vector<16xi32>], vector<16xf32>,
      %gather3A_751 = tpu.vector_load_idx %arg11[%get3A_749] : memref<10000xf32, #tpu.memory_space<vmem>>[vector<16xi32>], vector<16xf32>,
      %add3A_752 = arith.addf %gather3A_750, %gather3A_751 : vector<16xf32>
      %gt3A_753 = arith.constant 0.000000e+00 : f32
      %gt3A_754 = vector.broadcast %gt3A_753 : f32 to vector<16xf32>
      %gt3A_755 = arith.cmpf ogt, %add3A_752, %gt3A_754 : vector<16xf32>
      %mul3A_756 = arith.constant 2.000000e-01 : f32
      %mul3A_757 = vector.broadcast %mul3A_756 : f32 to vector<16xf32>
      %mul3A_758 = arith.mulf %mul3A_757, %add3A_752 : vector<16xf32>
      %select_n3A_759 = arith.select %gt3A_755, %add3A_752, %mul3A_758 : vector<16xi1>, vector<16xf32>
      %add3A_760 = arith.addf %get3A_33, %gather3A_751 : vector<16xf32>
      %gt3A_761 = arith.constant 0.000000e+00 : f32
      %gt3A_762 = vector.broadcast %gt3A_761 : f32 to vector<16xf32>
      %gt3A_763 = arith.cmpf ogt, %add3A_760, %gt3A_762 : vector<16xf32>
      %mul3A_764 = arith.constant 2.000000e-01 : f32
      %mul3A_765 = vector.broadcast %mul3A_764 : f32 to vector<16xf32>
      %mul3A_766 = arith.mulf %mul3A_765, %add3A_760 : vector<16xf32>
      %select_n3A_767 = arith.select %gt3A_763, %add3A_760, %mul3A_766 : vector<16xi1>, vector<16xf32>
      %sub3A_768 = arith.subf %select_n3A_759, %select_n3A_767 : vector<16xf32>
      %exp3A_769 = math.exp %sub3A_768 : vector<16xf32>
      %add3A_770 = arith.constant 64 : i32
      %add3A_771 = arith.addi %add3A_593, %add3A_770 : i32
      %add3A_772 = vector.broadcast %add3A_771 : i32 to vector<16xi32>
      %add3A_773 = arith.addi %add3A_772, %iota3A : vector<16xi32>
      %lt3A_774 = arith.constant 330000 : i32
      %lt3A_775 = vector.broadcast %lt3A_774 : i32 to vector<16xi32>
      %lt3A_776 = arith.cmpi slt, %add3A_773, %lt3A_775 : vector<16xi32>
      %jit3A_777 = arith.constant 0.000000e+00 : f32
      %broadcast_in_dim3A_778 = vector.broadcast %jit3A_777 : f32 to vector<16xf32>
      %select_n3A_779 = arith.select %lt3A_776, %exp3A_769, %broadcast_in_dim3A_778 : vector<16xi1>, vector<16xf32>
      %swap3A_780 = arith.constant 64 : index
      %swap3A_781 = tpu.vector_load %arg22[%swap3A_780] {strides = array<i32>} : memref<96xf32, #tpu.memory_space<vmem>>, vector<16xf32>,
      tpu.vector_store %arg22[%swap3A_780], %select_n3A_779 {strides = array<i32>} : memref<96xf32, #tpu.memory_space<vmem>>, vector<16xf32>,
      %get3A_782 = arith.constant 80 : index
      %get3A_783 = tpu.vector_load %arg16[%get3A_782] {strides = array<i32>} : memref<96xi32, #tpu.memory_space<vmem>>, vector<16xi32>,
      %get3A_784 = arith.constant 80 : index
      %get3A_785 = tpu.vector_load %arg17[%get3A_784] {strides = array<i32>} : memref<96xi32, #tpu.memory_space<vmem>>, vector<16xi32>,
      %gather3A_786 = tpu.vector_load_idx %arg10[%get3A_783] : memref<10000xf32, #tpu.memory_space<vmem>>[vector<16xi32>], vector<16xf32>,
      %gather3A_787 = tpu.vector_load_idx %arg11[%get3A_785] : memref<10000xf32, #tpu.memory_space<vmem>>[vector<16xi32>], vector<16xf32>,
      %add3A_788 = arith.addf %gather3A_786, %gather3A_787 : vector<16xf32>
      %gt3A_789 = arith.constant 0.000000e+00 : f32
      %gt3A_790 = vector.broadcast %gt3A_789 : f32 to vector<16xf32>
      %gt3A_791 = arith.cmpf ogt, %add3A_788, %gt3A_790 : vector<16xf32>
      %mul3A_792 = arith.constant 2.000000e-01 : f32
      %mul3A_793 = vector.broadcast %mul3A_792 : f32 to vector<16xf32>
      %mul3A_794 = arith.mulf %mul3A_793, %add3A_788 : vector<16xf32>
      %select_n3A_795 = arith.select %gt3A_791, %add3A_788, %mul3A_794 : vector<16xi1>, vector<16xf32>
      %add3A_796 = arith.addf %get3A_33, %gather3A_787 : vector<16xf32>
      %gt3A_797 = arith.constant 0.000000e+00 : f32
      %gt3A_798 = vector.broadcast %gt3A_797 : f32 to vector<16xf32>
      %gt3A_799 = arith.cmpf ogt, %add3A_796, %gt3A_798 : vector<16xf32>
      %mul3A_800 = arith.constant 2.000000e-01 : f32
      %mul3A_801 = vector.broadcast %mul3A_800 : f32 to vector<16xf32>
      %mul3A_802 = arith.mulf %mul3A_801, %add3A_796 : vector<16xf32>
      %select_n3A_803 = arith.select %gt3A_799, %add3A_796, %mul3A_802 : vector<16xi1>, vector<16xf32>
      %sub3A_804 = arith.subf %select_n3A_795, %select_n3A_803 : vector<16xf32>
      %exp3A_805 = math.exp %sub3A_804 : vector<16xf32>
      %add3A_806 = arith.constant 80 : i32
      %add3A_807 = arith.addi %add3A_593, %add3A_806 : i32
      %add3A_808 = vector.broadcast %add3A_807 : i32 to vector<16xi32>
      %add3A_809 = arith.addi %add3A_808, %iota3A : vector<16xi32>
      %lt3A_810 = arith.constant 330000 : i32
      %lt3A_811 = vector.broadcast %lt3A_810 : i32 to vector<16xi32>
      %lt3A_812 = arith.cmpi slt, %add3A_809, %lt3A_811 : vector<16xi32>
      %jit3A_813 = arith.constant 0.000000e+00 : f32
      %broadcast_in_dim3A_814 = vector.broadcast %jit3A_813 : f32 to vector<16xf32>
      %select_n3A_815 = arith.select %lt3A_812, %exp3A_805, %broadcast_in_dim3A_814 : vector<16xi1>, vector<16xf32>
      %swap3A_816 = arith.constant 80 : index
      %swap3A_817 = tpu.vector_load %arg22[%swap3A_816] {strides = array<i32>} : memref<96xf32, #tpu.memory_space<vmem>>, vector<16xf32>,
      tpu.vector_store %arg22[%swap3A_816], %select_n3A_815 {strides = array<i32>} : memref<96xf32, #tpu.memory_space<vmem>>, vector<16xf32>,
      %get3A_818 = arith.constant 0 : index
      %get3A_819 = tpu.vector_load %arg18[%get3A_818] {strides = array<i32>} : memref<96xi32, #tpu.memory_space<vmem>>, vector<16xi32>,
      %get3A_820 = arith.constant 0 : index
      %get3A_821 = tpu.vector_load %arg19[%get3A_820] {strides = array<i32>} : memref<96xi32, #tpu.memory_space<vmem>>, vector<16xi32>,
      %gather3A_822 = tpu.vector_load_idx %arg10[%get3A_819] : memref<10000xf32, #tpu.memory_space<vmem>>[vector<16xi32>], vector<16xf32>,
      %gather3A_823 = tpu.vector_load_idx %arg11[%get3A_821] : memref<10000xf32, #tpu.memory_space<vmem>>[vector<16xi32>], vector<16xf32>,
      %add3A_824 = arith.addf %gather3A_822, %gather3A_823 : vector<16xf32>
      %gt3A_825 = arith.constant 0.000000e+00 : f32
      %gt3A_826 = vector.broadcast %gt3A_825 : f32 to vector<16xf32>
      %gt3A_827 = arith.cmpf ogt, %add3A_824, %gt3A_826 : vector<16xf32>
      %mul3A_828 = arith.constant 2.000000e-01 : f32
      %mul3A_829 = vector.broadcast %mul3A_828 : f32 to vector<16xf32>
      %mul3A_830 = arith.mulf %mul3A_829, %add3A_824 : vector<16xf32>
      %select_n3A_831 = arith.select %gt3A_827, %add3A_824, %mul3A_830 : vector<16xi1>, vector<16xf32>
      %add3A_832 = arith.addf %get3A_33, %gather3A_823 : vector<16xf32>
      %gt3A_833 = arith.constant 0.000000e+00 : f32
      %gt3A_834 = vector.broadcast %gt3A_833 : f32 to vector<16xf32>
      %gt3A_835 = arith.cmpf ogt, %add3A_832, %gt3A_834 : vector<16xf32>
      %mul3A_836 = arith.constant 2.000000e-01 : f32
      %mul3A_837 = vector.broadcast %mul3A_836 : f32 to vector<16xf32>
      %mul3A_838 = arith.mulf %mul3A_837, %add3A_832 : vector<16xf32>
      %select_n3A_839 = arith.select %gt3A_835, %add3A_832, %mul3A_838 : vector<16xi1>, vector<16xf32>
      %sub3A_840 = arith.subf %select_n3A_831, %select_n3A_839 : vector<16xf32>
      %exp3A_841 = math.exp %sub3A_840 : vector<16xf32>
      %add3A_842 = arith.constant 0 : i32
      %add3A_843 = arith.addi %add3A_595, %add3A_842 : i32
      %add3A_844 = vector.broadcast %add3A_843 : i32 to vector<16xi32>
      %add3A_845 = arith.addi %add3A_844, %iota3A : vector<16xi32>
      %lt3A_846 = arith.constant 330000 : i32
      %lt3A_847 = vector.broadcast %lt3A_846 : i32 to vector<16xi32>
      %lt3A_848 = arith.cmpi slt, %add3A_845, %lt3A_847 : vector<16xi32>
      %jit3A_849 = arith.constant 0.000000e+00 : f32
      %broadcast_in_dim3A_850 = vector.broadcast %jit3A_849 : f32 to vector<16xf32>
      %select_n3A_851 = arith.select %lt3A_848, %exp3A_841, %broadcast_in_dim3A_850 : vector<16xi1>, vector<16xf32>
      %swap3A_852 = arith.constant 0 : index
      %swap3A_853 = tpu.vector_load %arg23[%swap3A_852] {strides = array<i32>} : memref<96xf32, #tpu.memory_space<vmem>>, vector<16xf32>,
      tpu.vector_store %arg23[%swap3A_852], %select_n3A_851 {strides = array<i32>} : memref<96xf32, #tpu.memory_space<vmem>>, vector<16xf32>,
      %get3A_854 = arith.constant 16 : index
      %get3A_855 = tpu.vector_load %arg18[%get3A_854] {strides = array<i32>} : memref<96xi32, #tpu.memory_space<vmem>>, vector<16xi32>,
      %get3A_856 = arith.constant 16 : index
      %get3A_857 = tpu.vector_load %arg19[%get3A_856] {strides = array<i32>} : memref<96xi32, #tpu.memory_space<vmem>>, vector<16xi32>,
      %gather3A_858 = tpu.vector_load_idx %arg10[%get3A_855] : memref<10000xf32, #tpu.memory_space<vmem>>[vector<16xi32>], vector<16xf32>,
      %gather3A_859 = tpu.vector_load_idx %arg11[%get3A_857] : memref<10000xf32, #tpu.memory_space<vmem>>[vector<16xi32>], vector<16xf32>,
      %add3A_860 = arith.addf %gather3A_858, %gather3A_859 : vector<16xf32>
      %gt3A_861 = arith.constant 0.000000e+00 : f32
      %gt3A_862 = vector.broadcast %gt3A_861 : f32 to vector<16xf32>
      %gt3A_863 = arith.cmpf ogt, %add3A_860, %gt3A_862 : vector<16xf32>
      %mul3A_864 = arith.constant 2.000000e-01 : f32
      %mul3A_865 = vector.broadcast %mul3A_864 : f32 to vector<16xf32>
      %mul3A_866 = arith.mulf %mul3A_865, %add3A_860 : vector<16xf32>
      %select_n3A_867 = arith.select %gt3A_863, %add3A_860, %mul3A_866 : vector<16xi1>, vector<16xf32>
      %add3A_868 = arith.addf %get3A_33, %gather3A_859 : vector<16xf32>
      %gt3A_869 = arith.constant 0.000000e+00 : f32
      %gt3A_870 = vector.broadcast %gt3A_869 : f32 to vector<16xf32>
      %gt3A_871 = arith.cmpf ogt, %add3A_868, %gt3A_870 : vector<16xf32>
      %mul3A_872 = arith.constant 2.000000e-01 : f32
      %mul3A_873 = vector.broadcast %mul3A_872 : f32 to vector<16xf32>
      %mul3A_874 = arith.mulf %mul3A_873, %add3A_868 : vector<16xf32>
      %select_n3A_875 = arith.select %gt3A_871, %add3A_868, %mul3A_874 : vector<16xi1>, vector<16xf32>
      %sub3A_876 = arith.subf %select_n3A_867, %select_n3A_875 : vector<16xf32>
      %exp3A_877 = math.exp %sub3A_876 : vector<16xf32>
      %add3A_878 = arith.constant 16 : i32
      %add3A_879 = arith.addi %add3A_595, %add3A_878 : i32
      %add3A_880 = vector.broadcast %add3A_879 : i32 to vector<16xi32>
      %add3A_881 = arith.addi %add3A_880, %iota3A : vector<16xi32>
      %lt3A_882 = arith.constant 330000 : i32
      %lt3A_883 = vector.broadcast %lt3A_882 : i32 to vector<16xi32>
      %lt3A_884 = arith.cmpi slt, %add3A_881, %lt3A_883 : vector<16xi32>
      %jit3A_885 = arith.constant 0.000000e+00 : f32
      %broadcast_in_dim3A_886 = vector.broadcast %jit3A_885 : f32 to vector<16xf32>
      %select_n3A_887 = arith.select %lt3A_884, %exp3A_877, %broadcast_in_dim3A_886 : vector<16xi1>, vector<16xf32>
      %swap3A_888 = arith.constant 16 : index
      %swap3A_889 = tpu.vector_load %arg23[%swap3A_888] {strides = array<i32>} : memref<96xf32, #tpu.memory_space<vmem>>, vector<16xf32>,
      tpu.vector_store %arg23[%swap3A_888], %select_n3A_887 {strides = array<i32>} : memref<96xf32, #tpu.memory_space<vmem>>, vector<16xf32>,
      %get3A_890 = arith.constant 32 : index
      %get3A_891 = tpu.vector_load %arg18[%get3A_890] {strides = array<i32>} : memref<96xi32, #tpu.memory_space<vmem>>, vector<16xi32>,
      %get3A_892 = arith.constant 32 : index
      %get3A_893 = tpu.vector_load %arg19[%get3A_892] {strides = array<i32>} : memref<96xi32, #tpu.memory_space<vmem>>, vector<16xi32>,
      %gather3A_894 = tpu.vector_load_idx %arg10[%get3A_891] : memref<10000xf32, #tpu.memory_space<vmem>>[vector<16xi32>], vector<16xf32>,
      %gather3A_895 = tpu.vector_load_idx %arg11[%get3A_893] : memref<10000xf32, #tpu.memory_space<vmem>>[vector<16xi32>], vector<16xf32>,
      %add3A_896 = arith.addf %gather3A_894, %gather3A_895 : vector<16xf32>
      %gt3A_897 = arith.constant 0.000000e+00 : f32
      %gt3A_898 = vector.broadcast %gt3A_897 : f32 to vector<16xf32>
      %gt3A_899 = arith.cmpf ogt, %add3A_896, %gt3A_898 : vector<16xf32>
      %mul3A_900 = arith.constant 2.000000e-01 : f32
      %mul3A_901 = vector.broadcast %mul3A_900 : f32 to vector<16xf32>
      %mul3A_902 = arith.mulf %mul3A_901, %add3A_896 : vector<16xf32>
      %select_n3A_903 = arith.select %gt3A_899, %add3A_896, %mul3A_902 : vector<16xi1>, vector<16xf32>
      %add3A_904 = arith.addf %get3A_33, %gather3A_895 : vector<16xf32>
      %gt3A_905 = arith.constant 0.000000e+00 : f32
      %gt3A_906 = vector.broadcast %gt3A_905 : f32 to vector<16xf32>
      %gt3A_907 = arith.cmpf ogt, %add3A_904, %gt3A_906 : vector<16xf32>
      %mul3A_908 = arith.constant 2.000000e-01 : f32
      %mul3A_909 = vector.broadcast %mul3A_908 : f32 to vector<16xf32>
      %mul3A_910 = arith.mulf %mul3A_909, %add3A_904 : vector<16xf32>
      %select_n3A_911 = arith.select %gt3A_907, %add3A_904, %mul3A_910 : vector<16xi1>, vector<16xf32>
      %sub3A_912 = arith.subf %select_n3A_903, %select_n3A_911 : vector<16xf32>
      %exp3A_913 = math.exp %sub3A_912 : vector<16xf32>
      %add3A_914 = arith.constant 32 : i32
      %add3A_915 = arith.addi %add3A_595, %add3A_914 : i32
      %add3A_916 = vector.broadcast %add3A_915 : i32 to vector<16xi32>
      %add3A_917 = arith.addi %add3A_916, %iota3A : vector<16xi32>
      %lt3A_918 = arith.constant 330000 : i32
      %lt3A_919 = vector.broadcast %lt3A_918 : i32 to vector<16xi32>
      %lt3A_920 = arith.cmpi slt, %add3A_917, %lt3A_919 : vector<16xi32>
      %jit3A_921 = arith.constant 0.000000e+00 : f32
      %broadcast_in_dim3A_922 = vector.broadcast %jit3A_921 : f32 to vector<16xf32>
      %select_n3A_923 = arith.select %lt3A_920, %exp3A_913, %broadcast_in_dim3A_922 : vector<16xi1>, vector<16xf32>
      %swap3A_924 = arith.constant 32 : index
      %swap3A_925 = tpu.vector_load %arg23[%swap3A_924] {strides = array<i32>} : memref<96xf32, #tpu.memory_space<vmem>>, vector<16xf32>,
      tpu.vector_store %arg23[%swap3A_924], %select_n3A_923 {strides = array<i32>} : memref<96xf32, #tpu.memory_space<vmem>>, vector<16xf32>,
      %get3A_926 = arith.constant 48 : index
      %get3A_927 = tpu.vector_load %arg18[%get3A_926] {strides = array<i32>} : memref<96xi32, #tpu.memory_space<vmem>>, vector<16xi32>,
      %get3A_928 = arith.constant 48 : index
      %get3A_929 = tpu.vector_load %arg19[%get3A_928] {strides = array<i32>} : memref<96xi32, #tpu.memory_space<vmem>>, vector<16xi32>,
      %gather3A_930 = tpu.vector_load_idx %arg10[%get3A_927] : memref<10000xf32, #tpu.memory_space<vmem>>[vector<16xi32>], vector<16xf32>,
      %gather3A_931 = tpu.vector_load_idx %arg11[%get3A_929] : memref<10000xf32, #tpu.memory_space<vmem>>[vector<16xi32>], vector<16xf32>,
      %add3A_932 = arith.addf %gather3A_930, %gather3A_931 : vector<16xf32>
      %gt3A_933 = arith.constant 0.000000e+00 : f32
      %gt3A_934 = vector.broadcast %gt3A_933 : f32 to vector<16xf32>
      %gt3A_935 = arith.cmpf ogt, %add3A_932, %gt3A_934 : vector<16xf32>
      %mul3A_936 = arith.constant 2.000000e-01 : f32
      %mul3A_937 = vector.broadcast %mul3A_936 : f32 to vector<16xf32>
      %mul3A_938 = arith.mulf %mul3A_937, %add3A_932 : vector<16xf32>
      %select_n3A_939 = arith.select %gt3A_935, %add3A_932, %mul3A_938 : vector<16xi1>, vector<16xf32>
      %add3A_940 = arith.addf %get3A_33, %gather3A_931 : vector<16xf32>
      %gt3A_941 = arith.constant 0.000000e+00 : f32
      %gt3A_942 = vector.broadcast %gt3A_941 : f32 to vector<16xf32>
      %gt3A_943 = arith.cmpf ogt, %add3A_940, %gt3A_942 : vector<16xf32>
      %mul3A_944 = arith.constant 2.000000e-01 : f32
      %mul3A_945 = vector.broadcast %mul3A_944 : f32 to vector<16xf32>
      %mul3A_946 = arith.mulf %mul3A_945, %add3A_940 : vector<16xf32>
      %select_n3A_947 = arith.select %gt3A_943, %add3A_940, %mul3A_946 : vector<16xi1>, vector<16xf32>
      %sub3A_948 = arith.subf %select_n3A_939, %select_n3A_947 : vector<16xf32>
      %exp3A_949 = math.exp %sub3A_948 : vector<16xf32>
      %add3A_950 = arith.constant 48 : i32
      %add3A_951 = arith.addi %add3A_595, %add3A_950 : i32
      %add3A_952 = vector.broadcast %add3A_951 : i32 to vector<16xi32>
      %add3A_953 = arith.addi %add3A_952, %iota3A : vector<16xi32>
      %lt3A_954 = arith.constant 330000 : i32
      %lt3A_955 = vector.broadcast %lt3A_954 : i32 to vector<16xi32>
      %lt3A_956 = arith.cmpi slt, %add3A_953, %lt3A_955 : vector<16xi32>
      %jit3A_957 = arith.constant 0.000000e+00 : f32
      %broadcast_in_dim3A_958 = vector.broadcast %jit3A_957 : f32 to vector<16xf32>
      %select_n3A_959 = arith.select %lt3A_956, %exp3A_949, %broadcast_in_dim3A_958 : vector<16xi1>, vector<16xf32>
      %swap3A_960 = arith.constant 48 : index
      %swap3A_961 = tpu.vector_load %arg23[%swap3A_960] {strides = array<i32>} : memref<96xf32, #tpu.memory_space<vmem>>, vector<16xf32>,
      tpu.vector_store %arg23[%swap3A_960], %select_n3A_959 {strides = array<i32>} : memref<96xf32, #tpu.memory_space<vmem>>, vector<16xf32>,
      %get3A_962 = arith.constant 64 : index
      %get3A_963 = tpu.vector_load %arg18[%get3A_962] {strides = array<i32>} : memref<96xi32, #tpu.memory_space<vmem>>, vector<16xi32>,
      %get3A_964 = arith.constant 64 : index
      %get3A_965 = tpu.vector_load %arg19[%get3A_964] {strides = array<i32>} : memref<96xi32, #tpu.memory_space<vmem>>, vector<16xi32>,
      %gather3A_966 = tpu.vector_load_idx %arg10[%get3A_963] : memref<10000xf32, #tpu.memory_space<vmem>>[vector<16xi32>], vector<16xf32>,
      %gather3A_967 = tpu.vector_load_idx %arg11[%get3A_965] : memref<10000xf32, #tpu.memory_space<vmem>>[vector<16xi32>], vector<16xf32>,
      %add3A_968 = arith.addf %gather3A_966, %gather3A_967 : vector<16xf32>
      %gt3A_969 = arith.constant 0.000000e+00 : f32
      %gt3A_970 = vector.broadcast %gt3A_969 : f32 to vector<16xf32>
      %gt3A_971 = arith.cmpf ogt, %add3A_968, %gt3A_970 : vector<16xf32>
      %mul3A_972 = arith.constant 2.000000e-01 : f32
      %mul3A_973 = vector.broadcast %mul3A_972 : f32 to vector<16xf32>
      %mul3A_974 = arith.mulf %mul3A_973, %add3A_968 : vector<16xf32>
      %select_n3A_975 = arith.select %gt3A_971, %add3A_968, %mul3A_974 : vector<16xi1>, vector<16xf32>
      %add3A_976 = arith.addf %get3A_33, %gather3A_967 : vector<16xf32>
      %gt3A_977 = arith.constant 0.000000e+00 : f32
      %gt3A_978 = vector.broadcast %gt3A_977 : f32 to vector<16xf32>
      %gt3A_979 = arith.cmpf ogt, %add3A_976, %gt3A_978 : vector<16xf32>
      %mul3A_980 = arith.constant 2.000000e-01 : f32
      %mul3A_981 = vector.broadcast %mul3A_980 : f32 to vector<16xf32>
      %mul3A_982 = arith.mulf %mul3A_981, %add3A_976 : vector<16xf32>
      %select_n3A_983 = arith.select %gt3A_979, %add3A_976, %mul3A_982 : vector<16xi1>, vector<16xf32>
      %sub3A_984 = arith.subf %select_n3A_975, %select_n3A_983 : vector<16xf32>
      %exp3A_985 = math.exp %sub3A_984 : vector<16xf32>
      %add3A_986 = arith.constant 64 : i32
      %add3A_987 = arith.addi %add3A_595, %add3A_986 : i32
      %add3A_988 = vector.broadcast %add3A_987 : i32 to vector<16xi32>
      %add3A_989 = arith.addi %add3A_988, %iota3A : vector<16xi32>
      %lt3A_990 = arith.constant 330000 : i32
      %lt3A_991 = vector.broadcast %lt3A_990 : i32 to vector<16xi32>
      %lt3A_992 = arith.cmpi slt, %add3A_989, %lt3A_991 : vector<16xi32>
      %jit3A_993 = arith.constant 0.000000e+00 : f32
      %broadcast_in_dim3A_994 = vector.broadcast %jit3A_993 : f32 to vector<16xf32>
      %select_n3A_995 = arith.select %lt3A_992, %exp3A_985, %broadcast_in_dim3A_994 : vector<16xi1>, vector<16xf32>
      %swap3A_996 = arith.constant 64 : index
      %swap3A_997 = tpu.vector_load %arg23[%swap3A_996] {strides = array<i32>} : memref<96xf32, #tpu.memory_space<vmem>>, vector<16xf32>,
      tpu.vector_store %arg23[%swap3A_996], %select_n3A_995 {strides = array<i32>} : memref<96xf32, #tpu.memory_space<vmem>>, vector<16xf32>,
      %get3A_998 = arith.constant 80 : index
      %get3A_999 = tpu.vector_load %arg18[%get3A_998] {strides = array<i32>} : memref<96xi32, #tpu.memory_space<vmem>>, vector<16xi32>,
      %get3A_1000 = arith.constant 80 : index
      %get3A_1001 = tpu.vector_load %arg19[%get3A_1000] {strides = array<i32>} : memref<96xi32, #tpu.memory_space<vmem>>, vector<16xi32>,
      %gather3A_1002 = tpu.vector_load_idx %arg10[%get3A_999] : memref<10000xf32, #tpu.memory_space<vmem>>[vector<16xi32>], vector<16xf32>,
      %gather3A_1003 = tpu.vector_load_idx %arg11[%get3A_1001] : memref<10000xf32, #tpu.memory_space<vmem>>[vector<16xi32>], vector<16xf32>,
      %add3A_1004 = arith.addf %gather3A_1002, %gather3A_1003 : vector<16xf32>
      %gt3A_1005 = arith.constant 0.000000e+00 : f32
      %gt3A_1006 = vector.broadcast %gt3A_1005 : f32 to vector<16xf32>
      %gt3A_1007 = arith.cmpf ogt, %add3A_1004, %gt3A_1006 : vector<16xf32>
      %mul3A_1008 = arith.constant 2.000000e-01 : f32
      %mul3A_1009 = vector.broadcast %mul3A_1008 : f32 to vector<16xf32>
      %mul3A_1010 = arith.mulf %mul3A_1009, %add3A_1004 : vector<16xf32>
      %select_n3A_1011 = arith.select %gt3A_1007, %add3A_1004, %mul3A_1010 : vector<16xi1>, vector<16xf32>
      %add3A_1012 = arith.addf %get3A_33, %gather3A_1003 : vector<16xf32>
      %gt3A_1013 = arith.constant 0.000000e+00 : f32
      %gt3A_1014 = vector.broadcast %gt3A_1013 : f32 to vector<16xf32>
      %gt3A_1015 = arith.cmpf ogt, %add3A_1012, %gt3A_1014 : vector<16xf32>
      %mul3A_1016 = arith.constant 2.000000e-01 : f32
      %mul3A_1017 = vector.broadcast %mul3A_1016 : f32 to vector<16xf32>
      %mul3A_1018 = arith.mulf %mul3A_1017, %add3A_1012 : vector<16xf32>
      %select_n3A_1019 = arith.select %gt3A_1015, %add3A_1012, %mul3A_1018 : vector<16xi1>, vector<16xf32>
      %sub3A_1020 = arith.subf %select_n3A_1011, %select_n3A_1019 : vector<16xf32>
      %exp3A_1021 = math.exp %sub3A_1020 : vector<16xf32>
      %add3A_1022 = arith.constant 80 : i32
      %add3A_1023 = arith.addi %add3A_595, %add3A_1022 : i32
      %add3A_1024 = vector.broadcast %add3A_1023 : i32 to vector<16xi32>
      %add3A_1025 = arith.addi %add3A_1024, %iota3A : vector<16xi32>
      %lt3A_1026 = arith.constant 330000 : i32
      %lt3A_1027 = vector.broadcast %lt3A_1026 : i32 to vector<16xi32>
      %lt3A_1028 = arith.cmpi slt, %add3A_1025, %lt3A_1027 : vector<16xi32>
      %jit3A_1029 = arith.constant 0.000000e+00 : f32
      %broadcast_in_dim3A_1030 = vector.broadcast %jit3A_1029 : f32 to vector<16xf32>
      %select_n3A_1031 = arith.select %lt3A_1028, %exp3A_1021, %broadcast_in_dim3A_1030 : vector<16xi1>, vector<16xf32>
      %swap3A_1032 = arith.constant 80 : index
      %swap3A_1033 = tpu.vector_load %arg23[%swap3A_1032] {strides = array<i32>} : memref<96xf32, #tpu.memory_space<vmem>>, vector<16xf32>,
      tpu.vector_store %arg23[%swap3A_1032], %select_n3A_1031 {strides = array<i32>} : memref<96xf32, #tpu.memory_space<vmem>>, vector<16xf32>,
      %dma_wait3A_1034 = arith.constant 0 : i32
      %dma_wait3A_1035 = arith.constant 0 : i32
      %dma_wait3A_1036 = tpu.memref_slice %arg2[%dma_wait3A_1034, %dma_wait3A_1035] : memref<10000x128xf32, #tpu.memory_space<hbm>> -> memref<10000x128xf32, #tpu.memory_space<hbm>>
      tpu.wait_indirect_dma semaphore(%arg29 : memref<!tpu.dma_semaphore, #tpu.memory_space<semaphore_mem>>) src(%dma_wait3A_1036 : memref<10000x128xf32, #tpu.memory_space<hbm>>) dst(%arg20 : memref<96x128xf32, #tpu.memory_space<vmem>>)
      %parallel_loop3A_1037 = arith.constant 0 : i32
      %parallel_loop3A_1038 = arith.constant 96 : i32
      %parallel_loop3A_1039 = arith.constant 1 : i32
      scf.for %parallel_loop3A_1067 = %parallel_loop3A_1037 to %parallel_loop3A_1038 step %parallel_loop3A_1039  : i32 {
        %parallel_loop3A_1068 = vector.broadcast %parallel_loop3A_1067 : i32 to vector<16xi32>
        %parallel_loop3A_1069 = tpu.vector_load_idx %arg22[%parallel_loop3A_1068] : memref<96xf32, #tpu.memory_space<vmem>>[vector<16xi32>], vector<16xf32>,
        %parallel_loop3A_1070 = arith.index_cast %parallel_loop3A_1067 : i32 to index
        %parallel_loop3A_1071 = arith.constant 0 : index
        %parallel_loop3A_1072 = tpu.vector_load %arg20[%parallel_loop3A_1070, %parallel_loop3A_1071] {strides = array<i32>} : memref<96x128xf32, #tpu.memory_space<vmem>>, vector<16xf32>,
        %parallel_loop3A_1073 = arith.mulf %parallel_loop3A_1072, %parallel_loop3A_1069 : vector<16xf32>
        %parallel_loop3A_1074 = arith.index_cast %parallel_loop3A_1067 : i32 to index
        %parallel_loop3A_1075 = arith.constant 0 : index
        %parallel_loop3A_1076 = tpu.vector_load %arg20[%parallel_loop3A_1074, %parallel_loop3A_1075] {strides = array<i32>} : memref<96x128xf32, #tpu.memory_space<vmem>>, vector<16xf32>,
        tpu.vector_store %arg20[%parallel_loop3A_1074, %parallel_loop3A_1075], %parallel_loop3A_1073 {strides = array<i32>} : memref<96x128xf32, #tpu.memory_space<vmem>>, vector<16xf32>,
        %parallel_loop3A_1077 = arith.index_cast %parallel_loop3A_1067 : i32 to index
        %parallel_loop3A_1078 = arith.constant 16 : index
        %parallel_loop3A_1079 = tpu.vector_load %arg20[%parallel_loop3A_1077, %parallel_loop3A_1078] {strides = array<i32>} : memref<96x128xf32, #tpu.memory_space<vmem>>, vector<16xf32>,
        %parallel_loop3A_1080 = arith.mulf %parallel_loop3A_1079, %parallel_loop3A_1069 : vector<16xf32>
        %parallel_loop3A_1081 = arith.index_cast %parallel_loop3A_1067 : i32 to index
        %parallel_loop3A_1082 = arith.constant 16 : index
        %parallel_loop3A_1083 = tpu.vector_load %arg20[%parallel_loop3A_1081, %parallel_loop3A_1082] {strides = array<i32>} : memref<96x128xf32, #tpu.memory_space<vmem>>, vector<16xf32>,
        tpu.vector_store %arg20[%parallel_loop3A_1081, %parallel_loop3A_1082], %parallel_loop3A_1080 {strides = array<i32>} : memref<96x128xf32, #tpu.memory_space<vmem>>, vector<16xf32>,
        %parallel_loop3A_1084 = arith.index_cast %parallel_loop3A_1067 : i32 to index
        %parallel_loop3A_1085 = arith.constant 32 : index
        %parallel_loop3A_1086 = tpu.vector_load %arg20[%parallel_loop3A_1084, %parallel_loop3A_1085] {strides = array<i32>} : memref<96x128xf32, #tpu.memory_space<vmem>>, vector<16xf32>,
        %parallel_loop3A_1087 = arith.mulf %parallel_loop3A_1086, %parallel_loop3A_1069 : vector<16xf32>
        %parallel_loop3A_1088 = arith.index_cast %parallel_loop3A_1067 : i32 to index
        %parallel_loop3A_1089 = arith.constant 32 : index
        %parallel_loop3A_1090 = tpu.vector_load %arg20[%parallel_loop3A_1088, %parallel_loop3A_1089] {strides = array<i32>} : memref<96x128xf32, #tpu.memory_space<vmem>>, vector<16xf32>,
        tpu.vector_store %arg20[%parallel_loop3A_1088, %parallel_loop3A_1089], %parallel_loop3A_1087 {strides = array<i32>} : memref<96x128xf32, #tpu.memory_space<vmem>>, vector<16xf32>,
        %parallel_loop3A_1091 = arith.index_cast %parallel_loop3A_1067 : i32 to index
        %parallel_loop3A_1092 = arith.constant 48 : index
        %parallel_loop3A_1093 = tpu.vector_load %arg20[%parallel_loop3A_1091, %parallel_loop3A_1092] {strides = array<i32>} : memref<96x128xf32, #tpu.memory_space<vmem>>, vector<16xf32>,
        %parallel_loop3A_1094 = arith.mulf %parallel_loop3A_1093, %parallel_loop3A_1069 : vector<16xf32>
        %parallel_loop3A_1095 = arith.index_cast %parallel_loop3A_1067 : i32 to index
        %parallel_loop3A_1096 = arith.constant 48 : index
        %parallel_loop3A_1097 = tpu.vector_load %arg20[%parallel_loop3A_1095, %parallel_loop3A_1096] {strides = array<i32>} : memref<96x128xf32, #tpu.memory_space<vmem>>, vector<16xf32>,
        tpu.vector_store %arg20[%parallel_loop3A_1095, %parallel_loop3A_1096], %parallel_loop3A_1094 {strides = array<i32>} : memref<96x128xf32, #tpu.memory_space<vmem>>, vector<16xf32>,
        %parallel_loop3A_1098 = arith.index_cast %parallel_loop3A_1067 : i32 to index
        %parallel_loop3A_1099 = arith.constant 64 : index
        %parallel_loop3A_1100 = tpu.vector_load %arg20[%parallel_loop3A_1098, %parallel_loop3A_1099] {strides = array<i32>} : memref<96x128xf32, #tpu.memory_space<vmem>>, vector<16xf32>,
        %parallel_loop3A_1101 = arith.mulf %parallel_loop3A_1100, %parallel_loop3A_1069 : vector<16xf32>
        %parallel_loop3A_1102 = arith.index_cast %parallel_loop3A_1067 : i32 to index
        %parallel_loop3A_1103 = arith.constant 64 : index
        %parallel_loop3A_1104 = tpu.vector_load %arg20[%parallel_loop3A_1102, %parallel_loop3A_1103] {strides = array<i32>} : memref<96x128xf32, #tpu.memory_space<vmem>>, vector<16xf32>,
        tpu.vector_store %arg20[%parallel_loop3A_1102, %parallel_loop3A_1103], %parallel_loop3A_1101 {strides = array<i32>} : memref<96x128xf32, #tpu.memory_space<vmem>>, vector<16xf32>,
        %parallel_loop3A_1105 = arith.index_cast %parallel_loop3A_1067 : i32 to index
        %parallel_loop3A_1106 = arith.constant 80 : index
        %parallel_loop3A_1107 = tpu.vector_load %arg20[%parallel_loop3A_1105, %parallel_loop3A_1106] {strides = array<i32>} : memref<96x128xf32, #tpu.memory_space<vmem>>, vector<16xf32>,
        %parallel_loop3A_1108 = arith.mulf %parallel_loop3A_1107, %parallel_loop3A_1069 : vector<16xf32>
        %parallel_loop3A_1109 = arith.index_cast %parallel_loop3A_1067 : i32 to index
        %parallel_loop3A_1110 = arith.constant 80 : index
        %parallel_loop3A_1111 = tpu.vector_load %arg20[%parallel_loop3A_1109, %parallel_loop3A_1110] {strides = array<i32>} : memref<96x128xf32, #tpu.memory_space<vmem>>, vector<16xf32>,
        tpu.vector_store %arg20[%parallel_loop3A_1109, %parallel_loop3A_1110], %parallel_loop3A_1108 {strides = array<i32>} : memref<96x128xf32, #tpu.memory_space<vmem>>, vector<16xf32>,
        %parallel_loop3A_1112 = arith.index_cast %parallel_loop3A_1067 : i32 to index
        %parallel_loop3A_1113 = arith.constant 96 : index
        %parallel_loop3A_1114 = tpu.vector_load %arg20[%parallel_loop3A_1112, %parallel_loop3A_1113] {strides = array<i32>} : memref<96x128xf32, #tpu.memory_space<vmem>>, vector<16xf32>,
        %parallel_loop3A_1115 = arith.mulf %parallel_loop3A_1114, %parallel_loop3A_1069 : vector<16xf32>
        %parallel_loop3A_1116 = arith.index_cast %parallel_loop3A_1067 : i32 to index
        %parallel_loop3A_1117 = arith.constant 96 : index
        %parallel_loop3A_1118 = tpu.vector_load %arg20[%parallel_loop3A_1116, %parallel_loop3A_1117] {strides = array<i32>} : memref<96x128xf32, #tpu.memory_space<vmem>>, vector<16xf32>,
        tpu.vector_store %arg20[%parallel_loop3A_1116, %parallel_loop3A_1117], %parallel_loop3A_1115 {strides = array<i32>} : memref<96x128xf32, #tpu.memory_space<vmem>>, vector<16xf32>,
        %parallel_loop3A_1119 = arith.index_cast %parallel_loop3A_1067 : i32 to index
        %parallel_loop3A_1120 = arith.constant 112 : index
        %parallel_loop3A_1121 = tpu.vector_load %arg20[%parallel_loop3A_1119, %parallel_loop3A_1120] {strides = array<i32>} : memref<96x128xf32, #tpu.memory_space<vmem>>, vector<16xf32>,
        %parallel_loop3A_1122 = arith.mulf %parallel_loop3A_1121, %parallel_loop3A_1069 : vector<16xf32>
        %parallel_loop3A_1123 = arith.index_cast %parallel_loop3A_1067 : i32 to index
        %parallel_loop3A_1124 = arith.constant 112 : index
        %parallel_loop3A_1125 = tpu.vector_load %arg20[%parallel_loop3A_1123, %parallel_loop3A_1124] {strides = array<i32>} : memref<96x128xf32, #tpu.memory_space<vmem>>, vector<16xf32>,
        tpu.vector_store %arg20[%parallel_loop3A_1123, %parallel_loop3A_1124], %parallel_loop3A_1122 {strides = array<i32>} : memref<96x128xf32, #tpu.memory_space<vmem>>, vector<16xf32>,
      } {sc.loop_unroll_factor = 8 : i64, sc.parallel_access}
      %dma_start3A_1040 = arith.constant 0 : i32
      %dma_start3A_1041 = arith.constant 0 : i32
      %dma_start3A_1042 = tpu.memref_slice %arg26[%dma_start3A_1040, %dma_start3A_1041] : memref<10240x128xf32, #tpu.memory_space<vmem_shared>> -> memref<10240x128xf32, #tpu.memory_space<vmem_shared>>
      tpu.enqueue_indirect_dma source(%arg20 : memref<96x128xf32, #tpu.memory_space<vmem>>) target(%dma_start3A_1042 : memref<10240x128xf32, #tpu.memory_space<vmem_shared>>) offsets(%arg17 : memref<96xi32, #tpu.memory_space<vmem>>) semaphore(%arg31 : memref<!tpu.dma_semaphore, #tpu.memory_space<semaphore_mem>>) {add = true}
      %dma_start3A_1043 = arith.constant 0 : i32
      %dma_start3A_1044 = tpu.memref_slice %arg27[%dma_start3A_1043] : memref<10240xf32, #tpu.memory_space<vmem_shared>> -> memref<10240xf32, #tpu.memory_space<vmem_shared>>
      tpu.enqueue_indirect_dma source(%arg22 : memref<96xf32, #tpu.memory_space<vmem>>) target(%dma_start3A_1044 : memref<10240xf32, #tpu.memory_space<vmem_shared>>) offsets(%arg17 : memref<96xi32, #tpu.memory_space<vmem>>) semaphore(%arg31 : memref<!tpu.dma_semaphore, #tpu.memory_space<semaphore_mem>>) {add = true}
      %dma_wait3A_1045 = arith.constant 0 : i32
      %dma_wait3A_1046 = arith.constant 0 : i32
      %dma_wait3A_1047 = tpu.memref_slice %arg2[%dma_wait3A_1045, %dma_wait3A_1046] : memref<10000x128xf32, #tpu.memory_space<hbm>> -> memref<10000x128xf32, #tpu.memory_space<hbm>>
      tpu.wait_indirect_dma semaphore(%arg30 : memref<!tpu.dma_semaphore, #tpu.memory_space<semaphore_mem>>) src(%dma_wait3A_1047 : memref<10000x128xf32, #tpu.memory_space<hbm>>) dst(%arg21 : memref<96x128xf32, #tpu.memory_space<vmem>>)
      %parallel_loop3A_1048 = arith.constant 0 : i32
      %parallel_loop3A_1049 = arith.constant 96 : i32
      %parallel_loop3A_1050 = arith.constant 1 : i32
      scf.for %parallel_loop3A_1067 = %parallel_loop3A_1048 to %parallel_loop3A_1049 step %parallel_loop3A_1050  : i32 {
        %parallel_loop3A_1068 = vector.broadcast %parallel_loop3A_1067 : i32 to vector<16xi32>
        %parallel_loop3A_1069 = tpu.vector_load_idx %arg23[%parallel_loop3A_1068] : memref<96xf32, #tpu.memory_space<vmem>>[vector<16xi32>], vector<16xf32>,
        %parallel_loop3A_1070 = arith.index_cast %parallel_loop3A_1067 : i32 to index
        %parallel_loop3A_1071 = arith.constant 0 : index
        %parallel_loop3A_1072 = tpu.vector_load %arg21[%parallel_loop3A_1070, %parallel_loop3A_1071] {strides = array<i32>} : memref<96x128xf32, #tpu.memory_space<vmem>>, vector<16xf32>,
        %parallel_loop3A_1073 = arith.mulf %parallel_loop3A_1072, %parallel_loop3A_1069 : vector<16xf32>
        %parallel_loop3A_1074 = arith.index_cast %parallel_loop3A_1067 : i32 to index
        %parallel_loop3A_1075 = arith.constant 0 : index
        %parallel_loop3A_1076 = tpu.vector_load %arg21[%parallel_loop3A_1074, %parallel_loop3A_1075] {strides = array<i32>} : memref<96x128xf32, #tpu.memory_space<vmem>>, vector<16xf32>,
        tpu.vector_store %arg21[%parallel_loop3A_1074, %parallel_loop3A_1075], %parallel_loop3A_1073 {strides = array<i32>} : memref<96x128xf32, #tpu.memory_space<vmem>>, vector<16xf32>,
        %parallel_loop3A_1077 = arith.index_cast %parallel_loop3A_1067 : i32 to index
        %parallel_loop3A_1078 = arith.constant 16 : index
        %parallel_loop3A_1079 = tpu.vector_load %arg21[%parallel_loop3A_1077, %parallel_loop3A_1078] {strides = array<i32>} : memref<96x128xf32, #tpu.memory_space<vmem>>, vector<16xf32>,
        %parallel_loop3A_1080 = arith.mulf %parallel_loop3A_1079, %parallel_loop3A_1069 : vector<16xf32>
        %parallel_loop3A_1081 = arith.index_cast %parallel_loop3A_1067 : i32 to index
        %parallel_loop3A_1082 = arith.constant 16 : index
        %parallel_loop3A_1083 = tpu.vector_load %arg21[%parallel_loop3A_1081, %parallel_loop3A_1082] {strides = array<i32>} : memref<96x128xf32, #tpu.memory_space<vmem>>, vector<16xf32>,
        tpu.vector_store %arg21[%parallel_loop3A_1081, %parallel_loop3A_1082], %parallel_loop3A_1080 {strides = array<i32>} : memref<96x128xf32, #tpu.memory_space<vmem>>, vector<16xf32>,
        %parallel_loop3A_1084 = arith.index_cast %parallel_loop3A_1067 : i32 to index
        %parallel_loop3A_1085 = arith.constant 32 : index
        %parallel_loop3A_1086 = tpu.vector_load %arg21[%parallel_loop3A_1084, %parallel_loop3A_1085] {strides = array<i32>} : memref<96x128xf32, #tpu.memory_space<vmem>>, vector<16xf32>,
        %parallel_loop3A_1087 = arith.mulf %parallel_loop3A_1086, %parallel_loop3A_1069 : vector<16xf32>
        %parallel_loop3A_1088 = arith.index_cast %parallel_loop3A_1067 : i32 to index
        %parallel_loop3A_1089 = arith.constant 32 : index
        %parallel_loop3A_1090 = tpu.vector_load %arg21[%parallel_loop3A_1088, %parallel_loop3A_1089] {strides = array<i32>} : memref<96x128xf32, #tpu.memory_space<vmem>>, vector<16xf32>,
        tpu.vector_store %arg21[%parallel_loop3A_1088, %parallel_loop3A_1089], %parallel_loop3A_1087 {strides = array<i32>} : memref<96x128xf32, #tpu.memory_space<vmem>>, vector<16xf32>,
        %parallel_loop3A_1091 = arith.index_cast %parallel_loop3A_1067 : i32 to index
        %parallel_loop3A_1092 = arith.constant 48 : index
        %parallel_loop3A_1093 = tpu.vector_load %arg21[%parallel_loop3A_1091, %parallel_loop3A_1092] {strides = array<i32>} : memref<96x128xf32, #tpu.memory_space<vmem>>, vector<16xf32>,
        %parallel_loop3A_1094 = arith.mulf %parallel_loop3A_1093, %parallel_loop3A_1069 : vector<16xf32>
        %parallel_loop3A_1095 = arith.index_cast %parallel_loop3A_1067 : i32 to index
        %parallel_loop3A_1096 = arith.constant 48 : index
        %parallel_loop3A_1097 = tpu.vector_load %arg21[%parallel_loop3A_1095, %parallel_loop3A_1096] {strides = array<i32>} : memref<96x128xf32, #tpu.memory_space<vmem>>, vector<16xf32>,
        tpu.vector_store %arg21[%parallel_loop3A_1095, %parallel_loop3A_1096], %parallel_loop3A_1094 {strides = array<i32>} : memref<96x128xf32, #tpu.memory_space<vmem>>, vector<16xf32>,
        %parallel_loop3A_1098 = arith.index_cast %parallel_loop3A_1067 : i32 to index
        %parallel_loop3A_1099 = arith.constant 64 : index
        %parallel_loop3A_1100 = tpu.vector_load %arg21[%parallel_loop3A_1098, %parallel_loop3A_1099] {strides = array<i32>} : memref<96x128xf32, #tpu.memory_space<vmem>>, vector<16xf32>,
        %parallel_loop3A_1101 = arith.mulf %parallel_loop3A_1100, %parallel_loop3A_1069 : vector<16xf32>
        %parallel_loop3A_1102 = arith.index_cast %parallel_loop3A_1067 : i32 to index
        %parallel_loop3A_1103 = arith.constant 64 : index
        %parallel_loop3A_1104 = tpu.vector_load %arg21[%parallel_loop3A_1102, %parallel_loop3A_1103] {strides = array<i32>} : memref<96x128xf32, #tpu.memory_space<vmem>>, vector<16xf32>,
        tpu.vector_store %arg21[%parallel_loop3A_1102, %parallel_loop3A_1103], %parallel_loop3A_1101 {strides = array<i32>} : memref<96x128xf32, #tpu.memory_space<vmem>>, vector<16xf32>,
        %parallel_loop3A_1105 = arith.index_cast %parallel_loop3A_1067 : i32 to index
        %parallel_loop3A_1106 = arith.constant 80 : index
        %parallel_loop3A_1107 = tpu.vector_load %arg21[%parallel_loop3A_1105, %parallel_loop3A_1106] {strides = array<i32>} : memref<96x128xf32, #tpu.memory_space<vmem>>, vector<16xf32>,
        %parallel_loop3A_1108 = arith.mulf %parallel_loop3A_1107, %parallel_loop3A_1069 : vector<16xf32>
        %parallel_loop3A_1109 = arith.index_cast %parallel_loop3A_1067 : i32 to index
        %parallel_loop3A_1110 = arith.constant 80 : index
        %parallel_loop3A_1111 = tpu.vector_load %arg21[%parallel_loop3A_1109, %parallel_loop3A_1110] {strides = array<i32>} : memref<96x128xf32, #tpu.memory_space<vmem>>, vector<16xf32>,
        tpu.vector_store %arg21[%parallel_loop3A_1109, %parallel_loop3A_1110], %parallel_loop3A_1108 {strides = array<i32>} : memref<96x128xf32, #tpu.memory_space<vmem>>, vector<16xf32>,
        %parallel_loop3A_1112 = arith.index_cast %parallel_loop3A_1067 : i32 to index
        %parallel_loop3A_1113 = arith.constant 96 : index
        %parallel_loop3A_1114 = tpu.vector_load %arg21[%parallel_loop3A_1112, %parallel_loop3A_1113] {strides = array<i32>} : memref<96x128xf32, #tpu.memory_space<vmem>>, vector<16xf32>,
        %parallel_loop3A_1115 = arith.mulf %parallel_loop3A_1114, %parallel_loop3A_1069 : vector<16xf32>
        %parallel_loop3A_1116 = arith.index_cast %parallel_loop3A_1067 : i32 to index
        %parallel_loop3A_1117 = arith.constant 96 : index
        %parallel_loop3A_1118 = tpu.vector_load %arg21[%parallel_loop3A_1116, %parallel_loop3A_1117] {strides = array<i32>} : memref<96x128xf32, #tpu.memory_space<vmem>>, vector<16xf32>,
        tpu.vector_store %arg21[%parallel_loop3A_1116, %parallel_loop3A_1117], %parallel_loop3A_1115 {strides = array<i32>} : memref<96x128xf32, #tpu.memory_space<vmem>>, vector<16xf32>,
        %parallel_loop3A_1119 = arith.index_cast %parallel_loop3A_1067 : i32 to index
        %parallel_loop3A_1120 = arith.constant 112 : index
        %parallel_loop3A_1121 = tpu.vector_load %arg21[%parallel_loop3A_1119, %parallel_loop3A_1120] {strides = array<i32>} : memref<96x128xf32, #tpu.memory_space<vmem>>, vector<16xf32>,
        %parallel_loop3A_1122 = arith.mulf %parallel_loop3A_1121, %parallel_loop3A_1069 : vector<16xf32>
        %parallel_loop3A_1123 = arith.index_cast %parallel_loop3A_1067 : i32 to index
        %parallel_loop3A_1124 = arith.constant 112 : index
        %parallel_loop3A_1125 = tpu.vector_load %arg21[%parallel_loop3A_1123, %parallel_loop3A_1124] {strides = array<i32>} : memref<96x128xf32, #tpu.memory_space<vmem>>, vector<16xf32>,
        tpu.vector_store %arg21[%parallel_loop3A_1123, %parallel_loop3A_1124], %parallel_loop3A_1122 {strides = array<i32>} : memref<96x128xf32, #tpu.memory_space<vmem>>, vector<16xf32>,
      } {sc.loop_unroll_factor = 8 : i64, sc.parallel_access}
      %dma_start3A_1051 = arith.constant 0 : i32
      %dma_start3A_1052 = arith.constant 0 : i32
      %dma_start3A_1053 = tpu.memref_slice %arg26[%dma_start3A_1051, %dma_start3A_1052] : memref<10240x128xf32, #tpu.memory_space<vmem_shared>> -> memref<10240x128xf32, #tpu.memory_space<vmem_shared>>
      tpu.enqueue_indirect_dma source(%arg21 : memref<96x128xf32, #tpu.memory_space<vmem>>) target(%dma_start3A_1053 : memref<10240x128xf32, #tpu.memory_space<vmem_shared>>) offsets(%arg19 : memref<96xi32, #tpu.memory_space<vmem>>) semaphore(%arg31 : memref<!tpu.dma_semaphore, #tpu.memory_space<semaphore_mem>>) {add = true}
      %dma_start3A_1054 = arith.constant 0 : i32
      %dma_start3A_1055 = tpu.memref_slice %arg27[%dma_start3A_1054] : memref<10240xf32, #tpu.memory_space<vmem_shared>> -> memref<10240xf32, #tpu.memory_space<vmem_shared>>
      tpu.enqueue_indirect_dma source(%arg23 : memref<96xf32, #tpu.memory_space<vmem>>) target(%dma_start3A_1055 : memref<10240xf32, #tpu.memory_space<vmem_shared>>) offsets(%arg19 : memref<96xi32, #tpu.memory_space<vmem>>) semaphore(%arg31 : memref<!tpu.dma_semaphore, #tpu.memory_space<semaphore_mem>>) {add = true}
      %dma_wait3A_1056 = arith.constant 0 : i32
      %dma_wait3A_1057 = arith.constant 0 : i32
      %dma_wait3A_1058 = tpu.memref_slice %arg26[%dma_wait3A_1056, %dma_wait3A_1057] : memref<10240x128xf32, #tpu.memory_space<vmem_shared>> -> memref<10240x128xf32, #tpu.memory_space<vmem_shared>>
      tpu.wait_indirect_dma semaphore(%arg31 : memref<!tpu.dma_semaphore, #tpu.memory_space<semaphore_mem>>) src(%arg20 : memref<96x128xf32, #tpu.memory_space<vmem>>) dst(%dma_wait3A_1058 : memref<10240x128xf32, #tpu.memory_space<vmem_shared>>)
      %dma_wait3A_1059 = arith.constant 0 : i32
      %dma_wait3A_1060 = tpu.memref_slice %arg27[%dma_wait3A_1059] : memref<10240xf32, #tpu.memory_space<vmem_shared>> -> memref<10240xf32, #tpu.memory_space<vmem_shared>>
      tpu.wait_indirect_dma semaphore(%arg31 : memref<!tpu.dma_semaphore, #tpu.memory_space<semaphore_mem>>) src(%arg22 : memref<96xf32, #tpu.memory_space<vmem>>) dst(%dma_wait3A_1060 : memref<10240xf32, #tpu.memory_space<vmem_shared>>)
      %dma_wait3A_1061 = arith.constant 0 : i32
      %dma_wait3A_1062 = arith.constant 0 : i32
      %dma_wait3A_1063 = tpu.memref_slice %arg26[%dma_wait3A_1061, %dma_wait3A_1062] : memref<10240x128xf32, #tpu.memory_space<vmem_shared>> -> memref<10240x128xf32, #tpu.memory_space<vmem_shared>>
      tpu.wait_indirect_dma semaphore(%arg31 : memref<!tpu.dma_semaphore, #tpu.memory_space<semaphore_mem>>) src(%arg21 : memref<96x128xf32, #tpu.memory_space<vmem>>) dst(%dma_wait3A_1063 : memref<10240x128xf32, #tpu.memory_space<vmem_shared>>)
      %dma_wait3A_1064 = arith.constant 0 : i32
      %dma_wait3A_1065 = tpu.memref_slice %arg27[%dma_wait3A_1064] : memref<10240xf32, #tpu.memory_space<vmem_shared>> -> memref<10240xf32, #tpu.memory_space<vmem_shared>>
      tpu.wait_indirect_dma semaphore(%arg31 : memref<!tpu.dma_semaphore, #tpu.memory_space<semaphore_mem>>) src(%arg23 : memref<96xf32, #tpu.memory_space<vmem>>) dst(%dma_wait3A_1065 : memref<10240xf32, #tpu.memory_space<vmem_shared>>)
      %scan3A_1066 = arith.constant 0 : i32
      scf.yield %scan3A_1066 : i32
    }
    %scan3A_51 = arith.constant 27 : i32
    %dma_wait3A = tpu.memref_slice %arg3[%mul3A_2] : memref<331968xi32, #tpu.memory_space<hbm>> -> memref<96xi32, #tpu.memory_space<hbm>>
    %dma_wait3A_52 = tpu.memref_slice %arg3[%mul3A_2] : memref<331968xi32, #tpu.memory_space<hbm>> -> memref<96xi32, #tpu.memory_space<hbm>>
    tpu.wait_dma2 semaphore(%arg28 : memref<!tpu.dma_semaphore, #tpu.memory_space<semaphore_mem>>) src(%dma_wait3A_52 : memref<96xi32, #tpu.memory_space<hbm>>) dst(%arg12 : memref<96xi32, #tpu.memory_space<vmem>>)
    %dma_wait3A_53 = tpu.memref_slice %arg3[%mul3A_2] : memref<331968xi32, #tpu.memory_space<hbm>> -> memref<96xi32, #tpu.memory_space<hbm>>
    %dma_wait3A_54 = tpu.memref_slice %arg3[%mul3A_2] : memref<331968xi32, #tpu.memory_space<hbm>> -> memref<96xi32, #tpu.memory_space<hbm>>
    tpu.wait_dma2 semaphore(%arg28 : memref<!tpu.dma_semaphore, #tpu.memory_space<semaphore_mem>>) src(%dma_wait3A_54 : memref<96xi32, #tpu.memory_space<hbm>>) dst(%arg13 : memref<96xi32, #tpu.memory_space<vmem>>)
    %dma_wait3A_55 = tpu.memref_slice %arg3[%mul3A_2] : memref<331968xi32, #tpu.memory_space<hbm>> -> memref<96xi32, #tpu.memory_space<hbm>>
    %dma_wait3A_56 = tpu.memref_slice %arg3[%mul3A_2] : memref<331968xi32, #tpu.memory_space<hbm>> -> memref<96xi32, #tpu.memory_space<hbm>>
    tpu.wait_dma2 semaphore(%arg28 : memref<!tpu.dma_semaphore, #tpu.memory_space<semaphore_mem>>) src(%dma_wait3A_56 : memref<96xi32, #tpu.memory_space<hbm>>) dst(%arg14 : memref<96xi32, #tpu.memory_space<vmem>>)
    %dma_wait3A_57 = tpu.memref_slice %arg3[%mul3A_2] : memref<331968xi32, #tpu.memory_space<hbm>> -> memref<96xi32, #tpu.memory_space<hbm>>
    %dma_wait3A_58 = tpu.memref_slice %arg3[%mul3A_2] : memref<331968xi32, #tpu.memory_space<hbm>> -> memref<96xi32, #tpu.memory_space<hbm>>
    tpu.wait_dma2 semaphore(%arg28 : memref<!tpu.dma_semaphore, #tpu.memory_space<semaphore_mem>>) src(%dma_wait3A_58 : memref<96xi32, #tpu.memory_space<hbm>>) dst(%arg15 : memref<96xi32, #tpu.memory_space<vmem>>)
    %barrier3A_59 = arith.constant 0 : index
    tpu.barrier barrier_id(%barrier3A_59)
    "tpu.region"() ({
      %run_scoped3A = tpu.sem_alloc : memref<!tpu.dma_semaphore, #tpu.memory_space<semaphore_mem>>
      %dma_start3A_63 = arith.constant 0 : i32
      %dma_start3A_64 = tpu.memref_slice %arg8[%arg0, %mul3A_4, %dma_start3A_63] : memref<2x10240x128xf32, #tpu.memory_space<hbm>> -> memref<1x640x128xf32, #tpu.memory_space<hbm>>
      %dma_start3A_65 = tpu.memref_squeeze %dma_start3A_64 : memref<1x640x128xf32, #tpu.memory_space<hbm>> -> memref<640x128xf32, #tpu.memory_space<hbm>>
      %dma_start3A_66 = arith.constant 0 : i32
      %dma_start3A_67 = tpu.memref_slice %arg26[%mul3A_4, %dma_start3A_66] : memref<10240x128xf32, #tpu.memory_space<vmem_shared>> -> memref<640x128xf32, #tpu.memory_space<vmem_shared>>
      tpu.enqueue_dma source(%dma_start3A_67 : memref<640x128xf32, #tpu.memory_space<vmem_shared>>) target(%dma_start3A_65 : memref<640x128xf32, #tpu.memory_space<hbm>>) target_semaphore(%run_scoped3A : memref<!tpu.dma_semaphore, #tpu.memory_space<semaphore_mem>>)
      %dma_wait3A_68 = arith.constant 0 : i32
      %dma_wait3A_69 = tpu.memref_slice %arg8[%arg0, %mul3A_4, %dma_wait3A_68] : memref<2x10240x128xf32, #tpu.memory_space<hbm>> -> memref<1x640x128xf32, #tpu.memory_space<hbm>>
      %dma_wait3A_70 = tpu.memref_squeeze %dma_wait3A_69 : memref<1x640x128xf32, #tpu.memory_space<hbm>> -> memref<640x128xf32, #tpu.memory_space<hbm>>
      %dma_wait3A_71 = arith.constant 0 : i32
      %dma_wait3A_72 = tpu.memref_slice %arg26[%mul3A_4, %dma_wait3A_71] : memref<10240x128xf32, #tpu.memory_space<vmem_shared>> -> memref<640x128xf32, #tpu.memory_space<vmem_shared>>
      tpu.wait_dma2 semaphore(%run_scoped3A : memref<!tpu.dma_semaphore, #tpu.memory_space<semaphore_mem>>) src(%dma_wait3A_72 : memref<640x128xf32, #tpu.memory_space<vmem_shared>>) dst(%dma_wait3A_70 : memref<640x128xf32, #tpu.memory_space<hbm>>)
      tpu.yield
    }) : () -> ()
    %mul3A_60 = arith.constant 10240 : i32
    %mul3A_61 = arith.muli %arg0, %mul3A_60 : i32
    %add3A_62 = arith.addi %mul3A_61, %mul3A_4 : i32
    "tpu.region"() ({
      %run_scoped3A = tpu.sem_alloc : memref<!tpu.dma_semaphore, #tpu.memory_space<semaphore_mem>>
      %dma_start3A_63 = tpu.memref_slice %arg9[%add3A_62] : memref<20480xf32, #tpu.memory_space<hbm>> -> memref<640xf32, #tpu.memory_space<hbm>>
      %dma_start3A_64 = tpu.memref_slice %arg27[%mul3A_4] : memref<10240xf32, #tpu.memory_space<vmem_shared>> -> memref<640xf32, #tpu.memory_space<vmem_shared>>
      tpu.enqueue_dma source(%dma_start3A_64 : memref<640xf32, #tpu.memory_space<vmem_shared>>) target(%dma_start3A_63 : memref<640xf32, #tpu.memory_space<hbm>>) target_semaphore(%run_scoped3A : memref<!tpu.dma_semaphore, #tpu.memory_space<semaphore_mem>>)
      %dma_wait3A_65 = tpu.memref_slice %arg9[%add3A_62] : memref<20480xf32, #tpu.memory_space<hbm>> -> memref<640xf32, #tpu.memory_space<hbm>>
      %dma_wait3A_66 = tpu.memref_slice %arg27[%mul3A_4] : memref<10240xf32, #tpu.memory_space<vmem_shared>> -> memref<640xf32, #tpu.memory_space<vmem_shared>>
      tpu.wait_dma2 semaphore(%run_scoped3A : memref<!tpu.dma_semaphore, #tpu.memory_space<semaphore_mem>>) src(%dma_wait3A_66 : memref<640xf32, #tpu.memory_space<vmem_shared>>) dst(%dma_wait3A_65 : memref<640xf32, #tpu.memory_space<hbm>>)
      tpu.yield
    }) : () -> ()
    return
  }
}

module attributes {stable_mosaic.version = 14 : i64} {
  func.func @_stage1_body(%arg0: i32, %arg1: memref<400x128xf32, #tpu.memory_space<vmem>>, %arg2: memref<128x128xf32, #tpu.memory_space<vmem>>, %arg3: memref<1x128xf32, #tpu.memory_space<vmem>>, %arg4: memref<1x128xf32, #tpu.memory_space<vmem>>, %arg5: memref<400x128xf32, #tpu.memory_space<vmem>>, %arg6: memref<400x1xf32, #tpu.memory_space<vmem>>, %arg7: memref<400x1xf32, #tpu.memory_space<vmem>>, %arg8: memref<1x16xf32, #tpu.memory_space<vmem>>) attributes {dimension_semantics = [#tpu.dimension_semantics<arbitrary>], iteration_bounds = array<i64: 25>, scalar_prefetch = 0 : i64, scratch_operands = 0 : i64, tpu.core_type = #tpu.core_type<tc>, window_params = [{transform_indices = @transform_0, window_bounds = array<i64: 400, 128>}, {pipeline_mode = #tpu.pipeline_mode<synchronous>, transform_indices = @transform_1, window_bounds = array<i64: 128, 128>}, {pipeline_mode = #tpu.pipeline_mode<synchronous>, transform_indices = @transform_2, window_bounds = array<i64: 1, 128>}, {pipeline_mode = #tpu.pipeline_mode<synchronous>, transform_indices = @transform_3, window_bounds = array<i64: 1, 128>}, {transform_indices = @transform_4, window_bounds = array<i64: 400, 128>}, {transform_indices = @transform_5, window_bounds = array<i64: 400, 1>}, {transform_indices = @transform_6, window_bounds = array<i64: 400, 1>}, {pipeline_mode = #tpu.pipeline_mode<synchronous>, transform_indices = @transform_7, window_bounds = array<i64: 1, 16>}]} {
    %get3A = arith.constant 0 : index
    %get3A_0 = arith.constant 0 : index
    %get3A_1 = vector.load %arg1[%get3A, %get3A_0] : memref<400x128xf32, #tpu.memory_space<vmem>>, vector<400x128xf32>
    %get3A_2 = arith.constant 0 : index
    %get3A_3 = arith.constant 0 : index
    %get3A_4 = vector.load %arg2[%get3A_2, %get3A_3] : memref<128x128xf32, #tpu.memory_space<vmem>>, vector<128x128xf32>
    %dot_general3A = arith.constant dense<0.000000e+00> : vector<400x128xf32>
    %dot_general3A_5 = tpu.matmul %get3A_1, %get3A_4, %dot_general3A {dimension_numbers = #tpu.dot_dimension_numbers<[1], [0], [0], [1], [0, 0, 1, 1], [], []>, transpose_lhs_hint = false} : vector<400x128xf32>, vector<128x128xf32>, vector<400x128xf32> -> vector<400x128xf32>
    %swap3A = arith.constant 0 : index
    %swap3A_6 = arith.constant 0 : index
    %swap3A_7 = vector.load %arg5[%swap3A, %swap3A_6] : memref<400x128xf32, #tpu.memory_space<vmem>>, vector<400x128xf32>
    tpu.vector_store %arg5[%swap3A, %swap3A_6], %dot_general3A_5 {strides = array<i32>} : memref<400x128xf32, #tpu.memory_space<vmem>>, vector<400x128xf32>,
    %get3A_8 = arith.constant 0 : index
    %get3A_9 = arith.constant 0 : index
    %get3A_10 = vector.load %arg3[%get3A_8, %get3A_9] : memref<1x128xf32, #tpu.memory_space<vmem>>, vector<1x128xf32>
    %mul3A = vector.broadcast %get3A_10 : vector<1x128xf32> to vector<400x128xf32>
    %mul3A_11 = arith.mulf %dot_general3A_5, %mul3A : vector<400x128xf32>
    %reduce_sum3A = arith.constant dense<0.000000e+00> : vector<400xf32>
    %reduce_sum3A_12 = vector.multi_reduction <add>, %mul3A_11, %reduce_sum3A [1] : vector<400x128xf32> to vector<400xf32>
    %broadcast_in_dim3A = vector.shape_cast %reduce_sum3A_12 : vector<400xf32> to vector<400x1xf32>
    %get3A_13 = arith.constant 0 : index
    %get3A_14 = arith.constant 0 : index
    %get3A_15 = vector.load %arg4[%get3A_13, %get3A_14] : memref<1x128xf32, #tpu.memory_space<vmem>>, vector<1x128xf32>
    %mul3A_16 = vector.broadcast %get3A_15 : vector<1x128xf32> to vector<400x128xf32>
    %mul3A_17 = arith.mulf %dot_general3A_5, %mul3A_16 : vector<400x128xf32>
    %reduce_sum3A_18 = arith.constant dense<0.000000e+00> : vector<400xf32>
    %reduce_sum3A_19 = vector.multi_reduction <add>, %mul3A_17, %reduce_sum3A_18 [1] : vector<400x128xf32> to vector<400xf32>
    %broadcast_in_dim3A_20 = vector.shape_cast %reduce_sum3A_19 : vector<400xf32> to vector<400x1xf32>
    %swap3A_21 = arith.constant 0 : index
    %swap3A_22 = arith.constant 0 : index
    %swap3A_23 = vector.load %arg6[%swap3A_21, %swap3A_22] : memref<400x1xf32, #tpu.memory_space<vmem>>, vector<400x1xf32>
    tpu.vector_store %arg6[%swap3A_21, %swap3A_22], %broadcast_in_dim3A {strides = array<i32>} : memref<400x1xf32, #tpu.memory_space<vmem>>, vector<400x1xf32>,
    %swap3A_24 = arith.constant 0 : index
    %swap3A_25 = arith.constant 0 : index
    %swap3A_26 = vector.load %arg7[%swap3A_24, %swap3A_25] : memref<400x1xf32, #tpu.memory_space<vmem>>, vector<400x1xf32>
    tpu.vector_store %arg7[%swap3A_24, %swap3A_25], %broadcast_in_dim3A_20 {strides = array<i32>} : memref<400x1xf32, #tpu.memory_space<vmem>>, vector<400x1xf32>,
    %reduce_max3A = vector.shape_cast %broadcast_in_dim3A : vector<400x1xf32> to vector<1x400x1xf32>
    %reduce_max3A_27 = arith.constant dense<0xFF800000> : vector<1xf32>
    %reduce_max3A_28 = vector.multi_reduction <maximumf>, %reduce_max3A, %reduce_max3A_27 [1, 2] : vector<1x400x1xf32> to vector<1xf32>
    %reduce_max3A_29 = vector.shape_cast %reduce_max3A_28 : vector<1xf32> to vector<1x1x1xf32>
    %reduce_max3A_30 = vector.extract %reduce_max3A_29[0, 0, 0] : f32 from vector<1x1x1xf32>
    %eq3A = arith.constant 0 : i32
    %eq3A_31 = arith.cmpi eq, %arg0, %eq3A : i32
    %convert_element_type3A = arith.extui %eq3A_31 : i1 to i32
    %cond3A = arith.constant 0 : i32
    %cond3A_32 = arith.cmpi ne, %convert_element_type3A, %cond3A : i32
    scf.if %cond3A_32 {
      %broadcast_in_dim3A_40 = arith.constant 0xFF800000 : f32
      %broadcast_in_dim3A_41 = vector.broadcast %broadcast_in_dim3A_40 : f32 to vector<1x16xf32>
      %swap3A_42 = arith.constant 0 : index
      %swap3A_43 = arith.constant 0 : index
      %swap3A_44 = vector.load %arg8[%swap3A_42, %swap3A_43] : memref<1x16xf32, #tpu.memory_space<vmem>>, vector<1x16xf32>
      tpu.vector_store %arg8[%swap3A_42, %swap3A_43], %broadcast_in_dim3A_41 {strides = array<i32>} : memref<1x16xf32, #tpu.memory_space<vmem>>, vector<1x16xf32>,
    } else {
    }
    %get3A_33 = arith.constant 0 : index
    %get3A_34 = arith.constant 0 : index
    %get3A_35 = vector.load %arg8[%get3A_33, %get3A_34] : memref<1x16xf32, #tpu.memory_space<vmem>>, vector<1x16xf32>
    %max3A = vector.broadcast %reduce_max3A_30 : f32 to vector<1x16xf32>
    %max3A_36 = arith.maximumf %get3A_35, %max3A : vector<1x16xf32>
    %swap3A_37 = arith.constant 0 : index
    %swap3A_38 = arith.constant 0 : index
    %swap3A_39 = vector.load %arg8[%swap3A_37, %swap3A_38] : memref<1x16xf32, #tpu.memory_space<vmem>>, vector<1x16xf32>
    tpu.vector_store %arg8[%swap3A_37, %swap3A_38], %max3A_36 {strides = array<i32>} : memref<1x16xf32, #tpu.memory_space<vmem>>, vector<1x16xf32>,
    return
  }
  func.func @transform_0(%arg0: i32) -> (i32, i32) {
    %c0_i32 = arith.constant 0 : i32
    %c0_i32_0 = arith.constant 0 : i32
    return %arg0, %c0_i32 : i32, i32
  }
  func.func @transform_1(%arg0: i32) -> (i32, i32) {
    %c0_i32 = arith.constant 0 : i32
    %c0_i32_0 = arith.constant 0 : i32
    %c0_i32_1 = arith.constant 0 : i32
    return %c0_i32, %c0_i32_0 : i32, i32
  }
  func.func @transform_2(%arg0: i32) -> (i32, i32) {
    %c0_i32 = arith.constant 0 : i32
    %c0_i32_0 = arith.constant 0 : i32
    %c0_i32_1 = arith.constant 0 : i32
    return %c0_i32, %c0_i32_0 : i32, i32
  }
  func.func @transform_3(%arg0: i32) -> (i32, i32) {
    %c0_i32 = arith.constant 0 : i32
    %c0_i32_0 = arith.constant 0 : i32
    %c0_i32_1 = arith.constant 0 : i32
    return %c0_i32, %c0_i32_0 : i32, i32
  }
  func.func @transform_4(%arg0: i32) -> (i32, i32) {
    %c0_i32 = arith.constant 0 : i32
    %c0_i32_0 = arith.constant 0 : i32
    return %arg0, %c0_i32 : i32, i32
  }
  func.func @transform_5(%arg0: i32) -> (i32, i32) {
    %c0_i32 = arith.constant 0 : i32
    %c0_i32_0 = arith.constant 0 : i32
    return %arg0, %c0_i32 : i32, i32
  }
  func.func @transform_6(%arg0: i32) -> (i32, i32) {
    %c0_i32 = arith.constant 0 : i32
    %c0_i32_0 = arith.constant 0 : i32
    return %arg0, %c0_i32 : i32, i32
  }
  func.func @transform_7(%arg0: i32) -> (i32, i32) {
    %c0_i32 = arith.constant 0 : i32
    %c0_i32_0 = arith.constant 0 : i32
    %c0_i32_1 = arith.constant 0 : i32
    return %c0_i32, %c0_i32_0 : i32, i32
  }
}

module attributes {stable_mosaic.version = 14 : i64} {
  func.func @_stage3_body(%arg0: i32, %arg1: memref<2x400x128xf32, #tpu.memory_space<vmem>>, %arg2: memref<2x400x1xf32, #tpu.memory_space<vmem>>, %arg3: memref<1x128xf32, #tpu.memory_space<vmem>>, %arg4: memref<400x128xf32, #tpu.memory_space<vmem>>) attributes {dimension_semantics = [#tpu.dimension_semantics<arbitrary>], iteration_bounds = array<i64: 25>, scalar_prefetch = 0 : i64, scratch_operands = 0 : i64, tpu.core_type = #tpu.core_type<tc>, window_params = [{transform_indices = @transform_0, window_bounds = array<i64: 2, 400, 128>}, {transform_indices = @transform_1, window_bounds = array<i64: 2, 400, 1>}, {pipeline_mode = #tpu.pipeline_mode<synchronous>, transform_indices = @transform_2, window_bounds = array<i64: 1, 128>}, {transform_indices = @transform_3, window_bounds = array<i64: 400, 128>}]} {
    %get3A = arith.constant 0 : index
    %get3A_0 = arith.constant 0 : index
    %get3A_1 = arith.constant 0 : index
    %get3A_2 = vector.load %arg1[%get3A, %get3A_0, %get3A_1] : memref<2x400x128xf32, #tpu.memory_space<vmem>>, vector<1x400x128xf32>
    %get3A_3 = vector.shape_cast %get3A_2 : vector<1x400x128xf32> to vector<400x128xf32>
    %get3A_4 = arith.constant 1 : index
    %get3A_5 = arith.constant 0 : index
    %get3A_6 = arith.constant 0 : index
    %get3A_7 = vector.load %arg1[%get3A_4, %get3A_5, %get3A_6] : memref<2x400x128xf32, #tpu.memory_space<vmem>>, vector<1x400x128xf32>
    %get3A_8 = vector.shape_cast %get3A_7 : vector<1x400x128xf32> to vector<400x128xf32>
    %add3A = arith.addf %get3A_3, %get3A_8 : vector<400x128xf32>
    %get3A_9 = arith.constant 0 : index
    %get3A_10 = arith.constant 0 : index
    %get3A_11 = arith.constant 0 : index
    %get3A_12 = vector.load %arg2[%get3A_9, %get3A_10, %get3A_11] : memref<2x400x1xf32, #tpu.memory_space<vmem>>, vector<1x400x1xf32>
    %get3A_13 = vector.shape_cast %get3A_12 : vector<1x400x1xf32> to vector<400x1xf32>
    %get3A_14 = arith.constant 1 : index
    %get3A_15 = arith.constant 0 : index
    %get3A_16 = arith.constant 0 : index
    %get3A_17 = vector.load %arg2[%get3A_14, %get3A_15, %get3A_16] : memref<2x400x1xf32, #tpu.memory_space<vmem>>, vector<1x400x1xf32>
    %get3A_18 = vector.shape_cast %get3A_17 : vector<1x400x1xf32> to vector<400x1xf32>
    %add3A_19 = arith.addf %get3A_13, %get3A_18 : vector<400x1xf32>
    %add3A_20 = arith.constant 1.000000e-16 : f32
    %add3A_21 = vector.broadcast %add3A_20 : f32 to vector<400x1xf32>
    %add3A_22 = arith.addf %add3A_19, %add3A_21 : vector<400x1xf32>
    %div3A = vector.broadcast %add3A_22 : vector<400x1xf32> to vector<400x128xf32>
    %div3A_23 = arith.divf %add3A, %div3A : vector<400x128xf32>
    %get3A_24 = arith.constant 0 : index
    %get3A_25 = arith.constant 0 : index
    %get3A_26 = vector.load %arg3[%get3A_24, %get3A_25] : memref<1x128xf32, #tpu.memory_space<vmem>>, vector<1x128xf32>
    %add3A_27 = vector.broadcast %get3A_26 : vector<1x128xf32> to vector<400x128xf32>
    %add3A_28 = arith.addf %div3A_23, %add3A_27 : vector<400x128xf32>
    %max3A = arith.constant 0.000000e+00 : f32
    %max3A_29 = vector.broadcast %max3A : f32 to vector<400x128xf32>
    %max3A_30 = arith.maximumf %add3A_28, %max3A_29 : vector<400x128xf32>
    %mul3A = arith.mulf %max3A_30, %max3A_30 : vector<400x128xf32>
    %reduce_sum3A = arith.constant dense<0.000000e+00> : vector<400xf32>
    %reduce_sum3A_31 = vector.multi_reduction <add>, %mul3A, %reduce_sum3A [1] : vector<400x128xf32> to vector<400xf32>
    %broadcast_in_dim3A = vector.shape_cast %reduce_sum3A_31 : vector<400xf32> to vector<400x1xf32>
    %sqrt3A = math.sqrt %broadcast_in_dim3A : vector<400x1xf32>
    %max3A_32 = arith.constant 9.99999996E-13 : f32
    %max3A_33 = vector.broadcast %max3A_32 : f32 to vector<400x1xf32>
    %max3A_34 = arith.maximumf %sqrt3A, %max3A_33 : vector<400x1xf32>
    %div3A_35 = vector.broadcast %max3A_34 : vector<400x1xf32> to vector<400x128xf32>
    %div3A_36 = arith.divf %max3A_30, %div3A_35 : vector<400x128xf32>
    %swap3A = arith.constant 0 : index
    %swap3A_37 = arith.constant 0 : index
    %swap3A_38 = vector.load %arg4[%swap3A, %swap3A_37] : memref<400x128xf32, #tpu.memory_space<vmem>>, vector<400x128xf32>
    tpu.vector_store %arg4[%swap3A, %swap3A_37], %div3A_36 {strides = array<i32>} : memref<400x128xf32, #tpu.memory_space<vmem>>, vector<400x128xf32>,
    return
  }
  func.func @transform_0(%arg0: i32) -> (i32, i32, i32) {
    %c0_i32 = arith.constant 0 : i32
    %c0_i32_0 = arith.constant 0 : i32
    %c0_i32_1 = arith.constant 0 : i32
    return %c0_i32, %arg0, %c0_i32_0 : i32, i32, i32
  }
  func.func @transform_1(%arg0: i32) -> (i32, i32, i32) {
    %c0_i32 = arith.constant 0 : i32
    %c0_i32_0 = arith.constant 0 : i32
    %c0_i32_1 = arith.constant 0 : i32
    return %c0_i32, %arg0, %c0_i32_0 : i32, i32, i32
  }
  func.func @transform_2(%arg0: i32) -> (i32, i32) {
    %c0_i32 = arith.constant 0 : i32
    %c0_i32_0 = arith.constant 0 : i32
    %c0_i32_1 = arith.constant 0 : i32
    return %c0_i32, %c0_i32_0 : i32, i32
  }
  func.func @transform_3(%arg0: i32) -> (i32, i32) {
    %c0_i32 = arith.constant 0 : i32
    %c0_i32_0 = arith.constant 0 : i32
    return %arg0, %c0_i32 : i32, i32
  }
}

</mosaic_0001>

<sc_bundles>
// kernel: kernel.5.cloned.1.call-start
scs
__scs_entry_jumppad:
0x0: {  	(pc) =	sbr.rel $0x88, $3  }
0x1: {  	(tag) =	ssettag $0x0;
	lr =	simm.s32 $0x1  }
0x2: {  	[smem:$0x3F9B] =	sst lr;
	_ =	strace $0xD0000000  }
0x3: {  	_ = 	snop  }
0x4: {  	_ = 	snop  }
0x5: {  	_ = 	snop  }
0x6: {  	_ = 	snop  }
0x7: {  	_ = 	snop  }
__scs_overlays_trampoline_lowered:
0x8: {  	[smem:$0x3FAA] =	sst s0  }
0x9: {  	[smem:$0x3FAB] =	sst s1  }
0xa: {  	[smem:$0x3FAC] =	sst s2  }
0xb: {  	[smem:$0x3FAD] =	sst s3  }
0xc: {  	[smem:$0x3FAE] =	sst s4  }
0xd: {  	[smem:$0x3FAF] =	sst s5  }
0xe: {  	[smem:$0x3FB0] =	sst s6  }
0xf: {  	[smem:$0x3FB1] =	sst s7  }
0x10: {  	[smem:$0x3FB2] =	sst s8  }
0x11: {  	[smem:$0x3FB3] =	sst s9;
	s0 =	simm.s32 @!p0 $0x0  }
0x12: {  	s1 =	sld [smem:$0x3F99];
	s0 =	simm.s32 @p0 $0x1  }
0x13: {  	[smem:$0x3FB4] =	sst s0;
	s0 =	simm.s32 @!p1 $0x0  }
0x14: {  	s2 =	sld [smem:$0x3F98];
	s0 =	simm.s32 @p1 $0x1  }
0x15: {  	[smem:$0x3FB5] =	sst s0;
	s0 =	simm.s32 @!p2 $0x0  }
0x16: {  	s3 =	sld [smem:$0x3FDB];
	s0 =	simm.s32 @p2 $0x1  }
0x17: {  	s4 =	simm.s32 $0x1BF5;
	[smem:$0x3FB7] =	sst s0  }
0x18: {  	s0 =	sld [smem:$0x3F9A];
	_ =	swait.ge [sflag:s4], $0x0  }
0x19: {  	s7 =	sld [smem:$0x3F9B]  }
0x1a: {  	s8 =	sadd.s32 $0xFFFFE003, lr  }
0x1b: {  	s9 =	sadd.s32 $0xFFFFFEF7, lr;
	s5 =	simm.s32 $0xFFFFFFFF;
	p2 =	slt.u32 s8, $0xFFFFF086  }
0x1c: {  	p1 =	slt.u32 s9, $0xF7A;
	s5 =	simm.s32 @!p2 $0x0  }
0x1d: {  	s5 =	simm.s32 @p1 $0x1;
	p0 =	seq.s32 s7, s2  }
0x1e: {  	s7 =	smul.u32 @!p0 $0xF7A, s2;
	p2 =	seq.s32 @!p0 s5, $0x0  }
0x1f: {  	s9 =	smul.u32 $0xF7A, s1;
	s8 =	simm.s32 @!p0 $0x1BF5;
	p2 =	por !p2, p0  }
0x20: {  	[sflag:s8] =	ssyncset.s32 @!p0 $0xFFFFF086;
	s6 =	sadd.s32 @!p0 s3, s7;
	s7 =	simm.s32 @!p0 $0x108  }
0x21: {  	s3 =	sadd.s32 s3, s9;
	s6 =	sadd.s32 @!p0 $0x88, s6;
	s7 =	simm.s32 @p2 $0x1082  }
0x22: {  	[simem:s7], [sflag:s8] =	dma.local @!p0 [hbm:s6], $0xF7A  }
0x23: {  	s9 =	sor.u32 $0xD0000000, s2;
	s6 =	simm.s32 $0x108;
	_ =	swait.ge @!p0 [sflag:s8], $0x0  }
0x24: {  	s3 =	sadd.s32 $0x88, s3;
	s6 =	simm.s32 @!p1 $0x1082;
	[sflag:s4] =	ssyncset.s32 $0xFFFFF086  }
0x25: {  	[simem:s6], [sflag:s4] =	dma.local [hbm:s3], $0xF7A  }
0x26: {  	[smem:$0x3F9B] =	sst s1;
	(tag) =	ssettag s2;
	_ =	strace s9  }
0x27: {  	s1 =	sld [smem:$0x3FAB]  }
0x28: {  	s2 =	sld [smem:$0x3FAC]  }
0x29: {  	s4 =	sld [smem:$0x3FAE]  }
0x2a: {  	p0 =	seq.s32 s5, $0x0;
	s5 =	sld [smem:$0x3FAF]  }
0x2b: {  	s6 =	sld [smem:$0x3FB0]  }
0x2c: {  	s7 =	sld [smem:$0x3FB1]  }
0x2d: {  	s3 =	simm.s32 $0x108;
	s8 =	sld [smem:$0x3FB2]  }
0x2e: {  	s3 =	simm.s32 @!p0 $0x1082;
	s9 =	sld [smem:$0x3FB3]  }
0x2f: {  	lr =	sadd.s32 s0, s3;
	s0 =	sld [smem:$0x3FAA]  }
0x30: {  	s3 =	sld [smem:$0x3FAD]  }
0x31: {  	[smem:$0x3FB6] =	sst s10  }
0x32: {  	s10 =	sld [smem:$0x3FB4];
	_ =	sdelay $0x3  }
0x33: {  	p0 =	seq.s32 s10, $0x1;
	s10 =	sld [smem:$0x3FB6];
	_ =	sdelay $0x3  }
0x34: {  	[smem:$0x3FB6] =	sst s10  }
0x35: {  	s10 =	sld [smem:$0x3FB5];
	_ =	sdelay $0x3  }
0x36: {  	p1 =	seq.s32 s10, $0x1;
	s10 =	sld [smem:$0x3FB6];
	_ =	sdelay $0x3  }
0x37: {  	[smem:$0x3FB6] =	sst s10  }
0x38: {  	s10 =	sld [smem:$0x3FB7]  }
0x39: {  	_ = 	snop;
	(pc) =	sbr.ind lr, $3  }
0x3a: {  	_ = 	snop  }
0x3b: {  	_ = 	snop  }
0x3c: {  	p2 =	seq.s32 s10, $0x1;
	s10 =	sld [smem:$0x3FB6]  }
0x3d: {  	_ =	shalt  }
0x3e: {  	_ =	shalt  }
0x3f: {  	_ =	shalt  }
0x40: {  	_ =	shalt  }
0x41: {  	_ =	shalt  }
0x42: {  	_ =	shalt  }
0x43: {  	_ =	shalt  }
0x44: {  	_ =	shalt  }
0x45: {  	_ =	shalt  }
0x46: {  	_ =	shalt  }
0x47: {  	_ =	shalt  }
0x48: {  	_ =	shalt  }
0x49: {  	_ =	shalt  }
0x4a: {  	_ =	shalt  }
0x4b: {  	_ =	shalt  }
0x4c: {  	_ =	shalt  }
0x4d: {  	_ =	shalt  }
0x4e: {  	_ =	shalt  }
0x4f: {  	_ =	shalt  }
0x50: {  	_ =	shalt  }
0x51: {  	_ =	shalt  }
0x52: {  	_ =	shalt  }
0x53: {  	_ =	shalt  }
0x54: {  	_ =	shalt  }
0x55: {  	_ =	shalt  }
0x56: {  	_ =	shalt  }
0x57: {  	_ =	shalt  }
0x58: {  	_ =	shalt  }
0x59: {  	_ =	shalt  }
0x5a: {  	_ =	shalt  }
0x5b: {  	_ =	shalt  }
0x5c: {  	_ =	shalt  }
0x5d: {  	_ =	shalt  }
0x5e: {  	_ =	shalt  }
0x5f: {  	_ =	shalt  }
0x60: {  	_ =	shalt  }
0x61: {  	_ =	shalt  }
0x62: {  	_ =	shalt  }
0x63: {  	_ =	shalt  }
0x64: {  	_ =	shalt  }
0x65: {  	_ =	shalt  }
0x66: {  	_ =	shalt  }
0x67: {  	_ =	shalt  }
0x68: {  	_ =	shalt  }
0x69: {  	_ =	shalt  }
0x6a: {  	_ =	shalt  }
0x6b: {  	_ =	shalt  }
0x6c: {  	_ =	shalt  }
0x6d: {  	_ =	shalt  }
0x6e: {  	_ =	shalt  }
0x6f: {  	_ =	shalt  }
0x70: {  	_ =	shalt  }
0x71: {  	_ =	shalt  }
0x72: {  	_ =	shalt  }
0x73: {  	_ =	shalt  }
0x74: {  	_ =	shalt  }
0x75: {  	_ =	shalt  }
0x76: {  	_ =	shalt  }
0x77: {  	_ =	shalt  }
0x78: {  	_ =	shalt  }
0x79: {  	_ =	shalt  }
0x7a: {  	_ =	shalt  }
0x7b: {  	_ =	shalt  }
0x7c: {  	_ =	shalt  }
0x7d: {  	_ =	shalt  }
0x7e: {  	_ =	shalt  }
0x7f: {  	_ =	shalt  }
0x80: {  	_ =	shalt  }
0x81: {  	_ =	shalt  }
0x82: {  	_ =	shalt  }
0x83: {  	_ =	shalt  }
0x84: {  	_ =	shalt  }
0x85: {  	_ =	shalt  }
0x86: {  	_ =	shalt  }
0x87: {  	_ =	shalt  }
.Lfunc_end0:
.L_simem_size_0:
called_computation_lowered:
.L_overlay_start_0:
0x88: {  	s2 =	sld [smem:$0x3FD9]  }
0x89: {  	s3 =	sld [smem:$0x3FFE];
	_ =	sdelay $0x1  }
0x8a: {  	s1 =	srdreg.scid  }
0x8b: {  	s0 =	sand.u32 $0x1, s1  }
0x8c: {  	s17 =	sshll.u32 s0, $0xA;
	s2 =	sadd.s32 s3, s2  }
0x8d: {  	s2 =	sadd.s32 s2, s17  }
0x8e: {  	[smem:$0x3FC2] =	sst s2  }
0x8f: {  	_ = 	snop  }
0x90: {  	s2 =	sld [smem:$0x3FD0];
	(tm) =	ssettm $0x1  }
0x91: {  	s18 =	sld [smem:$0x3FFB];
	_ =	sdelay $0x3  }
0x92: {  	_ =	strace s18  }
0x93: {  	s3 =	sld [smem:$0x3FFC];
	_ =	sdelay $0x3  }
0x94: {  	_ =	strace s3  }
0x95: {  	s3 =	sld [smem:$0x3FFD];
	_ =	sdelay $0x3  }
0x96: {  	_ =	strace s3  }
0x97: {  	_ =	strace $0x8FFFFFFF  }
0x98: {  	s19 =	sld [smem:$0x3FDB];
	_ =	sdelay $0x1  }
0x99: {  	s4 =	simm.s32 $_scs_section_size  }
0x9a: {  	s5 =	simm.s32 $_size__tile_overlayer_lowered;
	s6 =	simm.s32 $_tile_overlayer_lowered  }
0x9b: {  	s22 =	simm.s32 $0x1BFF;
	s21 =	sshll.u32 s6, $0x1;
	s3 =	sadd.s32 s4, s19  }
0x9c: {  	s7 =	simm.s32 $0x0;
	s20 =	sshll.u32 s5, $0x1;
	s5 =	sadd.s32 s21, s3  }
0x9d: {  	[timem:s7], [sflag:s22] =	dma.local [hbm:s5], s20  }
0x9e: {  	_ =	swait.ge [sflag:s22], s20  }
0x9f: {  	s4 =	ssub.s32 $0x0, s20;
	[sflag:s22] =	ssyncset.done $0x0  }
0xa0: {  	[sflag:s22] =	ssyncadd.s32 s4;
	_ =	sdelay $0x1  }
0xa1: {  	s23 =	simm.s32 $0x1B8B  }
0xa2: {  	_ =	swait.ge [sflag:s23], $0x1  }
0xa3: {  	[sflag:s23] =	ssyncset.done $0x0  }
0xa4: {  	s25 =	simm.s32 $0x1B8E;
	s24 =	sld [smem:$0x3FFE];
	[sflag:s23] =	ssyncadd.s32 $0xFFFFFFFF  }
0xa5: {  	s26 =	simm.s32 $execute0_lowered;
	[smem:$0x3FD2] =	sst s25  }
0xa6: {  	s5 =	sshll.u32 s26, $0x1;
	_ =	strace $0x80000046;
	[dreg:$0x1] =	wrdreg $0xFFFFFFFF  }
0xa7: {  	s28 =	simm.s32 $_size_execute0_lowered;
	s3 =	sadd.s32 s3, s5;
	[dreg:$0x0] =	wrdreg $0x0  }
0xa8: {  	s5 =	sshll.u32 s28, $0x1;
	[dreg:$0x2] =	wrdreg s3  }
0xa9: {  	[dreg:$0x3] =	wrdreg s5  }
0xaa: {  	[dreg:$0x4] =	wrdreg $0xC0  }
0xab: {  	_ =	task [dreg:s7], $0x5FFFF  }
0xac: {  	[dreg:$0x1] =	wrdreg $0xFFFFFFFF  }
0xad: {  	[dreg:$0x0] =	wrdreg $0x60  }
0xae: {  	[dreg:$0x2] =	wrdreg s2  }
0xaf: {  	[dreg:$0x3] =	wrdreg s24  }
0xb0: {  	[dreg:$0x4] =	wrdreg $0xB4700  }
0xb1: {  	[dreg:$0x5] =	wrdreg $0x1F4700  }
0xb2: {  	[dreg:$0x6] =	wrdreg $0x9  }
0xb3: {  	_ =	task.clear_ibuf [dreg:s7], $0x7FFFF;
	_ =	strace $0x90000046  }
0xb4: {  	s29 =	simm.s32 $0x9;
	_ =	strace $0x80000048  }
0xb5: {  	_ =	swait.ge [sflag:s29], $0x1  }
0xb6: {  	[sflag:s29] =	ssyncadd.s32 $0xFFFFFFFF  }
0xb7: {  	_ =	strace $0x90000048  }
0xb8: {  	_ =	sfence  }
0xb9: {  	s30 =	sld [smem:$0x0];
	_ =	sdelay $0x2  }
0xba: {  	s31 =	sshll.u32 s1, $0xD;
	s1 =	sshrl.u32 s1, $0x2  }
0xbb: {  	s3 =	sand.u32 $0x4000, s31;
	s1 =	sadd.s32 s1, s30  }
0xbc: {  	s0 =	sor.u32 s3, s0;
	s1 =	sshll.u32 s1, $0x11  }
0xbd: {  	s0 =	sor.u32 s1, s0  }
0xbe: {  	s0 =	sadd.s32 $0x8F2B, s0  }
0xbf: {  	[sflag:s0] =	ssyncadd.remote.s32 $0x1  }
0xc0: {  	_ =	sfence.sel $0xFFFF  }
0xc1: {  	[dreg:$0x0] =	wrdreg $0xFFFFFFFF;
	(pc) =	sbr.abs _section_cstart, $3  }
0xc2: {  	[dreg:$0x1] =	wrdreg $0xFFFFFFFF  }
0xc3: {  	_ =	task.clear_ibuf [dreg:s7], $0x2FFFF;
	_ =	strace $0x9FFFFFFF  }
0xc4: {  	(tm) =	ssettm $0x7FFFFFFF  }
0xc5: {  	_ =	shalt  }
tec
execute0_lowered:
.L_overlay_start_1:
0x0: {  	(tag) =	ssettag $0x1  }
0x1: {  	s1 =	rddreg [dreg:$0x0]  }
0x2: {  	s0 =	rddreg [dreg:$0x1]  }
0x3: {  	s3 =	rddreg [dreg:$0x2]  }
0x4: {  	s4 =	rddreg [dreg:$0x3]  }
0x5: {  	s2 =	srdreg.scid;
	s13 =	stileid.u32;
	s14 =	simm.s32 $0x0  }
0x6: {  	s30 =	simm.s32 $0x5120;
	s29 =	simm.s32 $0x4FA0;
	s2 =	sand.u32 $0x1, s2  }
0x7: {  	s5 =	smul.u32 $0x14000, s13;
	[smem:$0x7FF] =	sst s14;
	s6 =	sadd.s32 $0xB200, s0  }
0x8: {  	s9 =	smul.u32 $0x280, s13;
	s7 =	sadd.s32 $0xE00, s0;
	s11 =	sadd.s32 $0x15800, s0  }
0x9: {  	s23 =	sadd.s32 $0x15E00, s0;
	s24 =	sadd.s32 $0x15600, s0;
	s12 =	smul.u32 $0x50000, s13  }
0xa: {  	s8 =	smul.u32 $0x140000, s2;
	_ =	strace $0x80000047;
	[dreg:$0x6] =	wrdreg s11  }
0xb: {  	s13 =	sshll.u32 s13, $0x1;
	s10 =	smul.u32 $0x2800, s2;
	[dreg:$0x7] =	wrdreg s23  }
0xc: {  	[dreg:$0x8] =	wrdreg s24;
	s25 =	ssub.s32 $0x2, s2;
	s2 =	sor.u32 s2, s13  }
0xd: {  	s26 =	sshrl.u32 s25, $0x1;
	s28 =	sshrl.u32 s12, $0x2;
	s31 =	smul.u32 $0x2880, s2  }
0xe: {  	s19 =	sadd.s32 s5, s3;
	s8 =	sadd.s32 s5, s8;
	s11 =	sadd.s32 s28, s3  }
0xf: {  	s10 =	sadd.s32 s9, s10;
	[dreg:$0x9] =	wrdreg s19;
	s13 =	sadd.s32 $0x3000, s11  }
0x10: {  	s8 =	sshrl.u32 s8, $0x3;
	s15 =	sadd.s32 $0x6000, s11;
	[dreg:$0xa] =	wrdreg s13  }
0x11: {  	s10 =	sshrl.u32 s10, $0x3;
	s16 =	sadd.s32 $0x9000, s11;
	[dreg:$0xb] =	wrdreg s15  }
0x12: {  	s17 =	sadd.s32 $0xC000, s11;
	s18 =	sadd.s32 $0xF000, s11;
	[dreg:$0xc] =	wrdreg s16  }
0x13: {  	s20 =	sshrl.u32 s31, $0x3;
	s2 =	sadd.s32 $0x12000, s11;
	[dreg:$0xd] =	wrdreg s17  }
0x14: {  	s28 =	sadd.s32 $0xC0, s31;
	s8 =	sadd.s32 s8, s0;
	[dreg:$0xe] =	wrdreg s18  }
0x15: {  	s0 =	sadd.s32 s10, s0;
	s10 =	ssub.s32 s25, s26;
	[dreg:$0xf] =	wrdreg s2  }
0x16: {  	s26 =	sadd.s32 s9, s4;
	s21 =	sor.u32 $0xC, s20;
	s22 =	sadd.s32 s6, s20  }
0x17: {  	s5 =	sadd.s32 s7, s20;
	[dreg:$0x18] =	wrdreg s28;
	s16 =	smov.u32 s31  }
0x18: {  	s31 =	sadd.s32 $0x180, s31;
	s9 =	simm.s32 $0x4EE0;
	[dreg:$0x11] =	wrdreg s22  }
0x19: {  	s13 =	simm.s32 $0x1;
	s15 =	simm.s32 $0x5000;
	[dreg:$0x12] =	wrdreg s5  }
0x1a: {  	s17 =	simm.s32 $0x50C0;
	s18 =	simm.s32 $0x60;
	[dreg:$0x19] =	wrdreg s31  }
0x1b: {  	s20 =	simm.s32 $0x8120;
	s23 =	sadd.s32 s6, s21;
	[dreg:$0x10] =	wrdreg s26  }
0x1c: {  	s2 =	sadd.s32 s7, s21;
	s24 =	sadd.s32 $0x16E00, s8;
	[dreg:$0x13] =	wrdreg s23  }
0x1d: {  	s0 =	sadd.s32 $0x16400, s0;
	s25 =	smax.u32 s10, $0x1;
	[dreg:$0x14] =	wrdreg s2  }
0x1e: {  	s8 =	simm.s32 $0x4E80;
	s10 =	simm.s32 $0x4F40;
	[dreg:$0x15] =	wrdreg s24  }
0x1f: {  	s21 =	simm.s32 $0x2;
	s22 =	simm.s32 $0xB120;
	[dreg:$0x16] =	wrdreg s0  }
0x20: {  	v1 =	vimm.s32 $0x0;
	vm0 =	vcmask $0x300;
	[dreg:$0x17] =	wrdreg s25;
	s0 =	simm.s32 $0x2710;
	s2 =	simm.s32 $0x4E20  }
0x21: {  	v0 =	vimm.f32 $0.0e+00;
	v1 =	vsel vm0, $0x3, v1;
	s23 =	simm.s32 $0x3;
	s24 =	simm.s32 $0xB180;
	s25 =	simm.s32 $0x4  }
.LBB2_1:
0x22: {  	[dreg:$0x5] =	wrdreg s14;
	s5 =	simm.s32 $0x0;
	s11 =	simm.s32 $0x200  }
.LBB2_2:
0x23: {  	p0 =	sne.s32 s11, $0xBE00;
	[tilespmem:s5+$0x5190] =	vst v0  }
0x24: {  	[tilespmem:s5+$0x5120] =	vst v0  }
0x25: {  	[tilespmem:s5+$0x5130] =	vst v0  }
.Ltmp0:
0x26: {  	[tilespmem:s5+$0x5140] =	vst v0;
	(pc) =	sbr.rel @p0 .LBB2_2-.Ltmp0, $4  }
0x27: {  	[tilespmem:s5+$0x5150] =	vst v0  }
0x28: {  	[tilespmem:s5+$0x5160] =	vst v0  }
0x29: {  	[tilespmem:s5+$0x5170] =	vst v0  }
0x2a: {  	[tilespmem:s5+$0x5180] =	vst v0;
	s5 =	sshra.s32 s11, $0x2;
	s11 =	sadd.s32 $0x200, s11  }
0x2b: {  	[tilespmem:s5+$0x5190] =	vst v0  }
0x2c: {  	[tilespmem:s5+$0x5120] =	vst v0  }
0x2d: {  	[tilespmem:s5+$0x5130] =	vst v0  }
0x2e: {  	[tilespmem:s5+$0x5140] =	vst v0  }
0x2f: {  	[tilespmem:s5+$0x5150] =	vst v0  }
0x30: {  	[tilespmem:s5+$0x5160] =	vst v0  }
0x31: {  	[tilespmem:s5+$0x5170] =	vst v0  }
0x32: {  	[tilespmem:s5+$0x5180] =	vst v0  }
0x33: {  	[tilespmem:$0xB1E0] =	vst v0  }
0x34: {  	[tilespmem:$0xB1F0] =	vst v0  }
0x35: {  	[tilespmem:$0xB200] =	vst v0  }
0x36: {  	[tilespmem:$0xB210] =	vst v0  }
0x37: {  	[tilespmem:$0xB220] =	vst v0  }
0x38: {  	[tilespmem:$0xB230] =	vst v0  }
0x39: {  	[tilespmem:$0xB240] =	vst v0  }
0x3a: {  	[tilespmem:$0xB250] =	vst v0  }
0x3b: {  	[tilespmem:$0xB260] =	vst v0  }
0x3c: {  	[tilespmem:$0xB270] =	vst v0  }
0x3d: {  	[tilespmem:$0xB280] =	vst v0  }
0x3e: {  	[tilespmem:$0xB290] =	vst v0  }
0x3f: {  	[tilespmem:$0xB2A0] =	vst v0  }
0x40: {  	[tilespmem:$0xB2B0] =	vst v0  }
0x41: {  	[tilespmem:$0xB2C0] =	vst v0  }
0x42: {  	[tilespmem:$0xB2D0] =	vst v0  }
0x43: {  	[tilespmem:$0xB2E0] =	vst v0  }
0x44: {  	[tilespmem:$0xB2F0] =	vst v0  }
0x45: {  	[tilespmem:$0xB300] =	vst v0  }
0x46: {  	[tilespmem:$0xB310] =	vst v0  }
0x47: {  	[tilespmem:$0xB320] =	vst v0  }
0x48: {  	[tilespmem:$0xB330] =	vst v0  }
0x49: {  	[tilespmem:$0xB340] =	vst v0  }
0x4a: {  	[tilespmem:$0xB350] =	vst v0  }
0x4b: {  	[tilespmem:$0xB360] =	vst v0  }
0x4c: {  	[tilespmem:$0xB370] =	vst v0  }
0x4d: {  	[tilespmem:$0xB380] =	vst v0  }
0x4e: {  	[tilespmem:$0xB390] =	vst v0  }
0x4f: {  	[tilespmem:$0xB3A0] =	vst v0  }
0x50: {  	[tilespmem:$0xB3B0] =	vst v0  }
0x51: {  	[tilespmem:$0xB3C0] =	vst v0  }
0x52: {  	[tilespmem:$0xB3D0] =	vst v0  }
0x53: {  	[tilespmem:$0xB3E0] =	vst v0  }
0x54: {  	[tilespmem:$0xB3F0] =	vst v0  }
0x55: {  	[tilespmem:$0xB400] =	vst v0  }
0x56: {  	[tilespmem:$0xB410] =	vst v0  }
0x57: {  	[tilespmem:$0xB420] =	vst v0  }
0x58: {  	[tilespmem:$0xB430] =	vst v0  }
0x59: {  	[tilespmem:$0xB440] =	vst v0  }
0x5a: {  	s11 =	simm.s32 $0x5;
	[tilespmem:$0xB450] =	vst v0  }
0x5b: {  	[spmem:s19] =	stream.linear.scatter [tilespmem:s30], [sflag:$0x5], $0x3000, $0x38;
	[tilespmem:$0x1F6F0] =	vst v63  }
0x5c: {  	_ =	swait.ge [sflag:s11], $0x3000  }
0x5d: {  	[sflag:s11] =	ssyncset.done $0x0  }
0x5e: {  	s12 =	rddreg [dreg:$0xa];
	[sflag:s11] =	ssyncadd.s32 $0xFFFFD000  }
0x5f: {  	[spmem:s12] =	stream.linear.scatter [tilespmem:s30], [sflag:$0x5], $0x3000, $0x38;
	[tilespmem:$0x1F6F0] =	vst v63  }
0x60: {  	_ =	swait.ge [sflag:s11], $0x3000  }
0x61: {  	[sflag:s11] =	ssyncset.done $0x0  }
0x62: {  	s14 =	rddreg [dreg:$0xb];
	[sflag:s11] =	ssyncadd.s32 $0xFFFFD000  }
0x63: {  	[spmem:s14] =	stream.linear.scatter [tilespmem:s30], [sflag:$0x5], $0x3000, $0x38;
	[tilespmem:$0x1F6F0] =	vst v63  }
0x64: {  	_ =	swait.ge [sflag:s11], $0x3000  }
0x65: {  	[sflag:s11] =	ssyncset.done $0x0  }
0x66: {  	s19 =	rddreg [dreg:$0xc];
	[sflag:s11] =	ssyncadd.s32 $0xFFFFD000  }
0x67: {  	[spmem:s19] =	stream.linear.scatter [tilespmem:s30], [sflag:$0x5], $0x3000, $0x38;
	[tilespmem:$0x1F6F0] =	vst v63  }
0x68: {  	_ =	swait.ge [sflag:s11], $0x3000  }
0x69: {  	[sflag:s11] =	ssyncset.done $0x0  }
0x6a: {  	s28 =	rddreg [dreg:$0xd];
	[sflag:s11] =	ssyncadd.s32 $0xFFFFD000  }
0x6b: {  	[spmem:s28] =	stream.linear.scatter [tilespmem:s30], [sflag:$0x5], $0x3000, $0x38;
	[tilespmem:$0x1F6F0] =	vst v63  }
0x6c: {  	_ =	swait.ge [sflag:s11], $0x3000  }
0x6d: {  	[sflag:s11] =	ssyncset.done $0x0  }
0x6e: {  	s31 =	rddreg [dreg:$0xe];
	[sflag:s11] =	ssyncadd.s32 $0xFFFFD000  }
0x6f: {  	[spmem:s31] =	stream.linear.scatter [tilespmem:s30], [sflag:$0x5], $0x3000, $0x38;
	[tilespmem:$0x1F6F0] =	vst v63  }
0x70: {  	_ =	swait.ge [sflag:s11], $0x3000  }
0x71: {  	[sflag:s11] =	ssyncset.done $0x0  }
0x72: {  	s12 =	rddreg [dreg:$0xf];
	[sflag:s11] =	ssyncadd.s32 $0xFFFFD000  }
0x73: {  	[spmem:s12] =	stream.linear.scatter [tilespmem:s30], [sflag:$0x5], $0x2000, $0x38;
	[tilespmem:$0x1F6F0] =	vst v63  }
0x74: {  	_ =	swait.ge [sflag:s11], $0x2000  }
0x75: {  	[sflag:s11] =	ssyncset.done $0x0  }
0x76: {  	s14 =	simm.s32 $0xB1E0;
	[sflag:s11] =	ssyncadd.s32 $0xFFFFE000  }
0x77: {  	[spmem:s26] =	stream.linear.scatter [tilespmem:s14], [sflag:$0x5], $0x280, $0x38;
	[tilespmem:$0x1F6F0] =	vst v63  }
0x78: {  	_ =	swait.ge [sflag:s11], $0x280  }
0x79: {  	[sflag:s11] =	ssyncset.done $0x0  }
0x7a: {  	s26 =	simm.s32 $0x0;
	s19 =	rddreg [dreg:$0x6];
	[sflag:s11] =	ssyncadd.s32 $0xFFFFFD80  }
0x7b: {  	[tilespmem:s26], [sflag:$0x5] =	stream.linear.gather [hbm4b:s19+s26], $0x2710, $0x38;
	[tilespmem:$0x1F6F0] =	vst v63  }
0x7c: {  	_ =	swait.ge [sflag:s11], $0x2710  }
0x7d: {  	[sflag:s11] =	ssyncset.done $0x0  }
0x7e: {  	s28 =	rddreg [dreg:$0x7];
	[sflag:s11] =	ssyncadd.s32 $0xFFFFD8F0  }
0x7f: {  	[tilespmem:s0], [sflag:$0x5] =	stream.linear.gather [hbm4b:s28+s26], $0x2710, $0x38;
	[tilespmem:$0x1F6F0] =	vst v63  }
0x80: {  	_ =	swait.ge [sflag:s11], $0x2710  }
0x81: {  	[sflag:s11] =	ssyncset.done $0x0  }
0x82: {  	s12 =	simm.s32 $0xB460;
	s31 =	rddreg [dreg:$0x8];
	[sflag:s11] =	ssyncadd.s32 $0xFFFFD8F0  }
0x83: {  	[tilespmem:s12], [sflag:$0x5] =	stream.linear.gather [hbm4b:s31+s26], $0x10, $0x38;
	[tilespmem:$0x1F6F0] =	vst v63  }
0x84: {  	_ =	swait.ge [sflag:s11], $0x10  }
0x85: {  	[sflag:s11] =	ssyncset.done $0x0  }
0x86: {  	[sflag:s11] =	ssyncadd.s32 $0xFFFFFFF0  }
0x87: {  	[bflag:$0x0] =	sbarrier.arrive $0xFFFF  }
0x88: {  	s14 =	rddreg [dreg:$0x11]  }
0x89: {  	v2 =	vld [tilespmem:$0xB460];
	[tilespmem:s2], [sflag:$0x1] =	stream.linear.gather [hbm4b:s14+s26], $0x60, $0x38  }
0x8a: {  	s19 =	rddreg [dreg:$0x12]  }
0x8b: {  	[tilespmem:s8], [sflag:$0x1] =	stream.linear.gather [hbm4b:s19+s26], $0x60, $0x38;
	[tilespmem:$0x1F6F0] =	vst v63  }
0x8c: {  	s28 =	rddreg [dreg:$0x13]  }
0x8d: {  	[tilespmem:s9], [sflag:$0x1] =	stream.linear.gather [hbm4b:s28+s26], $0x60, $0x38;
	[tilespmem:$0x1F6F0] =	vst v63  }
0x8e: {  	s12 =	simm.s32 $0x0;
	s31 =	rddreg [dreg:$0x14]  }
0x8f: {  	[tilespmem:s10], [sflag:$0x1] =	stream.linear.gather [hbm4b:s31+s26], $0x60, $0x38;
	[tilespmem:$0x1F6F0] =	vst v63  }
.LBB2_4:
0x90: {  	_ =	swait.ge [sflag:s13], $0x60  }
0x91: {  	[sflag:s13] =	ssyncset.done $0x0  }
0x92: {  	[sflag:s13] =	ssyncadd.s32 $0xFFFFFFA0  }
0x93: {  	_ =	swait.ge [sflag:s13], $0x60  }
0x94: {  	[sflag:s13] =	ssyncset.done $0x0  }
0x95: {  	[sflag:s13] =	ssyncadd.s32 $0xFFFFFFA0  }
0x96: {  	_ =	swait.ge [sflag:s13], $0x60  }
0x97: {  	[sflag:s13] =	ssyncset.done $0x0  }
0x98: {  	[sflag:s13] =	ssyncadd.s32 $0xFFFFFFA0  }
0x99: {  	s31 =	smul.u32 $0x180, s12;
	_ =	swait.ge [sflag:s13], $0x60  }
0x9a: {  	s5 =	rddreg [dreg:$0x18]  }
0x9b: {  	s19 =	sadd.s32 s31, s5  }
0x9c: {  	[sflag:s13] =	ssyncset.done $0x0;
	s11 =	sshrl.u32 s19, $0x3  }
0x9d: {  	[sflag:s13] =	ssyncadd.s32 $0xFFFFFFA0;
	s14 =	sadd.s32 s6, s11  }
0x9e: {  	[tilespmem:s29], [sflag:$0x1] =	stream.linear.gather [hbm4b:s14+s26], $0x60, $0x38;
	[tilespmem:$0x1F6F0] =	vst v63  }
0x9f: {  	s5 =	sadd.s32 $0x60, s19;
	s11 =	sadd.s32 s7, s11  }
0xa0: {  	[tilespmem:s15], [sflag:$0x1] =	stream.linear.gather [hbm4b:s11+s26], $0x60, $0x38;
	[tilespmem:$0x1F6F0] =	vst v63  }
0xa1: {  	s11 =	sshrl.u32 s5, $0x3  }
0xa2: {  	s14 =	simm.s32 $0x5060;
	s28 =	sadd.s32 s6, s11  }
0xa3: {  	[tilespmem:s14], [sflag:$0x1] =	stream.linear.gather [hbm4b:s28+s26], $0x60, $0x38;
	[tilespmem:$0x1F6F0] =	vst v63  }
0xa4: {  	s11 =	sadd.s32 s7, s11  }
0xa5: {  	[tilespmem:s17], [sflag:$0x1] =	stream.linear.gather [hbm4b:s11+s26], $0x60, $0x38;
	[tilespmem:$0x1F6F0] =	vst v63  }
0xa6: {  	_ = 	snop  }
0xa7: {  	[tilespmem:s30], [sflag:$0x2] =	stream.indirect.gather [hbm4b:s1+s18], $0x80, s2, s18, $0xb8;
	[tilespmem:$0x1F6F0] =	vst v63  }
0xa8: {  	_ = 	snop  }
0xa9: {  	[tilespmem:s20], [sflag:$0x3] =	stream.indirect.gather [hbm4b:s1+s18], $0x80, s9, s18, $0xb8;
	[tilespmem:$0x1F6F0] =	vst v63  }
0xaa: {  	v3 =	vld [tilespmem:$0x4E20]  }
0xab: {  	v4 =	vld [tilespmem:$0x4E80];
	_ =	sdelay $0x6  }
0xac: {  	v3 =	vld.idx.msk [tilespmem:v3+s26+$0x0], $0xffff  }
0xad: {  	v4 =	vld.idx.msk [tilespmem:v4+s0+$0x0], $0xffff;
	_ =	sdelay $0x4  }
0xae: {  	v3 =	vadd.f32 v4, v3;
	v4 =	vadd.f32 v4, v2;
	_ =	sdelay $0x1  }
0xaf: {  	v5 =	vmul.f32 $2.000000030e-01, v3;
	v6 =	vmul.f32 $2.000000030e-01, v4  }
0xb0: {  	vm0 =	vgt.f32 v3, $0.0e+00;
	vm1 =	vgt.f32 v4, $0.0e+00  }
0xb1: {  	v3 =	vsel vm0, v3, v5;
	v4 =	vsel vm1, v4, v6  }
0xb2: {  	v3 =	vsub.f32 v3, v4;
	_ =	sdelay $0x1  }
0xb3: {  	v3 =	vmul.f32 $1.442695020e+00, v3;
	_ =	sdelay $0x1  }
0xb4: {  	(erf) = vpow2.f32 v3;
	_ =	sdelay $0x3  }
0xb5: {  	v3 =	vld [tilespmem:$0x4E30]  }
0xb6: {  	v4 =	vld [tilespmem:$0x4E90];
	_ =	sdelay $0x2  }
0xb7: {  	s14 =	sadd.s32 s16, s31  }
0xb8: {  	p0 =	slt.u32 s14, $0x50910;
	v5 =	vpop (erf)  }
0xb9: {  	v5 =	vpsel !p0, $0x0, v5  }
0xba: {  	[tilespmem:$0xB120] =	vst v5  }
0xbb: {  	v3 =	vld.idx.msk [tilespmem:v3+s26+$0x0], $0xffff  }
0xbc: {  	v4 =	vld.idx.msk [tilespmem:v4+s0+$0x0], $0xffff;
	_ =	sdelay $0x4  }
0xbd: {  	v3 =	vadd.f32 v4, v3;
	v4 =	vadd.f32 v4, v2;
	_ =	sdelay $0x1  }
0xbe: {  	v5 =	vmul.f32 $2.000000030e-01, v3;
	v6 =	vmul.f32 $2.000000030e-01, v4  }
0xbf: {  	vm6 =	vgt.f32 v3, $0.0e+00;
	vm7 =	vgt.f32 v4, $0.0e+00  }
0xc0: {  	v3 =	vsel vm6, v3, v5;
	v4 =	vsel vm7, v4, v6  }
0xc1: {  	v3 =	vsub.f32 v3, v4;
	_ =	sdelay $0x1  }
0xc2: {  	v3 =	vmul.f32 $1.442695020e+00, v3;
	_ =	sdelay $0x1  }
0xc3: {  	(erf) = vpow2.f32 v3;
	_ =	sdelay $0x3  }
0xc4: {  	v3 =	vld [tilespmem:$0x4E40]  }
0xc5: {  	v4 =	vld [tilespmem:$0x4EA0];
	_ =	sdelay $0x2  }
0xc6: {  	s28 =	sor.u32 $0x10, s14  }
0xc7: {  	p2 =	slt.u32 s28, $0x50910;
	v5 =	vpop (erf)  }
0xc8: {  	v5 =	vpsel !p2, $0x0, v5  }
0xc9: {  	[tilespmem:$0xB130] =	vst v5  }
0xca: {  	v3 =	vld.idx.msk [tilespmem:v3+s26+$0x0], $0xffff  }
0xcb: {  	v4 =	vld.idx.msk [tilespmem:v4+s0+$0x0], $0xffff;
	_ =	sdelay $0x4  }
0xcc: {  	v3 =	vadd.f32 v4, v3;
	v4 =	vadd.f32 v4, v2;
	_ =	sdelay $0x1  }
0xcd: {  	v5 =	vmul.f32 $2.000000030e-01, v3;
	v6 =	vmul.f32 $2.000000030e-01, v4  }
0xce: {  	vm8 =	vgt.f32 v3, $0.0e+00;
	vm9 =	vgt.f32 v4, $0.0e+00  }
0xcf: {  	v3 =	vsel vm8, v3, v5;
	v4 =	vsel vm9, v4, v6  }
0xd0: {  	v3 =	vsub.f32 v3, v4;
	_ =	sdelay $0x1  }
0xd1: {  	v3 =	vmul.f32 $1.442695020e+00, v3;
	_ =	sdelay $0x1  }
0xd2: {  	(erf) = vpow2.f32 v3;
	_ =	sdelay $0x3  }
0xd3: {  	v3 =	vld [tilespmem:$0x4E50]  }
0xd4: {  	v4 =	vld [tilespmem:$0x4EB0];
	_ =	sdelay $0x2  }
0xd5: {  	s28 =	sor.u32 $0x20, s14  }
0xd6: {  	p3 =	slt.u32 s28, $0x50910;
	v5 =	vpop (erf)  }
0xd7: {  	v5 =	vpsel !p3, $0x0, v5  }
0xd8: {  	[tilespmem:$0xB140] =	vst v5  }
0xd9: {  	v3 =	vld.idx.msk [tilespmem:v3+s26+$0x0], $0xffff  }
0xda: {  	v4 =	vld.idx.msk [tilespmem:v4+s0+$0x0], $0xffff;
	_ =	sdelay $0x4  }
0xdb: {  	v3 =	vadd.f32 v4, v3;
	v4 =	vadd.f32 v4, v2;
	_ =	sdelay $0x1  }
0xdc: {  	v5 =	vmul.f32 $2.000000030e-01, v3;
	v6 =	vmul.f32 $2.000000030e-01, v4  }
0xdd: {  	vm10 =	vgt.f32 v3, $0.0e+00;
	vm11 =	vgt.f32 v4, $0.0e+00  }
0xde: {  	v3 =	vsel vm10, v3, v5;
	v4 =	vsel vm11, v4, v6  }
0xdf: {  	v3 =	vsub.f32 v3, v4;
	_ =	sdelay $0x1  }
0xe0: {  	v3 =	vmul.f32 $1.442695020e+00, v3;
	_ =	sdelay $0x1  }
0xe1: {  	(erf) = vpow2.f32 v3;
	_ =	sdelay $0x3  }
0xe2: {  	v3 =	vld [tilespmem:$0x4E60]  }
0xe3: {  	v4 =	vld [tilespmem:$0x4EC0];
	_ =	sdelay $0x2  }
0xe4: {  	s28 =	sor.u32 $0x30, s14  }
0xe5: {  	p4 =	slt.u32 s28, $0x50910;
	v5 =	vpop (erf)  }
0xe6: {  	v5 =	vpsel !p4, $0x0, v5  }
0xe7: {  	[tilespmem:$0xB150] =	vst v5  }
0xe8: {  	v3 =	vld.idx.msk [tilespmem:v3+s26+$0x0], $0xffff  }
0xe9: {  	v4 =	vld.idx.msk [tilespmem:v4+s0+$0x0], $0xffff;
	_ =	sdelay $0x4  }
0xea: {  	v3 =	vadd.f32 v4, v3;
	v4 =	vadd.f32 v4, v2;
	_ =	sdelay $0x1  }
0xeb: {  	v5 =	vmul.f32 $2.000000030e-01, v3;
	v6 =	vmul.f32 $2.000000030e-01, v4  }
0xec: {  	vm12 =	vgt.f32 v3, $0.0e+00;
	vm13 =	vgt.f32 v4, $0.0e+00  }
0xed: {  	v3 =	vsel vm12, v3, v5;
	v4 =	vsel vm13, v4, v6  }
0xee: {  	v3 =	vsub.f32 v3, v4;
	_ =	sdelay $0x1  }
0xef: {  	v3 =	vmul.f32 $1.442695020e+00, v3;
	_ =	sdelay $0x1  }
0xf0: {  	(erf) = vpow2.f32 v3;
	_ =	sdelay $0x3  }
0xf1: {  	v3 =	vld [tilespmem:$0x4E70]  }
0xf2: {  	v4 =	vld [tilespmem:$0x4ED0];
	_ =	sdelay $0x2  }
0xf3: {  	s28 =	sor.u32 $0x40, s14  }
0xf4: {  	p5 =	slt.u32 s28, $0x50910;
	v5 =	vpop (erf)  }
0xf5: {  	v5 =	vpsel !p5, $0x0, v5  }
0xf6: {  	[tilespmem:$0xB160] =	vst v5  }
0xf7: {  	v3 =	vld.idx.msk [tilespmem:v3+s26+$0x0], $0xffff  }
0xf8: {  	v4 =	vld.idx.msk [tilespmem:v4+s0+$0x0], $0xffff;
	_ =	sdelay $0x4  }
0xf9: {  	v3 =	vadd.f32 v4, v3;
	v4 =	vadd.f32 v4, v2;
	_ =	sdelay $0x1  }
0xfa: {  	v5 =	vmul.f32 $2.000000030e-01, v3;
	v6 =	vmul.f32 $2.000000030e-01, v4  }
0xfb: {  	vm14 =	vgt.f32 v3, $0.0e+00;
	vm15 =	vgt.f32 v4, $0.0e+00  }
0xfc: {  	v3 =	vsel vm14, v3, v5;
	v4 =	vsel vm15, v4, v6  }
0xfd: {  	v3 =	vsub.f32 v3, v4;
	_ =	sdelay $0x1  }
0xfe: {  	v3 =	vmul.f32 $1.442695020e+00, v3;
	_ =	sdelay $0x1  }
0xff: {  	(erf) = vpow2.f32 v3;
	_ =	sdelay $0x3  }
0x100: {  	v3 =	vld [tilespmem:$0x4EE0]  }
0x101: {  	v4 =	vld [tilespmem:$0x4F40];
	_ =	sdelay $0x2  }
0x102: {  	s28 =	sor.u32 $0x50, s14  }
0x103: {  	p6 =	slt.u32 s28, $0x50910;
	v5 =	vpop (erf)  }
0x104: {  	v5 =	vpsel !p6, $0x0, v5  }
0x105: {  	[tilespmem:$0xB170] =	vst v5  }
0x106: {  	v3 =	vld.idx.msk [tilespmem:v3+s26+$0x0], $0xffff  }
0x107: {  	v4 =	vld.idx.msk [tilespmem:v4+s0+$0x0], $0xffff;
	_ =	sdelay $0x4  }
0x108: {  	v3 =	vadd.f32 v4, v3;
	v4 =	vadd.f32 v4, v2;
	_ =	sdelay $0x1  }
0x109: {  	v5 =	vmul.f32 $2.000000030e-01, v3;
	v6 =	vmul.f32 $2.000000030e-01, v4  }
0x10a: {  	vm4 =	vgt.f32 v3, $0.0e+00;
	vm5 =	vgt.f32 v4, $0.0e+00  }
0x10b: {  	v3 =	vsel vm4, v3, v5;
	v4 =	vsel vm5, v4, v6  }
0x10c: {  	v3 =	vsub.f32 v3, v4;
	_ =	sdelay $0x1  }
0x10d: {  	v3 =	vmul.f32 $1.442695020e+00, v3;
	_ =	sdelay $0x1  }
0x10e: {  	(erf) = vpow2.f32 v3;
	_ =	sdelay $0x3  }
0x10f: {  	v3 =	vld [tilespmem:$0x4EF0]  }
0x110: {  	v4 =	vld [tilespmem:$0x4F50];
	_ =	sdelay $0x2  }
0x111: {  	s28 =	sor.u32 $0x60, s14  }
0x112: {  	p1 =	slt.u32 s28, $0x50910;
	v5 =	vpop (erf)  }
0x113: {  	v5 =	vpsel !p1, $0x0, v5  }
0x114: {  	[tilespmem:$0xB180] =	vst v5  }
0x115: {  	v3 =	vld.idx.msk [tilespmem:v3+s26+$0x0], $0xffff  }
0x116: {  	v4 =	vld.idx.msk [tilespmem:v4+s0+$0x0], $0xffff;
	_ =	sdelay $0x4  }
0x117: {  	v3 =	vadd.f32 v4, v3;
	v4 =	vadd.f32 v4, v2;
	_ =	sdelay $0x1  }
0x118: {  	v5 =	vmul.f32 $2.000000030e-01, v3;
	v6 =	vmul.f32 $2.000000030e-01, v4  }
0x119: {  	vm6 =	vgt.f32 v3, $0.0e+00;
	vm7 =	vgt.f32 v4, $0.0e+00  }
0x11a: {  	v3 =	vsel vm6, v3, v5;
	v4 =	vsel vm7, v4, v6  }
0x11b: {  	v3 =	vsub.f32 v3, v4;
	_ =	sdelay $0x1  }
0x11c: {  	v3 =	vmul.f32 $1.442695020e+00, v3;
	_ =	sdelay $0x1  }
0x11d: {  	(erf) = vpow2.f32 v3;
	_ =	sdelay $0x3  }
0x11e: {  	v3 =	vld [tilespmem:$0x4F00]  }
0x11f: {  	v4 =	vld [tilespmem:$0x4F60];
	_ =	sdelay $0x2  }
0x120: {  	s28 =	sor.u32 $0x70, s14  }
0x121: {  	p2 =	slt.u32 s28, $0x50910;
	v5 =	vpop (erf)  }
0x122: {  	v5 =	vpsel !p2, $0x0, v5  }
0x123: {  	[tilespmem:$0xB190] =	vst v5  }
0x124: {  	v3 =	vld.idx.msk [tilespmem:v3+s26+$0x0], $0xffff  }
0x125: {  	v4 =	vld.idx.msk [tilespmem:v4+s0+$0x0], $0xffff;
	_ =	sdelay $0x4  }
0x126: {  	v3 =	vadd.f32 v4, v3;
	v4 =	vadd.f32 v4, v2;
	_ =	sdelay $0x1  }
0x127: {  	v5 =	vmul.f32 $2.000000030e-01, v3;
	v6 =	vmul.f32 $2.000000030e-01, v4  }
0x128: {  	vm8 =	vgt.f32 v3, $0.0e+00;
	vm9 =	vgt.f32 v4, $0.0e+00  }
0x129: {  	v3 =	vsel vm8, v3, v5;
	v4 =	vsel vm9, v4, v6  }
0x12a: {  	v3 =	vsub.f32 v3, v4;
	_ =	sdelay $0x1  }
0x12b: {  	v3 =	vmul.f32 $1.442695020e+00, v3;
	_ =	sdelay $0x1  }
0x12c: {  	(erf) = vpow2.f32 v3;
	_ =	sdelay $0x3  }
0x12d: {  	v3 =	vld [tilespmem:$0x4F10]  }
0x12e: {  	v4 =	vld [tilespmem:$0x4F70];
	_ =	sdelay $0x2  }
0x12f: {  	s28 =	sadd.s32 $0x80, s14  }
0x130: {  	p3 =	slt.u32 s28, $0x50910;
	v5 =	vpop (erf)  }
0x131: {  	v5 =	vpsel !p3, $0x0, v5  }
0x132: {  	[tilespmem:$0xB1A0] =	vst v5  }
0x133: {  	v3 =	vld.idx.msk [tilespmem:v3+s26+$0x0], $0xffff  }
0x134: {  	v4 =	vld.idx.msk [tilespmem:v4+s0+$0x0], $0xffff;
	_ =	sdelay $0x4  }
0x135: {  	v3 =	vadd.f32 v4, v3;
	v4 =	vadd.f32 v4, v2;
	_ =	sdelay $0x1  }
0x136: {  	v5 =	vmul.f32 $2.000000030e-01, v3;
	v6 =	vmul.f32 $2.000000030e-01, v4  }
0x137: {  	vm10 =	vgt.f32 v3, $0.0e+00;
	vm11 =	vgt.f32 v4, $0.0e+00  }
0x138: {  	v3 =	vsel vm10, v3, v5;
	v4 =	vsel vm11, v4, v6  }
0x139: {  	v3 =	vsub.f32 v3, v4;
	_ =	sdelay $0x1  }
0x13a: {  	v3 =	vmul.f32 $1.442695020e+00, v3;
	_ =	sdelay $0x1  }
0x13b: {  	(erf) = vpow2.f32 v3;
	_ =	sdelay $0x3  }
0x13c: {  	v3 =	vld [tilespmem:$0x4F20]  }
0x13d: {  	v4 =	vld [tilespmem:$0x4F80];
	_ =	sdelay $0x2  }
0x13e: {  	s28 =	sadd.s32 $0x90, s14  }
0x13f: {  	p4 =	slt.u32 s28, $0x50910;
	v5 =	vpop (erf)  }
0x140: {  	v5 =	vpsel !p4, $0x0, v5  }
0x141: {  	[tilespmem:$0xB1B0] =	vst v5  }
0x142: {  	v3 =	vld.idx.msk [tilespmem:v3+s26+$0x0], $0xffff  }
0x143: {  	v4 =	vld.idx.msk [tilespmem:v4+s0+$0x0], $0xffff;
	_ =	sdelay $0x4  }
0x144: {  	v3 =	vadd.f32 v4, v3;
	v4 =	vadd.f32 v4, v2;
	_ =	sdelay $0x1  }
0x145: {  	v5 =	vmul.f32 $2.000000030e-01, v3;
	v6 =	vmul.f32 $2.000000030e-01, v4  }
0x146: {  	vm12 =	vgt.f32 v3, $0.0e+00;
	vm13 =	vgt.f32 v4, $0.0e+00  }
0x147: {  	v3 =	vsel vm12, v3, v5;
	v4 =	vsel vm13, v4, v6  }
0x148: {  	v3 =	vsub.f32 v3, v4;
	_ =	sdelay $0x1  }
0x149: {  	v3 =	vmul.f32 $1.442695020e+00, v3;
	_ =	sdelay $0x1  }
0x14a: {  	(erf) = vpow2.f32 v3;
	_ =	sdelay $0x3  }
0x14b: {  	v3 =	vld [tilespmem:$0x4F30]  }
0x14c: {  	v4 =	vld [tilespmem:$0x4F90];
	_ =	sdelay $0x2  }
0x14d: {  	s28 =	sadd.s32 $0xA0, s14  }
0x14e: {  	p5 =	slt.u32 s28, $0x50910;
	v5 =	vpop (erf)  }
0x14f: {  	v5 =	vpsel !p5, $0x0, v5  }
0x150: {  	[tilespmem:$0xB1C0] =	vst v5  }
0x151: {  	v3 =	vld.idx.msk [tilespmem:v3+s26+$0x0], $0xffff  }
0x152: {  	v4 =	vld.idx.msk [tilespmem:v4+s0+$0x0], $0xffff;
	_ =	sdelay $0x4  }
0x153: {  	v3 =	vadd.f32 v4, v3;
	v4 =	vadd.f32 v4, v2;
	_ =	sdelay $0x1  }
0x154: {  	v5 =	vmul.f32 $2.000000030e-01, v3;
	v6 =	vmul.f32 $2.000000030e-01, v4  }
0x155: {  	vm14 =	vgt.f32 v3, $0.0e+00;
	vm15 =	vgt.f32 v4, $0.0e+00  }
0x156: {  	v3 =	vsel vm14, v3, v5;
	v4 =	vsel vm15, v4, v6  }
0x157: {  	v3 =	vsub.f32 v3, v4;
	_ =	sdelay $0x1  }
0x158: {  	v3 =	vmul.f32 $1.442695020e+00, v3;
	_ =	sdelay $0x1  }
0x159: {  	(erf) = vpow2.f32 v3;
	_ =	sdelay $0x4  }
0x15a: {  	s28 =	simm.s32 $0x1  }
0x15b: {  	v4 =	vmov s28;
	s28 =	simm.s32 $0x7;
	v3 =	vmov s26  }
0x15c: {  	v4 =	vshrl.u32 v4, $0x3;
	v5 =	vmov s28;
	v3 =	vshrl.u32 v3, $0x3  }
0x15d: {  	s11 =	sadd.s32 $0xB0, s14;
	v4 =	vshll.u32 v4, v1;
	v5 =	vshrl.u32 v5, $0x3;
	v3 =	vshll.u32 v3, v1  }
0x15e: {  	p6 =	slt.u32 s11, $0x50910;
	v4 =	vadd.s32 $0x1, v4;
	v5 =	vshll.u32 v5, v1;
	v3 =	vbroadcast v3, $0x0;
	v6 =	vpop (erf)  }
0x15f: {  	v4 =	vbroadcast v4, $0x0;
	v5 =	vadd.s32 $0x7, v5;
	v6 =	vpsel !p6, $0x0, v6  }
0x160: {  	v5 =	vbroadcast v5, $0x0;
	[tilespmem:$0xB1D0] =	vst v6  }
0x161: {  	_ =	swait.ge [sflag:s21], $0x3000  }
0x162: {  	[sflag:s21] =	ssyncset.done $0x0  }
0x163: {  	[sflag:s21] =	ssyncadd.s32 $0xFFFFD000  }
0x164: {  	v6 =	vld.idx.msk [tilespmem:v3+s22+$0x0], $0xffff  }
0x165: {  	v4 =	vld.idx.msk [tilespmem:v4+s22+$0x0], $0xffff  }
0x166: {  	s11 =	simm.s32 $0x5320;
	v3 =	vld.idx.msk [tilespmem:v5+s22+$0x0], $0xffff  }
0x167: {  	v5 =	vld [tilespmem:s11+$0xFFFFFE00]  }
0x168: {  	v7 =	vld [tilespmem:s11+$0xFFFFFE10]  }
0x169: {  	v8 =	vld [tilespmem:s11+$0xFFFFFE20]  }
0x16a: {  	v9 =	vld [tilespmem:s11+$0xFFFFFE30]  }
0x16b: {  	v10 =	vld [tilespmem:s11+$0xFFFFFE40]  }
0x16c: {  	v11 =	vld [tilespmem:s11+$0xFFFFFE50]  }
0x16d: {  	v14 =	vld [tilespmem:s11+$0x1F0]  }
0x16e: {  	v13 =	vld [tilespmem:s11+$0xFFFFFE60]  }
0x16f: {  	v15 =	vld [tilespmem:s11+$0xFFFFFE80]  }
0x170: {  	v16 =	vld [tilespmem:s11+$0xFFFFFE90]  }
0x171: {  	s28 =	simm.s32 $0x2;
	v18 =	vld [tilespmem:s11+$0xFFFFFEB0];
	v5 =	vmul.f32 v5, v6  }
0x172: {  	v12 =	vmov s28;
	v17 =	vld [tilespmem:s11+$0xFFFFFEA0];
	v14 =	vmul.f32 v14, v3  }
0x173: {  	v12 =	vshrl.u32 v12, $0x3;
	v19 =	vld [tilespmem:s11+$0xFFFFFEC0];
	v7 =	vmul.f32 v7, v6;
	[tilespmem:s11+$0xFFFFFE00] =	vst v5  }
0x174: {  	v8 =	vmul.f32 v8, v6;
	v5 =	vshll.u32 v12, v1;
	v12 =	vld [tilespmem:s11+$0xFFFFFE70];
	[tilespmem:s11+$0x1F0] =	vst v14  }
0x175: {  	v9 =	vmul.f32 v9, v6;
	v14 =	vmul.f32 v15, v4;
	v15 =	vld [tilespmem:s11+$0xFFFFFED0];
	[tilespmem:s11+$0xFFFFFE10] =	vst v7  }
0x176: {  	s28 =	simm.s32 $0x3;
	v18 =	vmul.f32 v18, v4;
	v7 =	vld [tilespmem:s11+$0xFFFFFEE0];
	[tilespmem:s11+$0xFFFFFE20] =	vst v8;
	v5 =	vadd.s32 $0x2, v5  }
0x177: {  	v20 =	vmov s28;
	v8 =	vmul.f32 v10, v6;
	v10 =	vld [tilespmem:s11+$0xFFFFFEF0];
	[tilespmem:s11+$0xFFFFFE30] =	vst v9;
	v5 =	vbroadcast v5, $0x0  }
0x178: {  	v20 =	vshrl.u32 v20, $0x3;
	v9 =	vmul.f32 v11, v6;
	v11 =	vld [tilespmem:s11+$0xFFFFFF00];
	[tilespmem:s11+$0xFFFFFEB0] =	vst v18  }
0x179: {  	v18 =	vld [tilespmem:s11+$0xFFFFFF80];
	[tilespmem:s11+$0xFFFFFE80] =	vst v14;
	v14 =	vshll.u32 v20, v1  }
0x17a: {  	[tilespmem:s11+$0xFFFFFE40] =	vst v8;
	v8 =	vmul.f32 v13, v6;
	v13 =	vld [tilespmem:s11+$0xFFFFFF10];
	v14 =	vadd.s32 $0x3, v14  }
0x17b: {  	[tilespmem:s11+$0xFFFFFE50] =	vst v9;
	v9 =	vld [tilespmem:s11+$0xFFFFFF20];
	v14 =	vbroadcast v14, $0x0  }
0x17c: {  	[tilespmem:s11+$0xFFFFFE60] =	vst v8;
	v8 =	vmul.f32 v16, v4;
	v16 =	vld [tilespmem:s11+$0xFFFFFF40];
	v6 =	vmul.f32 v12, v6  }
0x17d: {  	v19 =	vmul.f32 v19, v4;
	v5 =	vld.idx.msk [tilespmem:v5+s22+$0x0], $0xffff  }
0x17e: {  	v12 =	vld [tilespmem:s11+$0xFFFFFF30];
	v15 =	vmul.f32 v15, v4;
	[tilespmem:s11+$0xFFFFFE70] =	vst v6;
	v6 =	vmul.f32 v17, v4  }
0x17f: {  	v7 =	vmul.f32 v7, v4;
	[tilespmem:s11+$0xFFFFFE90] =	vst v8;
	v4 =	vmul.f32 v10, v4;
	v10 =	vld [tilespmem:s11+$0xFFFFFF90]  }
0x180: {  	[tilespmem:s11+$0xFFFFFEA0] =	vst v6;
	v6 =	vld [tilespmem:s11+$0xFFFFFF60]  }
0x181: {  	[tilespmem:s11+$0xFFFFFED0] =	vst v15;
	v14 =	vld.idx.msk [tilespmem:v14+s22+$0x0], $0xffff  }
0x182: {  	s28 =	simm.s32 $0x4;
	[tilespmem:s11+$0xFFFFFEE0] =	vst v7;
	v15 =	vld [tilespmem:s11+$0xFFFFFFD0];
	v8 =	vmul.f32 v11, v5  }
0x183: {  	v17 =	vmov s28;
	[tilespmem:s11+$0xFFFFFEF0] =	vst v4;
	v11 =	vld [tilespmem:s11+$0xFFFFFF50];
	v7 =	vmul.f32 v13, v5  }
0x184: {  	v17 =	vshrl.u32 v17, $0x3;
	v13 =	vld [tilespmem:s11+$0xFFFFFFA0];
	v4 =	vmul.f32 v9, v5;
	[tilespmem:s11+$0xFFFFFF00] =	vst v8  }
0x185: {  	s28 =	simm.s32 $0x5;
	v9 =	vld [tilespmem:s11+$0xFFFFFFB0];
	v16 =	vmul.f32 v16, v5;
	v6 =	vmul.f32 v6, v5;
	v8 =	vshll.u32 v17, v1;
	[tilespmem:s11+$0xFFFFFF10] =	vst v7  }
0x186: {  	v17 =	vld [tilespmem:s11+$0xFFFFFF70];
	[tilespmem:s11+$0xFFFFFF20] =	vst v4;
	v4 =	vmul.f32 v18, v14;
	v18 =	vmov s28;
	v8 =	vadd.s32 $0x4, v8  }
0x187: {  	v7 =	vmul.f32 v12, v5;
	v12 =	vld [tilespmem:s11+$0xFFFFFFC0];
	[tilespmem:s11+$0xFFFFFF40] =	vst v16;
	v18 =	vshrl.u32 v18, $0x3;
	v8 =	vbroadcast v8, $0x0  }
0x188: {  	v16 =	vld [tilespmem:s11+$0xFFFFFFF0];
	[tilespmem:s11+$0xFFFFFF80] =	vst v4;
	v4 =	vshll.u32 v18, v1  }
0x189: {  	[tilespmem:s11+$0xFFFFFF60] =	vst v6;
	v6 =	vmul.f32 v10, v14;
	v10 =	vld [tilespmem:s11+$0x10];
	v4 =	vadd.s32 $0x5, v4  }
0x18a: {  	[tilespmem:s11+$0xFFFFFF30] =	vst v7;
	v7 =	vld [tilespmem:s11+$0xFFFFFFE0];
	v11 =	vmul.f32 v11, v5;
	v4 =	vbroadcast v4, $0x0  }
0x18b: {  	[tilespmem:s11+$0xFFFFFF90] =	vst v6;
	v6 =	vmul.f32 v9, v14;
	v9 =	vld [tilespmem:s11+$0x30];
	v5 =	vmul.f32 v17, v5  }
0x18c: {  	[tilespmem:s11+$0xFFFFFF50] =	vst v11;
	v11 =	vld [tilespmem:s11+$0x0]  }
0x18d: {  	[tilespmem:s11+$0xFFFFFF70] =	vst v5;
	v5 =	vmul.f32 v13, v14;
	v8 =	vld.idx.msk [tilespmem:v8+s22+$0x0], $0xffff  }
0x18e: {  	[tilespmem:s11+$0xFFFFFEC0] =	vst v19;
	v15 =	vmul.f32 v15, v14;
	v13 =	vld [tilespmem:s11+$0x20]  }
0x18f: {  	[tilespmem:s11+$0xFFFFFFA0] =	vst v5;
	v5 =	vmul.f32 v12, v14;
	v12 =	vld [tilespmem:s11+$0x40]  }
0x190: {  	[tilespmem:s11+$0xFFFFFFD0] =	vst v15;
	v18 =	vld.idx.msk [tilespmem:v4+s22+$0x0], $0xffff  }
0x191: {  	s28 =	simm.s32 $0x6;
	[tilespmem:s11+$0xFFFFFFB0] =	vst v6;
	v4 =	vmul.f32 v7, v14;
	v7 =	vmul.f32 v16, v14;
	v14 =	vld [tilespmem:s11+$0x70]  }
0x192: {  	v17 =	vmov s28;
	v16 =	vld [tilespmem:s11+$0xE0];
	[tilespmem:s11+$0xFFFFFFC0] =	vst v5;
	v6 =	vmul.f32 v11, v8  }
0x193: {  	v17 =	vshrl.u32 v17, $0x3;
	v5 =	vld [tilespmem:s11+$0x60];
	[tilespmem:s11+$0xFFFFFFE0] =	vst v4  }
0x194: {  	v11 =	vld [tilespmem:s11+$0x50];
	v4 =	vmul.f32 v10, v8;
	[tilespmem:s11+$0x0] =	vst v6;
	v6 =	vshll.u32 v17, v1  }
0x195: {  	[tilespmem:s11+$0xFFFFFFF0] =	vst v7;
	v10 =	vld [tilespmem:s11+$0x80];
	v7 =	vmul.f32 v13, v8;
	v6 =	vadd.s32 $0x6, v6  }
0x196: {  	v13 =	vld [tilespmem:s11+$0x90];
	[tilespmem:s11+$0x10] =	vst v4;
	v4 =	vmul.f32 v9, v8;
	v6 =	vbroadcast v6, $0x0  }
0x197: {  	v9 =	vld [tilespmem:s11+$0xA0];
	[tilespmem:s11+$0x20] =	vst v7;
	v7 =	vmul.f32 v12, v8  }
0x198: {  	v12 =	vld [tilespmem:s11+$0xB0];
	v5 =	vmul.f32 v5, v8;
	[tilespmem:s11+$0x30] =	vst v4  }
0x199: {  	s28 =	simm.s32 $0x8;
	[tilespmem:s11+$0x40] =	vst v7;
	v4 =	vmul.f32 v11, v8;
	v11 =	vld [tilespmem:s11+$0xC0]  }
0x19a: {  	v15 =	vmov s28;
	s28 =	simm.s32 $0x9;
	v7 =	vmul.f32 v10, v18;
	v10 =	vld [tilespmem:s11+$0xD0];
	[tilespmem:s11+$0x60] =	vst v5  }
0x19b: {  	s29 =	simm.s32 $0xA;
	v17 =	vld [tilespmem:s11+$0x100];
	v5 =	vmov s28;
	v13 =	vmul.f32 v13, v18;
	[tilespmem:s11+$0x50] =	vst v4  }
0x19c: {  	v5 =	vshrl.u32 v5, $0x3;
	[tilespmem:s11+$0x80] =	vst v7;
	v7 =	vmov s29;
	v9 =	vmul.f32 v9, v18;
	v4 =	vld.idx.msk [tilespmem:v6+s22+$0x0], $0xffff  }
0x19d: {  	s29 =	simm.s32 $0xC;
	[tilespmem:s11+$0x90] =	vst v13;
	v12 =	vmul.f32 v12, v18;
	v7 =	vshrl.u32 v7, $0x3;
	v6 =	vmul.f32 v14, v8;
	v14 =	vld [tilespmem:s11+$0xF0]  }
0x19e: {  	v13 =	vld [tilespmem:s11+$0x110];
	[tilespmem:s11+$0xA0] =	vst v9;
	v7 =	vshll.u32 v7, v1;
	v8 =	vshrl.u32 v15, $0x3;
	v15 =	vmov s29;
	s29 =	simm.s32 $0xE  }
0x19f: {  	s28 =	simm.s32 $0xB;
	[tilespmem:s11+$0xB0] =	vst v12;
	v12 =	vld [tilespmem:s11+$0x130];
	v9 =	vmul.f32 v11, v18;
	v10 =	vmul.f32 v10, v18;
	v20 =	vmov s29  }
0x1a0: {  	v11 =	vld [tilespmem:s11+$0x120];
	v8 =	vshll.u32 v8, v1;
	v15 =	vshrl.u32 v15, $0x3;
	[tilespmem:s11+$0x70] =	vst v6;
	v6 =	vmov s28;
	s28 =	simm.s32 $0xD  }
0x1a1: {  	[tilespmem:s11+$0xC0] =	vst v9;
	v9 =	vmul.f32 v16, v18;
	v15 =	vshll.u32 v15, v1;
	v19 =	vmov s28  }
0x1a2: {  	v16 =	vld [tilespmem:s11+$0x140];
	[tilespmem:s11+$0xD0] =	vst v10;
	v21 =	vshrl.u32 v6, $0x3;
	v10 =	vmul.f32 v14, v18;
	v14 =	vmul.f32 v17, v4  }
0x1a3: {  	v6 =	vbroadcast v8, $0x0;
	v8 =	vshrl.u32 v19, $0x3;
	v19 =	vshll.u32 v5, v1;
	[tilespmem:s11+$0xE0] =	vst v9;
	v18 =	vld [tilespmem:s11+$0x150]  }
0x1a4: {  	v9 =	vshll.u32 v21, v1;
	v17 =	vshrl.u32 v20, $0x3;
	v20 =	vld [tilespmem:s11+$0x160];
	v13 =	vmul.f32 v13, v4;
	[tilespmem:s11+$0x100] =	vst v14  }
0x1a5: {  	v5 =	vld [tilespmem:s11+$0x170];
	v11 =	vmul.f32 v11, v4;
	v12 =	vmul.f32 v12, v4;
	v63 =	vshll.u32 v17, v1;
	[tilespmem:s11+$0xF0] =	vst v10  }
0x1a6: {  	v17 =	vadd.s32 $0x3, v9;
	v10 =	vshll.u32 v8, v1;
	v14 =	vadd.s32 $0x1, v19;
	[tilespmem:s11+$0x110] =	vst v13;
	v8 =	vld [tilespmem:s11+$0x180]  }
0x1a7: {  	v9 =	vld [tilespmem:s11+$0x190];
	v19 =	vadd.s32 $0x2, v7;
	v13 =	vadd.s32 $0x4, v15;
	[tilespmem:s11+$0x120] =	vst v11;
	v11 =	vmul.f32 v16, v4  }
0x1a8: {  	[tilespmem:s11+$0x130] =	vst v12;
	v7 =	vbroadcast v14, $0x0;
	v14 =	vadd.s32 $0x5, v10;
	v10 =	vld [tilespmem:s11+$0x1A0];
	v16 =	vmul.f32 v18, v4  }
0x1a9: {  	s29 =	simm.s32 $0xF;
	s28 =	simm.s32 $0x10;
	v15 =	vadd.s32 $0x6, v63;
	v12 =	vbroadcast v19, $0x0;
	[tilespmem:s11+$0x140] =	vst v11;
	v11 =	vld [tilespmem:s11+$0x1B0];
	v18 =	vmul.f32 v20, v4  }
.LBB2_5:
0x1aa: {  	p0 =	slt.u32 s28, $0x58;
	v17 =	vbroadcast v17, $0x0;
	v19 =	vmov s29;
	[tilespmem:s11+$0x150] =	vst v16;
	v4 =	vmul.f32 v5, v4;
	v5 =	vld [tilespmem:s11+$0x1C0]  }
0x1ab: {  	v13 =	vbroadcast v13, $0x0;
	v16 =	vshrl.u32 v19, $0x3;
	[tilespmem:s11+$0x160] =	vst v18;
	v8 =	vmul.f32 v8, v3;
	v18 =	vld [tilespmem:s11+$0x1D0]  }
0x1ac: {  	v14 =	vbroadcast v14, $0x0;
	v16 =	vshll.u32 v16, v1;
	[tilespmem:s11+$0x170] =	vst v4;
	v4 =	vmul.f32 v9, v3;
	v9 =	vld [tilespmem:s11+$0x1E0]  }
0x1ad: {  	v15 =	vbroadcast v15, $0x0;
	v19 =	vld.idx.msk [tilespmem:v6+s22+$0x0], $0xffff;
	v6 =	vadd.s32 $0x7, v16;
	[tilespmem:s11+$0x180] =	vst v8;
	v8 =	vmul.f32 v10, v3  }
0x1ae: {  	v10 =	vld.idx.msk [tilespmem:v7+s22+$0x0], $0xffff;
	v16 =	vbroadcast v6, $0x0;
	[tilespmem:s11+$0x190] =	vst v4;
	v4 =	vmul.f32 v11, v3  }
0x1af: {  	v11 =	vld.idx.msk [tilespmem:v12+s22+$0x0], $0xffff;
	[tilespmem:s11+$0x1A0] =	vst v8;
	v5 =	vmul.f32 v5, v3  }
0x1b0: {  	v7 =	vld.idx.msk [tilespmem:v17+s22+$0x0], $0xffff;
	[tilespmem:s11+$0x1B0] =	vst v4;
	v4 =	vmul.f32 v18, v3  }
0x1b1: {  	v6 =	vld.idx.msk [tilespmem:v13+s22+$0x0], $0xffff;
	[tilespmem:s11+$0x1C0] =	vst v5;
	v3 =	vmul.f32 v9, v3  }
0x1b2: {  	v5 =	vld.idx.msk [tilespmem:v14+s22+$0x0], $0xffff;
	[tilespmem:s11+$0x1D0] =	vst v4  }
0x1b3: {  	v4 =	vld.idx.msk [tilespmem:v15+s22+$0x0], $0xffff;
	[tilespmem:s11+$0x1E0] =	vst v3  }
0x1b4: {  	s11 =	sadd.s32 $0x400, s11;
	v3 =	vld.idx.msk [tilespmem:v16+s22+$0x0], $0xffff  }
0x1b5: {  	v8 =	vld [tilespmem:s11+$0x1F0]  }
0x1b6: {  	v9 =	vld [tilespmem:s11+$0xFFFFFE00]  }
0x1b7: {  	v12 =	vld [tilespmem:s11+$0xFFFFFE10]  }
0x1b8: {  	v13 =	vld [tilespmem:s11+$0xFFFFFE20]  }
0x1b9: {  	v14 =	vld [tilespmem:s11+$0xFFFFFE30]  }
0x1ba: {  	v15 =	vld [tilespmem:s11+$0xFFFFFE40];
	v8 =	vmul.f32 v8, v3  }
0x1bb: {  	v9 =	vmul.f32 v9, v19;
	v16 =	vld [tilespmem:s11+$0xFFFFFE50]  }
0x1bc: {  	v12 =	vmul.f32 v12, v19;
	v17 =	vld [tilespmem:s11+$0xFFFFFE60];
	[tilespmem:s11+$0x1F0] =	vst v8  }
0x1bd: {  	[tilespmem:s11+$0xFFFFFE00] =	vst v9;
	v8 =	vmul.f32 v13, v19;
	v9 =	vld [tilespmem:s11+$0xFFFFFE70]  }
0x1be: {  	[tilespmem:s11+$0xFFFFFE10] =	vst v12;
	v12 =	vmul.f32 v14, v19;
	v13 =	vld [tilespmem:s11+$0xFFFFFE80]  }
0x1bf: {  	[tilespmem:s11+$0xFFFFFE20] =	vst v8;
	v8 =	vmul.f32 v15, v19;
	v14 =	vld [tilespmem:s11+$0xFFFFFE90]  }
0x1c0: {  	[tilespmem:s11+$0xFFFFFE30] =	vst v12;
	v12 =	vmul.f32 v16, v19;
	v15 =	vld [tilespmem:s11+$0xFFFFFEA0]  }
0x1c1: {  	[tilespmem:s11+$0xFFFFFE40] =	vst v8;
	v8 =	vmul.f32 v17, v19;
	v16 =	vld [tilespmem:s11+$0xFFFFFEB0]  }
0x1c2: {  	[tilespmem:s11+$0xFFFFFE50] =	vst v12;
	v9 =	vmul.f32 v9, v19;
	v12 =	vld [tilespmem:s11+$0xFFFFFEC0]  }
0x1c3: {  	[tilespmem:s11+$0xFFFFFE60] =	vst v8;
	v8 =	vmul.f32 v13, v10;
	v13 =	vld [tilespmem:s11+$0xFFFFFED0]  }
0x1c4: {  	[tilespmem:s11+$0xFFFFFE70] =	vst v9;
	v9 =	vmul.f32 v14, v10;
	v14 =	vld [tilespmem:s11+$0xFFFFFEE0]  }
0x1c5: {  	[tilespmem:s11+$0xFFFFFE80] =	vst v8;
	v8 =	vmul.f32 v15, v10;
	v15 =	vld [tilespmem:s11+$0xFFFFFEF0]  }
0x1c6: {  	[tilespmem:s11+$0xFFFFFE90] =	vst v9;
	v9 =	vmul.f32 v16, v10;
	v16 =	vld [tilespmem:s11+$0xFFFFFF00]  }
0x1c7: {  	[tilespmem:s11+$0xFFFFFEA0] =	vst v8;
	v8 =	vmul.f32 v12, v10;
	v12 =	vld [tilespmem:s11+$0xFFFFFF10]  }
0x1c8: {  	[tilespmem:s11+$0xFFFFFEB0] =	vst v9;
	v9 =	vmul.f32 v13, v10;
	v13 =	vld [tilespmem:s11+$0xFFFFFF20]  }
0x1c9: {  	[tilespmem:s11+$0xFFFFFEC0] =	vst v8;
	v8 =	vmul.f32 v14, v10;
	v14 =	vld [tilespmem:s11+$0xFFFFFF30]  }
0x1ca: {  	[tilespmem:s11+$0xFFFFFED0] =	vst v9;
	v9 =	vmul.f32 v15, v10;
	v10 =	vld [tilespmem:s11+$0xFFFFFF40]  }
0x1cb: {  	[tilespmem:s11+$0xFFFFFEE0] =	vst v8;
	v8 =	vmul.f32 v16, v11;
	v15 =	vld [tilespmem:s11+$0xFFFFFF50]  }
0x1cc: {  	[tilespmem:s11+$0xFFFFFEF0] =	vst v9;
	v9 =	vmul.f32 v12, v11;
	v12 =	vld [tilespmem:s11+$0xFFFFFF60]  }
0x1cd: {  	[tilespmem:s11+$0xFFFFFF00] =	vst v8;
	v8 =	vmul.f32 v13, v11;
	v13 =	vld [tilespmem:s11+$0xFFFFFF70]  }
0x1ce: {  	[tilespmem:s11+$0xFFFFFF10] =	vst v9;
	v9 =	vmul.f32 v14, v11;
	v14 =	vld [tilespmem:s11+$0xFFFFFF80]  }
0x1cf: {  	[tilespmem:s11+$0xFFFFFF20] =	vst v8;
	v8 =	vmul.f32 v10, v11;
	v10 =	vld [tilespmem:s11+$0xFFFFFF90]  }
0x1d0: {  	[tilespmem:s11+$0xFFFFFF30] =	vst v9;
	v9 =	vmul.f32 v15, v11;
	v15 =	vld [tilespmem:s11+$0xFFFFFFA0]  }
0x1d1: {  	[tilespmem:s11+$0xFFFFFF40] =	vst v8;
	v8 =	vmul.f32 v12, v11;
	v12 =	vld [tilespmem:s11+$0xFFFFFFB0]  }
0x1d2: {  	[tilespmem:s11+$0xFFFFFF50] =	vst v9;
	v9 =	vmul.f32 v13, v11;
	v11 =	vld [tilespmem:s11+$0xFFFFFFC0]  }
0x1d3: {  	[tilespmem:s11+$0xFFFFFF60] =	vst v8;
	v8 =	vmul.f32 v14, v7;
	v13 =	vld [tilespmem:s11+$0xFFFFFFD0]  }
0x1d4: {  	[tilespmem:s11+$0xFFFFFF70] =	vst v9;
	v9 =	vmul.f32 v10, v7;
	v10 =	vld [tilespmem:s11+$0xFFFFFFE0]  }
0x1d5: {  	[tilespmem:s11+$0xFFFFFF80] =	vst v8;
	v8 =	vmul.f32 v15, v7;
	v14 =	vld [tilespmem:s11+$0xFFFFFFF0]  }
0x1d6: {  	[tilespmem:s11+$0xFFFFFF90] =	vst v9;
	v9 =	vmul.f32 v12, v7;
	v12 =	vld [tilespmem:s11+$0x0]  }
0x1d7: {  	[tilespmem:s11+$0xFFFFFFA0] =	vst v8;
	v8 =	vmul.f32 v11, v7;
	v11 =	vld [tilespmem:s11+$0x10]  }
0x1d8: {  	[tilespmem:s11+$0xFFFFFFB0] =	vst v9;
	v9 =	vmul.f32 v13, v7;
	v13 =	vld [tilespmem:s11+$0x20]  }
0x1d9: {  	[tilespmem:s11+$0xFFFFFFC0] =	vst v8;
	v8 =	vmul.f32 v10, v7;
	v10 =	vld [tilespmem:s11+$0x30]  }
0x1da: {  	[tilespmem:s11+$0xFFFFFFD0] =	vst v9;
	v7 =	vmul.f32 v14, v7;
	v9 =	vld [tilespmem:s11+$0x40]  }
0x1db: {  	[tilespmem:s11+$0xFFFFFFE0] =	vst v8;
	v8 =	vmul.f32 v12, v6;
	v12 =	vld [tilespmem:s11+$0x50]  }
0x1dc: {  	[tilespmem:s11+$0xFFFFFFF0] =	vst v7;
	v7 =	vmul.f32 v11, v6;
	v11 =	vld [tilespmem:s11+$0x60]  }
0x1dd: {  	[tilespmem:s11+$0x0] =	vst v8;
	v8 =	vmul.f32 v13, v6;
	v13 =	vld [tilespmem:s11+$0x70]  }
0x1de: {  	[tilespmem:s11+$0x10] =	vst v7;
	v7 =	vmul.f32 v10, v6;
	v10 =	vld [tilespmem:s11+$0x80]  }
0x1df: {  	[tilespmem:s11+$0x20] =	vst v8;
	v8 =	vmul.f32 v9, v6;
	v9 =	vld [tilespmem:s11+$0x90]  }
0x1e0: {  	[tilespmem:s11+$0x30] =	vst v7;
	v7 =	vmul.f32 v12, v6;
	v12 =	vld [tilespmem:s11+$0xA0]  }
0x1e1: {  	[tilespmem:s11+$0x40] =	vst v8;
	v8 =	vmul.f32 v11, v6;
	v11 =	vld [tilespmem:s11+$0xB0]  }
0x1e2: {  	v14 =	vmov s28;
	[tilespmem:s11+$0x50] =	vst v7;
	v6 =	vmul.f32 v13, v6;
	v7 =	vld [tilespmem:s11+$0xC0]  }
0x1e3: {  	s29 =	sadd.s32 $0x1, s28;
	s14 =	sadd.s32 $0x2, s28;
	v13 =	vshrl.u32 v14, $0x3;
	[tilespmem:s11+$0x60] =	vst v8;
	v8 =	vmul.f32 v10, v5;
	v10 =	vld [tilespmem:s11+$0xD0]  }
0x1e4: {  	v15 =	vmov s14;
	s14 =	sadd.s32 $0x3, s28;
	v14 =	vmov s29;
	s29 =	sadd.s32 $0x4, s28;
	[tilespmem:s11+$0x70] =	vst v6;
	v6 =	vmul.f32 v9, v5;
	v9 =	vld [tilespmem:s11+$0xE0]  }
0x1e5: {  	v16 =	vmov s14;
	s14 =	sadd.s32 $0x5, s28;
	v17 =	vmov s29;
	s29 =	sadd.s32 $0x6, s28;
	[tilespmem:s11+$0x80] =	vst v8;
	v8 =	vmul.f32 v12, v5;
	v12 =	vld [tilespmem:s11+$0xF0]  }
0x1e6: {  	v18 =	vmov s14;
	v19 =	vmov s29;
	[tilespmem:s11+$0x90] =	vst v6;
	v6 =	vmul.f32 v11, v5;
	v11 =	vld [tilespmem:s11+$0x100]  }
0x1e7: {  	v13 =	vshll.u32 v13, v1;
	v14 =	vshrl.u32 v14, $0x3;
	[tilespmem:s11+$0xA0] =	vst v8;
	v7 =	vmul.f32 v7, v5;
	v8 =	vld [tilespmem:s11+$0x110]  }
0x1e8: {  	v15 =	vshrl.u32 v15, $0x3;
	v16 =	vshrl.u32 v16, $0x3;
	[tilespmem:s11+$0xB0] =	vst v6;
	v10 =	vmul.f32 v10, v5;
	v20 =	vld [tilespmem:s11+$0x120]  }
0x1e9: {  	v18 =	vshrl.u32 v18, $0x3;
	v17 =	vshrl.u32 v17, $0x3;
	[tilespmem:s11+$0xC0] =	vst v7;
	v7 =	vmul.f32 v9, v5;
	v9 =	vld [tilespmem:s11+$0x130]  }
0x1ea: {  	v6 =	vbroadcast v13, $0x0;
	v13 =	vshrl.u32 v19, $0x3;
	[tilespmem:s11+$0xD0] =	vst v10;
	v5 =	vmul.f32 v12, v5;
	v10 =	vld [tilespmem:s11+$0x140]  }
0x1eb: {  	v12 =	vshll.u32 v14, v1;
	v14 =	vshll.u32 v15, v1;
	[tilespmem:s11+$0xE0] =	vst v7;
	v7 =	vmul.f32 v11, v4;
	v11 =	vld [tilespmem:s11+$0x150]  }
0x1ec: {  	v15 =	vshll.u32 v16, v1;
	v16 =	vshll.u32 v17, v1;
	[tilespmem:s11+$0xF0] =	vst v5;
	v8 =	vmul.f32 v8, v4;
	v19 =	vld [tilespmem:s11+$0x160]  }
.Ltmp1:
0x1ed: {  	v18 =	vshll.u32 v18, v1;
	v21 =	vshll.u32 v13, v1;
	[tilespmem:s11+$0x100] =	vst v7;
	v7 =	vmul.f32 v20, v4;
	v5 =	vld [tilespmem:s11+$0x170];
	(pc) =	sbr.rel @p0 .LBB2_5-.Ltmp1, $4  }
0x1ee: {  	v12 =	vadd.s32 $0x1, v12;
	v20 =	vadd.s32 $0x2, v14;
	[tilespmem:s11+$0x110] =	vst v8;
	v22 =	vmul.f32 v9, v4;
	v8 =	vld [tilespmem:s11+$0x180]  }
0x1ef: {  	v17 =	vadd.s32 $0x3, v15;
	v13 =	vadd.s32 $0x4, v16;
	[tilespmem:s11+$0x120] =	vst v7;
	v23 =	vmul.f32 v10, v4;
	v9 =	vld [tilespmem:s11+$0x190]  }
0x1f0: {  	v14 =	vadd.s32 $0x5, v18;
	v7 =	vbroadcast v12, $0x0;
	[tilespmem:s11+$0x130] =	vst v22;
	v16 =	vmul.f32 v11, v4;
	v10 =	vld [tilespmem:s11+$0x1A0]  }
0x1f1: {  	s29 =	sadd.s32 $0x7, s28;
	s28 =	sadd.s32 $0x8, s28;
	v15 =	vadd.s32 $0x6, v21;
	v12 =	vbroadcast v20, $0x0;
	[tilespmem:s11+$0x140] =	vst v23;
	v18 =	vmul.f32 v19, v4;
	v11 =	vld [tilespmem:s11+$0x1B0]  }
0x1f2: {  	_ = 	snop  }
0x1f3: {  	v20 =	vld [tilespmem:s11+$0x1C0]  }
0x1f4: {  	v21 =	vld [tilespmem:s11+$0x1D0]  }
0x1f5: {  	v17 =	vbroadcast v17, $0x0;
	v19 =	vmov s29;
	v22 =	vld [tilespmem:s11+$0x1E0]  }
0x1f6: {  	v13 =	vbroadcast v13, $0x0;
	v23 =	vld.idx.msk [tilespmem:v6+s22+$0x0], $0xffff;
	v19 =	vshrl.u32 v19, $0x3  }
0x1f7: {  	v14 =	vbroadcast v14, $0x0;
	v12 =	vld.idx.msk [tilespmem:v12+s22+$0x0], $0xffff;
	v8 =	vmul.f32 v8, v3;
	v19 =	vshll.u32 v19, v1  }
0x1f8: {  	v15 =	vbroadcast v15, $0x0;
	s28 =	sadd.s32 $0x400, s11;
	v9 =	vmul.f32 v9, v3;
	v6 =	vadd.s32 $0x7, v19;
	v19 =	vld.idx.msk [tilespmem:v7+s22+$0x0], $0xffff  }
0x1f9: {  	[tilespmem:s11+$0x180] =	vst v8;
	v8 =	vmul.f32 v10, v3;
	v10 =	vld [tilespmem:s28+$0x1F0];
	v24 =	vbroadcast v6, $0x0  }
0x1fa: {  	[tilespmem:s11+$0x190] =	vst v9;
	v9 =	vmul.f32 v11, v3;
	v11 =	vld [tilespmem:s28+$0xFFFFFE00]  }
0x1fb: {  	v17 =	vld.idx.msk [tilespmem:v17+s22+$0x0], $0xffff  }
0x1fc: {  	v4 =	vmul.f32 v5, v4;
	v7 =	vld.idx.msk [tilespmem:v13+s22+$0x0], $0xffff  }
0x1fd: {  	[tilespmem:s11+$0x150] =	vst v16;
	v6 =	vld.idx.msk [tilespmem:v14+s22+$0x0], $0xffff  }
0x1fe: {  	[tilespmem:s11+$0x170] =	vst v4;
	v5 =	vld.idx.msk [tilespmem:v15+s22+$0x0], $0xffff  }
0x1ff: {  	[tilespmem:s11+$0x1A0] =	vst v8;
	v8 =	vmul.f32 v20, v3;
	v4 =	vld.idx.msk [tilespmem:v24+s22+$0x0], $0xffff  }
0x200: {  	v13 =	vld [tilespmem:s28+$0xFFFFFE10];
	[tilespmem:s11+$0x1B0] =	vst v9;
	v9 =	vmul.f32 v21, v3  }
0x201: {  	v14 =	vld [tilespmem:s28+$0xFFFFFE20];
	v3 =	vmul.f32 v22, v3;
	[tilespmem:s11+$0x1C0] =	vst v8  }
0x202: {  	v8 =	vld [tilespmem:s28+$0xFFFFFE30];
	[tilespmem:s11+$0x1D0] =	vst v9  }
0x203: {  	v9 =	vld [tilespmem:s28+$0xFFFFFE40];
	[tilespmem:s11+$0x1E0] =	vst v3;
	v3 =	vmul.f32 v11, v23  }
0x204: {  	[tilespmem:s11+$0x160] =	vst v18;
	v11 =	vld [tilespmem:s28+$0xFFFFFE50];
	v10 =	vmul.f32 v10, v4  }
0x205: {  	v15 =	vld [tilespmem:s28+$0xFFFFFE60];
	v13 =	vmul.f32 v13, v23;
	[tilespmem:s28+$0xFFFFFE00] =	vst v3  }
0x206: {  	v3 =	vmul.f32 v14, v23;
	[tilespmem:s28+$0x1F0] =	vst v10;
	v10 =	vld [tilespmem:s28+$0xFFFFFE70]  }
0x207: {  	v8 =	vmul.f32 v8, v23;
	[tilespmem:s28+$0xFFFFFE10] =	vst v13;
	v13 =	vld [tilespmem:s28+$0xFFFFFE80]  }
0x208: {  	[tilespmem:s28+$0xFFFFFE20] =	vst v3;
	v3 =	vmul.f32 v9, v23;
	v9 =	vld [tilespmem:s28+$0xFFFFFE90]  }
0x209: {  	[tilespmem:s28+$0xFFFFFE30] =	vst v8;
	v8 =	vmul.f32 v11, v23;
	v11 =	vld [tilespmem:s28+$0xFFFFFEA0]  }
0x20a: {  	v14 =	vld [tilespmem:s28+$0xFFFFFEB0];
	[tilespmem:s28+$0xFFFFFE40] =	vst v3;
	v3 =	vmul.f32 v15, v23  }
0x20b: {  	[tilespmem:s28+$0xFFFFFE50] =	vst v8;
	v8 =	vmul.f32 v10, v23;
	v10 =	vld [tilespmem:s28+$0xFFFFFEC0]  }
0x20c: {  	[tilespmem:s28+$0xFFFFFE60] =	vst v3;
	v3 =	vmul.f32 v13, v19;
	v13 =	vld [tilespmem:s28+$0xFFFFFED0]  }
0x20d: {  	[tilespmem:s28+$0xFFFFFE70] =	vst v8;
	v8 =	vmul.f32 v9, v19;
	v9 =	vld [tilespmem:s28+$0xFFFFFEE0]  }
0x20e: {  	[tilespmem:s28+$0xFFFFFE80] =	vst v3;
	v3 =	vmul.f32 v11, v19;
	v11 =	vld [tilespmem:s28+$0xFFFFFEF0]  }
0x20f: {  	[tilespmem:s28+$0xFFFFFE90] =	vst v8;
	v8 =	vmul.f32 v14, v19;
	v14 =	vld [tilespmem:s28+$0xFFFFFF00]  }
0x210: {  	[tilespmem:s28+$0xFFFFFEA0] =	vst v3;
	v3 =	vmul.f32 v10, v19;
	v10 =	vld [tilespmem:s28+$0xFFFFFF10]  }
0x211: {  	[tilespmem:s28+$0xFFFFFEB0] =	vst v8;
	v8 =	vmul.f32 v13, v19;
	v13 =	vld [tilespmem:s28+$0xFFFFFF20]  }
0x212: {  	[tilespmem:s28+$0xFFFFFEC0] =	vst v3;
	v3 =	vmul.f32 v9, v19;
	v9 =	vld [tilespmem:s28+$0xFFFFFF30]  }
0x213: {  	[tilespmem:s28+$0xFFFFFED0] =	vst v8;
	v8 =	vmul.f32 v11, v19;
	v11 =	vld [tilespmem:s28+$0xFFFFFF40]  }
0x214: {  	[tilespmem:s28+$0xFFFFFEE0] =	vst v3;
	v3 =	vmul.f32 v14, v12;
	v14 =	vld [tilespmem:s28+$0xFFFFFF50]  }
0x215: {  	[tilespmem:s28+$0xFFFFFEF0] =	vst v8;
	v8 =	vmul.f32 v10, v12;
	v10 =	vld [tilespmem:s28+$0xFFFFFF60]  }
0x216: {  	[tilespmem:s28+$0xFFFFFF00] =	vst v3;
	v3 =	vmul.f32 v13, v12;
	v13 =	vld [tilespmem:s28+$0xFFFFFF70]  }
0x217: {  	[tilespmem:s28+$0xFFFFFF10] =	vst v8;
	v8 =	vmul.f32 v9, v12;
	v9 =	vld [tilespmem:s28+$0xFFFFFF80]  }
0x218: {  	[tilespmem:s28+$0xFFFFFF20] =	vst v3;
	v3 =	vmul.f32 v11, v12;
	v11 =	vld [tilespmem:s28+$0xFFFFFF90]  }
0x219: {  	[tilespmem:s28+$0xFFFFFF30] =	vst v8;
	v8 =	vmul.f32 v14, v12;
	v14 =	vld [tilespmem:s28+$0xFFFFFFA0]  }
0x21a: {  	[tilespmem:s28+$0xFFFFFF40] =	vst v3;
	v3 =	vmul.f32 v10, v12;
	v10 =	vld [tilespmem:s28+$0xFFFFFFB0]  }
0x21b: {  	[tilespmem:s28+$0xFFFFFF50] =	vst v8;
	v8 =	vmul.f32 v13, v12;
	v12 =	vld [tilespmem:s28+$0xFFFFFFC0]  }
0x21c: {  	[tilespmem:s28+$0xFFFFFF60] =	vst v3;
	v3 =	vmul.f32 v9, v17;
	v9 =	vld [tilespmem:s28+$0xFFFFFFD0]  }
0x21d: {  	[tilespmem:s28+$0xFFFFFF70] =	vst v8;
	v8 =	vmul.f32 v11, v17;
	v11 =	vld [tilespmem:s28+$0xFFFFFFE0]  }
0x21e: {  	v13 =	vld [tilespmem:s28+$0xFFFFFFF0];
	[tilespmem:s28+$0xFFFFFF80] =	vst v3;
	v3 =	vmul.f32 v14, v17  }
0x21f: {  	[tilespmem:s28+$0xFFFFFF90] =	vst v8;
	v8 =	vmul.f32 v10, v17;
	v10 =	vld [tilespmem:s28+$0x0]  }
0x220: {  	[tilespmem:s28+$0xFFFFFFA0] =	vst v3;
	v3 =	vmul.f32 v12, v17;
	v12 =	vld [tilespmem:s28+$0x10]  }
0x221: {  	[tilespmem:s28+$0xFFFFFFB0] =	vst v8;
	v8 =	vmul.f32 v9, v17;
	v9 =	vld [tilespmem:s28+$0x20]  }
0x222: {  	[tilespmem:s28+$0xFFFFFFC0] =	vst v3;
	v3 =	vmul.f32 v11, v17;
	v11 =	vld [tilespmem:s28+$0x30]  }
0x223: {  	[tilespmem:s28+$0xFFFFFFD0] =	vst v8;
	v8 =	vmul.f32 v13, v17;
	v13 =	vld [tilespmem:s28+$0x40]  }
0x224: {  	[tilespmem:s28+$0xFFFFFFE0] =	vst v3;
	v3 =	vmul.f32 v10, v7;
	v10 =	vld [tilespmem:s28+$0x50]  }
0x225: {  	[tilespmem:s28+$0xFFFFFFF0] =	vst v8;
	v8 =	vmul.f32 v12, v7;
	v12 =	vld [tilespmem:s28+$0x60]  }
0x226: {  	[tilespmem:s28+$0x0] =	vst v3;
	v3 =	vmul.f32 v9, v7;
	v9 =	vld [tilespmem:s28+$0x70]  }
0x227: {  	[tilespmem:s28+$0x10] =	vst v8;
	v8 =	vmul.f32 v11, v7;
	v11 =	vld [tilespmem:s28+$0x80]  }
0x228: {  	[tilespmem:s28+$0x20] =	vst v3;
	v3 =	vmul.f32 v13, v7;
	v13 =	vld [tilespmem:s28+$0x90]  }
0x229: {  	[tilespmem:s28+$0x30] =	vst v8;
	v8 =	vmul.f32 v10, v7;
	v10 =	vld [tilespmem:s28+$0xA0]  }
0x22a: {  	[tilespmem:s28+$0x40] =	vst v3;
	v3 =	vmul.f32 v12, v7;
	v12 =	vld [tilespmem:s28+$0xB0]  }
0x22b: {  	[tilespmem:s28+$0x50] =	vst v8;
	v7 =	vmul.f32 v9, v7;
	v8 =	vld [tilespmem:s28+$0xC0]  }
0x22c: {  	v9 =	vld [tilespmem:s28+$0xD0];
	[tilespmem:s28+$0x60] =	vst v3;
	v3 =	vmul.f32 v11, v6  }
0x22d: {  	v11 =	vld [tilespmem:s28+$0xE0];
	[tilespmem:s28+$0x70] =	vst v7;
	v7 =	vmul.f32 v13, v6  }
0x22e: {  	[tilespmem:s28+$0x80] =	vst v3;
	v3 =	vmul.f32 v10, v6;
	v10 =	vld [tilespmem:s28+$0xF0]  }
0x22f: {  	[tilespmem:s28+$0x90] =	vst v7;
	v7 =	vmul.f32 v12, v6;
	v12 =	vld [tilespmem:s28+$0x100]  }
0x230: {  	[tilespmem:s28+$0xA0] =	vst v3;
	v3 =	vmul.f32 v8, v6;
	v8 =	vld [tilespmem:s28+$0x110]  }
0x231: {  	[tilespmem:s28+$0xB0] =	vst v7;
	v7 =	vmul.f32 v9, v6;
	v9 =	vld [tilespmem:s28+$0x120]  }
0x232: {  	[tilespmem:s28+$0xC0] =	vst v3;
	v3 =	vmul.f32 v11, v6;
	v11 =	vld [tilespmem:s28+$0x130]  }
0x233: {  	[tilespmem:s28+$0xD0] =	vst v7;
	v6 =	vmul.f32 v10, v6;
	v7 =	vld [tilespmem:s28+$0x140]  }
0x234: {  	v10 =	vld [tilespmem:s28+$0x150];
	[tilespmem:s28+$0xE0] =	vst v3;
	v3 =	vmul.f32 v12, v5  }
0x235: {  	[tilespmem:s28+$0xF0] =	vst v6;
	v6 =	vmul.f32 v8, v5;
	v8 =	vld [tilespmem:s28+$0x160]  }
0x236: {  	[tilespmem:s28+$0x100] =	vst v3;
	v3 =	vmul.f32 v9, v5;
	v9 =	vld [tilespmem:s28+$0x170]  }
0x237: {  	[tilespmem:s28+$0x110] =	vst v6;
	v6 =	vmul.f32 v11, v5;
	v11 =	vld [tilespmem:s28+$0x180]  }
0x238: {  	[tilespmem:s28+$0x120] =	vst v3;
	v3 =	vmul.f32 v7, v5;
	v7 =	vld [tilespmem:s28+$0x190]  }
0x239: {  	[tilespmem:s28+$0x130] =	vst v6;
	v6 =	vmul.f32 v10, v5;
	v10 =	vld [tilespmem:s28+$0x1A0]  }
0x23a: {  	[tilespmem:s28+$0x140] =	vst v3;
	v3 =	vmul.f32 v8, v5;
	v8 =	vld [tilespmem:s28+$0x1B0]  }
0x23b: {  	[tilespmem:s28+$0x150] =	vst v6;
	v5 =	vmul.f32 v9, v5;
	v6 =	vld [tilespmem:s28+$0x1C0]  }
0x23c: {  	v9 =	vld [tilespmem:s28+$0x1D0];
	[tilespmem:s28+$0x160] =	vst v3;
	v3 =	vmul.f32 v11, v4  }
0x23d: {  	[tilespmem:s28+$0x170] =	vst v5;
	v5 =	vmul.f32 v7, v4;
	v7 =	vld [tilespmem:s28+$0x1E0]  }
0x23e: {  	[tilespmem:s28+$0x180] =	vst v3;
	v3 =	vmul.f32 v10, v4  }
0x23f: {  	[tilespmem:s28+$0x190] =	vst v5;
	v5 =	vmul.f32 v8, v4  }
0x240: {  	[tilespmem:s28+$0x1A0] =	vst v3;
	v3 =	vmul.f32 v6, v4  }
0x241: {  	s11 =	simm.s32 $0x0;
	[tilespmem:s28+$0x1B0] =	vst v5;
	v5 =	vmul.f32 v9, v4  }
0x242: {  	[tilespmem:s28+$0x1C0] =	vst v3;
	v3 =	vmul.f32 v7, v4;
	v4 =	vmov s11  }
0x243: {  	[tilespmem:s28+$0x1D0] =	vst v5;
	v4 =	vshrl.u32 v4, $0x3  }
0x244: {  	[tilespmem:s28+$0x1E0] =	vst v3;
	v3 =	vshll.u32 v4, v1  }
0x245: {  	[spmem:s3] =	stream.indirect.scatter.add.f32 [tilespmem:s30], [sflag:$0x4], $0x80, s8, s18, $0xb8;
	v3 =	vbroadcast v3, $0x0;
	[tilespmem:$0x1F6F0] =	vst v63  }
0x246: {  	_ = 	snop  }
0x247: {  	[spmem:s4] =	stream.indirect.scatter.add.f32 [tilespmem:s22], [sflag:$0x4], $0x1, s8, s18, $0xb8;
	[tilespmem:$0x1F6F0] =	vst v63  }
0x248: {  	s14 =	simm.s32 $0x1;
	_ =	swait.ge [sflag:s23], $0x3000  }
0x249: {  	v6 =	vmov s14;
	s14 =	simm.s32 $0x7;
	[sflag:s23] =	ssyncset.done $0x0  }
0x24a: {  	v5 =	vshrl.u32 v6, $0x3;
	v6 =	vmov s14;
	[sflag:s23] =	ssyncadd.s32 $0xFFFFD000  }
0x24b: {  	s11 =	simm.s32 $0x8320;
	v4 =	vshll.u32 v5, v1;
	v5 =	vshrl.u32 v6, $0x3;
	v6 =	vld.idx.msk [tilespmem:v3+s24+$0x0], $0xffff  }
0x24c: {  	v5 =	vshll.u32 v5, v1;
	v7 =	vld [tilespmem:s11+$0xFFFFFE10]  }
0x24d: {  	v5 =	vadd.s32 $0x7, v5;
	v8 =	vld [tilespmem:s11+$0xFFFFFE20]  }
0x24e: {  	v5 =	vbroadcast v5, $0x0;
	v9 =	vld [tilespmem:s11+$0xFFFFFE30]  }
0x24f: {  	v10 =	vld [tilespmem:s11+$0xFFFFFE40]  }
0x250: {  	v11 =	vld [tilespmem:s11+$0xFFFFFE50]  }
0x251: {  	v4 =	vadd.s32 $0x1, v4;
	v13 =	vld [tilespmem:s11+$0xFFFFFE60]  }
0x252: {  	v4 =	vbroadcast v4, $0x0;
	v14 =	vld [tilespmem:s11+$0x1F0]  }
0x253: {  	v15 =	vld [tilespmem:s11+$0xFFFFFE80]  }
0x254: {  	v3 =	vld.idx.msk [tilespmem:v5+s24+$0x0], $0xffff  }
0x255: {  	v5 =	vld [tilespmem:s11+$0xFFFFFE00]  }
0x256: {  	v16 =	vld [tilespmem:s11+$0xFFFFFE90]  }
0x257: {  	v18 =	vld [tilespmem:s11+$0xFFFFFEB0]  }
0x258: {  	v4 =	vld.idx.msk [tilespmem:v4+s24+$0x0], $0xffff;
	v7 =	vmul.f32 v7, v6  }
0x259: {  	s14 =	simm.s32 $0x2;
	v17 =	vld [tilespmem:s11+$0xFFFFFEA0];
	v8 =	vmul.f32 v8, v6  }
0x25a: {  	v12 =	vmov s14;
	v19 =	vld [tilespmem:s11+$0xFFFFFEC0];
	v5 =	vmul.f32 v5, v6;
	[tilespmem:s11+$0xFFFFFE10] =	vst v7  }
0x25b: {  	v12 =	vshrl.u32 v12, $0x3;
	v9 =	vmul.f32 v9, v6;
	v7 =	vld [tilespmem:s11+$0xFFFFFEE0];
	[tilespmem:s11+$0xFFFFFE20] =	vst v8  }
0x25c: {  	v14 =	vmul.f32 v14, v3;
	v8 =	vmul.f32 v10, v6;
	v10 =	vld [tilespmem:s11+$0xFFFFFEF0];
	[tilespmem:s11+$0xFFFFFE00] =	vst v5;
	v5 =	vshll.u32 v12, v1  }
0x25d: {  	s14 =	simm.s32 $0x3;
	v18 =	vmul.f32 v18, v4;
	[tilespmem:s11+$0xFFFFFE30] =	vst v9;
	v9 =	vmul.f32 v11, v6;
	v11 =	vld [tilespmem:s11+$0xFFFFFF00];
	v5 =	vadd.s32 $0x2, v5  }
0x25e: {  	v20 =	vmov s14;
	v12 =	vld [tilespmem:s11+$0xFFFFFE70];
	[tilespmem:s11+$0x1F0] =	vst v14;
	v14 =	vmul.f32 v15, v4;
	v5 =	vbroadcast v5, $0x0  }
0x25f: {  	v20 =	vshrl.u32 v20, $0x3;
	[tilespmem:s11+$0xFFFFFEB0] =	vst v18;
	v18 =	vld [tilespmem:s11+$0xFFFFFF80]  }
0x260: {  	v15 =	vld [tilespmem:s11+$0xFFFFFED0];
	[tilespmem:s11+$0xFFFFFE80] =	vst v14;
	v14 =	vshll.u32 v20, v1  }
0x261: {  	[tilespmem:s11+$0xFFFFFE40] =	vst v8;
	v8 =	vmul.f32 v13, v6;
	v13 =	vld [tilespmem:s11+$0xFFFFFF10];
	v14 =	vadd.s32 $0x3, v14  }
0x262: {  	[tilespmem:s11+$0xFFFFFE50] =	vst v9;
	v9 =	vld [tilespmem:s11+$0xFFFFFF20];
	v14 =	vbroadcast v14, $0x0  }
0x263: {  	[tilespmem:s11+$0xFFFFFE60] =	vst v8;
	v8 =	vmul.f32 v16, v4;
	v16 =	vld [tilespmem:s11+$0xFFFFFF40];
	v6 =	vmul.f32 v12, v6  }
0x264: {  	v19 =	vmul.f32 v19, v4;
	v5 =	vld.idx.msk [tilespmem:v5+s24+$0x0], $0xffff  }
0x265: {  	v7 =	vmul.f32 v7, v4;
	v12 =	vld [tilespmem:s11+$0xFFFFFF30];
	[tilespmem:s11+$0xFFFFFE70] =	vst v6;
	v6 =	vmul.f32 v17, v4  }
0x266: {  	[tilespmem:s11+$0xFFFFFE90] =	vst v8;
	v15 =	vmul.f32 v15, v4;
	v4 =	vmul.f32 v10, v4;
	v10 =	vld [tilespmem:s11+$0xFFFFFF90]  }
0x267: {  	[tilespmem:s11+$0xFFFFFEA0] =	vst v6;
	v6 =	vld [tilespmem:s11+$0xFFFFFF60]  }
0x268: {  	[tilespmem:s11+$0xFFFFFEE0] =	vst v7;
	v14 =	vld.idx.msk [tilespmem:v14+s24+$0x0], $0xffff  }
0x269: {  	s14 =	simm.s32 $0x4;
	[tilespmem:s11+$0xFFFFFED0] =	vst v15;
	v15 =	vld [tilespmem:s11+$0xFFFFFFD0];
	v8 =	vmul.f32 v11, v5  }
0x26a: {  	v17 =	vmov s14;
	[tilespmem:s11+$0xFFFFFEF0] =	vst v4;
	v11 =	vld [tilespmem:s11+$0xFFFFFF50];
	v7 =	vmul.f32 v13, v5  }
0x26b: {  	v17 =	vshrl.u32 v17, $0x3;
	v13 =	vld [tilespmem:s11+$0xFFFFFFA0];
	v4 =	vmul.f32 v9, v5;
	[tilespmem:s11+$0xFFFFFF00] =	vst v8  }
0x26c: {  	s14 =	simm.s32 $0x5;
	v9 =	vld [tilespmem:s11+$0xFFFFFFB0];
	v16 =	vmul.f32 v16, v5;
	v6 =	vmul.f32 v6, v5;
	v8 =	vshll.u32 v17, v1;
	[tilespmem:s11+$0xFFFFFF10] =	vst v7  }
0x26d: {  	v17 =	vld [tilespmem:s11+$0xFFFFFF70];
	[tilespmem:s11+$0xFFFFFF20] =	vst v4;
	v4 =	vmul.f32 v18, v14;
	v18 =	vmov s14;
	v8 =	vadd.s32 $0x4, v8  }
0x26e: {  	v7 =	vmul.f32 v12, v5;
	v12 =	vld [tilespmem:s11+$0xFFFFFFC0];
	[tilespmem:s11+$0xFFFFFF40] =	vst v16;
	v18 =	vshrl.u32 v18, $0x3;
	v8 =	vbroadcast v8, $0x0  }
0x26f: {  	v16 =	vld [tilespmem:s11+$0xFFFFFFF0];
	[tilespmem:s11+$0xFFFFFF80] =	vst v4;
	v4 =	vshll.u32 v18, v1  }
0x270: {  	[tilespmem:s11+$0xFFFFFF60] =	vst v6;
	v6 =	vmul.f32 v10, v14;
	v10 =	vld [tilespmem:s11+$0x10];
	v4 =	vadd.s32 $0x5, v4  }
0x271: {  	[tilespmem:s11+$0xFFFFFF30] =	vst v7;
	v7 =	vld [tilespmem:s11+$0xFFFFFFE0];
	v11 =	vmul.f32 v11, v5;
	v4 =	vbroadcast v4, $0x0  }
0x272: {  	[tilespmem:s11+$0xFFFFFF90] =	vst v6;
	v6 =	vmul.f32 v9, v14;
	v9 =	vld [tilespmem:s11+$0x30];
	v5 =	vmul.f32 v17, v5  }
0x273: {  	[tilespmem:s11+$0xFFFFFF50] =	vst v11;
	v11 =	vld [tilespmem:s11+$0x0]  }
0x274: {  	[tilespmem:s11+$0xFFFFFF70] =	vst v5;
	v5 =	vmul.f32 v13, v14;
	v8 =	vld.idx.msk [tilespmem:v8+s24+$0x0], $0xffff  }
0x275: {  	[tilespmem:s11+$0xFFFFFEC0] =	vst v19;
	v15 =	vmul.f32 v15, v14;
	v13 =	vld [tilespmem:s11+$0x20]  }
0x276: {  	[tilespmem:s11+$0xFFFFFFA0] =	vst v5;
	v5 =	vmul.f32 v12, v14;
	v12 =	vld [tilespmem:s11+$0x40]  }
0x277: {  	[tilespmem:s11+$0xFFFFFFD0] =	vst v15;
	v18 =	vld.idx.msk [tilespmem:v4+s24+$0x0], $0xffff  }
0x278: {  	s14 =	simm.s32 $0x6;
	[tilespmem:s11+$0xFFFFFFB0] =	vst v6;
	v4 =	vmul.f32 v7, v14;
	v7 =	vmul.f32 v16, v14;
	v14 =	vld [tilespmem:s11+$0x70]  }
0x279: {  	v17 =	vmov s14;
	v16 =	vld [tilespmem:s11+$0xE0];
	[tilespmem:s11+$0xFFFFFFC0] =	vst v5;
	v6 =	vmul.f32 v11, v8  }
0x27a: {  	v17 =	vshrl.u32 v17, $0x3;
	v5 =	vld [tilespmem:s11+$0x60];
	[tilespmem:s11+$0xFFFFFFE0] =	vst v4  }
0x27b: {  	v11 =	vld [tilespmem:s11+$0x50];
	v4 =	vmul.f32 v10, v8;
	[tilespmem:s11+$0x0] =	vst v6;
	v6 =	vshll.u32 v17, v1  }
0x27c: {  	[tilespmem:s11+$0xFFFFFFF0] =	vst v7;
	v10 =	vld [tilespmem:s11+$0x80];
	v7 =	vmul.f32 v13, v8;
	v6 =	vadd.s32 $0x6, v6  }
0x27d: {  	v13 =	vld [tilespmem:s11+$0x90];
	[tilespmem:s11+$0x10] =	vst v4;
	v4 =	vmul.f32 v9, v8;
	v6 =	vbroadcast v6, $0x0  }
0x27e: {  	v9 =	vld [tilespmem:s11+$0xA0];
	[tilespmem:s11+$0x20] =	vst v7;
	v7 =	vmul.f32 v12, v8  }
0x27f: {  	v12 =	vld [tilespmem:s11+$0xB0];
	v5 =	vmul.f32 v5, v8;
	[tilespmem:s11+$0x30] =	vst v4  }
0x280: {  	s14 =	simm.s32 $0x8;
	[tilespmem:s11+$0x40] =	vst v7;
	v4 =	vmul.f32 v11, v8;
	v11 =	vld [tilespmem:s11+$0xC0]  }
0x281: {  	v15 =	vmov s14;
	s14 =	simm.s32 $0x9;
	v7 =	vmul.f32 v10, v18;
	v10 =	vld [tilespmem:s11+$0xD0];
	[tilespmem:s11+$0x60] =	vst v5  }
0x282: {  	s28 =	simm.s32 $0xA;
	v17 =	vld [tilespmem:s11+$0x100];
	v5 =	vmov s14;
	v13 =	vmul.f32 v13, v18;
	[tilespmem:s11+$0x50] =	vst v4  }
0x283: {  	v5 =	vshrl.u32 v5, $0x3;
	[tilespmem:s11+$0x80] =	vst v7;
	v7 =	vmov s28;
	v9 =	vmul.f32 v9, v18;
	v4 =	vld.idx.msk [tilespmem:v6+s24+$0x0], $0xffff  }
0x284: {  	s28 =	simm.s32 $0xC;
	[tilespmem:s11+$0x90] =	vst v13;
	v12 =	vmul.f32 v12, v18;
	v7 =	vshrl.u32 v7, $0x3;
	v6 =	vmul.f32 v14, v8;
	v14 =	vld [tilespmem:s11+$0xF0]  }
0x285: {  	v13 =	vld [tilespmem:s11+$0x110];
	[tilespmem:s11+$0xA0] =	vst v9;
	v7 =	vshll.u32 v7, v1;
	v8 =	vshrl.u32 v15, $0x3;
	v15 =	vmov s28;
	s28 =	simm.s32 $0xE  }
0x286: {  	s14 =	simm.s32 $0xB;
	[tilespmem:s11+$0xB0] =	vst v12;
	v12 =	vld [tilespmem:s11+$0x130];
	v9 =	vmul.f32 v11, v18;
	v10 =	vmul.f32 v10, v18;
	v20 =	vmov s28  }
0x287: {  	v11 =	vld [tilespmem:s11+$0x120];
	v8 =	vshll.u32 v8, v1;
	v15 =	vshrl.u32 v15, $0x3;
	[tilespmem:s11+$0x70] =	vst v6;
	v6 =	vmov s14;
	s14 =	simm.s32 $0xD  }
0x288: {  	[tilespmem:s11+$0xC0] =	vst v9;
	v9 =	vmul.f32 v16, v18;
	v15 =	vshll.u32 v15, v1;
	v19 =	vmov s14  }
0x289: {  	v16 =	vld [tilespmem:s11+$0x140];
	[tilespmem:s11+$0xD0] =	vst v10;
	v62 =	vshrl.u32 v6, $0x3;
	v10 =	vmul.f32 v14, v18;
	v14 =	vmul.f32 v17, v4  }
0x28a: {  	v6 =	vbroadcast v8, $0x0;
	v8 =	vshrl.u32 v19, $0x3;
	v19 =	vshll.u32 v5, v1;
	[tilespmem:s11+$0xE0] =	vst v9;
	v18 =	vld [tilespmem:s11+$0x150]  }
0x28b: {  	v9 =	vshll.u32 v62, v1;
	v17 =	vshrl.u32 v20, $0x3;
	v20 =	vld [tilespmem:s11+$0x160];
	v13 =	vmul.f32 v13, v4;
	[tilespmem:s11+$0x100] =	vst v14  }
0x28c: {  	v5 =	vld [tilespmem:s11+$0x170];
	v11 =	vmul.f32 v11, v4;
	v12 =	vmul.f32 v12, v4;
	v63 =	vshll.u32 v17, v1;
	[tilespmem:s11+$0xF0] =	vst v10  }
0x28d: {  	v17 =	vadd.s32 $0x3, v9;
	v10 =	vshll.u32 v8, v1;
	v14 =	vadd.s32 $0x1, v19;
	[tilespmem:s11+$0x110] =	vst v13;
	v8 =	vld [tilespmem:s11+$0x180]  }
0x28e: {  	v9 =	vld [tilespmem:s11+$0x190];
	v19 =	vadd.s32 $0x2, v7;
	v13 =	vadd.s32 $0x4, v15;
	[tilespmem:s11+$0x120] =	vst v11;
	v11 =	vmul.f32 v16, v4  }
0x28f: {  	[tilespmem:s11+$0x130] =	vst v12;
	v7 =	vbroadcast v14, $0x0;
	v14 =	vadd.s32 $0x5, v10;
	v10 =	vld [tilespmem:s11+$0x1A0];
	v16 =	vmul.f32 v18, v4  }
0x290: {  	s29 =	simm.s32 $0xF;
	s28 =	simm.s32 $0x10;
	v15 =	vadd.s32 $0x6, v63;
	v12 =	vbroadcast v19, $0x0;
	[tilespmem:s11+$0x140] =	vst v11;
	v11 =	vld [tilespmem:s11+$0x1B0];
	v18 =	vmul.f32 v20, v4  }
.LBB2_7:
0x291: {  	p0 =	slt.u32 s28, $0x58;
	v17 =	vbroadcast v17, $0x0;
	v19 =	vmov s29;
	[tilespmem:s11+$0x150] =	vst v16;
	v4 =	vmul.f32 v5, v4;
	v5 =	vld [tilespmem:s11+$0x1C0]  }
0x292: {  	v13 =	vbroadcast v13, $0x0;
	v16 =	vshrl.u32 v19, $0x3;
	[tilespmem:s11+$0x160] =	vst v18;
	v8 =	vmul.f32 v8, v3;
	v18 =	vld [tilespmem:s11+$0x1D0]  }
0x293: {  	v14 =	vbroadcast v14, $0x0;
	v16 =	vshll.u32 v16, v1;
	[tilespmem:s11+$0x170] =	vst v4;
	v4 =	vmul.f32 v9, v3;
	v9 =	vld [tilespmem:s11+$0x1E0]  }
0x294: {  	v15 =	vbroadcast v15, $0x0;
	v19 =	vld.idx.msk [tilespmem:v6+s24+$0x0], $0xffff;
	v6 =	vadd.s32 $0x7, v16;
	[tilespmem:s11+$0x180] =	vst v8;
	v8 =	vmul.f32 v10, v3  }
0x295: {  	v10 =	vld.idx.msk [tilespmem:v7+s24+$0x0], $0xffff;
	v16 =	vbroadcast v6, $0x0;
	[tilespmem:s11+$0x190] =	vst v4;
	v4 =	vmul.f32 v11, v3  }
0x296: {  	v11 =	vld.idx.msk [tilespmem:v12+s24+$0x0], $0xffff;
	[tilespmem:s11+$0x1A0] =	vst v8;
	v5 =	vmul.f32 v5, v3  }
0x297: {  	v7 =	vld.idx.msk [tilespmem:v17+s24+$0x0], $0xffff;
	[tilespmem:s11+$0x1B0] =	vst v4;
	v4 =	vmul.f32 v18, v3  }
0x298: {  	v6 =	vld.idx.msk [tilespmem:v13+s24+$0x0], $0xffff;
	[tilespmem:s11+$0x1C0] =	vst v5;
	v3 =	vmul.f32 v9, v3  }
0x299: {  	v5 =	vld.idx.msk [tilespmem:v14+s24+$0x0], $0xffff;
	[tilespmem:s11+$0x1D0] =	vst v4  }
0x29a: {  	v4 =	vld.idx.msk [tilespmem:v15+s24+$0x0], $0xffff;
	[tilespmem:s11+$0x1E0] =	vst v3  }
0x29b: {  	s11 =	sadd.s32 $0x400, s11;
	v3 =	vld.idx.msk [tilespmem:v16+s24+$0x0], $0xffff  }
0x29c: {  	v8 =	vld [tilespmem:s11+$0x1F0]  }
0x29d: {  	v9 =	vld [tilespmem:s11+$0xFFFFFE00]  }
0x29e: {  	v12 =	vld [tilespmem:s11+$0xFFFFFE10]  }
0x29f: {  	v13 =	vld [tilespmem:s11+$0xFFFFFE20]  }
0x2a0: {  	v14 =	vld [tilespmem:s11+$0xFFFFFE30]  }
0x2a1: {  	v15 =	vld [tilespmem:s11+$0xFFFFFE40];
	v8 =	vmul.f32 v8, v3  }
0x2a2: {  	v9 =	vmul.f32 v9, v19;
	v16 =	vld [tilespmem:s11+$0xFFFFFE50]  }
0x2a3: {  	v12 =	vmul.f32 v12, v19;
	v17 =	vld [tilespmem:s11+$0xFFFFFE60];
	[tilespmem:s11+$0x1F0] =	vst v8  }
0x2a4: {  	[tilespmem:s11+$0xFFFFFE00] =	vst v9;
	v8 =	vmul.f32 v13, v19;
	v9 =	vld [tilespmem:s11+$0xFFFFFE70]  }
0x2a5: {  	[tilespmem:s11+$0xFFFFFE10] =	vst v12;
	v12 =	vmul.f32 v14, v19;
	v13 =	vld [tilespmem:s11+$0xFFFFFE80]  }
0x2a6: {  	[tilespmem:s11+$0xFFFFFE20] =	vst v8;
	v8 =	vmul.f32 v15, v19;
	v14 =	vld [tilespmem:s11+$0xFFFFFE90]  }
0x2a7: {  	[tilespmem:s11+$0xFFFFFE30] =	vst v12;
	v12 =	vmul.f32 v16, v19;
	v15 =	vld [tilespmem:s11+$0xFFFFFEA0]  }
0x2a8: {  	[tilespmem:s11+$0xFFFFFE40] =	vst v8;
	v8 =	vmul.f32 v17, v19;
	v16 =	vld [tilespmem:s11+$0xFFFFFEB0]  }
0x2a9: {  	[tilespmem:s11+$0xFFFFFE50] =	vst v12;
	v9 =	vmul.f32 v9, v19;
	v12 =	vld [tilespmem:s11+$0xFFFFFEC0]  }
0x2aa: {  	[tilespmem:s11+$0xFFFFFE60] =	vst v8;
	v8 =	vmul.f32 v13, v10;
	v13 =	vld [tilespmem:s11+$0xFFFFFED0]  }
0x2ab: {  	[tilespmem:s11+$0xFFFFFE70] =	vst v9;
	v9 =	vmul.f32 v14, v10;
	v14 =	vld [tilespmem:s11+$0xFFFFFEE0]  }
0x2ac: {  	[tilespmem:s11+$0xFFFFFE80] =	vst v8;
	v8 =	vmul.f32 v15, v10;
	v15 =	vld [tilespmem:s11+$0xFFFFFEF0]  }
0x2ad: {  	[tilespmem:s11+$0xFFFFFE90] =	vst v9;
	v9 =	vmul.f32 v16, v10;
	v16 =	vld [tilespmem:s11+$0xFFFFFF00]  }
0x2ae: {  	[tilespmem:s11+$0xFFFFFEA0] =	vst v8;
	v8 =	vmul.f32 v12, v10;
	v12 =	vld [tilespmem:s11+$0xFFFFFF10]  }
0x2af: {  	[tilespmem:s11+$0xFFFFFEB0] =	vst v9;
	v9 =	vmul.f32 v13, v10;
	v13 =	vld [tilespmem:s11+$0xFFFFFF20]  }
0x2b0: {  	[tilespmem:s11+$0xFFFFFEC0] =	vst v8;
	v8 =	vmul.f32 v14, v10;
	v14 =	vld [tilespmem:s11+$0xFFFFFF30]  }
0x2b1: {  	[tilespmem:s11+$0xFFFFFED0] =	vst v9;
	v9 =	vmul.f32 v15, v10;
	v10 =	vld [tilespmem:s11+$0xFFFFFF40]  }
0x2b2: {  	[tilespmem:s11+$0xFFFFFEE0] =	vst v8;
	v8 =	vmul.f32 v16, v11;
	v15 =	vld [tilespmem:s11+$0xFFFFFF50]  }
0x2b3: {  	[tilespmem:s11+$0xFFFFFEF0] =	vst v9;
	v9 =	vmul.f32 v12, v11;
	v12 =	vld [tilespmem:s11+$0xFFFFFF60]  }
0x2b4: {  	[tilespmem:s11+$0xFFFFFF00] =	vst v8;
	v8 =	vmul.f32 v13, v11;
	v13 =	vld [tilespmem:s11+$0xFFFFFF70]  }
0x2b5: {  	[tilespmem:s11+$0xFFFFFF10] =	vst v9;
	v9 =	vmul.f32 v14, v11;
	v14 =	vld [tilespmem:s11+$0xFFFFFF80]  }
0x2b6: {  	[tilespmem:s11+$0xFFFFFF20] =	vst v8;
	v8 =	vmul.f32 v10, v11;
	v10 =	vld [tilespmem:s11+$0xFFFFFF90]  }
0x2b7: {  	[tilespmem:s11+$0xFFFFFF30] =	vst v9;
	v9 =	vmul.f32 v15, v11;
	v15 =	vld [tilespmem:s11+$0xFFFFFFA0]  }
0x2b8: {  	[tilespmem:s11+$0xFFFFFF40] =	vst v8;
	v8 =	vmul.f32 v12, v11;
	v12 =	vld [tilespmem:s11+$0xFFFFFFB0]  }
0x2b9: {  	[tilespmem:s11+$0xFFFFFF50] =	vst v9;
	v9 =	vmul.f32 v13, v11;
	v11 =	vld [tilespmem:s11+$0xFFFFFFC0]  }
0x2ba: {  	[tilespmem:s11+$0xFFFFFF60] =	vst v8;
	v8 =	vmul.f32 v14, v7;
	v13 =	vld [tilespmem:s11+$0xFFFFFFD0]  }
0x2bb: {  	[tilespmem:s11+$0xFFFFFF70] =	vst v9;
	v9 =	vmul.f32 v10, v7;
	v10 =	vld [tilespmem:s11+$0xFFFFFFE0]  }
0x2bc: {  	[tilespmem:s11+$0xFFFFFF80] =	vst v8;
	v8 =	vmul.f32 v15, v7;
	v14 =	vld [tilespmem:s11+$0xFFFFFFF0]  }
0x2bd: {  	[tilespmem:s11+$0xFFFFFF90] =	vst v9;
	v9 =	vmul.f32 v12, v7;
	v12 =	vld [tilespmem:s11+$0x0]  }
0x2be: {  	[tilespmem:s11+$0xFFFFFFA0] =	vst v8;
	v8 =	vmul.f32 v11, v7;
	v11 =	vld [tilespmem:s11+$0x10]  }
0x2bf: {  	[tilespmem:s11+$0xFFFFFFB0] =	vst v9;
	v9 =	vmul.f32 v13, v7;
	v13 =	vld [tilespmem:s11+$0x20]  }
0x2c0: {  	[tilespmem:s11+$0xFFFFFFC0] =	vst v8;
	v8 =	vmul.f32 v10, v7;
	v10 =	vld [tilespmem:s11+$0x30]  }
0x2c1: {  	[tilespmem:s11+$0xFFFFFFD0] =	vst v9;
	v7 =	vmul.f32 v14, v7;
	v9 =	vld [tilespmem:s11+$0x40]  }
0x2c2: {  	[tilespmem:s11+$0xFFFFFFE0] =	vst v8;
	v8 =	vmul.f32 v12, v6;
	v12 =	vld [tilespmem:s11+$0x50]  }
0x2c3: {  	[tilespmem:s11+$0xFFFFFFF0] =	vst v7;
	v7 =	vmul.f32 v11, v6;
	v11 =	vld [tilespmem:s11+$0x60]  }
0x2c4: {  	[tilespmem:s11+$0x0] =	vst v8;
	v8 =	vmul.f32 v13, v6;
	v13 =	vld [tilespmem:s11+$0x70]  }
0x2c5: {  	[tilespmem:s11+$0x10] =	vst v7;
	v7 =	vmul.f32 v10, v6;
	v10 =	vld [tilespmem:s11+$0x80]  }
0x2c6: {  	[tilespmem:s11+$0x20] =	vst v8;
	v8 =	vmul.f32 v9, v6;
	v9 =	vld [tilespmem:s11+$0x90]  }
0x2c7: {  	[tilespmem:s11+$0x30] =	vst v7;
	v7 =	vmul.f32 v12, v6;
	v12 =	vld [tilespmem:s11+$0xA0]  }
0x2c8: {  	[tilespmem:s11+$0x40] =	vst v8;
	v8 =	vmul.f32 v11, v6;
	v11 =	vld [tilespmem:s11+$0xB0]  }
0x2c9: {  	v14 =	vmov s28;
	[tilespmem:s11+$0x50] =	vst v7;
	v6 =	vmul.f32 v13, v6;
	v7 =	vld [tilespmem:s11+$0xC0]  }
0x2ca: {  	s14 =	sadd.s32 $0x1, s28;
	s29 =	sadd.s32 $0x2, s28;
	v13 =	vshrl.u32 v14, $0x3;
	[tilespmem:s11+$0x60] =	vst v8;
	v8 =	vmul.f32 v10, v5;
	v10 =	vld [tilespmem:s11+$0xD0]  }
0x2cb: {  	v15 =	vmov s29;
	s29 =	sadd.s32 $0x4, s28;
	v14 =	vmov s14;
	s14 =	sadd.s32 $0x3, s28;
	[tilespmem:s11+$0x70] =	vst v6;
	v6 =	vmul.f32 v9, v5;
	v9 =	vld [tilespmem:s11+$0xE0]  }
0x2cc: {  	v17 =	vmov s29;
	s29 =	sadd.s32 $0x6, s28;
	v16 =	vmov s14;
	s14 =	sadd.s32 $0x5, s28;
	[tilespmem:s11+$0x80] =	vst v8;
	v8 =	vmul.f32 v12, v5;
	v12 =	vld [tilespmem:s11+$0xF0]  }
0x2cd: {  	v19 =	vmov s29;
	v18 =	vmov s14;
	[tilespmem:s11+$0x90] =	vst v6;
	v6 =	vmul.f32 v11, v5;
	v11 =	vld [tilespmem:s11+$0x100]  }
0x2ce: {  	v13 =	vshll.u32 v13, v1;
	v14 =	vshrl.u32 v14, $0x3;
	[tilespmem:s11+$0xA0] =	vst v8;
	v7 =	vmul.f32 v7, v5;
	v8 =	vld [tilespmem:s11+$0x110]  }
0x2cf: {  	v15 =	vshrl.u32 v15, $0x3;
	v16 =	vshrl.u32 v16, $0x3;
	[tilespmem:s11+$0xB0] =	vst v6;
	v10 =	vmul.f32 v10, v5;
	v20 =	vld [tilespmem:s11+$0x120]  }
0x2d0: {  	v17 =	vshrl.u32 v17, $0x3;
	v18 =	vshrl.u32 v18, $0x3;
	[tilespmem:s11+$0xC0] =	vst v7;
	v7 =	vmul.f32 v9, v5;
	v9 =	vld [tilespmem:s11+$0x130]  }
0x2d1: {  	v6 =	vbroadcast v13, $0x0;
	v13 =	vshrl.u32 v19, $0x3;
	[tilespmem:s11+$0xD0] =	vst v10;
	v5 =	vmul.f32 v12, v5;
	v10 =	vld [tilespmem:s11+$0x140]  }
0x2d2: {  	v12 =	vshll.u32 v14, v1;
	v14 =	vshll.u32 v15, v1;
	[tilespmem:s11+$0xE0] =	vst v7;
	v7 =	vmul.f32 v11, v4;
	v11 =	vld [tilespmem:s11+$0x150]  }
0x2d3: {  	v15 =	vshll.u32 v16, v1;
	v16 =	vshll.u32 v17, v1;
	[tilespmem:s11+$0xF0] =	vst v5;
	v8 =	vmul.f32 v8, v4;
	v19 =	vld [tilespmem:s11+$0x160]  }
.Ltmp2:
0x2d4: {  	v18 =	vshll.u32 v18, v1;
	v21 =	vshll.u32 v13, v1;
	[tilespmem:s11+$0x100] =	vst v7;
	v7 =	vmul.f32 v20, v4;
	v5 =	vld [tilespmem:s11+$0x170];
	(pc) =	sbr.rel @p0 .LBB2_7-.Ltmp2, $4  }
0x2d5: {  	v12 =	vadd.s32 $0x1, v12;
	v20 =	vadd.s32 $0x2, v14;
	[tilespmem:s11+$0x110] =	vst v8;
	v22 =	vmul.f32 v9, v4;
	v8 =	vld [tilespmem:s11+$0x180]  }
0x2d6: {  	v17 =	vadd.s32 $0x3, v15;
	v13 =	vadd.s32 $0x4, v16;
	[tilespmem:s11+$0x120] =	vst v7;
	v23 =	vmul.f32 v10, v4;
	v9 =	vld [tilespmem:s11+$0x190]  }
0x2d7: {  	v14 =	vadd.s32 $0x5, v18;
	v7 =	vbroadcast v12, $0x0;
	[tilespmem:s11+$0x130] =	vst v22;
	v16 =	vmul.f32 v11, v4;
	v10 =	vld [tilespmem:s11+$0x1A0]  }
0x2d8: {  	s29 =	sadd.s32 $0x7, s28;
	s28 =	sadd.s32 $0x8, s28;
	v15 =	vadd.s32 $0x6, v21;
	v12 =	vbroadcast v20, $0x0;
	[tilespmem:s11+$0x140] =	vst v23;
	v18 =	vmul.f32 v19, v4;
	v11 =	vld [tilespmem:s11+$0x1B0]  }
0x2d9: {  	_ = 	snop  }
0x2da: {  	v20 =	vld [tilespmem:s11+$0x1C0]  }
0x2db: {  	v21 =	vld [tilespmem:s11+$0x1D0]  }
0x2dc: {  	v17 =	vbroadcast v17, $0x0;
	v19 =	vmov s29;
	v22 =	vld [tilespmem:s11+$0x1E0]  }
0x2dd: {  	v13 =	vbroadcast v13, $0x0;
	v23 =	vld.idx.msk [tilespmem:v6+s24+$0x0], $0xffff;
	v19 =	vshrl.u32 v19, $0x3  }
0x2de: {  	v14 =	vbroadcast v14, $0x0;
	v12 =	vld.idx.msk [tilespmem:v12+s24+$0x0], $0xffff;
	v8 =	vmul.f32 v8, v3;
	v19 =	vshll.u32 v19, v1  }
0x2df: {  	v15 =	vbroadcast v15, $0x0;
	s28 =	sadd.s32 $0x400, s11;
	v9 =	vmul.f32 v9, v3;
	v6 =	vadd.s32 $0x7, v19;
	v19 =	vld.idx.msk [tilespmem:v7+s24+$0x0], $0xffff  }
0x2e0: {  	[tilespmem:s11+$0x180] =	vst v8;
	v8 =	vmul.f32 v10, v3;
	v10 =	vld [tilespmem:s28+$0x1F0];
	v24 =	vbroadcast v6, $0x0  }
0x2e1: {  	[tilespmem:s11+$0x190] =	vst v9;
	v9 =	vmul.f32 v11, v3;
	v11 =	vld [tilespmem:s28+$0xFFFFFE00]  }
0x2e2: {  	v17 =	vld.idx.msk [tilespmem:v17+s24+$0x0], $0xffff  }
0x2e3: {  	v4 =	vmul.f32 v5, v4;
	v7 =	vld.idx.msk [tilespmem:v13+s24+$0x0], $0xffff  }
0x2e4: {  	[tilespmem:s11+$0x150] =	vst v16;
	v6 =	vld.idx.msk [tilespmem:v14+s24+$0x0], $0xffff  }
0x2e5: {  	[tilespmem:s11+$0x170] =	vst v4;
	v5 =	vld.idx.msk [tilespmem:v15+s24+$0x0], $0xffff  }
0x2e6: {  	[tilespmem:s11+$0x1A0] =	vst v8;
	v8 =	vmul.f32 v20, v3;
	v4 =	vld.idx.msk [tilespmem:v24+s24+$0x0], $0xffff  }
0x2e7: {  	v13 =	vld [tilespmem:s28+$0xFFFFFE10];
	[tilespmem:s11+$0x1B0] =	vst v9;
	v9 =	vmul.f32 v21, v3  }
0x2e8: {  	v14 =	vld [tilespmem:s28+$0xFFFFFE20];
	v3 =	vmul.f32 v22, v3;
	[tilespmem:s11+$0x1C0] =	vst v8  }
0x2e9: {  	v8 =	vld [tilespmem:s28+$0xFFFFFE30];
	[tilespmem:s11+$0x1D0] =	vst v9  }
0x2ea: {  	v9 =	vld [tilespmem:s28+$0xFFFFFE40];
	[tilespmem:s11+$0x1E0] =	vst v3;
	v3 =	vmul.f32 v11, v23  }
0x2eb: {  	[tilespmem:s11+$0x160] =	vst v18;
	v11 =	vld [tilespmem:s28+$0xFFFFFE50];
	v10 =	vmul.f32 v10, v4  }
0x2ec: {  	v15 =	vld [tilespmem:s28+$0xFFFFFE60];
	v13 =	vmul.f32 v13, v23;
	[tilespmem:s28+$0xFFFFFE00] =	vst v3  }
0x2ed: {  	v3 =	vmul.f32 v14, v23;
	[tilespmem:s28+$0x1F0] =	vst v10;
	v10 =	vld [tilespmem:s28+$0xFFFFFE70]  }
0x2ee: {  	v8 =	vmul.f32 v8, v23;
	[tilespmem:s28+$0xFFFFFE10] =	vst v13;
	v13 =	vld [tilespmem:s28+$0xFFFFFE80]  }
0x2ef: {  	[tilespmem:s28+$0xFFFFFE20] =	vst v3;
	v3 =	vmul.f32 v9, v23;
	v9 =	vld [tilespmem:s28+$0xFFFFFE90]  }
0x2f0: {  	[tilespmem:s28+$0xFFFFFE30] =	vst v8;
	v8 =	vmul.f32 v11, v23;
	v11 =	vld [tilespmem:s28+$0xFFFFFEA0]  }
0x2f1: {  	v14 =	vld [tilespmem:s28+$0xFFFFFEB0];
	[tilespmem:s28+$0xFFFFFE40] =	vst v3;
	v3 =	vmul.f32 v15, v23  }
0x2f2: {  	[tilespmem:s28+$0xFFFFFE50] =	vst v8;
	v8 =	vmul.f32 v10, v23;
	v10 =	vld [tilespmem:s28+$0xFFFFFEC0]  }
0x2f3: {  	[tilespmem:s28+$0xFFFFFE60] =	vst v3;
	v3 =	vmul.f32 v13, v19;
	v13 =	vld [tilespmem:s28+$0xFFFFFED0]  }
0x2f4: {  	[tilespmem:s28+$0xFFFFFE70] =	vst v8;
	v8 =	vmul.f32 v9, v19;
	v9 =	vld [tilespmem:s28+$0xFFFFFEE0]  }
0x2f5: {  	[tilespmem:s28+$0xFFFFFE80] =	vst v3;
	v3 =	vmul.f32 v11, v19;
	v11 =	vld [tilespmem:s28+$0xFFFFFEF0]  }
0x2f6: {  	[tilespmem:s28+$0xFFFFFE90] =	vst v8;
	v8 =	vmul.f32 v14, v19;
	v14 =	vld [tilespmem:s28+$0xFFFFFF00]  }
0x2f7: {  	[tilespmem:s28+$0xFFFFFEA0] =	vst v3;
	v3 =	vmul.f32 v10, v19;
	v10 =	vld [tilespmem:s28+$0xFFFFFF10]  }
0x2f8: {  	[tilespmem:s28+$0xFFFFFEB0] =	vst v8;
	v8 =	vmul.f32 v13, v19;
	v13 =	vld [tilespmem:s28+$0xFFFFFF20]  }
0x2f9: {  	[tilespmem:s28+$0xFFFFFEC0] =	vst v3;
	v3 =	vmul.f32 v9, v19;
	v9 =	vld [tilespmem:s28+$0xFFFFFF30]  }
0x2fa: {  	[tilespmem:s28+$0xFFFFFED0] =	vst v8;
	v8 =	vmul.f32 v11, v19;
	v11 =	vld [tilespmem:s28+$0xFFFFFF40]  }
0x2fb: {  	[tilespmem:s28+$0xFFFFFEE0] =	vst v3;
	v3 =	vmul.f32 v14, v12;
	v14 =	vld [tilespmem:s28+$0xFFFFFF50]  }
0x2fc: {  	[tilespmem:s28+$0xFFFFFEF0] =	vst v8;
	v8 =	vmul.f32 v10, v12;
	v10 =	vld [tilespmem:s28+$0xFFFFFF60]  }
0x2fd: {  	[tilespmem:s28+$0xFFFFFF00] =	vst v3;
	v3 =	vmul.f32 v13, v12;
	v13 =	vld [tilespmem:s28+$0xFFFFFF70]  }
0x2fe: {  	[tilespmem:s28+$0xFFFFFF10] =	vst v8;
	v8 =	vmul.f32 v9, v12;
	v9 =	vld [tilespmem:s28+$0xFFFFFF80]  }
0x2ff: {  	[tilespmem:s28+$0xFFFFFF20] =	vst v3;
	v3 =	vmul.f32 v11, v12;
	v11 =	vld [tilespmem:s28+$0xFFFFFF90]  }
0x300: {  	[tilespmem:s28+$0xFFFFFF30] =	vst v8;
	v8 =	vmul.f32 v14, v12;
	v14 =	vld [tilespmem:s28+$0xFFFFFFA0]  }
0x301: {  	[tilespmem:s28+$0xFFFFFF40] =	vst v3;
	v3 =	vmul.f32 v10, v12;
	v10 =	vld [tilespmem:s28+$0xFFFFFFB0]  }
0x302: {  	[tilespmem:s28+$0xFFFFFF50] =	vst v8;
	v8 =	vmul.f32 v13, v12;
	v12 =	vld [tilespmem:s28+$0xFFFFFFC0]  }
0x303: {  	[tilespmem:s28+$0xFFFFFF60] =	vst v3;
	v3 =	vmul.f32 v9, v17;
	v9 =	vld [tilespmem:s28+$0xFFFFFFD0]  }
0x304: {  	[tilespmem:s28+$0xFFFFFF70] =	vst v8;
	v8 =	vmul.f32 v11, v17;
	v11 =	vld [tilespmem:s28+$0xFFFFFFE0]  }
0x305: {  	v13 =	vld [tilespmem:s28+$0xFFFFFFF0];
	[tilespmem:s28+$0xFFFFFF80] =	vst v3;
	v3 =	vmul.f32 v14, v17  }
0x306: {  	[tilespmem:s28+$0xFFFFFF90] =	vst v8;
	v8 =	vmul.f32 v10, v17;
	v10 =	vld [tilespmem:s28+$0x0]  }
0x307: {  	[tilespmem:s28+$0xFFFFFFA0] =	vst v3;
	v3 =	vmul.f32 v12, v17;
	v12 =	vld [tilespmem:s28+$0x10]  }
0x308: {  	[tilespmem:s28+$0xFFFFFFB0] =	vst v8;
	v8 =	vmul.f32 v9, v17;
	v9 =	vld [tilespmem:s28+$0x20]  }
0x309: {  	[tilespmem:s28+$0xFFFFFFC0] =	vst v3;
	v3 =	vmul.f32 v11, v17;
	v11 =	vld [tilespmem:s28+$0x30]  }
0x30a: {  	[tilespmem:s28+$0xFFFFFFD0] =	vst v8;
	v8 =	vmul.f32 v13, v17;
	v13 =	vld [tilespmem:s28+$0x40]  }
0x30b: {  	[tilespmem:s28+$0xFFFFFFE0] =	vst v3;
	v3 =	vmul.f32 v10, v7;
	v10 =	vld [tilespmem:s28+$0x50]  }
0x30c: {  	[tilespmem:s28+$0xFFFFFFF0] =	vst v8;
	v8 =	vmul.f32 v12, v7;
	v12 =	vld [tilespmem:s28+$0x60]  }
0x30d: {  	[tilespmem:s28+$0x0] =	vst v3;
	v3 =	vmul.f32 v9, v7;
	v9 =	vld [tilespmem:s28+$0x70]  }
0x30e: {  	[tilespmem:s28+$0x10] =	vst v8;
	v8 =	vmul.f32 v11, v7;
	v11 =	vld [tilespmem:s28+$0x80]  }
0x30f: {  	[tilespmem:s28+$0x20] =	vst v3;
	v3 =	vmul.f32 v13, v7;
	v13 =	vld [tilespmem:s28+$0x90]  }
0x310: {  	[tilespmem:s28+$0x30] =	vst v8;
	v8 =	vmul.f32 v10, v7;
	v10 =	vld [tilespmem:s28+$0xA0]  }
0x311: {  	[tilespmem:s28+$0x40] =	vst v3;
	v3 =	vmul.f32 v12, v7;
	v12 =	vld [tilespmem:s28+$0xB0]  }
0x312: {  	[tilespmem:s28+$0x50] =	vst v8;
	v7 =	vmul.f32 v9, v7;
	v8 =	vld [tilespmem:s28+$0xC0]  }
0x313: {  	v9 =	vld [tilespmem:s28+$0xD0];
	[tilespmem:s28+$0x60] =	vst v3;
	v3 =	vmul.f32 v11, v6  }
0x314: {  	v11 =	vld [tilespmem:s28+$0xE0];
	[tilespmem:s28+$0x70] =	vst v7;
	v7 =	vmul.f32 v13, v6  }
0x315: {  	[tilespmem:s28+$0x80] =	vst v3;
	v3 =	vmul.f32 v10, v6;
	v10 =	vld [tilespmem:s28+$0xF0]  }
0x316: {  	[tilespmem:s28+$0x90] =	vst v7;
	v7 =	vmul.f32 v12, v6;
	v12 =	vld [tilespmem:s28+$0x100]  }
0x317: {  	[tilespmem:s28+$0xA0] =	vst v3;
	v3 =	vmul.f32 v8, v6;
	v8 =	vld [tilespmem:s28+$0x110]  }
0x318: {  	[tilespmem:s28+$0xB0] =	vst v7;
	v7 =	vmul.f32 v9, v6;
	v9 =	vld [tilespmem:s28+$0x120]  }
0x319: {  	[tilespmem:s28+$0xC0] =	vst v3;
	v3 =	vmul.f32 v11, v6;
	v11 =	vld [tilespmem:s28+$0x130]  }
0x31a: {  	[tilespmem:s28+$0xD0] =	vst v7;
	v6 =	vmul.f32 v10, v6;
	v7 =	vld [tilespmem:s28+$0x140]  }
0x31b: {  	v10 =	vld [tilespmem:s28+$0x150];
	[tilespmem:s28+$0xE0] =	vst v3;
	v3 =	vmul.f32 v12, v5  }
0x31c: {  	[tilespmem:s28+$0xF0] =	vst v6;
	v6 =	vmul.f32 v8, v5;
	v8 =	vld [tilespmem:s28+$0x160]  }
0x31d: {  	[tilespmem:s28+$0x100] =	vst v3;
	v3 =	vmul.f32 v9, v5;
	v9 =	vld [tilespmem:s28+$0x170]  }
0x31e: {  	[tilespmem:s28+$0x110] =	vst v6;
	v6 =	vmul.f32 v11, v5;
	v11 =	vld [tilespmem:s28+$0x180]  }
0x31f: {  	[tilespmem:s28+$0x120] =	vst v3;
	v3 =	vmul.f32 v7, v5;
	v7 =	vld [tilespmem:s28+$0x190]  }
0x320: {  	[tilespmem:s28+$0x130] =	vst v6;
	v6 =	vmul.f32 v10, v5;
	v10 =	vld [tilespmem:s28+$0x1A0]  }
0x321: {  	[tilespmem:s28+$0x140] =	vst v3;
	v3 =	vmul.f32 v8, v5;
	v8 =	vld [tilespmem:s28+$0x1B0]  }
0x322: {  	[tilespmem:s28+$0x150] =	vst v6;
	v5 =	vmul.f32 v9, v5;
	v6 =	vld [tilespmem:s28+$0x1C0]  }
0x323: {  	v9 =	vld [tilespmem:s28+$0x1D0];
	[tilespmem:s28+$0x160] =	vst v3;
	v3 =	vmul.f32 v11, v4  }
0x324: {  	[tilespmem:s28+$0x170] =	vst v5;
	v5 =	vmul.f32 v7, v4;
	v7 =	vld [tilespmem:s28+$0x1E0]  }
0x325: {  	[tilespmem:s28+$0x180] =	vst v3;
	v3 =	vmul.f32 v10, v4  }
0x326: {  	[tilespmem:s28+$0x190] =	vst v5;
	v5 =	vmul.f32 v8, v4  }
0x327: {  	[tilespmem:s28+$0x1A0] =	vst v3;
	v3 =	vmul.f32 v6, v4  }
0x328: {  	[tilespmem:s28+$0x1B0] =	vst v5;
	v5 =	vmul.f32 v9, v4  }
0x329: {  	[tilespmem:s28+$0x1C0] =	vst v3;
	v3 =	vmul.f32 v7, v4  }
0x32a: {  	[tilespmem:s28+$0x1D0] =	vst v5  }
0x32b: {  	[tilespmem:s28+$0x1E0] =	vst v3  }
0x32c: {  	[spmem:s3] =	stream.indirect.scatter.add.f32 [tilespmem:s20], [sflag:$0x4], $0x80, s10, s18, $0xb8;
	[tilespmem:$0x1F6F0] =	vst v63  }
0x32d: {  	_ = 	snop  }
0x32e: {  	[spmem:s4] =	stream.indirect.scatter.add.f32 [tilespmem:s24], [sflag:$0x4], $0x1, s10, s18, $0xb8;
	[tilespmem:$0x1F6F0] =	vst v63  }
0x32f: {  	_ =	swait.ge [sflag:s25], $0x3000  }
0x330: {  	[sflag:s25] =	ssyncset.done $0x0  }
0x331: {  	[sflag:s25] =	ssyncadd.s32 $0xFFFFD000  }
0x332: {  	_ =	swait.ge [sflag:s25], $0x60  }
0x333: {  	[sflag:s25] =	ssyncset.done $0x0  }
0x334: {  	[sflag:s25] =	ssyncadd.s32 $0xFFFFFFA0  }
0x335: {  	_ =	swait.ge [sflag:s25], $0x3000  }
0x336: {  	[sflag:s25] =	ssyncset.done $0x0  }
0x337: {  	[sflag:s25] =	ssyncadd.s32 $0xFFFFD000  }
0x338: {  	_ =	swait.ge [sflag:s25], $0x60  }
0x339: {  	[sflag:s25] =	ssyncset.done $0x0  }
0x33a: {  	[sflag:s25] =	ssyncadd.s32 $0xFFFFFFA0  }
0x33b: {  	_ =	swait.ge [sflag:s13], $0x60  }
0x33c: {  	[sflag:s13] =	ssyncset.done $0x0  }
0x33d: {  	[sflag:s13] =	ssyncadd.s32 $0xFFFFFFA0  }
0x33e: {  	_ =	swait.ge [sflag:s13], $0x60  }
0x33f: {  	[sflag:s13] =	ssyncset.done $0x0  }
0x340: {  	[sflag:s13] =	ssyncadd.s32 $0xFFFFFFA0  }
0x341: {  	_ =	swait.ge [sflag:s13], $0x60  }
0x342: {  	[sflag:s13] =	ssyncset.done $0x0  }
0x343: {  	[sflag:s13] =	ssyncadd.s32 $0xFFFFFFA0  }
0x344: {  	_ =	swait.ge [sflag:s13], $0x60  }
0x345: {  	s28 =	rddreg [dreg:$0x19]  }
0x346: {  	s11 =	sadd.s32 s31, s28  }
0x347: {  	[sflag:s13] =	ssyncset.done $0x0;
	s14 =	sshrl.u32 s11, $0x3  }
0x348: {  	[sflag:s13] =	ssyncadd.s32 $0xFFFFFFA0;
	s11 =	simm.s32 $0x0;
	s31 =	sadd.s32 s6, s14  }
0x349: {  	[tilespmem:s2], [sflag:$0x1] =	stream.linear.gather [hbm4b:s31+s11], $0x60, $0x38;
	[tilespmem:$0x1F6F0] =	vst v63  }
0x34a: {  	s31 =	sadd.s32 s7, s14;
	s14 =	sor.u32 $0xC, s14  }
0x34b: {  	[tilespmem:s8], [sflag:$0x1] =	stream.linear.gather [hbm4b:s31+s11], $0x60, $0x38;
	[tilespmem:$0x1F6F0] =	vst v63  }
0x34c: {  	s31 =	sadd.s32 s6, s14  }
0x34d: {  	[tilespmem:s9], [sflag:$0x1] =	stream.linear.gather [hbm4b:s31+s11], $0x60, $0x38;
	[tilespmem:$0x1F6F0] =	vst v63  }
0x34e: {  	s14 =	sadd.s32 s7, s14  }
0x34f: {  	[tilespmem:s10], [sflag:$0x1] =	stream.linear.gather [hbm4b:s14+s11], $0x60, $0x38;
	[tilespmem:$0x1F6F0] =	vst v63  }
0x350: {  	s29 =	simm.s32 $0x4FA0  }
0x351: {  	[tilespmem:s30], [sflag:$0x2] =	stream.indirect.gather [hbm4b:s1+s18], $0x80, s29, s18, $0xb8;
	[tilespmem:$0x1F6F0] =	vst v63  }
0x352: {  	s28 =	simm.s32 $0x5060  }
0x353: {  	[tilespmem:s20], [sflag:$0x3] =	stream.indirect.gather [hbm4b:s1+s18], $0x80, s28, s18, $0xb8;
	[tilespmem:$0x1F6F0] =	vst v63  }
0x354: {  	v3 =	vld [tilespmem:$0x4FA0]  }
0x355: {  	v4 =	vld [tilespmem:$0x5000];
	_ =	sdelay $0x6  }
0x356: {  	v3 =	vld.idx.msk [tilespmem:v3+s11+$0x0], $0xffff  }
0x357: {  	v4 =	vld.idx.msk [tilespmem:v4+s0+$0x0], $0xffff;
	_ =	sdelay $0x4  }
0x358: {  	v3 =	vadd.f32 v4, v3;
	v4 =	vadd.f32 v4, v2;
	_ =	sdelay $0x1  }
0x359: {  	v5 =	vmul.f32 $2.000000030e-01, v3;
	v6 =	vmul.f32 $2.000000030e-01, v4  }
0x35a: {  	vm0 =	vgt.f32 v3, $0.0e+00;
	vm1 =	vgt.f32 v4, $0.0e+00  }
0x35b: {  	v3 =	vsel vm0, v3, v5;
	v4 =	vsel vm1, v4, v6  }
0x35c: {  	v3 =	vsub.f32 v3, v4;
	_ =	sdelay $0x1  }
0x35d: {  	v3 =	vmul.f32 $1.442695020e+00, v3;
	_ =	sdelay $0x1  }
0x35e: {  	(erf) = vpow2.f32 v3;
	_ =	sdelay $0x3  }
0x35f: {  	v3 =	vld [tilespmem:$0x4FB0]  }
0x360: {  	v4 =	vld [tilespmem:$0x5010];
	_ =	sdelay $0x3  }
0x361: {  	p0 =	slt.u32 s19, $0x50910;
	v5 =	vpop (erf)  }
0x362: {  	v5 =	vpsel !p0, $0x0, v5  }
0x363: {  	[tilespmem:$0xB120] =	vst v5  }
0x364: {  	v3 =	vld.idx.msk [tilespmem:v3+s11+$0x0], $0xffff  }
0x365: {  	v4 =	vld.idx.msk [tilespmem:v4+s0+$0x0], $0xffff;
	_ =	sdelay $0x4  }
0x366: {  	v3 =	vadd.f32 v4, v3;
	v4 =	vadd.f32 v4, v2;
	_ =	sdelay $0x1  }
0x367: {  	v5 =	vmul.f32 $2.000000030e-01, v3;
	v6 =	vmul.f32 $2.000000030e-01, v4  }
0x368: {  	vm6 =	vgt.f32 v3, $0.0e+00;
	vm7 =	vgt.f32 v4, $0.0e+00  }
0x369: {  	v3 =	vsel vm6, v3, v5;
	v4 =	vsel vm7, v4, v6  }
0x36a: {  	v3 =	vsub.f32 v3, v4;
	_ =	sdelay $0x1  }
0x36b: {  	v3 =	vmul.f32 $1.442695020e+00, v3;
	_ =	sdelay $0x1  }
0x36c: {  	(erf) = vpow2.f32 v3;
	_ =	sdelay $0x3  }
0x36d: {  	v3 =	vld [tilespmem:$0x4FC0]  }
0x36e: {  	v4 =	vld [tilespmem:$0x5020];
	_ =	sdelay $0x2  }
0x36f: {  	s31 =	sor.u32 $0x10, s19  }
0x370: {  	p2 =	slt.u32 s31, $0x50910;
	v5 =	vpop (erf)  }
0x371: {  	v5 =	vpsel !p2, $0x0, v5  }
0x372: {  	[tilespmem:$0xB130] =	vst v5  }
0x373: {  	v3 =	vld.idx.msk [tilespmem:v3+s11+$0x0], $0xffff  }
0x374: {  	v4 =	vld.idx.msk [tilespmem:v4+s0+$0x0], $0xffff;
	_ =	sdelay $0x4  }
0x375: {  	v3 =	vadd.f32 v4, v3;
	v4 =	vadd.f32 v4, v2;
	_ =	sdelay $0x1  }
0x376: {  	v5 =	vmul.f32 $2.000000030e-01, v3;
	v6 =	vmul.f32 $2.000000030e-01, v4  }
0x377: {  	vm8 =	vgt.f32 v3, $0.0e+00;
	vm9 =	vgt.f32 v4, $0.0e+00  }
0x378: {  	v3 =	vsel vm8, v3, v5;
	v4 =	vsel vm9, v4, v6  }
0x379: {  	v3 =	vsub.f32 v3, v4;
	_ =	sdelay $0x1  }
0x37a: {  	v3 =	vmul.f32 $1.442695020e+00, v3;
	_ =	sdelay $0x1  }
0x37b: {  	(erf) = vpow2.f32 v3;
	_ =	sdelay $0x3  }
0x37c: {  	v3 =	vld [tilespmem:$0x4FD0]  }
0x37d: {  	v4 =	vld [tilespmem:$0x5030];
	_ =	sdelay $0x2  }
0x37e: {  	s28 =	sor.u32 $0x20, s19  }
0x37f: {  	p3 =	slt.u32 s28, $0x50910;
	v5 =	vpop (erf)  }
0x380: {  	v5 =	vpsel !p3, $0x0, v5  }
0x381: {  	[tilespmem:$0xB140] =	vst v5  }
0x382: {  	v3 =	vld.idx.msk [tilespmem:v3+s11+$0x0], $0xffff  }
0x383: {  	v4 =	vld.idx.msk [tilespmem:v4+s0+$0x0], $0xffff;
	_ =	sdelay $0x4  }
0x384: {  	v3 =	vadd.f32 v4, v3;
	v4 =	vadd.f32 v4, v2;
	_ =	sdelay $0x1  }
0x385: {  	v5 =	vmul.f32 $2.000000030e-01, v3;
	v6 =	vmul.f32 $2.000000030e-01, v4  }
0x386: {  	vm10 =	vgt.f32 v3, $0.0e+00;
	vm11 =	vgt.f32 v4, $0.0e+00  }
0x387: {  	v3 =	vsel vm10, v3, v5;
	v4 =	vsel vm11, v4, v6  }
0x388: {  	v3 =	vsub.f32 v3, v4;
	_ =	sdelay $0x1  }
0x389: {  	v3 =	vmul.f32 $1.442695020e+00, v3;
	_ =	sdelay $0x1  }
0x38a: {  	(erf) = vpow2.f32 v3;
	_ =	sdelay $0x3  }
0x38b: {  	v3 =	vld [tilespmem:$0x4FE0]  }
0x38c: {  	v4 =	vld [tilespmem:$0x5040];
	_ =	sdelay $0x2  }
0x38d: {  	s31 =	sor.u32 $0x30, s19  }
0x38e: {  	p4 =	slt.u32 s31, $0x50910;
	v5 =	vpop (erf)  }
0x38f: {  	v5 =	vpsel !p4, $0x0, v5  }
0x390: {  	[tilespmem:$0xB150] =	vst v5  }
0x391: {  	v3 =	vld.idx.msk [tilespmem:v3+s11+$0x0], $0xffff  }
0x392: {  	v4 =	vld.idx.msk [tilespmem:v4+s0+$0x0], $0xffff;
	_ =	sdelay $0x4  }
0x393: {  	v3 =	vadd.f32 v4, v3;
	v4 =	vadd.f32 v4, v2;
	_ =	sdelay $0x1  }
0x394: {  	v5 =	vmul.f32 $2.000000030e-01, v3;
	v6 =	vmul.f32 $2.000000030e-01, v4  }
0x395: {  	vm12 =	vgt.f32 v3, $0.0e+00;
	vm13 =	vgt.f32 v4, $0.0e+00  }
0x396: {  	v3 =	vsel vm12, v3, v5;
	v4 =	vsel vm13, v4, v6  }
0x397: {  	v3 =	vsub.f32 v3, v4;
	_ =	sdelay $0x1  }
0x398: {  	v3 =	vmul.f32 $1.442695020e+00, v3;
	_ =	sdelay $0x1  }
0x399: {  	(erf) = vpow2.f32 v3;
	_ =	sdelay $0x3  }
0x39a: {  	v3 =	vld [tilespmem:$0x4FF0]  }
0x39b: {  	v4 =	vld [tilespmem:$0x5050];
	_ =	sdelay $0x2  }
0x39c: {  	s28 =	sadd.s32 $0x40, s19  }
0x39d: {  	p5 =	slt.u32 s28, $0x50910;
	v5 =	vpop (erf)  }
0x39e: {  	v5 =	vpsel !p5, $0x0, v5  }
0x39f: {  	[tilespmem:$0xB160] =	vst v5  }
0x3a0: {  	v3 =	vld.idx.msk [tilespmem:v3+s11+$0x0], $0xffff  }
0x3a1: {  	v4 =	vld.idx.msk [tilespmem:v4+s0+$0x0], $0xffff;
	_ =	sdelay $0x4  }
0x3a2: {  	v3 =	vadd.f32 v4, v3;
	v4 =	vadd.f32 v4, v2;
	_ =	sdelay $0x1  }
0x3a3: {  	v5 =	vmul.f32 $2.000000030e-01, v3;
	v6 =	vmul.f32 $2.000000030e-01, v4  }
0x3a4: {  	vm14 =	vgt.f32 v3, $0.0e+00;
	vm15 =	vgt.f32 v4, $0.0e+00  }
0x3a5: {  	v3 =	vsel vm14, v3, v5;
	v4 =	vsel vm15, v4, v6  }
0x3a6: {  	v3 =	vsub.f32 v3, v4;
	_ =	sdelay $0x1  }
0x3a7: {  	v3 =	vmul.f32 $1.442695020e+00, v3;
	_ =	sdelay $0x1  }
0x3a8: {  	(erf) = vpow2.f32 v3;
	_ =	sdelay $0x3  }
0x3a9: {  	v3 =	vld [tilespmem:$0x5060]  }
0x3aa: {  	v4 =	vld [tilespmem:$0x50C0];
	_ =	sdelay $0x2  }
0x3ab: {  	s31 =	sadd.s32 $0x50, s19  }
0x3ac: {  	p6 =	slt.u32 s31, $0x50910;
	v5 =	vpop (erf)  }
0x3ad: {  	v5 =	vpsel !p6, $0x0, v5  }
0x3ae: {  	[tilespmem:$0xB170] =	vst v5  }
0x3af: {  	v3 =	vld.idx.msk [tilespmem:v3+s11+$0x0], $0xffff  }
0x3b0: {  	v4 =	vld.idx.msk [tilespmem:v4+s0+$0x0], $0xffff;
	_ =	sdelay $0x4  }
0x3b1: {  	v3 =	vadd.f32 v4, v3;
	v4 =	vadd.f32 v4, v2;
	_ =	sdelay $0x1  }
0x3b2: {  	v5 =	vmul.f32 $2.000000030e-01, v3;
	v6 =	vmul.f32 $2.000000030e-01, v4  }
0x3b3: {  	vm4 =	vgt.f32 v3, $0.0e+00;
	vm5 =	vgt.f32 v4, $0.0e+00  }
0x3b4: {  	v3 =	vsel vm4, v3, v5;
	v4 =	vsel vm5, v4, v6  }
0x3b5: {  	v3 =	vsub.f32 v3, v4;
	_ =	sdelay $0x1  }
0x3b6: {  	v3 =	vmul.f32 $1.442695020e+00, v3;
	_ =	sdelay $0x1  }
0x3b7: {  	(erf) = vpow2.f32 v3;
	_ =	sdelay $0x3  }
0x3b8: {  	v3 =	vld [tilespmem:$0x5070]  }
0x3b9: {  	v4 =	vld [tilespmem:$0x50D0];
	_ =	sdelay $0x3  }
0x3ba: {  	p1 =	slt.u32 s5, $0x50910;
	v5 =	vpop (erf)  }
0x3bb: {  	v5 =	vpsel !p1, $0x0, v5  }
0x3bc: {  	[tilespmem:$0xB180] =	vst v5  }
0x3bd: {  	v3 =	vld.idx.msk [tilespmem:v3+s11+$0x0], $0xffff  }
0x3be: {  	v4 =	vld.idx.msk [tilespmem:v4+s0+$0x0], $0xffff;
	_ =	sdelay $0x4  }
0x3bf: {  	v3 =	vadd.f32 v4, v3;
	v4 =	vadd.f32 v4, v2;
	_ =	sdelay $0x1  }
0x3c0: {  	v5 =	vmul.f32 $2.000000030e-01, v3;
	v6 =	vmul.f32 $2.000000030e-01, v4  }
0x3c1: {  	vm6 =	vgt.f32 v3, $0.0e+00;
	vm7 =	vgt.f32 v4, $0.0e+00  }
0x3c2: {  	v3 =	vsel vm6, v3, v5;
	v4 =	vsel vm7, v4, v6  }
0x3c3: {  	v3 =	vsub.f32 v3, v4;
	_ =	sdelay $0x1  }
0x3c4: {  	v3 =	vmul.f32 $1.442695020e+00, v3;
	_ =	sdelay $0x1  }
0x3c5: {  	(erf) = vpow2.f32 v3;
	_ =	sdelay $0x3  }
0x3c6: {  	v3 =	vld [tilespmem:$0x5080]  }
0x3c7: {  	v4 =	vld [tilespmem:$0x50E0];
	_ =	sdelay $0x2  }
0x3c8: {  	s14 =	sadd.s32 $0x70, s19  }
0x3c9: {  	p2 =	slt.u32 s14, $0x50910;
	v5 =	vpop (erf)  }
0x3ca: {  	v5 =	vpsel !p2, $0x0, v5  }
0x3cb: {  	[tilespmem:$0xB190] =	vst v5  }
0x3cc: {  	v3 =	vld.idx.msk [tilespmem:v3+s11+$0x0], $0xffff  }
0x3cd: {  	v4 =	vld.idx.msk [tilespmem:v4+s0+$0x0], $0xffff;
	_ =	sdelay $0x4  }
0x3ce: {  	v3 =	vadd.f32 v4, v3;
	v4 =	vadd.f32 v4, v2;
	_ =	sdelay $0x1  }
0x3cf: {  	v5 =	vmul.f32 $2.000000030e-01, v3;
	v6 =	vmul.f32 $2.000000030e-01, v4  }
0x3d0: {  	vm8 =	vgt.f32 v3, $0.0e+00;
	vm9 =	vgt.f32 v4, $0.0e+00  }
0x3d1: {  	v3 =	vsel vm8, v3, v5;
	v4 =	vsel vm9, v4, v6  }
0x3d2: {  	v3 =	vsub.f32 v3, v4;
	_ =	sdelay $0x1  }
0x3d3: {  	v3 =	vmul.f32 $1.442695020e+00, v3;
	_ =	sdelay $0x1  }
0x3d4: {  	(erf) = vpow2.f32 v3;
	_ =	sdelay $0x3  }
0x3d5: {  	v3 =	vld [tilespmem:$0x5090]  }
0x3d6: {  	v4 =	vld [tilespmem:$0x50F0];
	_ =	sdelay $0x2  }
0x3d7: {  	s28 =	sadd.s32 $0x80, s19  }
0x3d8: {  	p3 =	slt.u32 s28, $0x50910;
	v5 =	vpop (erf)  }
0x3d9: {  	v5 =	vpsel !p3, $0x0, v5  }
0x3da: {  	[tilespmem:$0xB1A0] =	vst v5  }
0x3db: {  	v3 =	vld.idx.msk [tilespmem:v3+s11+$0x0], $0xffff  }
0x3dc: {  	v4 =	vld.idx.msk [tilespmem:v4+s0+$0x0], $0xffff;
	_ =	sdelay $0x4  }
0x3dd: {  	v3 =	vadd.f32 v4, v3;
	v4 =	vadd.f32 v4, v2;
	_ =	sdelay $0x1  }
0x3de: {  	v5 =	vmul.f32 $2.000000030e-01, v3;
	v6 =	vmul.f32 $2.000000030e-01, v4  }
0x3df: {  	vm10 =	vgt.f32 v3, $0.0e+00;
	vm11 =	vgt.f32 v4, $0.0e+00  }
0x3e0: {  	v3 =	vsel vm10, v3, v5;
	v4 =	vsel vm11, v4, v6  }
0x3e1: {  	v3 =	vsub.f32 v3, v4;
	_ =	sdelay $0x1  }
0x3e2: {  	v3 =	vmul.f32 $1.442695020e+00, v3;
	_ =	sdelay $0x1  }
0x3e3: {  	(erf) = vpow2.f32 v3;
	_ =	sdelay $0x3  }
0x3e4: {  	v3 =	vld [tilespmem:$0x50A0]  }
0x3e5: {  	v4 =	vld [tilespmem:$0x5100];
	_ =	sdelay $0x2  }
0x3e6: {  	s31 =	sadd.s32 $0x90, s19  }
0x3e7: {  	p4 =	slt.u32 s31, $0x50910;
	v5 =	vpop (erf)  }
0x3e8: {  	v5 =	vpsel !p4, $0x0, v5  }
0x3e9: {  	[tilespmem:$0xB1B0] =	vst v5  }
0x3ea: {  	v3 =	vld.idx.msk [tilespmem:v3+s11+$0x0], $0xffff  }
0x3eb: {  	v4 =	vld.idx.msk [tilespmem:v4+s0+$0x0], $0xffff;
	_ =	sdelay $0x4  }
0x3ec: {  	v3 =	vadd.f32 v4, v3;
	v4 =	vadd.f32 v4, v2;
	_ =	sdelay $0x1  }
0x3ed: {  	v5 =	vmul.f32 $2.000000030e-01, v3;
	v6 =	vmul.f32 $2.000000030e-01, v4  }
0x3ee: {  	vm12 =	vgt.f32 v3, $0.0e+00;
	vm13 =	vgt.f32 v4, $0.0e+00  }
0x3ef: {  	v3 =	vsel vm12, v3, v5;
	v4 =	vsel vm13, v4, v6  }
0x3f0: {  	v3 =	vsub.f32 v3, v4;
	_ =	sdelay $0x1  }
0x3f1: {  	v3 =	vmul.f32 $1.442695020e+00, v3;
	_ =	sdelay $0x1  }
0x3f2: {  	(erf) = vpow2.f32 v3;
	_ =	sdelay $0x3  }
0x3f3: {  	v3 =	vld [tilespmem:$0x50B0]  }
0x3f4: {  	v4 =	vld [tilespmem:$0x5110];
	_ =	sdelay $0x2  }
0x3f5: {  	s14 =	sadd.s32 $0xA0, s19  }
0x3f6: {  	p5 =	slt.u32 s14, $0x50910;
	v5 =	vpop (erf)  }
0x3f7: {  	v5 =	vpsel !p5, $0x0, v5  }
0x3f8: {  	[tilespmem:$0xB1C0] =	vst v5  }
0x3f9: {  	v3 =	vld.idx.msk [tilespmem:v3+s11+$0x0], $0xffff  }
0x3fa: {  	v4 =	vld.idx.msk [tilespmem:v4+s0+$0x0], $0xffff;
	_ =	sdelay $0x4  }
0x3fb: {  	v3 =	vadd.f32 v4, v3;
	v4 =	vadd.f32 v4, v2;
	_ =	sdelay $0x1  }
0x3fc: {  	v5 =	vmul.f32 $2.000000030e-01, v3;
	v6 =	vmul.f32 $2.000000030e-01, v4  }
0x3fd: {  	vm14 =	vgt.f32 v3, $0.0e+00;
	vm15 =	vgt.f32 v4, $0.0e+00  }
0x3fe: {  	v3 =	vsel vm14, v3, v5;
	v4 =	vsel vm15, v4, v6  }
0x3ff: {  	v3 =	vsub.f32 v3, v4;
	_ =	sdelay $0x1  }
0x400: {  	v3 =	vmul.f32 $1.442695020e+00, v3;
	_ =	sdelay $0x1  }
0x401: {  	(erf) = vpow2.f32 v3;
	_ =	sdelay $0x4  }
0x402: {  	s28 =	simm.s32 $0x1  }
0x403: {  	s31 =	simm.s32 $0x7;
	v4 =	vmov s28;
	v3 =	vmov s11  }
0x404: {  	v5 =	vmov s31;
	v4 =	vshrl.u32 v4, $0x3;
	v3 =	vshrl.u32 v3, $0x3  }
0x405: {  	v5 =	vshrl.u32 v5, $0x3;
	v4 =	vshll.u32 v4, v1;
	s11 =	sadd.s32 $0xB0, s19;
	v3 =	vshll.u32 v3, v1  }
0x406: {  	v5 =	vshll.u32 v5, v1;
	v4 =	vadd.s32 $0x1, v4;
	p6 =	slt.u32 s11, $0x50910;
	v3 =	vbroadcast v3, $0x0;
	v6 =	vpop (erf)  }
0x407: {  	v5 =	vadd.s32 $0x7, v5;
	v4 =	vbroadcast v4, $0x0;
	v6 =	vpsel !p6, $0x0, v6  }
0x408: {  	v5 =	vbroadcast v5, $0x0;
	[tilespmem:$0xB1D0] =	vst v6  }
0x409: {  	_ =	swait.ge [sflag:s21], $0x3000  }
0x40a: {  	[sflag:s21] =	ssyncset.done $0x0  }
0x40b: {  	[sflag:s21] =	ssyncadd.s32 $0xFFFFD000  }
0x40c: {  	v6 =	vld.idx.msk [tilespmem:v3+s22+$0x0], $0xffff  }
0x40d: {  	v4 =	vld.idx.msk [tilespmem:v4+s22+$0x0], $0xffff  }
0x40e: {  	s5 =	simm.s32 $0x5320;
	v3 =	vld.idx.msk [tilespmem:v5+s22+$0x0], $0xffff  }
0x40f: {  	v5 =	vld [tilespmem:s5+$0xFFFFFE00]  }
0x410: {  	v7 =	vld [tilespmem:s5+$0xFFFFFE10]  }
0x411: {  	v8 =	vld [tilespmem:s5+$0xFFFFFE20]  }
0x412: {  	v9 =	vld [tilespmem:s5+$0xFFFFFE30]  }
0x413: {  	v10 =	vld [tilespmem:s5+$0xFFFFFE40]  }
0x414: {  	v11 =	vld [tilespmem:s5+$0xFFFFFE50]  }
0x415: {  	v14 =	vld [tilespmem:s5+$0x1F0]  }
0x416: {  	v13 =	vld [tilespmem:s5+$0xFFFFFE60]  }
0x417: {  	v15 =	vld [tilespmem:s5+$0xFFFFFE80]  }
0x418: {  	v16 =	vld [tilespmem:s5+$0xFFFFFE90]  }
0x419: {  	s14 =	simm.s32 $0x2;
	v18 =	vld [tilespmem:s5+$0xFFFFFEB0];
	v5 =	vmul.f32 v5, v6  }
0x41a: {  	v12 =	vmov s14;
	v17 =	vld [tilespmem:s5+$0xFFFFFEA0];
	v14 =	vmul.f32 v14, v3  }
0x41b: {  	v12 =	vshrl.u32 v12, $0x3;
	v19 =	vld [tilespmem:s5+$0xFFFFFEC0];
	v7 =	vmul.f32 v7, v6;
	[tilespmem:s5+$0xFFFFFE00] =	vst v5  }
0x41c: {  	v8 =	vmul.f32 v8, v6;
	v5 =	vshll.u32 v12, v1;
	v12 =	vld [tilespmem:s5+$0xFFFFFE70];
	[tilespmem:s5+$0x1F0] =	vst v14  }
0x41d: {  	v9 =	vmul.f32 v9, v6;
	v14 =	vmul.f32 v15, v4;
	v15 =	vld [tilespmem:s5+$0xFFFFFED0];
	[tilespmem:s5+$0xFFFFFE10] =	vst v7  }
0x41e: {  	s19 =	simm.s32 $0x3;
	v18 =	vmul.f32 v18, v4;
	v7 =	vld [tilespmem:s5+$0xFFFFFEE0];
	[tilespmem:s5+$0xFFFFFE20] =	vst v8;
	v5 =	vadd.s32 $0x2, v5  }
0x41f: {  	v20 =	vmov s19;
	v8 =	vmul.f32 v10, v6;
	v10 =	vld [tilespmem:s5+$0xFFFFFEF0];
	[tilespmem:s5+$0xFFFFFE30] =	vst v9;
	v5 =	vbroadcast v5, $0x0  }
0x420: {  	v20 =	vshrl.u32 v20, $0x3;
	v9 =	vmul.f32 v11, v6;
	v11 =	vld [tilespmem:s5+$0xFFFFFF00];
	[tilespmem:s5+$0xFFFFFEB0] =	vst v18  }
0x421: {  	v18 =	vld [tilespmem:s5+$0xFFFFFF80];
	[tilespmem:s5+$0xFFFFFE80] =	vst v14;
	v14 =	vshll.u32 v20, v1  }
0x422: {  	[tilespmem:s5+$0xFFFFFE40] =	vst v8;
	v8 =	vmul.f32 v13, v6;
	v13 =	vld [tilespmem:s5+$0xFFFFFF10];
	v14 =	vadd.s32 $0x3, v14  }
0x423: {  	[tilespmem:s5+$0xFFFFFE50] =	vst v9;
	v9 =	vld [tilespmem:s5+$0xFFFFFF20];
	v14 =	vbroadcast v14, $0x0  }
0x424: {  	[tilespmem:s5+$0xFFFFFE60] =	vst v8;
	v8 =	vmul.f32 v16, v4;
	v16 =	vld [tilespmem:s5+$0xFFFFFF40];
	v6 =	vmul.f32 v12, v6  }
0x425: {  	v19 =	vmul.f32 v19, v4;
	v5 =	vld.idx.msk [tilespmem:v5+s22+$0x0], $0xffff  }
0x426: {  	v12 =	vld [tilespmem:s5+$0xFFFFFF30];
	v15 =	vmul.f32 v15, v4;
	[tilespmem:s5+$0xFFFFFE70] =	vst v6;
	v6 =	vmul.f32 v17, v4  }
0x427: {  	v7 =	vmul.f32 v7, v4;
	[tilespmem:s5+$0xFFFFFE90] =	vst v8;
	v4 =	vmul.f32 v10, v4;
	v10 =	vld [tilespmem:s5+$0xFFFFFF90]  }
0x428: {  	[tilespmem:s5+$0xFFFFFEA0] =	vst v6;
	v6 =	vld [tilespmem:s5+$0xFFFFFF60]  }
0x429: {  	[tilespmem:s5+$0xFFFFFED0] =	vst v15;
	v14 =	vld.idx.msk [tilespmem:v14+s22+$0x0], $0xffff  }
0x42a: {  	s28 =	simm.s32 $0x4;
	[tilespmem:s5+$0xFFFFFEE0] =	vst v7;
	v15 =	vld [tilespmem:s5+$0xFFFFFFD0];
	v8 =	vmul.f32 v11, v5  }
0x42b: {  	v17 =	vmov s28;
	[tilespmem:s5+$0xFFFFFEF0] =	vst v4;
	v11 =	vld [tilespmem:s5+$0xFFFFFF50];
	v7 =	vmul.f32 v13, v5  }
0x42c: {  	v17 =	vshrl.u32 v17, $0x3;
	v13 =	vld [tilespmem:s5+$0xFFFFFFA0];
	v4 =	vmul.f32 v9, v5;
	[tilespmem:s5+$0xFFFFFF00] =	vst v8  }
0x42d: {  	s31 =	simm.s32 $0x5;
	v9 =	vld [tilespmem:s5+$0xFFFFFFB0];
	v16 =	vmul.f32 v16, v5;
	v6 =	vmul.f32 v6, v5;
	v8 =	vshll.u32 v17, v1;
	[tilespmem:s5+$0xFFFFFF10] =	vst v7  }
0x42e: {  	v17 =	vld [tilespmem:s5+$0xFFFFFF70];
	[tilespmem:s5+$0xFFFFFF20] =	vst v4;
	v4 =	vmul.f32 v18, v14;
	v18 =	vmov s31;
	v8 =	vadd.s32 $0x4, v8  }
0x42f: {  	v7 =	vmul.f32 v12, v5;
	v12 =	vld [tilespmem:s5+$0xFFFFFFC0];
	[tilespmem:s5+$0xFFFFFF40] =	vst v16;
	v18 =	vshrl.u32 v18, $0x3;
	v8 =	vbroadcast v8, $0x0  }
0x430: {  	v16 =	vld [tilespmem:s5+$0xFFFFFFF0];
	[tilespmem:s5+$0xFFFFFF80] =	vst v4;
	v4 =	vshll.u32 v18, v1  }
0x431: {  	[tilespmem:s5+$0xFFFFFF60] =	vst v6;
	v6 =	vmul.f32 v10, v14;
	v10 =	vld [tilespmem:s5+$0x10];
	v4 =	vadd.s32 $0x5, v4  }
0x432: {  	[tilespmem:s5+$0xFFFFFF30] =	vst v7;
	v7 =	vld [tilespmem:s5+$0xFFFFFFE0];
	v11 =	vmul.f32 v11, v5;
	v4 =	vbroadcast v4, $0x0  }
0x433: {  	[tilespmem:s5+$0xFFFFFF90] =	vst v6;
	v6 =	vmul.f32 v9, v14;
	v9 =	vld [tilespmem:s5+$0x30];
	v5 =	vmul.f32 v17, v5  }
0x434: {  	[tilespmem:s5+$0xFFFFFF50] =	vst v11;
	v11 =	vld [tilespmem:s5+$0x0]  }
0x435: {  	[tilespmem:s5+$0xFFFFFF70] =	vst v5;
	v5 =	vmul.f32 v13, v14;
	v8 =	vld.idx.msk [tilespmem:v8+s22+$0x0], $0xffff  }
0x436: {  	[tilespmem:s5+$0xFFFFFEC0] =	vst v19;
	v15 =	vmul.f32 v15, v14;
	v13 =	vld [tilespmem:s5+$0x20]  }
0x437: {  	[tilespmem:s5+$0xFFFFFFA0] =	vst v5;
	v5 =	vmul.f32 v12, v14;
	v12 =	vld [tilespmem:s5+$0x40]  }
0x438: {  	[tilespmem:s5+$0xFFFFFFD0] =	vst v15;
	v18 =	vld.idx.msk [tilespmem:v4+s22+$0x0], $0xffff  }
0x439: {  	s14 =	simm.s32 $0x6;
	[tilespmem:s5+$0xFFFFFFB0] =	vst v6;
	v4 =	vmul.f32 v7, v14;
	v7 =	vmul.f32 v16, v14;
	v14 =	vld [tilespmem:s5+$0x70]  }
0x43a: {  	v17 =	vmov s14;
	v16 =	vld [tilespmem:s5+$0xE0];
	[tilespmem:s5+$0xFFFFFFC0] =	vst v5;
	v6 =	vmul.f32 v11, v8  }
0x43b: {  	v17 =	vshrl.u32 v17, $0x3;
	v5 =	vld [tilespmem:s5+$0x60];
	[tilespmem:s5+$0xFFFFFFE0] =	vst v4  }
0x43c: {  	v11 =	vld [tilespmem:s5+$0x50];
	v4 =	vmul.f32 v10, v8;
	[tilespmem:s5+$0x0] =	vst v6;
	v6 =	vshll.u32 v17, v1  }
0x43d: {  	[tilespmem:s5+$0xFFFFFFF0] =	vst v7;
	v10 =	vld [tilespmem:s5+$0x80];
	v7 =	vmul.f32 v13, v8;
	v6 =	vadd.s32 $0x6, v6  }
0x43e: {  	v13 =	vld [tilespmem:s5+$0x90];
	[tilespmem:s5+$0x10] =	vst v4;
	v4 =	vmul.f32 v9, v8;
	v6 =	vbroadcast v6, $0x0  }
0x43f: {  	v9 =	vld [tilespmem:s5+$0xA0];
	[tilespmem:s5+$0x20] =	vst v7;
	v7 =	vmul.f32 v12, v8  }
0x440: {  	v12 =	vld [tilespmem:s5+$0xB0];
	v5 =	vmul.f32 v5, v8;
	[tilespmem:s5+$0x30] =	vst v4  }
0x441: {  	v17 =	vld [tilespmem:s5+$0x100];
	[tilespmem:s5+$0x40] =	vst v7;
	v4 =	vmul.f32 v11, v8  }
0x442: {  	s19 =	simm.s32 $0x8;
	s28 =	simm.s32 $0x9;
	v11 =	vld [tilespmem:s5+$0xC0];
	v7 =	vmul.f32 v10, v18;
	[tilespmem:s5+$0x60] =	vst v5  }
0x443: {  	s31 =	simm.s32 $0xA;
	v15 =	vmov s19;
	v10 =	vld [tilespmem:s5+$0xD0];
	v5 =	vmov s28;
	v13 =	vmul.f32 v13, v18;
	s28 =	simm.s32 $0xD;
	[tilespmem:s5+$0x50] =	vst v4  }
0x444: {  	v19 =	vmov s28;
	[tilespmem:s5+$0x80] =	vst v7;
	v7 =	vmov s31;
	v9 =	vmul.f32 v9, v18;
	v4 =	vld.idx.msk [tilespmem:v6+s22+$0x0], $0xffff  }
0x445: {  	s31 =	simm.s32 $0xE;
	[tilespmem:s5+$0x90] =	vst v13;
	v12 =	vmul.f32 v12, v18;
	v7 =	vshrl.u32 v7, $0x3;
	v6 =	vmul.f32 v14, v8;
	v14 =	vld [tilespmem:s5+$0xF0]  }
0x446: {  	s19 =	simm.s32 $0xC;
	v5 =	vshrl.u32 v5, $0x3;
	v13 =	vld [tilespmem:s5+$0x110];
	v20 =	vmov s31;
	[tilespmem:s5+$0xA0] =	vst v9;
	v7 =	vshll.u32 v7, v1  }
0x447: {  	[tilespmem:s5+$0xB0] =	vst v12;
	v12 =	vld [tilespmem:s5+$0x130];
	v8 =	vshrl.u32 v15, $0x3;
	v15 =	vmov s19;
	v9 =	vmul.f32 v11, v18  }
0x448: {  	s14 =	simm.s32 $0xB;
	v11 =	vld [tilespmem:s5+$0x120];
	v10 =	vmul.f32 v10, v18;
	v8 =	vshll.u32 v8, v1;
	v15 =	vshrl.u32 v15, $0x3;
	[tilespmem:s5+$0x70] =	vst v6  }
0x449: {  	v6 =	vmov s14;
	[tilespmem:s5+$0xC0] =	vst v9;
	v9 =	vmul.f32 v16, v18;
	v15 =	vshll.u32 v15, v1  }
0x44a: {  	v16 =	vld [tilespmem:s5+$0x140];
	[tilespmem:s5+$0xD0] =	vst v10;
	v62 =	vshrl.u32 v6, $0x3;
	v10 =	vmul.f32 v14, v18;
	v14 =	vmul.f32 v17, v4  }
0x44b: {  	v6 =	vbroadcast v8, $0x0;
	v8 =	vshrl.u32 v19, $0x3;
	v19 =	vshll.u32 v5, v1;
	[tilespmem:s5+$0xE0] =	vst v9;
	v18 =	vld [tilespmem:s5+$0x150]  }
0x44c: {  	v9 =	vshll.u32 v62, v1;
	v17 =	vshrl.u32 v20, $0x3;
	v20 =	vld [tilespmem:s5+$0x160];
	v13 =	vmul.f32 v13, v4;
	[tilespmem:s5+$0x100] =	vst v14  }
0x44d: {  	v5 =	vld [tilespmem:s5+$0x170];
	v11 =	vmul.f32 v11, v4;
	v12 =	vmul.f32 v12, v4;
	v63 =	vshll.u32 v17, v1;
	[tilespmem:s5+$0xF0] =	vst v10  }
0x44e: {  	v17 =	vadd.s32 $0x3, v9;
	v10 =	vshll.u32 v8, v1;
	v14 =	vadd.s32 $0x1, v19;
	[tilespmem:s5+$0x110] =	vst v13;
	v8 =	vld [tilespmem:s5+$0x180]  }
0x44f: {  	v9 =	vld [tilespmem:s5+$0x190];
	v19 =	vadd.s32 $0x2, v7;
	v13 =	vadd.s32 $0x4, v15;
	[tilespmem:s5+$0x120] =	vst v11;
	v11 =	vmul.f32 v16, v4  }
0x450: {  	[tilespmem:s5+$0x130] =	vst v12;
	v7 =	vbroadcast v14, $0x0;
	v14 =	vadd.s32 $0x5, v10;
	v10 =	vld [tilespmem:s5+$0x1A0];
	v16 =	vmul.f32 v18, v4  }
0x451: {  	s11 =	simm.s32 $0x10;
	s19 =	simm.s32 $0xF;
	v15 =	vadd.s32 $0x6, v63;
	v12 =	vbroadcast v19, $0x0;
	[tilespmem:s5+$0x140] =	vst v11;
	v11 =	vld [tilespmem:s5+$0x1B0];
	v18 =	vmul.f32 v20, v4  }
.LBB2_9:
0x452: {  	p0 =	slt.u32 s11, $0x58;
	v17 =	vbroadcast v17, $0x0;
	v19 =	vmov s19;
	[tilespmem:s5+$0x150] =	vst v16;
	v4 =	vmul.f32 v5, v4;
	v5 =	vld [tilespmem:s5+$0x1C0]  }
0x453: {  	v13 =	vbroadcast v13, $0x0;
	v16 =	vshrl.u32 v19, $0x3;
	[tilespmem:s5+$0x160] =	vst v18;
	v8 =	vmul.f32 v8, v3;
	v18 =	vld [tilespmem:s5+$0x1D0]  }
0x454: {  	v14 =	vbroadcast v14, $0x0;
	v16 =	vshll.u32 v16, v1;
	[tilespmem:s5+$0x170] =	vst v4;
	v4 =	vmul.f32 v9, v3;
	v9 =	vld [tilespmem:s5+$0x1E0]  }
0x455: {  	v15 =	vbroadcast v15, $0x0;
	v19 =	vld.idx.msk [tilespmem:v6+s22+$0x0], $0xffff;
	v6 =	vadd.s32 $0x7, v16;
	[tilespmem:s5+$0x180] =	vst v8;
	v8 =	vmul.f32 v10, v3  }
0x456: {  	v10 =	vld.idx.msk [tilespmem:v7+s22+$0x0], $0xffff;
	v16 =	vbroadcast v6, $0x0;
	[tilespmem:s5+$0x190] =	vst v4;
	v4 =	vmul.f32 v11, v3  }
0x457: {  	v11 =	vld.idx.msk [tilespmem:v12+s22+$0x0], $0xffff;
	[tilespmem:s5+$0x1A0] =	vst v8;
	v5 =	vmul.f32 v5, v3  }
0x458: {  	v7 =	vld.idx.msk [tilespmem:v17+s22+$0x0], $0xffff;
	[tilespmem:s5+$0x1B0] =	vst v4;
	v4 =	vmul.f32 v18, v3  }
0x459: {  	v6 =	vld.idx.msk [tilespmem:v13+s22+$0x0], $0xffff;
	[tilespmem:s5+$0x1C0] =	vst v5;
	v3 =	vmul.f32 v9, v3  }
0x45a: {  	v5 =	vld.idx.msk [tilespmem:v14+s22+$0x0], $0xffff;
	[tilespmem:s5+$0x1D0] =	vst v4  }
0x45b: {  	v4 =	vld.idx.msk [tilespmem:v15+s22+$0x0], $0xffff;
	[tilespmem:s5+$0x1E0] =	vst v3  }
0x45c: {  	s5 =	sadd.s32 $0x400, s5;
	v3 =	vld.idx.msk [tilespmem:v16+s22+$0x0], $0xffff  }
0x45d: {  	v8 =	vld [tilespmem:s5+$0x1F0]  }
0x45e: {  	v9 =	vld [tilespmem:s5+$0xFFFFFE00]  }
0x45f: {  	v12 =	vld [tilespmem:s5+$0xFFFFFE10]  }
0x460: {  	v13 =	vld [tilespmem:s5+$0xFFFFFE20]  }
0x461: {  	v14 =	vld [tilespmem:s5+$0xFFFFFE30]  }
0x462: {  	v15 =	vld [tilespmem:s5+$0xFFFFFE40];
	v8 =	vmul.f32 v8, v3  }
0x463: {  	v9 =	vmul.f32 v9, v19;
	v16 =	vld [tilespmem:s5+$0xFFFFFE50]  }
0x464: {  	v12 =	vmul.f32 v12, v19;
	v17 =	vld [tilespmem:s5+$0xFFFFFE60];
	[tilespmem:s5+$0x1F0] =	vst v8  }
0x465: {  	[tilespmem:s5+$0xFFFFFE00] =	vst v9;
	v8 =	vmul.f32 v13, v19;
	v9 =	vld [tilespmem:s5+$0xFFFFFE70]  }
0x466: {  	[tilespmem:s5+$0xFFFFFE10] =	vst v12;
	v12 =	vmul.f32 v14, v19;
	v13 =	vld [tilespmem:s5+$0xFFFFFE80]  }
0x467: {  	[tilespmem:s5+$0xFFFFFE20] =	vst v8;
	v8 =	vmul.f32 v15, v19;
	v14 =	vld [tilespmem:s5+$0xFFFFFE90]  }
0x468: {  	[tilespmem:s5+$0xFFFFFE30] =	vst v12;
	v12 =	vmul.f32 v16, v19;
	v15 =	vld [tilespmem:s5+$0xFFFFFEA0]  }
0x469: {  	[tilespmem:s5+$0xFFFFFE40] =	vst v8;
	v8 =	vmul.f32 v17, v19;
	v16 =	vld [tilespmem:s5+$0xFFFFFEB0]  }
0x46a: {  	[tilespmem:s5+$0xFFFFFE50] =	vst v12;
	v9 =	vmul.f32 v9, v19;
	v12 =	vld [tilespmem:s5+$0xFFFFFEC0]  }
0x46b: {  	[tilespmem:s5+$0xFFFFFE60] =	vst v8;
	v8 =	vmul.f32 v13, v10;
	v13 =	vld [tilespmem:s5+$0xFFFFFED0]  }
0x46c: {  	[tilespmem:s5+$0xFFFFFE70] =	vst v9;
	v9 =	vmul.f32 v14, v10;
	v14 =	vld [tilespmem:s5+$0xFFFFFEE0]  }
0x46d: {  	[tilespmem:s5+$0xFFFFFE80] =	vst v8;
	v8 =	vmul.f32 v15, v10;
	v15 =	vld [tilespmem:s5+$0xFFFFFEF0]  }
0x46e: {  	[tilespmem:s5+$0xFFFFFE90] =	vst v9;
	v9 =	vmul.f32 v16, v10;
	v16 =	vld [tilespmem:s5+$0xFFFFFF00]  }
0x46f: {  	[tilespmem:s5+$0xFFFFFEA0] =	vst v8;
	v8 =	vmul.f32 v12, v10;
	v12 =	vld [tilespmem:s5+$0xFFFFFF10]  }
0x470: {  	[tilespmem:s5+$0xFFFFFEB0] =	vst v9;
	v9 =	vmul.f32 v13, v10;
	v13 =	vld [tilespmem:s5+$0xFFFFFF20]  }
0x471: {  	[tilespmem:s5+$0xFFFFFEC0] =	vst v8;
	v8 =	vmul.f32 v14, v10;
	v14 =	vld [tilespmem:s5+$0xFFFFFF30]  }
0x472: {  	[tilespmem:s5+$0xFFFFFED0] =	vst v9;
	v9 =	vmul.f32 v15, v10;
	v10 =	vld [tilespmem:s5+$0xFFFFFF40]  }
0x473: {  	[tilespmem:s5+$0xFFFFFEE0] =	vst v8;
	v8 =	vmul.f32 v16, v11;
	v15 =	vld [tilespmem:s5+$0xFFFFFF50]  }
0x474: {  	[tilespmem:s5+$0xFFFFFEF0] =	vst v9;
	v9 =	vmul.f32 v12, v11;
	v12 =	vld [tilespmem:s5+$0xFFFFFF60]  }
0x475: {  	[tilespmem:s5+$0xFFFFFF00] =	vst v8;
	v8 =	vmul.f32 v13, v11;
	v13 =	vld [tilespmem:s5+$0xFFFFFF70]  }
0x476: {  	[tilespmem:s5+$0xFFFFFF10] =	vst v9;
	v9 =	vmul.f32 v14, v11;
	v14 =	vld [tilespmem:s5+$0xFFFFFF80]  }
0x477: {  	[tilespmem:s5+$0xFFFFFF20] =	vst v8;
	v8 =	vmul.f32 v10, v11;
	v10 =	vld [tilespmem:s5+$0xFFFFFF90]  }
0x478: {  	[tilespmem:s5+$0xFFFFFF30] =	vst v9;
	v9 =	vmul.f32 v15, v11;
	v15 =	vld [tilespmem:s5+$0xFFFFFFA0]  }
0x479: {  	[tilespmem:s5+$0xFFFFFF40] =	vst v8;
	v8 =	vmul.f32 v12, v11;
	v12 =	vld [tilespmem:s5+$0xFFFFFFB0]  }
0x47a: {  	[tilespmem:s5+$0xFFFFFF50] =	vst v9;
	v9 =	vmul.f32 v13, v11;
	v11 =	vld [tilespmem:s5+$0xFFFFFFC0]  }
0x47b: {  	[tilespmem:s5+$0xFFFFFF60] =	vst v8;
	v8 =	vmul.f32 v14, v7;
	v13 =	vld [tilespmem:s5+$0xFFFFFFD0]  }
0x47c: {  	[tilespmem:s5+$0xFFFFFF70] =	vst v9;
	v9 =	vmul.f32 v10, v7;
	v10 =	vld [tilespmem:s5+$0xFFFFFFE0]  }
0x47d: {  	[tilespmem:s5+$0xFFFFFF80] =	vst v8;
	v8 =	vmul.f32 v15, v7;
	v14 =	vld [tilespmem:s5+$0xFFFFFFF0]  }
0x47e: {  	[tilespmem:s5+$0xFFFFFF90] =	vst v9;
	v9 =	vmul.f32 v12, v7;
	v12 =	vld [tilespmem:s5+$0x0]  }
0x47f: {  	[tilespmem:s5+$0xFFFFFFA0] =	vst v8;
	v8 =	vmul.f32 v11, v7;
	v11 =	vld [tilespmem:s5+$0x10]  }
0x480: {  	[tilespmem:s5+$0xFFFFFFB0] =	vst v9;
	v9 =	vmul.f32 v13, v7;
	v13 =	vld [tilespmem:s5+$0x20]  }
0x481: {  	[tilespmem:s5+$0xFFFFFFC0] =	vst v8;
	v8 =	vmul.f32 v10, v7;
	v10 =	vld [tilespmem:s5+$0x30]  }
0x482: {  	[tilespmem:s5+$0xFFFFFFD0] =	vst v9;
	v7 =	vmul.f32 v14, v7;
	v9 =	vld [tilespmem:s5+$0x40]  }
0x483: {  	[tilespmem:s5+$0xFFFFFFE0] =	vst v8;
	v8 =	vmul.f32 v12, v6;
	v12 =	vld [tilespmem:s5+$0x50]  }
0x484: {  	[tilespmem:s5+$0xFFFFFFF0] =	vst v7;
	v7 =	vmul.f32 v11, v6;
	v11 =	vld [tilespmem:s5+$0x60]  }
0x485: {  	[tilespmem:s5+$0x0] =	vst v8;
	v8 =	vmul.f32 v13, v6;
	v13 =	vld [tilespmem:s5+$0x70]  }
0x486: {  	[tilespmem:s5+$0x10] =	vst v7;
	v7 =	vmul.f32 v10, v6;
	v10 =	vld [tilespmem:s5+$0x80]  }
0x487: {  	[tilespmem:s5+$0x20] =	vst v8;
	v8 =	vmul.f32 v9, v6;
	v9 =	vld [tilespmem:s5+$0x90]  }
0x488: {  	[tilespmem:s5+$0x30] =	vst v7;
	v7 =	vmul.f32 v12, v6;
	v12 =	vld [tilespmem:s5+$0xA0]  }
0x489: {  	[tilespmem:s5+$0x40] =	vst v8;
	v8 =	vmul.f32 v11, v6;
	v11 =	vld [tilespmem:s5+$0xB0]  }
0x48a: {  	v14 =	vmov s11;
	[tilespmem:s5+$0x50] =	vst v7;
	v6 =	vmul.f32 v13, v6;
	v7 =	vld [tilespmem:s5+$0xC0]  }
0x48b: {  	s14 =	sadd.s32 $0x1, s11;
	s19 =	sadd.s32 $0x2, s11;
	v13 =	vshrl.u32 v14, $0x3;
	[tilespmem:s5+$0x60] =	vst v8;
	v8 =	vmul.f32 v10, v5;
	v10 =	vld [tilespmem:s5+$0xD0]  }
0x48c: {  	v15 =	vmov s19;
	s19 =	sadd.s32 $0x4, s11;
	v14 =	vmov s14;
	s14 =	sadd.s32 $0x3, s11;
	[tilespmem:s5+$0x70] =	vst v6;
	v6 =	vmul.f32 v9, v5;
	v9 =	vld [tilespmem:s5+$0xE0]  }
0x48d: {  	v17 =	vmov s19;
	s19 =	sadd.s32 $0x6, s11;
	v16 =	vmov s14;
	s14 =	sadd.s32 $0x5, s11;
	[tilespmem:s5+$0x80] =	vst v8;
	v8 =	vmul.f32 v12, v5;
	v12 =	vld [tilespmem:s5+$0xF0]  }
0x48e: {  	v19 =	vmov s19;
	v18 =	vmov s14;
	[tilespmem:s5+$0x90] =	vst v6;
	v6 =	vmul.f32 v11, v5;
	v11 =	vld [tilespmem:s5+$0x100]  }
0x48f: {  	v13 =	vshll.u32 v13, v1;
	v14 =	vshrl.u32 v14, $0x3;
	[tilespmem:s5+$0xA0] =	vst v8;
	v7 =	vmul.f32 v7, v5;
	v8 =	vld [tilespmem:s5+$0x110]  }
0x490: {  	v15 =	vshrl.u32 v15, $0x3;
	v16 =	vshrl.u32 v16, $0x3;
	[tilespmem:s5+$0xB0] =	vst v6;
	v10 =	vmul.f32 v10, v5;
	v20 =	vld [tilespmem:s5+$0x120]  }
0x491: {  	v17 =	vshrl.u32 v17, $0x3;
	v18 =	vshrl.u32 v18, $0x3;
	[tilespmem:s5+$0xC0] =	vst v7;
	v7 =	vmul.f32 v9, v5;
	v9 =	vld [tilespmem:s5+$0x130]  }
0x492: {  	v6 =	vbroadcast v13, $0x0;
	v13 =	vshrl.u32 v19, $0x3;
	[tilespmem:s5+$0xD0] =	vst v10;
	v5 =	vmul.f32 v12, v5;
	v10 =	vld [tilespmem:s5+$0x140]  }
0x493: {  	v12 =	vshll.u32 v14, v1;
	v14 =	vshll.u32 v15, v1;
	[tilespmem:s5+$0xE0] =	vst v7;
	v7 =	vmul.f32 v11, v4;
	v11 =	vld [tilespmem:s5+$0x150]  }
0x494: {  	v15 =	vshll.u32 v16, v1;
	v16 =	vshll.u32 v17, v1;
	[tilespmem:s5+$0xF0] =	vst v5;
	v8 =	vmul.f32 v8, v4;
	v19 =	vld [tilespmem:s5+$0x160]  }
.Ltmp3:
0x495: {  	v18 =	vshll.u32 v18, v1;
	v21 =	vshll.u32 v13, v1;
	[tilespmem:s5+$0x100] =	vst v7;
	v7 =	vmul.f32 v20, v4;
	v5 =	vld [tilespmem:s5+$0x170];
	(pc) =	sbr.rel @p0 .LBB2_9-.Ltmp3, $4  }
0x496: {  	v12 =	vadd.s32 $0x1, v12;
	v20 =	vadd.s32 $0x2, v14;
	[tilespmem:s5+$0x110] =	vst v8;
	v22 =	vmul.f32 v9, v4;
	v8 =	vld [tilespmem:s5+$0x180]  }
0x497: {  	v17 =	vadd.s32 $0x3, v15;
	v13 =	vadd.s32 $0x4, v16;
	[tilespmem:s5+$0x120] =	vst v7;
	v23 =	vmul.f32 v10, v4;
	v9 =	vld [tilespmem:s5+$0x190]  }
0x498: {  	v14 =	vadd.s32 $0x5, v18;
	v7 =	vbroadcast v12, $0x0;
	[tilespmem:s5+$0x130] =	vst v22;
	v16 =	vmul.f32 v11, v4;
	v10 =	vld [tilespmem:s5+$0x1A0]  }
0x499: {  	s19 =	sadd.s32 $0x7, s11;
	s11 =	sadd.s32 $0x8, s11;
	v15 =	vadd.s32 $0x6, v21;
	v12 =	vbroadcast v20, $0x0;
	[tilespmem:s5+$0x140] =	vst v23;
	v18 =	vmul.f32 v19, v4;
	v11 =	vld [tilespmem:s5+$0x1B0]  }
0x49a: {  	_ = 	snop  }
0x49b: {  	v20 =	vld [tilespmem:s5+$0x1C0]  }
0x49c: {  	v21 =	vld [tilespmem:s5+$0x1D0]  }
0x49d: {  	v17 =	vbroadcast v17, $0x0;
	v19 =	vmov s19;
	v22 =	vld [tilespmem:s5+$0x1E0]  }
0x49e: {  	v13 =	vbroadcast v13, $0x0;
	v23 =	vld.idx.msk [tilespmem:v6+s22+$0x0], $0xffff;
	v19 =	vshrl.u32 v19, $0x3  }
0x49f: {  	v14 =	vbroadcast v14, $0x0;
	v12 =	vld.idx.msk [tilespmem:v12+s22+$0x0], $0xffff;
	v8 =	vmul.f32 v8, v3;
	v19 =	vshll.u32 v19, v1  }
0x4a0: {  	v15 =	vbroadcast v15, $0x0;
	s11 =	sadd.s32 $0x400, s5;
	v9 =	vmul.f32 v9, v3;
	v6 =	vadd.s32 $0x7, v19;
	v19 =	vld.idx.msk [tilespmem:v7+s22+$0x0], $0xffff  }
0x4a1: {  	[tilespmem:s5+$0x180] =	vst v8;
	v8 =	vmul.f32 v10, v3;
	v10 =	vld [tilespmem:s11+$0x1F0];
	v24 =	vbroadcast v6, $0x0  }
0x4a2: {  	[tilespmem:s5+$0x190] =	vst v9;
	v9 =	vmul.f32 v11, v3;
	v11 =	vld [tilespmem:s11+$0xFFFFFE00]  }
0x4a3: {  	v17 =	vld.idx.msk [tilespmem:v17+s22+$0x0], $0xffff  }
0x4a4: {  	v4 =	vmul.f32 v5, v4;
	v7 =	vld.idx.msk [tilespmem:v13+s22+$0x0], $0xffff  }
0x4a5: {  	[tilespmem:s5+$0x150] =	vst v16;
	v6 =	vld.idx.msk [tilespmem:v14+s22+$0x0], $0xffff  }
0x4a6: {  	[tilespmem:s5+$0x170] =	vst v4;
	v5 =	vld.idx.msk [tilespmem:v15+s22+$0x0], $0xffff  }
0x4a7: {  	[tilespmem:s5+$0x1A0] =	vst v8;
	v8 =	vmul.f32 v20, v3;
	v4 =	vld.idx.msk [tilespmem:v24+s22+$0x0], $0xffff  }
0x4a8: {  	v13 =	vld [tilespmem:s11+$0xFFFFFE10];
	[tilespmem:s5+$0x1B0] =	vst v9;
	v9 =	vmul.f32 v21, v3  }
0x4a9: {  	v14 =	vld [tilespmem:s11+$0xFFFFFE20];
	v3 =	vmul.f32 v22, v3;
	[tilespmem:s5+$0x1C0] =	vst v8  }
0x4aa: {  	v8 =	vld [tilespmem:s11+$0xFFFFFE30];
	[tilespmem:s5+$0x1D0] =	vst v9  }
0x4ab: {  	v9 =	vld [tilespmem:s11+$0xFFFFFE40];
	[tilespmem:s5+$0x1E0] =	vst v3;
	v3 =	vmul.f32 v11, v23  }
0x4ac: {  	[tilespmem:s5+$0x160] =	vst v18;
	v11 =	vld [tilespmem:s11+$0xFFFFFE50];
	v10 =	vmul.f32 v10, v4  }
0x4ad: {  	v15 =	vld [tilespmem:s11+$0xFFFFFE60];
	v13 =	vmul.f32 v13, v23;
	[tilespmem:s11+$0xFFFFFE00] =	vst v3  }
0x4ae: {  	v3 =	vmul.f32 v14, v23;
	[tilespmem:s11+$0x1F0] =	vst v10;
	v10 =	vld [tilespmem:s11+$0xFFFFFE70]  }
0x4af: {  	v8 =	vmul.f32 v8, v23;
	[tilespmem:s11+$0xFFFFFE10] =	vst v13;
	v13 =	vld [tilespmem:s11+$0xFFFFFE80]  }
0x4b0: {  	[tilespmem:s11+$0xFFFFFE20] =	vst v3;
	v3 =	vmul.f32 v9, v23;
	v9 =	vld [tilespmem:s11+$0xFFFFFE90]  }
0x4b1: {  	[tilespmem:s11+$0xFFFFFE30] =	vst v8;
	v8 =	vmul.f32 v11, v23;
	v11 =	vld [tilespmem:s11+$0xFFFFFEA0]  }
0x4b2: {  	v14 =	vld [tilespmem:s11+$0xFFFFFEB0];
	[tilespmem:s11+$0xFFFFFE40] =	vst v3;
	v3 =	vmul.f32 v15, v23  }
0x4b3: {  	[tilespmem:s11+$0xFFFFFE50] =	vst v8;
	v8 =	vmul.f32 v10, v23;
	v10 =	vld [tilespmem:s11+$0xFFFFFEC0]  }
0x4b4: {  	[tilespmem:s11+$0xFFFFFE60] =	vst v3;
	v3 =	vmul.f32 v13, v19;
	v13 =	vld [tilespmem:s11+$0xFFFFFED0]  }
0x4b5: {  	[tilespmem:s11+$0xFFFFFE70] =	vst v8;
	v8 =	vmul.f32 v9, v19;
	v9 =	vld [tilespmem:s11+$0xFFFFFEE0]  }
0x4b6: {  	[tilespmem:s11+$0xFFFFFE80] =	vst v3;
	v3 =	vmul.f32 v11, v19;
	v11 =	vld [tilespmem:s11+$0xFFFFFEF0]  }
0x4b7: {  	[tilespmem:s11+$0xFFFFFE90] =	vst v8;
	v8 =	vmul.f32 v14, v19;
	v14 =	vld [tilespmem:s11+$0xFFFFFF00]  }
0x4b8: {  	[tilespmem:s11+$0xFFFFFEA0] =	vst v3;
	v3 =	vmul.f32 v10, v19;
	v10 =	vld [tilespmem:s11+$0xFFFFFF10]  }
0x4b9: {  	[tilespmem:s11+$0xFFFFFEB0] =	vst v8;
	v8 =	vmul.f32 v13, v19;
	v13 =	vld [tilespmem:s11+$0xFFFFFF20]  }
0x4ba: {  	[tilespmem:s11+$0xFFFFFEC0] =	vst v3;
	v3 =	vmul.f32 v9, v19;
	v9 =	vld [tilespmem:s11+$0xFFFFFF30]  }
0x4bb: {  	[tilespmem:s11+$0xFFFFFED0] =	vst v8;
	v8 =	vmul.f32 v11, v19;
	v11 =	vld [tilespmem:s11+$0xFFFFFF40]  }
0x4bc: {  	[tilespmem:s11+$0xFFFFFEE0] =	vst v3;
	v3 =	vmul.f32 v14, v12;
	v14 =	vld [tilespmem:s11+$0xFFFFFF50]  }
0x4bd: {  	[tilespmem:s11+$0xFFFFFEF0] =	vst v8;
	v8 =	vmul.f32 v10, v12;
	v10 =	vld [tilespmem:s11+$0xFFFFFF60]  }
0x4be: {  	[tilespmem:s11+$0xFFFFFF00] =	vst v3;
	v3 =	vmul.f32 v13, v12;
	v13 =	vld [tilespmem:s11+$0xFFFFFF70]  }
0x4bf: {  	[tilespmem:s11+$0xFFFFFF10] =	vst v8;
	v8 =	vmul.f32 v9, v12;
	v9 =	vld [tilespmem:s11+$0xFFFFFF80]  }
0x4c0: {  	[tilespmem:s11+$0xFFFFFF20] =	vst v3;
	v3 =	vmul.f32 v11, v12;
	v11 =	vld [tilespmem:s11+$0xFFFFFF90]  }
0x4c1: {  	[tilespmem:s11+$0xFFFFFF30] =	vst v8;
	v8 =	vmul.f32 v14, v12;
	v14 =	vld [tilespmem:s11+$0xFFFFFFA0]  }
0x4c2: {  	[tilespmem:s11+$0xFFFFFF40] =	vst v3;
	v3 =	vmul.f32 v10, v12;
	v10 =	vld [tilespmem:s11+$0xFFFFFFB0]  }
0x4c3: {  	[tilespmem:s11+$0xFFFFFF50] =	vst v8;
	v8 =	vmul.f32 v13, v12;
	v12 =	vld [tilespmem:s11+$0xFFFFFFC0]  }
0x4c4: {  	[tilespmem:s11+$0xFFFFFF60] =	vst v3;
	v3 =	vmul.f32 v9, v17;
	v9 =	vld [tilespmem:s11+$0xFFFFFFD0]  }
0x4c5: {  	[tilespmem:s11+$0xFFFFFF70] =	vst v8;
	v8 =	vmul.f32 v11, v17;
	v11 =	vld [tilespmem:s11+$0xFFFFFFE0]  }
0x4c6: {  	v13 =	vld [tilespmem:s11+$0xFFFFFFF0];
	[tilespmem:s11+$0xFFFFFF80] =	vst v3;
	v3 =	vmul.f32 v14, v17  }
0x4c7: {  	[tilespmem:s11+$0xFFFFFF90] =	vst v8;
	v8 =	vmul.f32 v10, v17;
	v10 =	vld [tilespmem:s11+$0x0]  }
0x4c8: {  	[tilespmem:s11+$0xFFFFFFA0] =	vst v3;
	v3 =	vmul.f32 v12, v17;
	v12 =	vld [tilespmem:s11+$0x10]  }
0x4c9: {  	[tilespmem:s11+$0xFFFFFFB0] =	vst v8;
	v8 =	vmul.f32 v9, v17;
	v9 =	vld [tilespmem:s11+$0x20]  }
0x4ca: {  	[tilespmem:s11+$0xFFFFFFC0] =	vst v3;
	v3 =	vmul.f32 v11, v17;
	v11 =	vld [tilespmem:s11+$0x30]  }
0x4cb: {  	[tilespmem:s11+$0xFFFFFFD0] =	vst v8;
	v8 =	vmul.f32 v13, v17;
	v13 =	vld [tilespmem:s11+$0x40]  }
0x4cc: {  	[tilespmem:s11+$0xFFFFFFE0] =	vst v3;
	v3 =	vmul.f32 v10, v7;
	v10 =	vld [tilespmem:s11+$0x50]  }
0x4cd: {  	[tilespmem:s11+$0xFFFFFFF0] =	vst v8;
	v8 =	vmul.f32 v12, v7;
	v12 =	vld [tilespmem:s11+$0x60]  }
0x4ce: {  	[tilespmem:s11+$0x0] =	vst v3;
	v3 =	vmul.f32 v9, v7;
	v9 =	vld [tilespmem:s11+$0x70]  }
0x4cf: {  	[tilespmem:s11+$0x10] =	vst v8;
	v8 =	vmul.f32 v11, v7;
	v11 =	vld [tilespmem:s11+$0x80]  }
0x4d0: {  	[tilespmem:s11+$0x20] =	vst v3;
	v3 =	vmul.f32 v13, v7;
	v13 =	vld [tilespmem:s11+$0x90]  }
0x4d1: {  	[tilespmem:s11+$0x30] =	vst v8;
	v8 =	vmul.f32 v10, v7;
	v10 =	vld [tilespmem:s11+$0xA0]  }
0x4d2: {  	[tilespmem:s11+$0x40] =	vst v3;
	v3 =	vmul.f32 v12, v7;
	v12 =	vld [tilespmem:s11+$0xB0]  }
0x4d3: {  	[tilespmem:s11+$0x50] =	vst v8;
	v7 =	vmul.f32 v9, v7;
	v8 =	vld [tilespmem:s11+$0xC0]  }
0x4d4: {  	v9 =	vld [tilespmem:s11+$0xD0];
	[tilespmem:s11+$0x60] =	vst v3;
	v3 =	vmul.f32 v11, v6  }
0x4d5: {  	v11 =	vld [tilespmem:s11+$0xE0];
	[tilespmem:s11+$0x70] =	vst v7;
	v7 =	vmul.f32 v13, v6  }
0x4d6: {  	[tilespmem:s11+$0x80] =	vst v3;
	v3 =	vmul.f32 v10, v6;
	v10 =	vld [tilespmem:s11+$0xF0]  }
0x4d7: {  	[tilespmem:s11+$0x90] =	vst v7;
	v7 =	vmul.f32 v12, v6;
	v12 =	vld [tilespmem:s11+$0x100]  }
0x4d8: {  	[tilespmem:s11+$0xA0] =	vst v3;
	v3 =	vmul.f32 v8, v6;
	v8 =	vld [tilespmem:s11+$0x110]  }
0x4d9: {  	[tilespmem:s11+$0xB0] =	vst v7;
	v7 =	vmul.f32 v9, v6;
	v9 =	vld [tilespmem:s11+$0x120]  }
0x4da: {  	[tilespmem:s11+$0xC0] =	vst v3;
	v3 =	vmul.f32 v11, v6;
	v11 =	vld [tilespmem:s11+$0x130]  }
0x4db: {  	[tilespmem:s11+$0xD0] =	vst v7;
	v6 =	vmul.f32 v10, v6;
	v7 =	vld [tilespmem:s11+$0x140]  }
0x4dc: {  	v10 =	vld [tilespmem:s11+$0x150];
	[tilespmem:s11+$0xE0] =	vst v3;
	v3 =	vmul.f32 v12, v5  }
0x4dd: {  	[tilespmem:s11+$0xF0] =	vst v6;
	v6 =	vmul.f32 v8, v5;
	v8 =	vld [tilespmem:s11+$0x160]  }
0x4de: {  	[tilespmem:s11+$0x100] =	vst v3;
	v3 =	vmul.f32 v9, v5;
	v9 =	vld [tilespmem:s11+$0x170]  }
0x4df: {  	[tilespmem:s11+$0x110] =	vst v6;
	v6 =	vmul.f32 v11, v5;
	v11 =	vld [tilespmem:s11+$0x180]  }
0x4e0: {  	[tilespmem:s11+$0x120] =	vst v3;
	v3 =	vmul.f32 v7, v5;
	v7 =	vld [tilespmem:s11+$0x190]  }
0x4e1: {  	[tilespmem:s11+$0x130] =	vst v6;
	v6 =	vmul.f32 v10, v5;
	v10 =	vld [tilespmem:s11+$0x1A0]  }
0x4e2: {  	[tilespmem:s11+$0x140] =	vst v3;
	v3 =	vmul.f32 v8, v5;
	v8 =	vld [tilespmem:s11+$0x1B0]  }
0x4e3: {  	[tilespmem:s11+$0x150] =	vst v6;
	v5 =	vmul.f32 v9, v5;
	v6 =	vld [tilespmem:s11+$0x1C0]  }
0x4e4: {  	v9 =	vld [tilespmem:s11+$0x1D0];
	[tilespmem:s11+$0x160] =	vst v3;
	v3 =	vmul.f32 v11, v4  }
0x4e5: {  	[tilespmem:s11+$0x170] =	vst v5;
	v5 =	vmul.f32 v7, v4;
	v7 =	vld [tilespmem:s11+$0x1E0]  }
0x4e6: {  	[tilespmem:s11+$0x180] =	vst v3;
	v3 =	vmul.f32 v10, v4  }
0x4e7: {  	[tilespmem:s11+$0x190] =	vst v5;
	v5 =	vmul.f32 v8, v4  }
0x4e8: {  	[tilespmem:s11+$0x1A0] =	vst v3;
	v3 =	vmul.f32 v6, v4  }
0x4e9: {  	s28 =	simm.s32 $0x0;
	[tilespmem:s11+$0x1B0] =	vst v5;
	v5 =	vmul.f32 v9, v4  }
0x4ea: {  	[tilespmem:s11+$0x1C0] =	vst v3;
	v3 =	vmul.f32 v7, v4;
	v4 =	vmov s28  }
0x4eb: {  	[tilespmem:s11+$0x1D0] =	vst v5;
	v4 =	vshrl.u32 v4, $0x3  }
0x4ec: {  	[tilespmem:s11+$0x1E0] =	vst v3;
	v3 =	vshll.u32 v4, v1  }
0x4ed: {  	[spmem:s3] =	stream.indirect.scatter.add.f32 [tilespmem:s30], [sflag:$0x4], $0x80, s15, s18, $0xb8;
	v3 =	vbroadcast v3, $0x0;
	[tilespmem:$0x1F6F0] =	vst v63  }
0x4ee: {  	_ = 	snop  }
0x4ef: {  	[spmem:s4] =	stream.indirect.scatter.add.f32 [tilespmem:s22], [sflag:$0x4], $0x1, s15, s18, $0xb8;
	[tilespmem:$0x1F6F0] =	vst v63  }
0x4f0: {  	s14 =	simm.s32 $0x1;
	_ =	swait.ge [sflag:s23], $0x3000  }
0x4f1: {  	s31 =	simm.s32 $0x7;
	v6 =	vmov s14;
	[sflag:s23] =	ssyncset.done $0x0  }
0x4f2: {  	v5 =	vshrl.u32 v6, $0x3;
	v6 =	vmov s31;
	[sflag:s23] =	ssyncadd.s32 $0xFFFFD000  }
0x4f3: {  	s5 =	simm.s32 $0x8320;
	v4 =	vshll.u32 v5, v1;
	v5 =	vshrl.u32 v6, $0x3;
	v6 =	vld.idx.msk [tilespmem:v3+s24+$0x0], $0xffff  }
0x4f4: {  	v5 =	vshll.u32 v5, v1;
	v7 =	vld [tilespmem:s5+$0xFFFFFE10]  }
0x4f5: {  	v5 =	vadd.s32 $0x7, v5;
	v8 =	vld [tilespmem:s5+$0xFFFFFE20]  }
0x4f6: {  	v5 =	vbroadcast v5, $0x0;
	v9 =	vld [tilespmem:s5+$0xFFFFFE30]  }
0x4f7: {  	v10 =	vld [tilespmem:s5+$0xFFFFFE40]  }
0x4f8: {  	v11 =	vld [tilespmem:s5+$0xFFFFFE50]  }
0x4f9: {  	v4 =	vadd.s32 $0x1, v4;
	v13 =	vld [tilespmem:s5+$0xFFFFFE60]  }
0x4fa: {  	v4 =	vbroadcast v4, $0x0;
	v14 =	vld [tilespmem:s5+$0x1F0]  }
0x4fb: {  	v15 =	vld [tilespmem:s5+$0xFFFFFE80]  }
0x4fc: {  	v3 =	vld.idx.msk [tilespmem:v5+s24+$0x0], $0xffff  }
0x4fd: {  	v5 =	vld [tilespmem:s5+$0xFFFFFE00]  }
0x4fe: {  	v16 =	vld [tilespmem:s5+$0xFFFFFE90]  }
0x4ff: {  	v18 =	vld [tilespmem:s5+$0xFFFFFEB0]  }
0x500: {  	v4 =	vld.idx.msk [tilespmem:v4+s24+$0x0], $0xffff;
	v7 =	vmul.f32 v7, v6  }
0x501: {  	s14 =	simm.s32 $0x2;
	v17 =	vld [tilespmem:s5+$0xFFFFFEA0];
	v8 =	vmul.f32 v8, v6  }
0x502: {  	v12 =	vmov s14;
	v19 =	vld [tilespmem:s5+$0xFFFFFEC0];
	v5 =	vmul.f32 v5, v6;
	[tilespmem:s5+$0xFFFFFE10] =	vst v7  }
0x503: {  	v12 =	vshrl.u32 v12, $0x3;
	v9 =	vmul.f32 v9, v6;
	v7 =	vld [tilespmem:s5+$0xFFFFFEE0];
	[tilespmem:s5+$0xFFFFFE20] =	vst v8  }
0x504: {  	v14 =	vmul.f32 v14, v3;
	v8 =	vmul.f32 v10, v6;
	v10 =	vld [tilespmem:s5+$0xFFFFFEF0];
	[tilespmem:s5+$0xFFFFFE00] =	vst v5;
	v5 =	vshll.u32 v12, v1  }
0x505: {  	s19 =	simm.s32 $0x3;
	v18 =	vmul.f32 v18, v4;
	[tilespmem:s5+$0xFFFFFE30] =	vst v9;
	v9 =	vmul.f32 v11, v6;
	v11 =	vld [tilespmem:s5+$0xFFFFFF00];
	v5 =	vadd.s32 $0x2, v5  }
0x506: {  	v20 =	vmov s19;
	v12 =	vld [tilespmem:s5+$0xFFFFFE70];
	[tilespmem:s5+$0x1F0] =	vst v14;
	v14 =	vmul.f32 v15, v4;
	v5 =	vbroadcast v5, $0x0  }
0x507: {  	v20 =	vshrl.u32 v20, $0x3;
	[tilespmem:s5+$0xFFFFFEB0] =	vst v18;
	v18 =	vld [tilespmem:s5+$0xFFFFFF80]  }
0x508: {  	v15 =	vld [tilespmem:s5+$0xFFFFFED0];
	[tilespmem:s5+$0xFFFFFE80] =	vst v14;
	v14 =	vshll.u32 v20, v1  }
0x509: {  	[tilespmem:s5+$0xFFFFFE40] =	vst v8;
	v8 =	vmul.f32 v13, v6;
	v13 =	vld [tilespmem:s5+$0xFFFFFF10];
	v14 =	vadd.s32 $0x3, v14  }
0x50a: {  	[tilespmem:s5+$0xFFFFFE50] =	vst v9;
	v9 =	vld [tilespmem:s5+$0xFFFFFF20];
	v14 =	vbroadcast v14, $0x0  }
0x50b: {  	[tilespmem:s5+$0xFFFFFE60] =	vst v8;
	v8 =	vmul.f32 v16, v4;
	v16 =	vld [tilespmem:s5+$0xFFFFFF40];
	v6 =	vmul.f32 v12, v6  }
0x50c: {  	v19 =	vmul.f32 v19, v4;
	v5 =	vld.idx.msk [tilespmem:v5+s24+$0x0], $0xffff  }
0x50d: {  	v7 =	vmul.f32 v7, v4;
	v12 =	vld [tilespmem:s5+$0xFFFFFF30];
	[tilespmem:s5+$0xFFFFFE70] =	vst v6;
	v6 =	vmul.f32 v17, v4  }
0x50e: {  	[tilespmem:s5+$0xFFFFFE90] =	vst v8;
	v15 =	vmul.f32 v15, v4;
	v4 =	vmul.f32 v10, v4;
	v10 =	vld [tilespmem:s5+$0xFFFFFF90]  }
0x50f: {  	[tilespmem:s5+$0xFFFFFEA0] =	vst v6;
	v6 =	vld [tilespmem:s5+$0xFFFFFF60]  }
0x510: {  	[tilespmem:s5+$0xFFFFFEE0] =	vst v7;
	v14 =	vld.idx.msk [tilespmem:v14+s24+$0x0], $0xffff  }
0x511: {  	s28 =	simm.s32 $0x4;
	[tilespmem:s5+$0xFFFFFED0] =	vst v15;
	v15 =	vld [tilespmem:s5+$0xFFFFFFD0];
	v8 =	vmul.f32 v11, v5  }
0x512: {  	v17 =	vmov s28;
	[tilespmem:s5+$0xFFFFFEF0] =	vst v4;
	v11 =	vld [tilespmem:s5+$0xFFFFFF50];
	v7 =	vmul.f32 v13, v5  }
0x513: {  	v17 =	vshrl.u32 v17, $0x3;
	v13 =	vld [tilespmem:s5+$0xFFFFFFA0];
	v4 =	vmul.f32 v9, v5;
	[tilespmem:s5+$0xFFFFFF00] =	vst v8  }
0x514: {  	s31 =	simm.s32 $0x5;
	v9 =	vld [tilespmem:s5+$0xFFFFFFB0];
	v16 =	vmul.f32 v16, v5;
	v6 =	vmul.f32 v6, v5;
	v8 =	vshll.u32 v17, v1;
	[tilespmem:s5+$0xFFFFFF10] =	vst v7  }
0x515: {  	v17 =	vld [tilespmem:s5+$0xFFFFFF70];
	[tilespmem:s5+$0xFFFFFF20] =	vst v4;
	v4 =	vmul.f32 v18, v14;
	v18 =	vmov s31;
	v8 =	vadd.s32 $0x4, v8  }
0x516: {  	v7 =	vmul.f32 v12, v5;
	v12 =	vld [tilespmem:s5+$0xFFFFFFC0];
	[tilespmem:s5+$0xFFFFFF40] =	vst v16;
	v18 =	vshrl.u32 v18, $0x3;
	v8 =	vbroadcast v8, $0x0  }
0x517: {  	v16 =	vld [tilespmem:s5+$0xFFFFFFF0];
	[tilespmem:s5+$0xFFFFFF80] =	vst v4;
	v4 =	vshll.u32 v18, v1  }
0x518: {  	[tilespmem:s5+$0xFFFFFF60] =	vst v6;
	v6 =	vmul.f32 v10, v14;
	v10 =	vld [tilespmem:s5+$0x10];
	v4 =	vadd.s32 $0x5, v4  }
0x519: {  	[tilespmem:s5+$0xFFFFFF30] =	vst v7;
	v7 =	vld [tilespmem:s5+$0xFFFFFFE0];
	v11 =	vmul.f32 v11, v5;
	v4 =	vbroadcast v4, $0x0  }
0x51a: {  	[tilespmem:s5+$0xFFFFFF90] =	vst v6;
	v6 =	vmul.f32 v9, v14;
	v9 =	vld [tilespmem:s5+$0x30];
	v5 =	vmul.f32 v17, v5  }
0x51b: {  	[tilespmem:s5+$0xFFFFFF50] =	vst v11;
	v11 =	vld [tilespmem:s5+$0x0]  }
0x51c: {  	[tilespmem:s5+$0xFFFFFF70] =	vst v5;
	v5 =	vmul.f32 v13, v14;
	v8 =	vld.idx.msk [tilespmem:v8+s24+$0x0], $0xffff  }
0x51d: {  	[tilespmem:s5+$0xFFFFFEC0] =	vst v19;
	v15 =	vmul.f32 v15, v14;
	v13 =	vld [tilespmem:s5+$0x20]  }
0x51e: {  	[tilespmem:s5+$0xFFFFFFA0] =	vst v5;
	v5 =	vmul.f32 v12, v14;
	v12 =	vld [tilespmem:s5+$0x40]  }
0x51f: {  	[tilespmem:s5+$0xFFFFFFD0] =	vst v15;
	v18 =	vld.idx.msk [tilespmem:v4+s24+$0x0], $0xffff  }
0x520: {  	s14 =	simm.s32 $0x6;
	[tilespmem:s5+$0xFFFFFFB0] =	vst v6;
	v4 =	vmul.f32 v7, v14;
	v7 =	vmul.f32 v16, v14;
	v14 =	vld [tilespmem:s5+$0x70]  }
0x521: {  	v17 =	vmov s14;
	v16 =	vld [tilespmem:s5+$0xE0];
	[tilespmem:s5+$0xFFFFFFC0] =	vst v5;
	v6 =	vmul.f32 v11, v8  }
0x522: {  	v17 =	vshrl.u32 v17, $0x3;
	v5 =	vld [tilespmem:s5+$0x60];
	[tilespmem:s5+$0xFFFFFFE0] =	vst v4  }
0x523: {  	v11 =	vld [tilespmem:s5+$0x50];
	v4 =	vmul.f32 v10, v8;
	[tilespmem:s5+$0x0] =	vst v6;
	v6 =	vshll.u32 v17, v1  }
0x524: {  	[tilespmem:s5+$0xFFFFFFF0] =	vst v7;
	v10 =	vld [tilespmem:s5+$0x80];
	v7 =	vmul.f32 v13, v8;
	v6 =	vadd.s32 $0x6, v6  }
0x525: {  	v13 =	vld [tilespmem:s5+$0x90];
	[tilespmem:s5+$0x10] =	vst v4;
	v4 =	vmul.f32 v9, v8;
	v6 =	vbroadcast v6, $0x0  }
0x526: {  	v9 =	vld [tilespmem:s5+$0xA0];
	[tilespmem:s5+$0x20] =	vst v7;
	v7 =	vmul.f32 v12, v8  }
0x527: {  	v12 =	vld [tilespmem:s5+$0xB0];
	v5 =	vmul.f32 v5, v8;
	[tilespmem:s5+$0x30] =	vst v4  }
0x528: {  	v17 =	vld [tilespmem:s5+$0x100];
	[tilespmem:s5+$0x40] =	vst v7;
	v4 =	vmul.f32 v11, v8  }
0x529: {  	s19 =	simm.s32 $0x8;
	s28 =	simm.s32 $0x9;
	v11 =	vld [tilespmem:s5+$0xC0];
	v7 =	vmul.f32 v10, v18;
	[tilespmem:s5+$0x60] =	vst v5  }
0x52a: {  	s31 =	simm.s32 $0xA;
	v15 =	vmov s19;
	v10 =	vld [tilespmem:s5+$0xD0];
	v5 =	vmov s28;
	v13 =	vmul.f32 v13, v18;
	s28 =	simm.s32 $0xD;
	[tilespmem:s5+$0x50] =	vst v4  }
0x52b: {  	v19 =	vmov s28;
	[tilespmem:s5+$0x80] =	vst v7;
	v7 =	vmov s31;
	v9 =	vmul.f32 v9, v18;
	v4 =	vld.idx.msk [tilespmem:v6+s24+$0x0], $0xffff  }
0x52c: {  	s31 =	simm.s32 $0xE;
	[tilespmem:s5+$0x90] =	vst v13;
	v12 =	vmul.f32 v12, v18;
	v7 =	vshrl.u32 v7, $0x3;
	v6 =	vmul.f32 v14, v8;
	v14 =	vld [tilespmem:s5+$0xF0]  }
0x52d: {  	s19 =	simm.s32 $0xC;
	v5 =	vshrl.u32 v5, $0x3;
	v13 =	vld [tilespmem:s5+$0x110];
	v20 =	vmov s31;
	[tilespmem:s5+$0xA0] =	vst v9;
	v7 =	vshll.u32 v7, v1  }
0x52e: {  	[tilespmem:s5+$0xB0] =	vst v12;
	v12 =	vld [tilespmem:s5+$0x130];
	v8 =	vshrl.u32 v15, $0x3;
	v15 =	vmov s19;
	v9 =	vmul.f32 v11, v18  }
0x52f: {  	s14 =	simm.s32 $0xB;
	v11 =	vld [tilespmem:s5+$0x120];
	v10 =	vmul.f32 v10, v18;
	v8 =	vshll.u32 v8, v1;
	v15 =	vshrl.u32 v15, $0x3;
	[tilespmem:s5+$0x70] =	vst v6  }
0x530: {  	v6 =	vmov s14;
	[tilespmem:s5+$0xC0] =	vst v9;
	v9 =	vmul.f32 v16, v18;
	v15 =	vshll.u32 v15, v1  }
0x531: {  	v16 =	vld [tilespmem:s5+$0x140];
	[tilespmem:s5+$0xD0] =	vst v10;
	v62 =	vshrl.u32 v6, $0x3;
	v10 =	vmul.f32 v14, v18;
	v14 =	vmul.f32 v17, v4  }
0x532: {  	v6 =	vbroadcast v8, $0x0;
	v8 =	vshrl.u32 v19, $0x3;
	v19 =	vshll.u32 v5, v1;
	[tilespmem:s5+$0xE0] =	vst v9;
	v18 =	vld [tilespmem:s5+$0x150]  }
0x533: {  	v9 =	vshll.u32 v62, v1;
	v17 =	vshrl.u32 v20, $0x3;
	v20 =	vld [tilespmem:s5+$0x160];
	v13 =	vmul.f32 v13, v4;
	[tilespmem:s5+$0x100] =	vst v14  }
0x534: {  	v5 =	vld [tilespmem:s5+$0x170];
	v11 =	vmul.f32 v11, v4;
	v12 =	vmul.f32 v12, v4;
	v63 =	vshll.u32 v17, v1;
	[tilespmem:s5+$0xF0] =	vst v10  }
0x535: {  	v17 =	vadd.s32 $0x3, v9;
	v10 =	vshll.u32 v8, v1;
	v14 =	vadd.s32 $0x1, v19;
	[tilespmem:s5+$0x110] =	vst v13;
	v8 =	vld [tilespmem:s5+$0x180]  }
0x536: {  	v9 =	vld [tilespmem:s5+$0x190];
	v19 =	vadd.s32 $0x2, v7;
	v13 =	vadd.s32 $0x4, v15;
	[tilespmem:s5+$0x120] =	vst v11;
	v11 =	vmul.f32 v16, v4  }
0x537: {  	[tilespmem:s5+$0x130] =	vst v12;
	v7 =	vbroadcast v14, $0x0;
	v14 =	vadd.s32 $0x5, v10;
	v10 =	vld [tilespmem:s5+$0x1A0];
	v16 =	vmul.f32 v18, v4  }
0x538: {  	s11 =	simm.s32 $0x10;
	s19 =	simm.s32 $0xF;
	v15 =	vadd.s32 $0x6, v63;
	v12 =	vbroadcast v19, $0x0;
	[tilespmem:s5+$0x140] =	vst v11;
	v11 =	vld [tilespmem:s5+$0x1B0];
	v18 =	vmul.f32 v20, v4  }
.LBB2_11:
0x539: {  	p0 =	slt.u32 s11, $0x58;
	v17 =	vbroadcast v17, $0x0;
	v19 =	vmov s19;
	[tilespmem:s5+$0x150] =	vst v16;
	v4 =	vmul.f32 v5, v4;
	v5 =	vld [tilespmem:s5+$0x1C0]  }
0x53a: {  	v13 =	vbroadcast v13, $0x0;
	v16 =	vshrl.u32 v19, $0x3;
	[tilespmem:s5+$0x160] =	vst v18;
	v8 =	vmul.f32 v8, v3;
	v18 =	vld [tilespmem:s5+$0x1D0]  }
0x53b: {  	v14 =	vbroadcast v14, $0x0;
	v16 =	vshll.u32 v16, v1;
	[tilespmem:s5+$0x170] =	vst v4;
	v4 =	vmul.f32 v9, v3;
	v9 =	vld [tilespmem:s5+$0x1E0]  }
0x53c: {  	v15 =	vbroadcast v15, $0x0;
	v19 =	vld.idx.msk [tilespmem:v6+s24+$0x0], $0xffff;
	v6 =	vadd.s32 $0x7, v16;
	[tilespmem:s5+$0x180] =	vst v8;
	v8 =	vmul.f32 v10, v3  }
0x53d: {  	v10 =	vld.idx.msk [tilespmem:v7+s24+$0x0], $0xffff;
	v16 =	vbroadcast v6, $0x0;
	[tilespmem:s5+$0x190] =	vst v4;
	v4 =	vmul.f32 v11, v3  }
0x53e: {  	v11 =	vld.idx.msk [tilespmem:v12+s24+$0x0], $0xffff;
	[tilespmem:s5+$0x1A0] =	vst v8;
	v5 =	vmul.f32 v5, v3  }
0x53f: {  	v7 =	vld.idx.msk [tilespmem:v17+s24+$0x0], $0xffff;
	[tilespmem:s5+$0x1B0] =	vst v4;
	v4 =	vmul.f32 v18, v3  }
0x540: {  	v6 =	vld.idx.msk [tilespmem:v13+s24+$0x0], $0xffff;
	[tilespmem:s5+$0x1C0] =	vst v5;
	v3 =	vmul.f32 v9, v3  }
0x541: {  	v5 =	vld.idx.msk [tilespmem:v14+s24+$0x0], $0xffff;
	[tilespmem:s5+$0x1D0] =	vst v4  }
0x542: {  	v4 =	vld.idx.msk [tilespmem:v15+s24+$0x0], $0xffff;
	[tilespmem:s5+$0x1E0] =	vst v3  }
0x543: {  	s5 =	sadd.s32 $0x400, s5;
	v3 =	vld.idx.msk [tilespmem:v16+s24+$0x0], $0xffff  }
0x544: {  	v8 =	vld [tilespmem:s5+$0x1F0]  }
0x545: {  	v9 =	vld [tilespmem:s5+$0xFFFFFE00]  }
0x546: {  	v12 =	vld [tilespmem:s5+$0xFFFFFE10]  }
0x547: {  	v13 =	vld [tilespmem:s5+$0xFFFFFE20]  }
0x548: {  	v14 =	vld [tilespmem:s5+$0xFFFFFE30]  }
0x549: {  	v15 =	vld [tilespmem:s5+$0xFFFFFE40];
	v8 =	vmul.f32 v8, v3  }
0x54a: {  	v9 =	vmul.f32 v9, v19;
	v16 =	vld [tilespmem:s5+$0xFFFFFE50]  }
0x54b: {  	v12 =	vmul.f32 v12, v19;
	v17 =	vld [tilespmem:s5+$0xFFFFFE60];
	[tilespmem:s5+$0x1F0] =	vst v8  }
0x54c: {  	[tilespmem:s5+$0xFFFFFE00] =	vst v9;
	v8 =	vmul.f32 v13, v19;
	v9 =	vld [tilespmem:s5+$0xFFFFFE70]  }
0x54d: {  	[tilespmem:s5+$0xFFFFFE10] =	vst v12;
	v12 =	vmul.f32 v14, v19;
	v13 =	vld [tilespmem:s5+$0xFFFFFE80]  }
0x54e: {  	[tilespmem:s5+$0xFFFFFE20] =	vst v8;
	v8 =	vmul.f32 v15, v19;
	v14 =	vld [tilespmem:s5+$0xFFFFFE90]  }
0x54f: {  	[tilespmem:s5+$0xFFFFFE30] =	vst v12;
	v12 =	vmul.f32 v16, v19;
	v15 =	vld [tilespmem:s5+$0xFFFFFEA0]  }
0x550: {  	[tilespmem:s5+$0xFFFFFE40] =	vst v8;
	v8 =	vmul.f32 v17, v19;
	v16 =	vld [tilespmem:s5+$0xFFFFFEB0]  }
0x551: {  	[tilespmem:s5+$0xFFFFFE50] =	vst v12;
	v9 =	vmul.f32 v9, v19;
	v12 =	vld [tilespmem:s5+$0xFFFFFEC0]  }
0x552: {  	[tilespmem:s5+$0xFFFFFE60] =	vst v8;
	v8 =	vmul.f32 v13, v10;
	v13 =	vld [tilespmem:s5+$0xFFFFFED0]  }
0x553: {  	[tilespmem:s5+$0xFFFFFE70] =	vst v9;
	v9 =	vmul.f32 v14, v10;
	v14 =	vld [tilespmem:s5+$0xFFFFFEE0]  }
0x554: {  	[tilespmem:s5+$0xFFFFFE80] =	vst v8;
	v8 =	vmul.f32 v15, v10;
	v15 =	vld [tilespmem:s5+$0xFFFFFEF0]  }
0x555: {  	[tilespmem:s5+$0xFFFFFE90] =	vst v9;
	v9 =	vmul.f32 v16, v10;
	v16 =	vld [tilespmem:s5+$0xFFFFFF00]  }
0x556: {  	[tilespmem:s5+$0xFFFFFEA0] =	vst v8;
	v8 =	vmul.f32 v12, v10;
	v12 =	vld [tilespmem:s5+$0xFFFFFF10]  }
0x557: {  	[tilespmem:s5+$0xFFFFFEB0] =	vst v9;
	v9 =	vmul.f32 v13, v10;
	v13 =	vld [tilespmem:s5+$0xFFFFFF20]  }
0x558: {  	[tilespmem:s5+$0xFFFFFEC0] =	vst v8;
	v8 =	vmul.f32 v14, v10;
	v14 =	vld [tilespmem:s5+$0xFFFFFF30]  }
0x559: {  	[tilespmem:s5+$0xFFFFFED0] =	vst v9;
	v9 =	vmul.f32 v15, v10;
	v10 =	vld [tilespmem:s5+$0xFFFFFF40]  }
0x55a: {  	[tilespmem:s5+$0xFFFFFEE0] =	vst v8;
	v8 =	vmul.f32 v16, v11;
	v15 =	vld [tilespmem:s5+$0xFFFFFF50]  }
0x55b: {  	[tilespmem:s5+$0xFFFFFEF0] =	vst v9;
	v9 =	vmul.f32 v12, v11;
	v12 =	vld [tilespmem:s5+$0xFFFFFF60]  }
0x55c: {  	[tilespmem:s5+$0xFFFFFF00] =	vst v8;
	v8 =	vmul.f32 v13, v11;
	v13 =	vld [tilespmem:s5+$0xFFFFFF70]  }
0x55d: {  	[tilespmem:s5+$0xFFFFFF10] =	vst v9;
	v9 =	vmul.f32 v14, v11;
	v14 =	vld [tilespmem:s5+$0xFFFFFF80]  }
0x55e: {  	[tilespmem:s5+$0xFFFFFF20] =	vst v8;
	v8 =	vmul.f32 v10, v11;
	v10 =	vld [tilespmem:s5+$0xFFFFFF90]  }
0x55f: {  	[tilespmem:s5+$0xFFFFFF30] =	vst v9;
	v9 =	vmul.f32 v15, v11;
	v15 =	vld [tilespmem:s5+$0xFFFFFFA0]  }
0x560: {  	[tilespmem:s5+$0xFFFFFF40] =	vst v8;
	v8 =	vmul.f32 v12, v11;
	v12 =	vld [tilespmem:s5+$0xFFFFFFB0]  }
0x561: {  	[tilespmem:s5+$0xFFFFFF50] =	vst v9;
	v9 =	vmul.f32 v13, v11;
	v11 =	vld [tilespmem:s5+$0xFFFFFFC0]  }
0x562: {  	[tilespmem:s5+$0xFFFFFF60] =	vst v8;
	v8 =	vmul.f32 v14, v7;
	v13 =	vld [tilespmem:s5+$0xFFFFFFD0]  }
0x563: {  	[tilespmem:s5+$0xFFFFFF70] =	vst v9;
	v9 =	vmul.f32 v10, v7;
	v10 =	vld [tilespmem:s5+$0xFFFFFFE0]  }
0x564: {  	[tilespmem:s5+$0xFFFFFF80] =	vst v8;
	v8 =	vmul.f32 v15, v7;
	v14 =	vld [tilespmem:s5+$0xFFFFFFF0]  }
0x565: {  	[tilespmem:s5+$0xFFFFFF90] =	vst v9;
	v9 =	vmul.f32 v12, v7;
	v12 =	vld [tilespmem:s5+$0x0]  }
0x566: {  	[tilespmem:s5+$0xFFFFFFA0] =	vst v8;
	v8 =	vmul.f32 v11, v7;
	v11 =	vld [tilespmem:s5+$0x10]  }
0x567: {  	[tilespmem:s5+$0xFFFFFFB0] =	vst v9;
	v9 =	vmul.f32 v13, v7;
	v13 =	vld [tilespmem:s5+$0x20]  }
0x568: {  	[tilespmem:s5+$0xFFFFFFC0] =	vst v8;
	v8 =	vmul.f32 v10, v7;
	v10 =	vld [tilespmem:s5+$0x30]  }
0x569: {  	[tilespmem:s5+$0xFFFFFFD0] =	vst v9;
	v7 =	vmul.f32 v14, v7;
	v9 =	vld [tilespmem:s5+$0x40]  }
0x56a: {  	[tilespmem:s5+$0xFFFFFFE0] =	vst v8;
	v8 =	vmul.f32 v12, v6;
	v12 =	vld [tilespmem:s5+$0x50]  }
0x56b: {  	[tilespmem:s5+$0xFFFFFFF0] =	vst v7;
	v7 =	vmul.f32 v11, v6;
	v11 =	vld [tilespmem:s5+$0x60]  }
0x56c: {  	[tilespmem:s5+$0x0] =	vst v8;
	v8 =	vmul.f32 v13, v6;
	v13 =	vld [tilespmem:s5+$0x70]  }
0x56d: {  	[tilespmem:s5+$0x10] =	vst v7;
	v7 =	vmul.f32 v10, v6;
	v10 =	vld [tilespmem:s5+$0x80]  }
0x56e: {  	[tilespmem:s5+$0x20] =	vst v8;
	v8 =	vmul.f32 v9, v6;
	v9 =	vld [tilespmem:s5+$0x90]  }
0x56f: {  	[tilespmem:s5+$0x30] =	vst v7;
	v7 =	vmul.f32 v12, v6;
	v12 =	vld [tilespmem:s5+$0xA0]  }
0x570: {  	[tilespmem:s5+$0x40] =	vst v8;
	v8 =	vmul.f32 v11, v6;
	v11 =	vld [tilespmem:s5+$0xB0]  }
0x571: {  	v14 =	vmov s11;
	[tilespmem:s5+$0x50] =	vst v7;
	v6 =	vmul.f32 v13, v6;
	v7 =	vld [tilespmem:s5+$0xC0]  }
0x572: {  	s14 =	sadd.s32 $0x1, s11;
	s19 =	sadd.s32 $0x2, s11;
	v13 =	vshrl.u32 v14, $0x3;
	[tilespmem:s5+$0x60] =	vst v8;
	v8 =	vmul.f32 v10, v5;
	v10 =	vld [tilespmem:s5+$0xD0]  }
0x573: {  	v15 =	vmov s19;
	s19 =	sadd.s32 $0x4, s11;
	v14 =	vmov s14;
	s14 =	sadd.s32 $0x3, s11;
	[tilespmem:s5+$0x70] =	vst v6;
	v6 =	vmul.f32 v9, v5;
	v9 =	vld [tilespmem:s5+$0xE0]  }
0x574: {  	v17 =	vmov s19;
	s19 =	sadd.s32 $0x6, s11;
	v16 =	vmov s14;
	s14 =	sadd.s32 $0x5, s11;
	[tilespmem:s5+$0x80] =	vst v8;
	v8 =	vmul.f32 v12, v5;
	v12 =	vld [tilespmem:s5+$0xF0]  }
0x575: {  	v19 =	vmov s19;
	v18 =	vmov s14;
	[tilespmem:s5+$0x90] =	vst v6;
	v6 =	vmul.f32 v11, v5;
	v11 =	vld [tilespmem:s5+$0x100]  }
0x576: {  	v13 =	vshll.u32 v13, v1;
	v14 =	vshrl.u32 v14, $0x3;
	[tilespmem:s5+$0xA0] =	vst v8;
	v7 =	vmul.f32 v7, v5;
	v8 =	vld [tilespmem:s5+$0x110]  }
0x577: {  	v15 =	vshrl.u32 v15, $0x3;
	v16 =	vshrl.u32 v16, $0x3;
	[tilespmem:s5+$0xB0] =	vst v6;
	v10 =	vmul.f32 v10, v5;
	v20 =	vld [tilespmem:s5+$0x120]  }
0x578: {  	v17 =	vshrl.u32 v17, $0x3;
	v18 =	vshrl.u32 v18, $0x3;
	[tilespmem:s5+$0xC0] =	vst v7;
	v7 =	vmul.f32 v9, v5;
	v9 =	vld [tilespmem:s5+$0x130]  }
0x579: {  	v6 =	vbroadcast v13, $0x0;
	v13 =	vshrl.u32 v19, $0x3;
	[tilespmem:s5+$0xD0] =	vst v10;
	v5 =	vmul.f32 v12, v5;
	v10 =	vld [tilespmem:s5+$0x140]  }
0x57a: {  	v12 =	vshll.u32 v14, v1;
	v14 =	vshll.u32 v15, v1;
	[tilespmem:s5+$0xE0] =	vst v7;
	v7 =	vmul.f32 v11, v4;
	v11 =	vld [tilespmem:s5+$0x150]  }
0x57b: {  	v15 =	vshll.u32 v16, v1;
	v16 =	vshll.u32 v17, v1;
	[tilespmem:s5+$0xF0] =	vst v5;
	v8 =	vmul.f32 v8, v4;
	v19 =	vld [tilespmem:s5+$0x160]  }
.Ltmp4:
0x57c: {  	v18 =	vshll.u32 v18, v1;
	v21 =	vshll.u32 v13, v1;
	[tilespmem:s5+$0x100] =	vst v7;
	v7 =	vmul.f32 v20, v4;
	v5 =	vld [tilespmem:s5+$0x170];
	(pc) =	sbr.rel @p0 .LBB2_11-.Ltmp4, $4  }
0x57d: {  	v12 =	vadd.s32 $0x1, v12;
	v20 =	vadd.s32 $0x2, v14;
	[tilespmem:s5+$0x110] =	vst v8;
	v22 =	vmul.f32 v9, v4;
	v8 =	vld [tilespmem:s5+$0x180]  }
0x57e: {  	v17 =	vadd.s32 $0x3, v15;
	v13 =	vadd.s32 $0x4, v16;
	[tilespmem:s5+$0x120] =	vst v7;
	v23 =	vmul.f32 v10, v4;
	v9 =	vld [tilespmem:s5+$0x190]  }
0x57f: {  	v14 =	vadd.s32 $0x5, v18;
	v7 =	vbroadcast v12, $0x0;
	[tilespmem:s5+$0x130] =	vst v22;
	v16 =	vmul.f32 v11, v4;
	v10 =	vld [tilespmem:s5+$0x1A0]  }
0x580: {  	s19 =	sadd.s32 $0x7, s11;
	s11 =	sadd.s32 $0x8, s11;
	v15 =	vadd.s32 $0x6, v21;
	v12 =	vbroadcast v20, $0x0;
	[tilespmem:s5+$0x140] =	vst v23;
	v18 =	vmul.f32 v19, v4;
	v11 =	vld [tilespmem:s5+$0x1B0]  }
0x581: {  	_ = 	snop  }
0x582: {  	v20 =	vld [tilespmem:s5+$0x1C0]  }
0x583: {  	v21 =	vld [tilespmem:s5+$0x1D0]  }
0x584: {  	v22 =	vld [tilespmem:s5+$0x1E0]  }
0x585: {  	v19 =	vmov s19;
	v23 =	vld.idx.msk [tilespmem:v6+s24+$0x0], $0xffff  }
0x586: {  	v60 =	vld.idx.msk [tilespmem:v7+s24+$0x0], $0xffff;
	v19 =	vshrl.u32 v19, $0x3  }
0x587: {  	s11 =	sadd.s32 $0x400, s5;
	v12 =	vld.idx.msk [tilespmem:v12+s24+$0x0], $0xffff;
	v19 =	vshll.u32 v19, v1  }
0x588: {  	[tilespmem:s5+$0x150] =	vst v16;
	v16 =	vld [tilespmem:s11+$0xFFFFFE00];
	v59 =	vadd.s32 $0x7, v19  }
0x589: {  	v25 =	vld [tilespmem:s11+$0xFFFFFE30];
	v24 =	vbroadcast v59, $0x0  }
0x58a: {  	v4 =	vmul.f32 v5, v4;
	v26 =	vld [tilespmem:s11+$0xFFFFFE40]  }
0x58b: {  	[tilespmem:s5+$0x160] =	vst v18;
	v8 =	vmul.f32 v8, v3;
	v27 =	vld [tilespmem:s11+$0xFFFFFE50]  }
0x58c: {  	v28 =	vld [tilespmem:s11+$0xFFFFFE60];
	[tilespmem:s5+$0x170] =	vst v4;
	v9 =	vmul.f32 v9, v3  }
0x58d: {  	v29 =	vld [tilespmem:s11+$0xFFFFFE70];
	[tilespmem:s5+$0x180] =	vst v8;
	v61 =	vmul.f32 v10, v3  }
0x58e: {  	v30 =	vld [tilespmem:s11+$0xFFFFFE80];
	[tilespmem:s5+$0x190] =	vst v9;
	v63 =	vmul.f32 v11, v3  }
0x58f: {  	[tilespmem:s5+$0x1A0] =	vst v61;
	v18 =	vmul.f32 v20, v3;
	v4 =	vld.idx.msk [tilespmem:v24+s24+$0x0], $0xffff  }
0x590: {  	v21 =	vmul.f32 v21, v3;
	[tilespmem:s5+$0x1B0] =	vst v63;
	v24 =	vld [tilespmem:s11+$0xFFFFFE20]  }
0x591: {  	v31 =	vld [tilespmem:s11+$0xFFFFFE90];
	v3 =	vmul.f32 v22, v3;
	[tilespmem:s5+$0x1C0] =	vst v18  }
0x592: {  	v33 =	vld [tilespmem:s11+$0xFFFFFEA0];
	v8 =	vmul.f32 v25, v23;
	[tilespmem:s5+$0x1D0] =	vst v21  }
0x593: {  	v34 =	vld [tilespmem:s11+$0xFFFFFEB0];
	[tilespmem:s5+$0x1E0] =	vst v3;
	v3 =	vmul.f32 v16, v23  }
0x594: {  	v36 =	vld [tilespmem:s11+$0xFFFFFEC0];
	v32 =	vmul.f32 v27, v23;
	[tilespmem:s11+$0xFFFFFE30] =	vst v8  }
0x595: {  	v37 =	vld [tilespmem:s11+$0xFFFFFED0];
	[tilespmem:s11+$0xFFFFFE00] =	vst v3;
	v3 =	vmul.f32 v24, v23  }
0x596: {  	v39 =	vld [tilespmem:s11+$0xFFFFFEE0];
	v35 =	vmul.f32 v29, v23;
	[tilespmem:s11+$0xFFFFFE50] =	vst v32  }
0x597: {  	v40 =	vld [tilespmem:s11+$0xFFFFFEF0];
	[tilespmem:s11+$0xFFFFFE20] =	vst v3;
	v3 =	vmul.f32 v26, v23  }
0x598: {  	v42 =	vld [tilespmem:s11+$0xFFFFFF00];
	v38 =	vmul.f32 v31, v60;
	[tilespmem:s11+$0xFFFFFE70] =	vst v35  }
0x599: {  	v43 =	vld [tilespmem:s11+$0xFFFFFF10];
	[tilespmem:s11+$0xFFFFFE40] =	vst v3;
	v3 =	vmul.f32 v28, v23  }
0x59a: {  	v45 =	vld [tilespmem:s11+$0xFFFFFF20];
	v41 =	vmul.f32 v34, v60;
	[tilespmem:s11+$0xFFFFFE90] =	vst v38  }
0x59b: {  	v46 =	vld [tilespmem:s11+$0xFFFFFF30];
	[tilespmem:s11+$0xFFFFFE60] =	vst v3;
	v3 =	vmul.f32 v30, v60  }
0x59c: {  	v48 =	vld [tilespmem:s11+$0xFFFFFF40];
	v44 =	vmul.f32 v37, v60;
	[tilespmem:s11+$0xFFFFFEB0] =	vst v41  }
0x59d: {  	v49 =	vld [tilespmem:s11+$0xFFFFFF50];
	[tilespmem:s11+$0xFFFFFE80] =	vst v3;
	v3 =	vmul.f32 v33, v60  }
0x59e: {  	v51 =	vld [tilespmem:s11+$0xFFFFFF60];
	v47 =	vmul.f32 v40, v60;
	[tilespmem:s11+$0xFFFFFED0] =	vst v44  }
0x59f: {  	v17 =	vbroadcast v17, $0x0;
	v52 =	vld [tilespmem:s11+$0xFFFFFF70];
	[tilespmem:s11+$0xFFFFFEA0] =	vst v3;
	v3 =	vmul.f32 v36, v60  }
0x5a0: {  	v13 =	vbroadcast v13, $0x0;
	v54 =	vld [tilespmem:s11+$0xFFFFFF80];
	v50 =	vmul.f32 v43, v12;
	[tilespmem:s11+$0xFFFFFEF0] =	vst v47  }
0x5a1: {  	v14 =	vbroadcast v14, $0x0;
	v57 =	vld [tilespmem:s11+$0xFFFFFFA0];
	[tilespmem:s11+$0xFFFFFEC0] =	vst v3;
	v3 =	vmul.f32 v39, v60  }
0x5a2: {  	v15 =	vbroadcast v15, $0x0;
	v58 =	vld [tilespmem:s11+$0xFFFFFFB0];
	v53 =	vmul.f32 v46, v12;
	[tilespmem:s11+$0xFFFFFF10] =	vst v50  }
0x5a3: {  	v20 =	vld [tilespmem:s11+$0xFFFFFE10];
	[tilespmem:s11+$0xFFFFFEE0] =	vst v3;
	v3 =	vmul.f32 v42, v12  }
0x5a4: {  	v61 =	vld [tilespmem:s11+$0xFFFFFFD0];
	v56 =	vmul.f32 v49, v12;
	[tilespmem:s11+$0xFFFFFF30] =	vst v53  }
0x5a5: {  	v17 =	vld.idx.msk [tilespmem:v17+s24+$0x0], $0xffff;
	[tilespmem:s11+$0xFFFFFF00] =	vst v3;
	v3 =	vmul.f32 v45, v12  }
0x5a6: {  	v7 =	vld.idx.msk [tilespmem:v13+s24+$0x0], $0xffff;
	v59 =	vmul.f32 v52, v12;
	[tilespmem:s11+$0xFFFFFF50] =	vst v56  }
0x5a7: {  	v6 =	vld.idx.msk [tilespmem:v14+s24+$0x0], $0xffff;
	[tilespmem:s11+$0xFFFFFF20] =	vst v3;
	v3 =	vmul.f32 v48, v12  }
0x5a8: {  	v5 =	vld.idx.msk [tilespmem:v15+s24+$0x0], $0xffff;
	[tilespmem:s11+$0xFFFFFF70] =	vst v59;
	v13 =	vmul.f32 v20, v23  }
0x5a9: {  	v37 =	vld [tilespmem:s11+$0xD0];
	[tilespmem:s11+$0xFFFFFF40] =	vst v3;
	v3 =	vmul.f32 v51, v12  }
0x5aa: {  	v18 =	vmul.f32 v58, v17;
	[tilespmem:s11+$0xFFFFFE10] =	vst v13;
	v60 =	vld [tilespmem:s11+$0xFFFFFFC0]  }
0x5ab: {  	v43 =	vld [tilespmem:s11+$0x110];
	[tilespmem:s11+$0xFFFFFF60] =	vst v3;
	v3 =	vmul.f32 v54, v17  }
0x5ac: {  	v63 =	vld [tilespmem:s11+$0xFFFFFFE0];
	v21 =	vmul.f32 v61, v17;
	[tilespmem:s11+$0xFFFFFFB0] =	vst v18  }
0x5ad: {  	v46 =	vld [tilespmem:s11+$0x130];
	[tilespmem:s11+$0xFFFFFF80] =	vst v3;
	v3 =	vmul.f32 v57, v17  }
0x5ae: {  	v19 =	vld [tilespmem:s11+$0x0];
	v44 =	vmul.f32 v37, v6;
	[tilespmem:s11+$0xFFFFFFD0] =	vst v21  }
0x5af: {  	v32 =	vld [tilespmem:s11+$0x90];
	[tilespmem:s11+$0xFFFFFFA0] =	vst v3;
	v3 =	vmul.f32 v60, v17  }
0x5b0: {  	v22 =	vld [tilespmem:s11+$0x20];
	v49 =	vmul.f32 v43, v5;
	[tilespmem:s11+$0xD0] =	vst v44  }
0x5b1: {  	v35 =	vld [tilespmem:s11+$0xB0];
	[tilespmem:s11+$0xFFFFFFC0] =	vst v3;
	v3 =	vmul.f32 v63, v17  }
0x5b2: {  	v25 =	vld [tilespmem:s11+$0x40];
	v52 =	vmul.f32 v46, v5;
	[tilespmem:s11+$0x110] =	vst v49  }
0x5b3: {  	v62 =	vld [tilespmem:s11+$0x1F0];
	[tilespmem:s11+$0xFFFFFFE0] =	vst v3;
	v3 =	vmul.f32 v19, v7  }
0x5b4: {  	v38 =	vmul.f32 v32, v6;
	[tilespmem:s11+$0x130] =	vst v52;
	v28 =	vld [tilespmem:s11+$0x60]  }
0x5b5: {  	v55 =	vld [tilespmem:s11+$0xFFFFFF90];
	[tilespmem:s11+$0x0] =	vst v3;
	v3 =	vmul.f32 v22, v7  }
0x5b6: {  	v31 =	vld [tilespmem:s11+$0x80];
	v41 =	vmul.f32 v35, v6;
	[tilespmem:s11+$0x90] =	vst v38  }
0x5b7: {  	v16 =	vld [tilespmem:s11+$0xFFFFFFF0];
	[tilespmem:s11+$0x20] =	vst v3;
	v3 =	vmul.f32 v25, v7  }
0x5b8: {  	v34 =	vld [tilespmem:s11+$0xA0];
	v10 =	vmul.f32 v62, v4;
	[tilespmem:s11+$0xB0] =	vst v41  }
0x5b9: {  	v20 =	vld [tilespmem:s11+$0x10];
	[tilespmem:s11+$0x40] =	vst v3;
	v3 =	vmul.f32 v28, v7  }
0x5ba: {  	v62 =	vmul.f32 v55, v17;
	[tilespmem:s11+$0x1F0] =	vst v10;
	v36 =	vld [tilespmem:s11+$0xC0]  }
0x5bb: {  	v26 =	vld [tilespmem:s11+$0x50];
	[tilespmem:s11+$0x60] =	vst v3;
	v3 =	vmul.f32 v31, v6  }
0x5bc: {  	v24 =	vmul.f32 v16, v17;
	[tilespmem:s11+$0xFFFFFF90] =	vst v62;
	v39 =	vld [tilespmem:s11+$0xE0]  }
0x5bd: {  	v23 =	vld [tilespmem:s11+$0x30];
	[tilespmem:s11+$0x80] =	vst v3;
	v3 =	vmul.f32 v34, v6  }
0x5be: {  	v27 =	vmul.f32 v20, v7;
	[tilespmem:s11+$0xFFFFFFF0] =	vst v24;
	v42 =	vld [tilespmem:s11+$0x100]  }
0x5bf: {  	v48 =	vld [tilespmem:s11+$0x150];
	[tilespmem:s11+$0xA0] =	vst v3;
	v3 =	vmul.f32 v36, v6  }
0x5c0: {  	[tilespmem:s11+$0x10] =	vst v27;
	v33 =	vmul.f32 v26, v7;
	v45 =	vld [tilespmem:s11+$0x120]  }
0x5c1: {  	v54 =	vld [tilespmem:s11+$0x190];
	[tilespmem:s11+$0xC0] =	vst v3;
	v3 =	vmul.f32 v39, v6  }
0x5c2: {  	v47 =	vld [tilespmem:s11+$0x140];
	v30 =	vmul.f32 v23, v7;
	[tilespmem:s11+$0x50] =	vst v33  }
0x5c3: {  	v59 =	vld [tilespmem:s11+$0x1D0];
	[tilespmem:s11+$0xE0] =	vst v3;
	v3 =	vmul.f32 v42, v5  }
0x5c4: {  	v50 =	vld [tilespmem:s11+$0x160];
	[tilespmem:s11+$0x30] =	vst v30;
	v55 =	vmul.f32 v48, v5  }
0x5c5: {  	v57 =	vld [tilespmem:s11+$0x1B0];
	[tilespmem:s11+$0x100] =	vst v3;
	v3 =	vmul.f32 v45, v5  }
0x5c6: {  	v53 =	vld [tilespmem:s11+$0x180];
	[tilespmem:s11+$0x150] =	vst v55;
	v60 =	vmul.f32 v54, v4  }
0x5c7: {  	v29 =	vld [tilespmem:s11+$0x70];
	[tilespmem:s11+$0x120] =	vst v3;
	v3 =	vmul.f32 v47, v5  }
0x5c8: {  	v56 =	vld [tilespmem:s11+$0x1A0];
	v63 =	vmul.f32 v59, v4;
	[tilespmem:s11+$0x190] =	vst v60  }
0x5c9: {  	v40 =	vld [tilespmem:s11+$0xF0];
	[tilespmem:s11+$0x140] =	vst v3;
	v3 =	vmul.f32 v50, v5  }
0x5ca: {  	v58 =	vld [tilespmem:s11+$0x1C0];
	v62 =	vmul.f32 v57, v4;
	[tilespmem:s11+$0x1D0] =	vst v63  }
0x5cb: {  	v51 =	vld [tilespmem:s11+$0x170];
	[tilespmem:s11+$0x160] =	vst v3;
	v3 =	vmul.f32 v53, v4  }
0x5cc: {  	v61 =	vld [tilespmem:s11+$0x1E0];
	[tilespmem:s11+$0x1B0] =	vst v62;
	v7 =	vmul.f32 v29, v7  }
0x5cd: {  	[tilespmem:s11+$0x180] =	vst v3;
	v3 =	vmul.f32 v56, v4  }
0x5ce: {  	[tilespmem:s11+$0x70] =	vst v7;
	v6 =	vmul.f32 v40, v6  }
0x5cf: {  	[tilespmem:s11+$0x1A0] =	vst v3;
	v3 =	vmul.f32 v58, v4  }
0x5d0: {  	[tilespmem:s11+$0xF0] =	vst v6;
	v5 =	vmul.f32 v51, v5  }
0x5d1: {  	[tilespmem:s11+$0x1C0] =	vst v3;
	v3 =	vmul.f32 v61, v4  }
0x5d2: {  	[tilespmem:s11+$0x170] =	vst v5  }
0x5d3: {  	[tilespmem:s11+$0x1E0] =	vst v3  }
0x5d4: {  	[spmem:s3] =	stream.indirect.scatter.add.f32 [tilespmem:s20], [sflag:$0x4], $0x80, s17, s18, $0xb8;
	[tilespmem:$0x1F6F0] =	vst v63  }
0x5d5: {  	_ = 	snop  }
0x5d6: {  	[spmem:s4] =	stream.indirect.scatter.add.f32 [tilespmem:s24], [sflag:$0x4], $0x1, s17, s18, $0xb8;
	[tilespmem:$0x1F6F0] =	vst v63  }
0x5d7: {  	_ =	swait.ge [sflag:s25], $0x3000  }
0x5d8: {  	[sflag:s25] =	ssyncset.done $0x0  }
0x5d9: {  	[sflag:s25] =	ssyncadd.s32 $0xFFFFD000  }
0x5da: {  	_ =	swait.ge [sflag:s25], $0x60  }
0x5db: {  	[sflag:s25] =	ssyncset.done $0x0  }
0x5dc: {  	s12 =	sadd.s32 $0x1, s12;
	[sflag:s25] =	ssyncadd.s32 $0xFFFFFFA0  }
0x5dd: {  	p0 =	sne.s32 s12, $0x1B;
	_ =	swait.ge [sflag:s25], $0x3000  }
.Ltmp5:
0x5de: {  	[sflag:s25] =	ssyncset.done $0x0;
	(pc) =	sbr.rel @p0 .LBB2_4-.Ltmp5, $4  }
0x5df: {  	[sflag:s25] =	ssyncadd.s32 $0xFFFFD000  }
0x5e0: {  	_ =	swait.ge [sflag:s25], $0x60  }
0x5e1: {  	[sflag:s25] =	ssyncset.done $0x0  }
0x5e2: {  	[sflag:s25] =	ssyncadd.s32 $0xFFFFFFA0  }
0x5e3: {  	_ =	swait.ge [sflag:s13], $0x60  }
0x5e4: {  	[sflag:s13] =	ssyncset.done $0x0  }
0x5e5: {  	[sflag:s13] =	ssyncadd.s32 $0xFFFFFFA0  }
0x5e6: {  	_ =	swait.ge [sflag:s13], $0x60  }
0x5e7: {  	[sflag:s13] =	ssyncset.done $0x0  }
0x5e8: {  	[sflag:s13] =	ssyncadd.s32 $0xFFFFFFA0  }
0x5e9: {  	_ =	swait.ge [sflag:s13], $0x60  }
0x5ea: {  	[sflag:s13] =	ssyncset.done $0x0  }
0x5eb: {  	[sflag:s13] =	ssyncadd.s32 $0xFFFFFFA0  }
0x5ec: {  	_ =	swait.ge [sflag:s13], $0x60  }
0x5ed: {  	[sflag:s13] =	ssyncset.done $0x0  }
0x5ee: {  	[sflag:s13] =	ssyncadd.s32 $0xFFFFFFA0  }
0x5ef: {  	s5 =	stileid.u32;
	[bflag:$0x0] =	sbarrier.arrive $0xFFFF  }
0x5f0: {  	s28 =	simm.s32 $0x5;
	s5 =	sshll.u32 s5, $0x6;
	s19 =	rddreg [dreg:$0x9]  }
0x5f1: {  	s5 =	sor.u32 $0x1C05, s5;
	s12 =	rddreg [dreg:$0x15];
	s11 =	sshrl.u32 s19, $0x3  }
0x5f2: {  	[hbm:s12], [sflag:s5] =	dma.local [spmem:s11], $0x2800  }
0x5f3: {  	_ =	swait.ge [sflag:s28], $0x2800  }
0x5f4: {  	[sflag:s28] =	ssyncset.done $0x0;
	s26 =	rddreg [dreg:$0x10]  }
0x5f5: {  	s14 =	rddreg [dreg:$0x16];
	[sflag:s28] =	ssyncadd.s32 $0xFFFFD800;
	s12 =	sshrl.u32 s26, $0x3  }
0x5f6: {  	[hbm:s14], [sflag:s5] =	dma.local [spmem:s12], $0x50  }
0x5f7: {  	_ =	swait.ge [sflag:s28], $0x50  }
0x5f8: {  	s14 =	rddreg [dreg:$0x5]  }
0x5f9: {  	s31 =	rddreg [dreg:$0x17];
	s14 =	sadd.s32 $0x1, s14  }
0x5fa: {  	p0 =	sne.s32 s14, s31  }
.Ltmp6:
0x5fb: {  	_ = 	snop;
	(pc) =	sbr.rel @p0 .LBB2_1-.Ltmp6, $3  }
0x5fc: {  	_ =	sdelay $0x1  }
0x5fd: {  	[sflag:s28] =	ssyncset.done $0x0  }
0x5fe: {  	[sflag:s28] =	ssyncadd.s32 $0xFFFFFFB0  }
0x5ff: {  	_ =	sfence.sel $0x180000  }
0x600: {  	[bflag:$0x0] =	sbarrier.arrive $0xFFFF  }
0x601: {  	_ =	strace $0x90000047  }
0x602: {  	s0 =	stileid.u32;
	[bflag:$0x2] =	sbarrier.arrive $0xFFFF  }
0x603: {  	p0 =	sne.s32 s0, $0x0;
	s0 =	rddreg [dreg:$0x4]  }
0x604: {  	s0 =	sadd.s32 @!p0 $0x100000, s0  }
0x605: {  	[sflag:s0] =	ssyncadd.tile.s32 @!p0 $0x1;
	_ =	shalt  }
.Lfunc_end2:
_tile_overlayer_lowered:
.L_overlay_start_2:
0x606: {  	(tag) =	ssettag $0x2  }
0x607: {  	s0 =	rddreg [dreg:$0x0];
	s2 =	stileid.u32  }
0x608: {  	s1 =	rddreg [dreg:$0x1];
	p0 =	sne.s32 s2, $0x0  }
0x609: {  	s3 =	rddreg [dreg:$0x2];
	[bflag:$0x3] =	sbarrier.arrive $0xFFFF;
	s2 =	simm.s32 @!p0 $0x1C05  }
0x60a: {  	[timem:s3], [sflag:s2] =	dma.local @!p0 [hbm:s0], s1  }
0x60b: {  	s0 =	simm.s32 @!p0 $0x5  }
0x60c: {  	_ =	swait.ge @!p0 [sflag:s0], s1  }
0x60d: {  	s1 =	ssub.s32 @!p0 $0x0, s1;
	[sflag:s0] =	ssyncset.done @!p0 $0x0  }
0x60e: {  	[sflag:s0] =	ssyncadd.s32 @!p0 s1  }
0x60f: {  	[bflag:$0x3] =	sbarrier.arrive $0xFFFF  }
0x610: {  	_ =	shalt  }

</sc_bundles>
